<compile_context>
chip_gen: v7x
topology: tpu7x:2x2x1
jax: 0.10.2.dev20260603
libtpu: 0.0.44.dev20260713+nightly
codegen_flags: <defaults>
</compile_context>

<pallas_src>
import functools

import jax
import jax.numpy as jnp
from jax import lax
from jax.experimental import pallas as pl
from jax.experimental.pallas import tpu as pltpu
from jax.experimental.pallas import tpu_sc as plsc

N = 10000
E = 320000
HEADS = 8
HID = 16
OUT = 16

NC = 2
NS = 16
NW = NC * NS
EC1 = 80
EC2 = 128


def _cpw(ec):
    cpw = -(-E // (ec * NW)) + 1
    return cpw + cpw % 2
N_PAD = 10112
RPT = N_PAD // NS



def _mm2_kernel(x_ref, wl_ref, wr_ref, ol_ref, or_ref):
    x = x_ref[...]
    ol_ref[...] = jnp.dot(x, wl_ref[...], preferred_element_type=jnp.float32)
    or_ref[...] = jnp.dot(x, wr_ref[...], preferred_element_type=jnp.float32)


def _mm2(x, wl, wr):
    m, k = x.shape
    n = wl.shape[1]
    bm = 2000
    return pl.pallas_call(
        _mm2_kernel,
        grid=(m // bm,),
        in_specs=[
            pl.BlockSpec((bm, k), lambda i: (i, 0)),
            pl.BlockSpec((k, n), lambda i: (0, 0)),
            pl.BlockSpec((k, n), lambda i: (0, 0)),
        ],
        out_specs=[
            pl.BlockSpec((bm, n), lambda i: (i, 0)),
            pl.BlockSpec((bm, n), lambda i: (i, 0)),
        ],
        out_shape=[
            jax.ShapeDtypeStruct((m, n), jnp.float32),
            jax.ShapeDtypeStruct((m, n), jnp.float32),
        ],
    )(x, wl, wr)



def _combine1_kernel(u_ref, d_ref, b_ref, wl_ref, wr_ref, ol_ref, or_ref):
    u = u_ref[0] + u_ref[1]
    d = d_ref[0] + d_ref[1]
    inv = 1.0 / (d + 1e-16)
    h = u * jnp.repeat(inv, HID, axis=1) + b_ref[...]
    h = jnp.where(h > 0, h, jnp.exp(jnp.minimum(h, 0.0)) - 1.0)
    ol_ref[...] = jnp.dot(h, wl_ref[...], preferred_element_type=jnp.float32)
    or_ref[...] = jnp.dot(h, wr_ref[...], preferred_element_type=jnp.float32)


def _combine1(u, d, b, wl, wr):
    bm = 2000
    f = u.shape[2]
    n = wl.shape[1]
    return pl.pallas_call(
        _combine1_kernel,
        grid=(N // bm,),
        in_specs=[
            pl.BlockSpec((2, bm, f), lambda i: (0, i, 0)),
            pl.BlockSpec((2, bm, 8), lambda i: (0, i, 0)),
            pl.BlockSpec((1, f), lambda i: (0, 0)),
            pl.BlockSpec((f, n), lambda i: (0, 0)),
            pl.BlockSpec((f, n), lambda i: (0, 0)),
        ],
        out_specs=[
            pl.BlockSpec((bm, n), lambda i: (i, 0)),
            pl.BlockSpec((bm, n), lambda i: (i, 0)),
        ],
        out_shape=[
            jax.ShapeDtypeStruct((N, n), jnp.float32),
            jax.ShapeDtypeStruct((N, n), jnp.float32),
        ],
    )(u, d, b.reshape(1, f), wl, wr)


def _combine2_kernel(u_ref, d_ref, b_ref, o_ref):
    u = u_ref[0] + u_ref[1]
    d = d_ref[0] + d_ref[1]
    o_ref[...] = u / (d[:, 0:1] + 1e-16) + b_ref[...]


def _combine2(u, d, b):
    bm = 2000
    f = u.shape[2]
    return pl.pallas_call(
        _combine2_kernel,
        grid=(N // bm,),
        in_specs=[
            pl.BlockSpec((2, bm, f), lambda i: (0, i, 0)),
            pl.BlockSpec((2, bm, 8), lambda i: (0, i, 0)),
            pl.BlockSpec((1, f), lambda i: (0, 0)),
        ],
        out_specs=pl.BlockSpec((bm, f), lambda i: (i, 0)),
        out_shape=jax.ShapeDtypeStruct((N, f), jnp.float32),
    )(u, d, b.reshape(1, f))



def _sc_sweep(xl, xr, pidx, att, heads, ec):
    f = heads * 16
    cpw = _cpw(ec)
    epw = cpw * ec
    mesh = plsc.VectorSubcoreMesh(core_axis_name="c", subcore_axis_name="s")
    zu = jnp.zeros((RPT, f), jnp.float32)
    zd = jnp.zeros((RPT, 8), jnp.float32)

    @functools.partial(
        pl.kernel,
        out_type=[jax.ShapeDtypeStruct((NC, N_PAD, f), jnp.float32),
                  jax.ShapeDtypeStruct((NC, N_PAD, 8), jnp.float32)],
        mesh=mesh,
        compiler_params=pltpu.CompilerParams(
            needs_layout_passes=False, use_tc_tiling_on_sc=False),
        scratch_types=[
            pltpu.VMEM_SHARED((N_PAD, f), jnp.float32),
            pltpu.VMEM_SHARED((N_PAD, 8), jnp.float32),
            pltpu.VMEM((3, 2, ec), jnp.int32),
            pltpu.VMEM((2 * ec, f), jnp.float32),
            pltpu.VMEM((2 * ec, f), jnp.float32),
            pltpu.VMEM((2 * ec, 8), jnp.float32),
            pltpu.VMEM((heads * 16, 16), jnp.float32),
        ] + [pltpu.SemaphoreType.DMA] * 9,
    )
    def k(xl_hbm, xr_hbm, p_hbm, att_hbm, zu_hbm, zd_hbm,
          u_out, d_out,
          u_sh, d_sh, idxp, xlv, xrv, exv, attv,
          gl0, gl1, gr0, gr1, su0, su1, sd0, sd1, isem):
        gl = (gl0, gl1)
        gr = (gr0, gr1)
        su = (su0, su1)
        sd = (sd0, sd1)
        c = lax.axis_index("c")
        s = lax.axis_index("s")
        wid = c * NS + s
        row0 = s * RPT

        pltpu.sync_copy(zu_hbm, u_sh.at[pl.ds(row0, RPT)])
        pltpu.sync_copy(zd_hbm, d_sh.at[pl.ds(row0, RPT)])
        pltpu.sync_copy(att_hbm, attv)

        if heads == 1:
            zv = jnp.zeros((16,), jnp.float32)
            for h in range(1, 8):
                @pl.loop(0, 2 * ec // 16)
                def _z(g, h=h):
                    r = lax.iota(jnp.int32, 16) + g * 16
                    plsc.store_scatter(exv, [r, jnp.full((16,), h, jnp.int32)], zv)

        plsc.subcore_barrier()

        prow = wid * cpw
        pltpu.sync_copy(p_hbm.at[prow], idxp.at[0])
        pltpu.async_copy(xl_hbm.at[idxp.at[0, 0]], xlv.at[pl.ds(0, ec)], gl[0])
        pltpu.async_copy(xr_hbm.at[idxp.at[0, 1]], xrv.at[pl.ds(0, ec)], gr[0])
        pltpu.async_copy(p_hbm.at[prow + 1], idxp.at[1], isem)

        @pl.loop(0, cpw // 2)
        def _pair(jj):
            for b in (0, 1):
                j = jj * 2 + b
                nb = 1 - b
                kcur = j % 3
                knxt = (j + 1) % 3
                kprev = (j + 2) % 3

                @pl.when(j > 0)
                def _():
                    pltpu.make_async_copy(
                        xrv.at[pl.ds(nb * ec, ec)],
                        u_sh.at[idxp.at[kprev, 1]], su[nb]).wait()
                    pltpu.make_async_copy(
                        exv.at[pl.ds(nb * ec, ec)],
                        d_sh.at[idxp.at[kprev, 1]], sd[nb]).wait()

                @pl.when(j + 1 < cpw)
                def _():
                    pltpu.make_async_copy(
                        p_hbm.at[prow + j + 1], idxp.at[knxt], isem).wait()
                    pltpu.async_copy(xl_hbm.at[idxp.at[knxt, 0]],
                                     xlv.at[pl.ds(nb * ec, ec)], gl[nb])
                    pltpu.async_copy(xr_hbm.at[idxp.at[knxt, 1]],
                                     xrv.at[pl.ds(nb * ec, ec)], gr[nb])

                pltpu.make_async_copy(xl_hbm.at[idxp.at[kcur, 0]],
                                      xlv.at[pl.ds(b * ec, ec)], gl[b]).wait()
                pltpu.make_async_copy(xr_hbm.at[idxp.at[kcur, 1]],
                                      xrv.at[pl.ds(b * ec, ec)], gr[b]).wait()

                @pl.when(j + 2 < cpw)
                def _():
                    pltpu.async_copy(p_hbm.at[prow + j + 2], idxp.at[kprev], isem)

                off = wid * epw + j * ec
                gpc = ec // 16

                @pl.loop(0, heads * gpc)
                def _hg(t):
                    h = t // gpc
                    g = t - h * gpc
                    hcol = h * 16
                    lane = lax.iota(jnp.int32, 16)
                    rl = lane + g * 16
                    rb = rl + b * ec
                    valid = (off + rl) < E
                    accs = [jnp.zeros((16,), jnp.float32) for _ in range(4)]
                    avals = []
                    for ch0 in range(16):
                        col = (lane ^ ch0) | hcol
                        a = plsc.load_gather(xlv, [rb, col])
                        bb = plsc.load_gather(xrv, [rb, col])
                        sv = a + bb
                        e = jnp.maximum(sv, 0.2 * sv)
                        accs[ch0 % 4] = accs[ch0 % 4] + attv[hcol + ch0] * e
                        avals.append(a)
                    acc = (accs[0] + accs[1]) + (accs[2] + accs[3])
                    ex = jnp.where(valid, jnp.exp(acc), 0.0)
                    plsc.store_scatter(
                        exv, [rb, jnp.full((16,), 1, jnp.int32) * h], ex)
                    for ch0 in range(16):
                        col = (lane ^ ch0) | hcol
                        plsc.store_scatter(xrv, [rb, col], ex * avals[ch0])

                pltpu.async_copy(xrv.at[pl.ds(b * ec, ec)],
                                 u_sh.at[idxp.at[kcur, 1]], su[b], add=True)
                pltpu.async_copy(exv.at[pl.ds(b * ec, ec)],
                                 d_sh.at[idxp.at[kcur, 1]], sd[b], add=True)

        lastk = (cpw - 1) % 3
        pltpu.make_async_copy(xrv.at[pl.ds(ec, ec)],
                              u_sh.at[idxp.at[lastk, 1]], su[1]).wait()
        pltpu.make_async_copy(exv.at[pl.ds(ec, ec)],
                              d_sh.at[idxp.at[lastk, 1]], sd[1]).wait()

        plsc.subcore_barrier()
        pltpu.sync_copy(u_sh.at[pl.ds(row0, RPT)],
                        u_out.at[c, pl.ds(row0, RPT)])
        pltpu.sync_copy(d_sh.at[pl.ds(row0, RPT)],
                        d_out.at[c, pl.ds(row0, RPT)])

    rot = jnp.arange(16)[:, None] ^ jnp.arange(16)[None, :]
    att_exp = att.reshape(heads, 16)[:, rot].reshape(heads * 16, 16)
    return k(xl, xr, pidx, att_exp, zu, zd)



def kernel(x, edge_index, Wl1, Wr1, att1, b1, Wl2, Wr2, att2, b2):
    def pack(ec):
        padn = _cpw(ec) * ec * NW - E
        sp = jnp.pad(edge_index[0], (0, padn)).reshape(-1, ec)
        dp = jnp.pad(edge_index[1], (0, padn)).reshape(-1, ec)
        return jnp.stack([sp, dp], axis=1)

    xl1, xr1 = _mm2(x, Wl1, Wr1)
    u1, d1 = _sc_sweep(xl1, xr1, pack(EC1), att1, HEADS, EC1)
    xl2, xr2 = _combine1(u1, d1, b1, Wl2, Wr2)
    u2, d2 = _sc_sweep(xl2, xr2, pack(EC2), att2, 1, EC2)
    return _combine2(u2, d2, b2)

# --- scband reference (transcript-rebuilt; emitter-appended) ---
"""Pipeline reference for scband-gat-90718299226293 (READ-ONLY COPY).

The authoritative reference and input builder live on the scoring server;
editing this copy changes nothing except your own understanding.
"""

import jax, jax.numpy as jnp
import numpy as np

N = 10000
E = 320000
IN = 128
HID = 16
HEADS = 8
OUT = 16


def setup_inputs(seed: int = 0) -> dict:
    key = jax.random.key(seed)
    ks = jax.random.split(key, 10)
    x = jax.random.normal(ks[0], (N, IN), dtype=jnp.float32)
    edge_index = jax.random.randint(ks[1], (2, E), 0, N, dtype=jnp.int32)
    Wl1 = jax.random.normal(ks[2], (IN, HEADS * HID), dtype=jnp.float32) * 0.1
    Wr1 = jax.random.normal(ks[3], (IN, HEADS * HID), dtype=jnp.float32) * 0.1
    att1 = jax.random.normal(ks[4], (HEADS, HID), dtype=jnp.float32) * 0.1
    b1 = jnp.zeros((HEADS * HID,), dtype=jnp.float32)
    Wl2 = jax.random.normal(ks[5], (HEADS * HID, OUT), dtype=jnp.float32) * 0.1
    Wr2 = jax.random.normal(ks[6], (HEADS * HID, OUT), dtype=jnp.float32) * 0.1
    att2 = jax.random.normal(ks[7], (1, OUT), dtype=jnp.float32) * 0.1
    b2 = jnp.zeros((OUT,), dtype=jnp.float32)
    return {"x": x, "edge_index": edge_index, "Wl1": Wl1, "Wr1": Wr1, "att1": att1, "b1": b1, "Wl2": Wl2, "Wr2": Wr2, "att2": att2, "b2": b2}


def gatv2_layer(x, edge_index, Wl, Wr, att, bias, heads, ch):
    n = x.shape[0]
    src = edge_index[0]
    dst = edge_index[1]
    xl = (x @ Wl).reshape(n, heads, ch)
    xr = (x @ Wr).reshape(n, heads, ch)
    # GATv2: e_ij = att . leaky_relu(Wl x_j + Wr x_i)
    e = jax.nn.leaky_relu(xl[src] + xr[dst], negative_slope=0.2)
    logits = (e * att[None, :, :]).sum(-1)  # [E, heads]
    m = jax.ops.segment_max(logits, dst, num_segments=n)
    m = jnp.where(jnp.isfinite(m), m, 0.0)
    logits = logits - jax.lax.stop_gradient(m)[dst]
    ex = jnp.exp(logits)
    denom = jax.ops.segment_sum(ex, dst, num_segments=n)
    alpha = ex / (denom[dst] + 1e-16)
    out = jax.ops.segment_sum(xl[src] * alpha[:, :, None], dst, num_segments=n)
    return out.reshape(n, heads * ch) + bias


def reference(x, edge_index, Wl1, Wr1, att1, b1, Wl2, Wr2, att2, b2):
    # dropout is identity in eval mode
    h = gatv2_layer(x, edge_index, Wl1, Wr1, att1, b1, HEADS, HID)
    h = jax.nn.elu(h)
    out = gatv2_layer(h, edge_index, Wl2, Wr2, att2, b2, 1, OUT)
    return out

if __name__ == "__main__":
    import jax
    _d = setup_inputs()
    print(jax.jit(kernel)(*tuple(_d.values())))

</pallas_src>

<mosaic_0001>
#map = affine_map<(d0, d1) -> (0, 0)>
#map1 = affine_map<(d0, d1) -> (0, 0, 0)>
module attributes {stable_mosaic.version = 14 : i64} {
  func.func @k(%arg0: i32, %arg1: i32, %arg2: memref<10000x128xf32, #tpu.memory_space<hbm>>, %arg3: memref<10000x128xf32, #tpu.memory_space<hbm>>, %arg4: memref<4032x2x80xi32, #tpu.memory_space<hbm>>, %arg5: memref<128x16xf32, #tpu.memory_space<hbm>>, %arg6: memref<632x128xf32, #tpu.memory_space<hbm>>, %arg7: memref<632x8xf32, #tpu.memory_space<hbm>>, %arg8: memref<2x10112x128xf32, #tpu.memory_space<hbm>>, %arg9: memref<2x10112x8xf32, #tpu.memory_space<hbm>>, %arg10: memref<10112x128xf32, #tpu.memory_space<vmem_shared>>, %arg11: memref<10112x8xf32, #tpu.memory_space<vmem_shared>>, %arg12: memref<3x2x80xi32, #tpu.memory_space<vmem>>, %arg13: memref<160x128xf32, #tpu.memory_space<vmem>>, %arg14: memref<160x128xf32, #tpu.memory_space<vmem>>, %arg15: memref<160x8xf32, #tpu.memory_space<vmem>>, %arg16: memref<128x16xf32, #tpu.memory_space<vmem>>, %arg17: memref<!tpu.dma_semaphore, #tpu.memory_space<semaphore_mem>>, %arg18: memref<!tpu.dma_semaphore, #tpu.memory_space<semaphore_mem>>, %arg19: memref<!tpu.dma_semaphore, #tpu.memory_space<semaphore_mem>>, %arg20: memref<!tpu.dma_semaphore, #tpu.memory_space<semaphore_mem>>, %arg21: memref<!tpu.dma_semaphore, #tpu.memory_space<semaphore_mem>>, %arg22: memref<!tpu.dma_semaphore, #tpu.memory_space<semaphore_mem>>, %arg23: memref<!tpu.dma_semaphore, #tpu.memory_space<semaphore_mem>>, %arg24: memref<!tpu.dma_semaphore, #tpu.memory_space<semaphore_mem>>, %arg25: memref<!tpu.dma_semaphore, #tpu.memory_space<semaphore_mem>>) attributes {dimension_semantics = [#tpu.dimension_semantics<core_parallel>, #tpu.dimension_semantics<subcore_parallel>], iteration_bounds = array<i64: 2, 16>, scalar_prefetch = 0 : i64, scratch_operands = 16 : i64, tpu.core_type = #tpu.core_type<sc_vector_subcore>, window_params = [{transform_indices = #map}, {transform_indices = #map}, {transform_indices = #map1}, {transform_indices = #map}, {transform_indices = #map}, {transform_indices = #map}, {transform_indices = #map1}, {transform_indices = #map1}]} {
    %mul3A = arith.constant 16 : i32
    %mul3A_0 = arith.muli %arg0, %mul3A : i32
    %add3A = arith.addi %mul3A_0, %arg1 : i32
    %mul3A_1 = arith.constant 632 : i32
    %mul3A_2 = arith.muli %arg1, %mul3A_1 : i32
    "tpu.region"() ({
      %run_scoped3A_71 = tpu.sem_alloc : memref<!tpu.dma_semaphore, #tpu.memory_space<semaphore_mem>>
      %dma_start3A_72 = arith.constant 0 : i32
      %dma_start3A_73 = tpu.memref_slice %arg10[%mul3A_2, %dma_start3A_72] : memref<10112x128xf32, #tpu.memory_space<vmem_shared>> -> memref<632x128xf32, #tpu.memory_space<vmem_shared>>
      tpu.enqueue_dma source(%arg6 : memref<632x128xf32, #tpu.memory_space<hbm>>) target(%dma_start3A_73 : memref<632x128xf32, #tpu.memory_space<vmem_shared>>) target_semaphore(%run_scoped3A_71 : memref<!tpu.dma_semaphore, #tpu.memory_space<semaphore_mem>>)
      %dma_wait3A_74 = arith.constant 0 : i32
      %dma_wait3A_75 = tpu.memref_slice %arg10[%mul3A_2, %dma_wait3A_74] : memref<10112x128xf32, #tpu.memory_space<vmem_shared>> -> memref<632x128xf32, #tpu.memory_space<vmem_shared>>
      tpu.wait_dma2 semaphore(%run_scoped3A_71 : memref<!tpu.dma_semaphore, #tpu.memory_space<semaphore_mem>>) src(%arg6 : memref<632x128xf32, #tpu.memory_space<hbm>>) dst(%dma_wait3A_75 : memref<632x128xf32, #tpu.memory_space<vmem_shared>>)
      tpu.yield
    }) : () -> ()
    "tpu.region"() ({
      %run_scoped3A_71 = tpu.sem_alloc : memref<!tpu.dma_semaphore, #tpu.memory_space<semaphore_mem>>
      %dma_start3A_72 = arith.constant 0 : i32
      %dma_start3A_73 = tpu.memref_slice %arg11[%mul3A_2, %dma_start3A_72] : memref<10112x8xf32, #tpu.memory_space<vmem_shared>> -> memref<632x8xf32, #tpu.memory_space<vmem_shared>>
      tpu.enqueue_dma source(%arg7 : memref<632x8xf32, #tpu.memory_space<hbm>>) target(%dma_start3A_73 : memref<632x8xf32, #tpu.memory_space<vmem_shared>>) target_semaphore(%run_scoped3A_71 : memref<!tpu.dma_semaphore, #tpu.memory_space<semaphore_mem>>)
      %dma_wait3A_74 = arith.constant 0 : i32
      %dma_wait3A_75 = tpu.memref_slice %arg11[%mul3A_2, %dma_wait3A_74] : memref<10112x8xf32, #tpu.memory_space<vmem_shared>> -> memref<632x8xf32, #tpu.memory_space<vmem_shared>>
      tpu.wait_dma2 semaphore(%run_scoped3A_71 : memref<!tpu.dma_semaphore, #tpu.memory_space<semaphore_mem>>) src(%arg7 : memref<632x8xf32, #tpu.memory_space<hbm>>) dst(%dma_wait3A_75 : memref<632x8xf32, #tpu.memory_space<vmem_shared>>)
      tpu.yield
    }) : () -> ()
    "tpu.region"() ({
      %run_scoped3A_71 = tpu.sem_alloc : memref<!tpu.dma_semaphore, #tpu.memory_space<semaphore_mem>>
      tpu.enqueue_dma source(%arg5 : memref<128x16xf32, #tpu.memory_space<hbm>>) target(%arg16 : memref<128x16xf32, #tpu.memory_space<vmem>>) target_semaphore(%run_scoped3A_71 : memref<!tpu.dma_semaphore, #tpu.memory_space<semaphore_mem>>)
      tpu.wait_dma2 semaphore(%run_scoped3A_71 : memref<!tpu.dma_semaphore, #tpu.memory_space<semaphore_mem>>) src(%arg5 : memref<128x16xf32, #tpu.memory_space<hbm>>) dst(%arg16 : memref<128x16xf32, #tpu.memory_space<vmem>>)
      tpu.yield
    }) : () -> ()
    %barrier3A = arith.constant 0 : index
    tpu.barrier barrier_id(%barrier3A)
    %mul3A_3 = arith.constant 126 : i32
    %mul3A_4 = arith.muli %add3A, %mul3A_3 : i32
    %run_scoped3A = arith.constant 0 : i32
    "tpu.region"() ({
      %run_scoped3A_71 = tpu.sem_alloc : memref<!tpu.dma_semaphore, #tpu.memory_space<semaphore_mem>>
      %dma_start3A_72 = arith.constant 0 : i32
      %dma_start3A_73 = arith.constant 0 : i32
      %dma_start3A_74 = tpu.memref_slice %arg12[%run_scoped3A, %dma_start3A_72, %dma_start3A_73] : memref<3x2x80xi32, #tpu.memory_space<vmem>> -> memref<1x2x80xi32, #tpu.memory_space<vmem>>
      %dma_start3A_75 = tpu.memref_squeeze %dma_start3A_74 : memref<1x2x80xi32, #tpu.memory_space<vmem>> -> memref<2x80xi32, #tpu.memory_space<vmem>>
      %dma_start3A_76 = arith.constant 0 : i32
      %dma_start3A_77 = arith.constant 0 : i32
      %dma_start3A_78 = tpu.memref_slice %arg4[%mul3A_4, %dma_start3A_76, %dma_start3A_77] : memref<4032x2x80xi32, #tpu.memory_space<hbm>> -> memref<1x2x80xi32, #tpu.memory_space<hbm>>
      %dma_start3A_79 = tpu.memref_squeeze %dma_start3A_78 : memref<1x2x80xi32, #tpu.memory_space<hbm>> -> memref<2x80xi32, #tpu.memory_space<hbm>>
      %dma_start3A_80 = arith.constant 0 : i32
      %dma_start3A_81 = arith.constant 0 : i32
      %dma_start3A_82 = tpu.memref_slice %arg12[%run_scoped3A, %dma_start3A_80, %dma_start3A_81] : memref<3x2x80xi32, #tpu.memory_space<vmem>> -> memref<1x2x80xi32, #tpu.memory_space<vmem>>
      %dma_start3A_83 = tpu.memref_squeeze %dma_start3A_82 : memref<1x2x80xi32, #tpu.memory_space<vmem>> -> memref<2x80xi32, #tpu.memory_space<vmem>>
      %dma_start3A_84 = arith.constant 0 : i32
      %dma_start3A_85 = arith.constant 0 : i32
      %dma_start3A_86 = tpu.memref_slice %arg4[%mul3A_4, %dma_start3A_84, %dma_start3A_85] : memref<4032x2x80xi32, #tpu.memory_space<hbm>> -> memref<1x2x80xi32, #tpu.memory_space<hbm>>
      %dma_start3A_87 = tpu.memref_squeeze %dma_start3A_86 : memref<1x2x80xi32, #tpu.memory_space<hbm>> -> memref<2x80xi32, #tpu.memory_space<hbm>>
      tpu.enqueue_dma source(%dma_start3A_87 : memref<2x80xi32, #tpu.memory_space<hbm>>) target(%dma_start3A_83 : memref<2x80xi32, #tpu.memory_space<vmem>>) target_semaphore(%run_scoped3A_71 : memref<!tpu.dma_semaphore, #tpu.memory_space<semaphore_mem>>)
      %dma_wait3A_88 = arith.constant 0 : i32
      %dma_wait3A_89 = arith.constant 0 : i32
      %dma_wait3A_90 = tpu.memref_slice %arg12[%run_scoped3A, %dma_wait3A_88, %dma_wait3A_89] : memref<3x2x80xi32, #tpu.memory_space<vmem>> -> memref<1x2x80xi32, #tpu.memory_space<vmem>>
      %dma_wait3A_91 = tpu.memref_squeeze %dma_wait3A_90 : memref<1x2x80xi32, #tpu.memory_space<vmem>> -> memref<2x80xi32, #tpu.memory_space<vmem>>
      %dma_wait3A_92 = arith.constant 0 : i32
      %dma_wait3A_93 = arith.constant 0 : i32
      %dma_wait3A_94 = tpu.memref_slice %arg4[%mul3A_4, %dma_wait3A_92, %dma_wait3A_93] : memref<4032x2x80xi32, #tpu.memory_space<hbm>> -> memref<1x2x80xi32, #tpu.memory_space<hbm>>
      %dma_wait3A_95 = tpu.memref_squeeze %dma_wait3A_94 : memref<1x2x80xi32, #tpu.memory_space<hbm>> -> memref<2x80xi32, #tpu.memory_space<hbm>>
      %dma_wait3A_96 = arith.constant 0 : i32
      %dma_wait3A_97 = arith.constant 0 : i32
      %dma_wait3A_98 = tpu.memref_slice %arg12[%run_scoped3A, %dma_wait3A_96, %dma_wait3A_97] : memref<3x2x80xi32, #tpu.memory_space<vmem>> -> memref<1x2x80xi32, #tpu.memory_space<vmem>>
      %dma_wait3A_99 = tpu.memref_squeeze %dma_wait3A_98 : memref<1x2x80xi32, #tpu.memory_space<vmem>> -> memref<2x80xi32, #tpu.memory_space<vmem>>
      %dma_wait3A_100 = arith.constant 0 : i32
      %dma_wait3A_101 = arith.constant 0 : i32
      %dma_wait3A_102 = tpu.memref_slice %arg4[%mul3A_4, %dma_wait3A_100, %dma_wait3A_101] : memref<4032x2x80xi32, #tpu.memory_space<hbm>> -> memref<1x2x80xi32, #tpu.memory_space<hbm>>
      %dma_wait3A_103 = tpu.memref_squeeze %dma_wait3A_102 : memref<1x2x80xi32, #tpu.memory_space<hbm>> -> memref<2x80xi32, #tpu.memory_space<hbm>>
      tpu.wait_dma2 semaphore(%run_scoped3A_71 : memref<!tpu.dma_semaphore, #tpu.memory_space<semaphore_mem>>) src(%dma_wait3A_103 : memref<2x80xi32, #tpu.memory_space<hbm>>) dst(%dma_wait3A_99 : memref<2x80xi32, #tpu.memory_space<vmem>>)
      tpu.yield
    }) : () -> ()
    %dma_start3A = arith.constant 0 : i32
    %dma_start3A_5 = arith.constant 0 : i32
    %dma_start3A_6 = arith.constant 0 : i32
    %dma_start3A_7 = arith.constant 0 : i32
    %dma_start3A_8 = tpu.memref_slice %arg13[%dma_start3A_6, %dma_start3A_7] : memref<160x128xf32, #tpu.memory_space<vmem>> -> memref<80x128xf32, #tpu.memory_space<vmem>>
    %dma_start3A_9 = arith.constant 0 : i32
    %dma_start3A_10 = tpu.memref_slice %arg12[%dma_start3A, %dma_start3A_5, %dma_start3A_9] : memref<3x2x80xi32, #tpu.memory_space<vmem>> -> memref<1x1x80xi32, #tpu.memory_space<vmem>>
    %dma_start3A_11 = tpu.memref_squeeze %dma_start3A_10 : memref<1x1x80xi32, #tpu.memory_space<vmem>> -> memref<80xi32, #tpu.memory_space<vmem>>
    %dma_start3A_12 = arith.constant 0 : i32
    %dma_start3A_13 = arith.constant 0 : i32
    %dma_start3A_14 = tpu.memref_slice %arg2[%dma_start3A_12, %dma_start3A_13] : memref<10000x128xf32, #tpu.memory_space<hbm>> -> memref<10000x128xf32, #tpu.memory_space<hbm>>
    tpu.enqueue_indirect_dma source(%dma_start3A_14 : memref<10000x128xf32, #tpu.memory_space<hbm>>) target(%dma_start3A_8 : memref<80x128xf32, #tpu.memory_space<vmem>>) offsets(%dma_start3A_11 : memref<80xi32, #tpu.memory_space<vmem>>) semaphore(%arg17 : memref<!tpu.dma_semaphore, #tpu.memory_space<semaphore_mem>>)
    %dma_start3A_15 = arith.constant 0 : i32
    %dma_start3A_16 = arith.constant 1 : i32
    %dma_start3A_17 = arith.constant 0 : i32
    %dma_start3A_18 = arith.constant 0 : i32
    %dma_start3A_19 = tpu.memref_slice %arg14[%dma_start3A_17, %dma_start3A_18] : memref<160x128xf32, #tpu.memory_space<vmem>> -> memref<80x128xf32, #tpu.memory_space<vmem>>
    %dma_start3A_20 = arith.constant 0 : i32
    %dma_start3A_21 = tpu.memref_slice %arg12[%dma_start3A_15, %dma_start3A_16, %dma_start3A_20] : memref<3x2x80xi32, #tpu.memory_space<vmem>> -> memref<1x1x80xi32, #tpu.memory_space<vmem>>
    %dma_start3A_22 = tpu.memref_squeeze %dma_start3A_21 : memref<1x1x80xi32, #tpu.memory_space<vmem>> -> memref<80xi32, #tpu.memory_space<vmem>>
    %dma_start3A_23 = arith.constant 0 : i32
    %dma_start3A_24 = arith.constant 0 : i32
    %dma_start3A_25 = tpu.memref_slice %arg3[%dma_start3A_23, %dma_start3A_24] : memref<10000x128xf32, #tpu.memory_space<hbm>> -> memref<10000x128xf32, #tpu.memory_space<hbm>>
    tpu.enqueue_indirect_dma source(%dma_start3A_25 : memref<10000x128xf32, #tpu.memory_space<hbm>>) target(%dma_start3A_19 : memref<80x128xf32, #tpu.memory_space<vmem>>) offsets(%dma_start3A_22 : memref<80xi32, #tpu.memory_space<vmem>>) semaphore(%arg19 : memref<!tpu.dma_semaphore, #tpu.memory_space<semaphore_mem>>)
    %add3A_26 = arith.constant 1 : i32
    %add3A_27 = arith.addi %mul3A_4, %add3A_26 : i32
    %dma_start3A_28 = arith.constant 1 : i32
    %dma_start3A_29 = arith.constant 0 : i32
    %dma_start3A_30 = arith.constant 0 : i32
    %dma_start3A_31 = tpu.memref_slice %arg12[%dma_start3A_28, %dma_start3A_29, %dma_start3A_30] : memref<3x2x80xi32, #tpu.memory_space<vmem>> -> memref<1x2x80xi32, #tpu.memory_space<vmem>>
    %dma_start3A_32 = tpu.memref_squeeze %dma_start3A_31 : memref<1x2x80xi32, #tpu.memory_space<vmem>> -> memref<2x80xi32, #tpu.memory_space<vmem>>
    %dma_start3A_33 = arith.constant 0 : i32
    %dma_start3A_34 = arith.constant 0 : i32
    %dma_start3A_35 = tpu.memref_slice %arg4[%add3A_27, %dma_start3A_33, %dma_start3A_34] : memref<4032x2x80xi32, #tpu.memory_space<hbm>> -> memref<1x2x80xi32, #tpu.memory_space<hbm>>
    %dma_start3A_36 = tpu.memref_squeeze %dma_start3A_35 : memref<1x2x80xi32, #tpu.memory_space<hbm>> -> memref<2x80xi32, #tpu.memory_space<hbm>>
    %dma_start3A_37 = arith.constant 0 : i32
    %dma_start3A_38 = arith.constant 0 : i32
    %dma_start3A_39 = tpu.memref_slice %arg12[%dma_start3A_28, %dma_start3A_37, %dma_start3A_38] : memref<3x2x80xi32, #tpu.memory_space<vmem>> -> memref<1x2x80xi32, #tpu.memory_space<vmem>>
    %dma_start3A_40 = tpu.memref_squeeze %dma_start3A_39 : memref<1x2x80xi32, #tpu.memory_space<vmem>> -> memref<2x80xi32, #tpu.memory_space<vmem>>
    %dma_start3A_41 = arith.constant 0 : i32
    %dma_start3A_42 = arith.constant 0 : i32
    %dma_start3A_43 = tpu.memref_slice %arg4[%add3A_27, %dma_start3A_41, %dma_start3A_42] : memref<4032x2x80xi32, #tpu.memory_space<hbm>> -> memref<1x2x80xi32, #tpu.memory_space<hbm>>
    %dma_start3A_44 = tpu.memref_squeeze %dma_start3A_43 : memref<1x2x80xi32, #tpu.memory_space<hbm>> -> memref<2x80xi32, #tpu.memory_space<hbm>>
    tpu.enqueue_dma source(%dma_start3A_44 : memref<2x80xi32, #tpu.memory_space<hbm>>) target(%dma_start3A_40 : memref<2x80xi32, #tpu.memory_space<vmem>>) target_semaphore(%arg25 : memref<!tpu.dma_semaphore, #tpu.memory_space<semaphore_mem>>)
    %scan3A = arith.constant 0 : i32
    %scan3A_45 = arith.constant 63 : i32
    %scan3A_46 = arith.addi %scan3A, %scan3A_45 : i32
    %scan3A_47 = arith.constant 1 : i32
    scf.for %scan3A_71 = %scan3A to %scan3A_46 step %scan3A_47  : i32 {
      %mul3A_72 = arith.constant 1 : i32
      %mul3A_73 = arith.muli %scan3A_71, %mul3A_72 : i32
      %add3A_74 = arith.constant 0 : i32
      %add3A_75 = arith.addi %add3A_74, %mul3A_73 : i32
      %mul3A_76 = arith.constant 2 : i32
      %mul3A_77 = arith.muli %add3A_75, %mul3A_76 : i32
      %add3A_78 = arith.constant 0 : i32
      %add3A_79 = arith.addi %mul3A_77, %add3A_78 : i32
      %jit3A = arith.constant 3 : i32
      %eq3A = arith.constant 0 : i32
      %eq3A_80 = arith.cmpi eq, %jit3A, %eq3A : i32
      %jit3A_81 = arith.constant 1 : i32
      %select_n3A = arith.select %eq3A_80, %jit3A_81, %jit3A : i32
      %rem3A = arith.remsi %add3A_79, %select_n3A : i32
      %ne3A = arith.constant 0 : i32
      %ne3A_82 = arith.cmpi ne, %rem3A, %ne3A : i32
      %lt3A = arith.constant 0 : i32
      %lt3A_83 = arith.cmpi slt, %rem3A, %lt3A : i32
      %lt3A_84 = arith.constant 0 : i32
      %lt3A_85 = arith.cmpi slt, %select_n3A, %lt3A_84 : i32
      %ne3A_86 = arith.xori %lt3A_83, %lt3A_85 : i1
      %and3A = arith.andi %ne3A_86, %ne3A_82 : i1
      %add3A_87 = arith.addi %rem3A, %select_n3A : i32
      %select_n3A_88 = arith.select %and3A, %add3A_87, %rem3A : i32
      %add3A_89 = arith.constant 1 : i32
      %add3A_90 = arith.addi %add3A_79, %add3A_89 : i32
      %jit3A_91 = arith.constant 3 : i32
      %eq3A_92 = arith.constant 0 : i32
      %eq3A_93 = arith.cmpi eq, %jit3A_91, %eq3A_92 : i32
      %jit3A_94 = arith.constant 1 : i32
      %select_n3A_95 = arith.select %eq3A_93, %jit3A_94, %jit3A_91 : i32
      %rem3A_96 = arith.remsi %add3A_90, %select_n3A_95 : i32
      %ne3A_97 = arith.constant 0 : i32
      %ne3A_98 = arith.cmpi ne, %rem3A_96, %ne3A_97 : i32
      %lt3A_99 = arith.constant 0 : i32
      %lt3A_100 = arith.cmpi slt, %rem3A_96, %lt3A_99 : i32
      %lt3A_101 = arith.constant 0 : i32
      %lt3A_102 = arith.cmpi slt, %select_n3A_95, %lt3A_101 : i32
      %ne3A_103 = arith.xori %lt3A_100, %lt3A_102 : i1
      %and3A_104 = arith.andi %ne3A_103, %ne3A_98 : i1
      %add3A_105 = arith.addi %rem3A_96, %select_n3A_95 : i32
      %select_n3A_106 = arith.select %and3A_104, %add3A_105, %rem3A_96 : i32
      %add3A_107 = arith.constant 2 : i32
      %add3A_108 = arith.addi %add3A_79, %add3A_107 : i32
      %jit3A_109 = arith.constant 3 : i32
      %eq3A_110 = arith.constant 0 : i32
      %eq3A_111 = arith.cmpi eq, %jit3A_109, %eq3A_110 : i32
      %jit3A_112 = arith.constant 1 : i32
      %select_n3A_113 = arith.select %eq3A_111, %jit3A_112, %jit3A_109 : i32
      %rem3A_114 = arith.remsi %add3A_108, %select_n3A_113 : i32
      %ne3A_115 = arith.constant 0 : i32
      %ne3A_116 = arith.cmpi ne, %rem3A_114, %ne3A_115 : i32
      %lt3A_117 = arith.constant 0 : i32
      %lt3A_118 = arith.cmpi slt, %rem3A_114, %lt3A_117 : i32
      %lt3A_119 = arith.constant 0 : i32
      %lt3A_120 = arith.cmpi slt, %select_n3A_113, %lt3A_119 : i32
      %ne3A_121 = arith.xori %lt3A_118, %lt3A_120 : i1
      %and3A_122 = arith.andi %ne3A_121, %ne3A_116 : i1
      %add3A_123 = arith.addi %rem3A_114, %select_n3A_113 : i32
      %select_n3A_124 = arith.select %and3A_122, %add3A_123, %rem3A_114 : i32
      %gt3A = arith.constant 0 : i32
      %gt3A_125 = arith.cmpi sgt, %add3A_79, %gt3A : i32
      %convert_element_type3A = arith.extui %gt3A_125 : i1 to i32
      %cond3A = arith.constant 0 : i32
      %cond3A_126 = arith.cmpi ne, %convert_element_type3A, %cond3A : i32
      scf.if %cond3A_126 {
        %dma_wait3A_316 = arith.constant 1 : i32
        %dma_wait3A_317 = arith.constant 80 : i32
        %dma_wait3A_318 = arith.constant 0 : i32
        %dma_wait3A_319 = tpu.memref_slice %arg14[%dma_wait3A_317, %dma_wait3A_318] : memref<160x128xf32, #tpu.memory_space<vmem>> -> memref<80x128xf32, #tpu.memory_space<vmem>>
        %dma_wait3A_320 = arith.constant 0 : i32
        %dma_wait3A_321 = tpu.memref_slice %arg12[%select_n3A_124, %dma_wait3A_316, %dma_wait3A_320] : memref<3x2x80xi32, #tpu.memory_space<vmem>> -> memref<1x1x80xi32, #tpu.memory_space<vmem>>
        %dma_wait3A_322 = tpu.memref_squeeze %dma_wait3A_321 : memref<1x1x80xi32, #tpu.memory_space<vmem>> -> memref<80xi32, #tpu.memory_space<vmem>>
        %dma_wait3A_323 = arith.constant 0 : i32
        %dma_wait3A_324 = arith.constant 0 : i32
        %dma_wait3A_325 = tpu.memref_slice %arg10[%dma_wait3A_323, %dma_wait3A_324] : memref<10112x128xf32, #tpu.memory_space<vmem_shared>> -> memref<10112x128xf32, #tpu.memory_space<vmem_shared>>
        tpu.wait_indirect_dma semaphore(%arg22 : memref<!tpu.dma_semaphore, #tpu.memory_space<semaphore_mem>>) src(%dma_wait3A_319 : memref<80x128xf32, #tpu.memory_space<vmem>>) dst(%dma_wait3A_325 : memref<10112x128xf32, #tpu.memory_space<vmem_shared>>)
        %dma_wait3A_326 = arith.constant 1 : i32
        %dma_wait3A_327 = arith.constant 80 : i32
        %dma_wait3A_328 = arith.constant 0 : i32
        %dma_wait3A_329 = tpu.memref_slice %arg15[%dma_wait3A_327, %dma_wait3A_328] : memref<160x8xf32, #tpu.memory_space<vmem>> -> memref<80x8xf32, #tpu.memory_space<vmem>>
        %dma_wait3A_330 = arith.constant 0 : i32
        %dma_wait3A_331 = tpu.memref_slice %arg12[%select_n3A_124, %dma_wait3A_326, %dma_wait3A_330] : memref<3x2x80xi32, #tpu.memory_space<vmem>> -> memref<1x1x80xi32, #tpu.memory_space<vmem>>
        %dma_wait3A_332 = tpu.memref_squeeze %dma_wait3A_331 : memref<1x1x80xi32, #tpu.memory_space<vmem>> -> memref<80xi32, #tpu.memory_space<vmem>>
        %dma_wait3A_333 = arith.constant 0 : i32
        %dma_wait3A_334 = arith.constant 0 : i32
        %dma_wait3A_335 = tpu.memref_slice %arg11[%dma_wait3A_333, %dma_wait3A_334] : memref<10112x8xf32, #tpu.memory_space<vmem_shared>> -> memref<10112x8xf32, #tpu.memory_space<vmem_shared>>
        tpu.wait_indirect_dma semaphore(%arg24 : memref<!tpu.dma_semaphore, #tpu.memory_space<semaphore_mem>>) src(%dma_wait3A_329 : memref<80x8xf32, #tpu.memory_space<vmem>>) dst(%dma_wait3A_335 : memref<10112x8xf32, #tpu.memory_space<vmem_shared>>)
      } else {
      }
      %add3A_127 = arith.constant 1 : i32
      %add3A_128 = arith.addi %add3A_79, %add3A_127 : i32
      %lt3A_129 = arith.constant 126 : i32
      %lt3A_130 = arith.cmpi slt, %add3A_128, %lt3A_129 : i32
      %convert_element_type3A_131 = arith.extui %lt3A_130 : i1 to i32
      %cond3A_132 = arith.constant 0 : i32
      %cond3A_133 = arith.cmpi ne, %convert_element_type3A_131, %cond3A_132 : i32
      scf.if %cond3A_133 {
        %add3A_316 = arith.addi %mul3A_4, %add3A_79 : i32
        %add3A_317 = arith.constant 1 : i32
        %add3A_318 = arith.addi %add3A_316, %add3A_317 : i32
        %dma_wait3A_319 = arith.constant 0 : i32
        %dma_wait3A_320 = arith.constant 0 : i32
        %dma_wait3A_321 = tpu.memref_slice %arg12[%select_n3A_106, %dma_wait3A_319, %dma_wait3A_320] : memref<3x2x80xi32, #tpu.memory_space<vmem>> -> memref<1x2x80xi32, #tpu.memory_space<vmem>>
        %dma_wait3A_322 = tpu.memref_squeeze %dma_wait3A_321 : memref<1x2x80xi32, #tpu.memory_space<vmem>> -> memref<2x80xi32, #tpu.memory_space<vmem>>
        %dma_wait3A_323 = arith.constant 0 : i32
        %dma_wait3A_324 = arith.constant 0 : i32
        %dma_wait3A_325 = tpu.memref_slice %arg4[%add3A_318, %dma_wait3A_323, %dma_wait3A_324] : memref<4032x2x80xi32, #tpu.memory_space<hbm>> -> memref<1x2x80xi32, #tpu.memory_space<hbm>>
        %dma_wait3A_326 = tpu.memref_squeeze %dma_wait3A_325 : memref<1x2x80xi32, #tpu.memory_space<hbm>> -> memref<2x80xi32, #tpu.memory_space<hbm>>
        %dma_wait3A_327 = arith.constant 0 : i32
        %dma_wait3A_328 = arith.constant 0 : i32
        %dma_wait3A_329 = tpu.memref_slice %arg12[%select_n3A_106, %dma_wait3A_327, %dma_wait3A_328] : memref<3x2x80xi32, #tpu.memory_space<vmem>> -> memref<1x2x80xi32, #tpu.memory_space<vmem>>
        %dma_wait3A_330 = tpu.memref_squeeze %dma_wait3A_329 : memref<1x2x80xi32, #tpu.memory_space<vmem>> -> memref<2x80xi32, #tpu.memory_space<vmem>>
        %dma_wait3A_331 = arith.constant 0 : i32
        %dma_wait3A_332 = arith.constant 0 : i32
        %dma_wait3A_333 = tpu.memref_slice %arg4[%add3A_318, %dma_wait3A_331, %dma_wait3A_332] : memref<4032x2x80xi32, #tpu.memory_space<hbm>> -> memref<1x2x80xi32, #tpu.memory_space<hbm>>
        %dma_wait3A_334 = tpu.memref_squeeze %dma_wait3A_333 : memref<1x2x80xi32, #tpu.memory_space<hbm>> -> memref<2x80xi32, #tpu.memory_space<hbm>>
        tpu.wait_dma2 semaphore(%arg25 : memref<!tpu.dma_semaphore, #tpu.memory_space<semaphore_mem>>) src(%dma_wait3A_334 : memref<2x80xi32, #tpu.memory_space<hbm>>) dst(%dma_wait3A_330 : memref<2x80xi32, #tpu.memory_space<vmem>>)
        %dma_start3A_335 = arith.constant 0 : i32
        %dma_start3A_336 = arith.constant 80 : i32
        %dma_start3A_337 = arith.constant 0 : i32
        %dma_start3A_338 = tpu.memref_slice %arg13[%dma_start3A_336, %dma_start3A_337] : memref<160x128xf32, #tpu.memory_space<vmem>> -> memref<80x128xf32, #tpu.memory_space<vmem>>
        %dma_start3A_339 = arith.constant 0 : i32
        %dma_start3A_340 = tpu.memref_slice %arg12[%select_n3A_106, %dma_start3A_335, %dma_start3A_339] : memref<3x2x80xi32, #tpu.memory_space<vmem>> -> memref<1x1x80xi32, #tpu.memory_space<vmem>>
        %dma_start3A_341 = tpu.memref_squeeze %dma_start3A_340 : memref<1x1x80xi32, #tpu.memory_space<vmem>> -> memref<80xi32, #tpu.memory_space<vmem>>
        %dma_start3A_342 = arith.constant 0 : i32
        %dma_start3A_343 = arith.constant 0 : i32
        %dma_start3A_344 = tpu.memref_slice %arg2[%dma_start3A_342, %dma_start3A_343] : memref<10000x128xf32, #tpu.memory_space<hbm>> -> memref<10000x128xf32, #tpu.memory_space<hbm>>
        tpu.enqueue_indirect_dma source(%dma_start3A_344 : memref<10000x128xf32, #tpu.memory_space<hbm>>) target(%dma_start3A_338 : memref<80x128xf32, #tpu.memory_space<vmem>>) offsets(%dma_start3A_341 : memref<80xi32, #tpu.memory_space<vmem>>) semaphore(%arg18 : memref<!tpu.dma_semaphore, #tpu.memory_space<semaphore_mem>>)
        %dma_start3A_345 = arith.constant 1 : i32
        %dma_start3A_346 = arith.constant 80 : i32
        %dma_start3A_347 = arith.constant 0 : i32
        %dma_start3A_348 = tpu.memref_slice %arg14[%dma_start3A_346, %dma_start3A_347] : memref<160x128xf32, #tpu.memory_space<vmem>> -> memref<80x128xf32, #tpu.memory_space<vmem>>
        %dma_start3A_349 = arith.constant 0 : i32
        %dma_start3A_350 = tpu.memref_slice %arg12[%select_n3A_106, %dma_start3A_345, %dma_start3A_349] : memref<3x2x80xi32, #tpu.memory_space<vmem>> -> memref<1x1x80xi32, #tpu.memory_space<vmem>>
        %dma_start3A_351 = tpu.memref_squeeze %dma_start3A_350 : memref<1x1x80xi32, #tpu.memory_space<vmem>> -> memref<80xi32, #tpu.memory_space<vmem>>
        %dma_start3A_352 = arith.constant 0 : i32
        %dma_start3A_353 = arith.constant 0 : i32
        %dma_start3A_354 = tpu.memref_slice %arg3[%dma_start3A_352, %dma_start3A_353] : memref<10000x128xf32, #tpu.memory_space<hbm>> -> memref<10000x128xf32, #tpu.memory_space<hbm>>
        tpu.enqueue_indirect_dma source(%dma_start3A_354 : memref<10000x128xf32, #tpu.memory_space<hbm>>) target(%dma_start3A_348 : memref<80x128xf32, #tpu.memory_space<vmem>>) offsets(%dma_start3A_351 : memref<80xi32, #tpu.memory_space<vmem>>) semaphore(%arg20 : memref<!tpu.dma_semaphore, #tpu.memory_space<semaphore_mem>>)
      } else {
      }
      %dma_wait3A_134 = arith.constant 0 : i32
      %dma_wait3A_135 = arith.constant 0 : i32
      %dma_wait3A_136 = arith.constant 0 : i32
      %dma_wait3A_137 = tpu.memref_slice %arg13[%dma_wait3A_135, %dma_wait3A_136] : memref<160x128xf32, #tpu.memory_space<vmem>> -> memref<80x128xf32, #tpu.memory_space<vmem>>
      %dma_wait3A_138 = arith.constant 0 : i32
      %dma_wait3A_139 = tpu.memref_slice %arg12[%select_n3A_88, %dma_wait3A_134, %dma_wait3A_138] : memref<3x2x80xi32, #tpu.memory_space<vmem>> -> memref<1x1x80xi32, #tpu.memory_space<vmem>>
      %dma_wait3A_140 = tpu.memref_squeeze %dma_wait3A_139 : memref<1x1x80xi32, #tpu.memory_space<vmem>> -> memref<80xi32, #tpu.memory_space<vmem>>
      %dma_wait3A_141 = arith.constant 0 : i32
      %dma_wait3A_142 = arith.constant 0 : i32
      %dma_wait3A_143 = tpu.memref_slice %arg2[%dma_wait3A_141, %dma_wait3A_142] : memref<10000x128xf32, #tpu.memory_space<hbm>> -> memref<10000x128xf32, #tpu.memory_space<hbm>>
      tpu.wait_indirect_dma semaphore(%arg17 : memref<!tpu.dma_semaphore, #tpu.memory_space<semaphore_mem>>) src(%dma_wait3A_143 : memref<10000x128xf32, #tpu.memory_space<hbm>>) dst(%dma_wait3A_137 : memref<80x128xf32, #tpu.memory_space<vmem>>)
      %dma_wait3A_144 = arith.constant 1 : i32
      %dma_wait3A_145 = arith.constant 0 : i32
      %dma_wait3A_146 = arith.constant 0 : i32
      %dma_wait3A_147 = tpu.memref_slice %arg14[%dma_wait3A_145, %dma_wait3A_146] : memref<160x128xf32, #tpu.memory_space<vmem>> -> memref<80x128xf32, #tpu.memory_space<vmem>>
      %dma_wait3A_148 = arith.constant 0 : i32
      %dma_wait3A_149 = tpu.memref_slice %arg12[%select_n3A_88, %dma_wait3A_144, %dma_wait3A_148] : memref<3x2x80xi32, #tpu.memory_space<vmem>> -> memref<1x1x80xi32, #tpu.memory_space<vmem>>
      %dma_wait3A_150 = tpu.memref_squeeze %dma_wait3A_149 : memref<1x1x80xi32, #tpu.memory_space<vmem>> -> memref<80xi32, #tpu.memory_space<vmem>>
      %dma_wait3A_151 = arith.constant 0 : i32
      %dma_wait3A_152 = arith.constant 0 : i32
      %dma_wait3A_153 = tpu.memref_slice %arg3[%dma_wait3A_151, %dma_wait3A_152] : memref<10000x128xf32, #tpu.memory_space<hbm>> -> memref<10000x128xf32, #tpu.memory_space<hbm>>
      tpu.wait_indirect_dma semaphore(%arg19 : memref<!tpu.dma_semaphore, #tpu.memory_space<semaphore_mem>>) src(%dma_wait3A_153 : memref<10000x128xf32, #tpu.memory_space<hbm>>) dst(%dma_wait3A_147 : memref<80x128xf32, #tpu.memory_space<vmem>>)
      %add3A_154 = arith.constant 2 : i32
      %add3A_155 = arith.addi %add3A_79, %add3A_154 : i32
      %lt3A_156 = arith.constant 126 : i32
      %lt3A_157 = arith.cmpi slt, %add3A_155, %lt3A_156 : i32
      %convert_element_type3A_158 = arith.extui %lt3A_157 : i1 to i32
      %cond3A_159 = arith.constant 0 : i32
      %cond3A_160 = arith.cmpi ne, %convert_element_type3A_158, %cond3A_159 : i32
      scf.if %cond3A_160 {
        %add3A_316 = arith.addi %mul3A_4, %add3A_79 : i32
        %add3A_317 = arith.constant 2 : i32
        %add3A_318 = arith.addi %add3A_316, %add3A_317 : i32
        %dma_start3A_319 = arith.constant 0 : i32
        %dma_start3A_320 = arith.constant 0 : i32
        %dma_start3A_321 = tpu.memref_slice %arg12[%select_n3A_124, %dma_start3A_319, %dma_start3A_320] : memref<3x2x80xi32, #tpu.memory_space<vmem>> -> memref<1x2x80xi32, #tpu.memory_space<vmem>>
        %dma_start3A_322 = tpu.memref_squeeze %dma_start3A_321 : memref<1x2x80xi32, #tpu.memory_space<vmem>> -> memref<2x80xi32, #tpu.memory_space<vmem>>
        %dma_start3A_323 = arith.constant 0 : i32
        %dma_start3A_324 = arith.constant 0 : i32
        %dma_start3A_325 = tpu.memref_slice %arg4[%add3A_318, %dma_start3A_323, %dma_start3A_324] : memref<4032x2x80xi32, #tpu.memory_space<hbm>> -> memref<1x2x80xi32, #tpu.memory_space<hbm>>
        %dma_start3A_326 = tpu.memref_squeeze %dma_start3A_325 : memref<1x2x80xi32, #tpu.memory_space<hbm>> -> memref<2x80xi32, #tpu.memory_space<hbm>>
        %dma_start3A_327 = arith.constant 0 : i32
        %dma_start3A_328 = arith.constant 0 : i32
        %dma_start3A_329 = tpu.memref_slice %arg12[%select_n3A_124, %dma_start3A_327, %dma_start3A_328] : memref<3x2x80xi32, #tpu.memory_space<vmem>> -> memref<1x2x80xi32, #tpu.memory_space<vmem>>
        %dma_start3A_330 = tpu.memref_squeeze %dma_start3A_329 : memref<1x2x80xi32, #tpu.memory_space<vmem>> -> memref<2x80xi32, #tpu.memory_space<vmem>>
        %dma_start3A_331 = arith.constant 0 : i32
        %dma_start3A_332 = arith.constant 0 : i32
        %dma_start3A_333 = tpu.memref_slice %arg4[%add3A_318, %dma_start3A_331, %dma_start3A_332] : memref<4032x2x80xi32, #tpu.memory_space<hbm>> -> memref<1x2x80xi32, #tpu.memory_space<hbm>>
        %dma_start3A_334 = tpu.memref_squeeze %dma_start3A_333 : memref<1x2x80xi32, #tpu.memory_space<hbm>> -> memref<2x80xi32, #tpu.memory_space<hbm>>
        tpu.enqueue_dma source(%dma_start3A_334 : memref<2x80xi32, #tpu.memory_space<hbm>>) target(%dma_start3A_330 : memref<2x80xi32, #tpu.memory_space<vmem>>) target_semaphore(%arg25 : memref<!tpu.dma_semaphore, #tpu.memory_space<semaphore_mem>>)
      } else {
      }
      %mul3A_161 = arith.constant 10080 : i32
      %mul3A_162 = arith.muli %add3A, %mul3A_161 : i32
      %mul3A_163 = arith.constant 80 : i32
      %mul3A_164 = arith.muli %add3A_79, %mul3A_163 : i32
      %add3A_165 = arith.addi %mul3A_162, %mul3A_164 : i32
      %scan3A_166 = arith.constant 0 : i32
      %scan3A_167 = arith.constant 40 : i32
      %scan3A_168 = arith.addi %scan3A_166, %scan3A_167 : i32
      %scan3A_169 = arith.constant 1 : i32
      scf.for %scan3A_316 = %scan3A_166 to %scan3A_168 step %scan3A_169  : i32 {
        %mul3A_317 = arith.constant 1 : i32
        %mul3A_318 = arith.muli %scan3A_316, %mul3A_317 : i32
        %add3A_319 = arith.constant 0 : i32
        %add3A_320 = arith.addi %add3A_319, %mul3A_318 : i32
        %jit3A_321 = arith.constant 5 : i32
        %div3A = arith.divsi %add3A_320, %jit3A_321 : i32
        %sign3A = arith.constant 0 : i32
        %sign3A_322 = arith.cmpi sgt, %add3A_320, %sign3A : i32
        %sign3A_323 = arith.extui %sign3A_322 : i1 to i32
        %sign3A_324 = arith.constant 0 : i32
        %sign3A_325 = arith.cmpi slt, %add3A_320, %sign3A_324 : i32
        %sign3A_326 = arith.extui %sign3A_325 : i1 to i32
        %sign3A_327 = arith.subi %sign3A_323, %sign3A_326 : i32
        %sign3A_328 = arith.constant 0 : i32
        %sign3A_329 = arith.cmpi sgt, %jit3A_321, %sign3A_328 : i32
        %sign3A_330 = arith.extui %sign3A_329 : i1 to i32
        %sign3A_331 = arith.constant 0 : i32
        %sign3A_332 = arith.cmpi slt, %jit3A_321, %sign3A_331 : i32
        %sign3A_333 = arith.extui %sign3A_332 : i1 to i32
        %sign3A_334 = arith.subi %sign3A_330, %sign3A_333 : i32
        %ne3A_335 = arith.cmpi ne, %sign3A_327, %sign3A_334 : i32
        %rem3A_336 = arith.remsi %add3A_320, %jit3A_321 : i32
        %ne3A_337 = arith.constant 0 : i32
        %ne3A_338 = arith.cmpi ne, %rem3A_336, %ne3A_337 : i32
        %and3A_339 = arith.andi %ne3A_335, %ne3A_338 : i1
        %sub3A = arith.constant 1 : i32
        %sub3A_340 = arith.subi %div3A, %sub3A : i32
        %select_n3A_341 = arith.select %and3A_339, %sub3A_340, %div3A : i32
        %mul3A_342 = arith.constant 5 : i32
        %mul3A_343 = arith.muli %select_n3A_341, %mul3A_342 : i32
        %sub3A_344 = arith.subi %add3A_320, %mul3A_343 : i32
        %mul3A_345 = arith.constant 16 : i32
        %mul3A_346 = arith.muli %select_n3A_341, %mul3A_345 : i32
        %iota3A = tpu.iota {dimensions = array<i32: 0>} : vector<16xi32>
        %mul3A_347 = arith.constant 16 : i32
        %mul3A_348 = arith.muli %sub3A_344, %mul3A_347 : i32
        %add3A_349 = vector.broadcast %mul3A_348 : i32 to vector<16xi32>
        %add3A_350 = arith.addi %iota3A, %add3A_349 : vector<16xi32>
        %add3A_351 = arith.constant 0 : i32
        %add3A_352 = vector.broadcast %add3A_351 : i32 to vector<16xi32>
        %add3A_353 = arith.addi %add3A_350, %add3A_352 : vector<16xi32>
        %add3A_354 = vector.broadcast %add3A_165 : i32 to vector<16xi32>
        %add3A_355 = arith.addi %add3A_354, %add3A_350 : vector<16xi32>
        %lt3A_356 = arith.constant 320000 : i32
        %lt3A_357 = vector.broadcast %lt3A_356 : i32 to vector<16xi32>
        %lt3A_358 = arith.cmpi slt, %add3A_355, %lt3A_357 : vector<16xi32>
        %broadcast_in_dim3A = arith.constant 0.000000e+00 : f32
        %broadcast_in_dim3A_359 = vector.broadcast %broadcast_in_dim3A : f32 to vector<16xf32>
        %broadcast_in_dim3A_360 = arith.constant 0.000000e+00 : f32
        %broadcast_in_dim3A_361 = vector.broadcast %broadcast_in_dim3A_360 : f32 to vector<16xf32>
        %broadcast_in_dim3A_362 = arith.constant 0.000000e+00 : f32
        %broadcast_in_dim3A_363 = vector.broadcast %broadcast_in_dim3A_362 : f32 to vector<16xf32>
        %broadcast_in_dim3A_364 = arith.constant 0.000000e+00 : f32
        %broadcast_in_dim3A_365 = vector.broadcast %broadcast_in_dim3A_364 : f32 to vector<16xf32>
        %xor3A = arith.constant 0 : i32
        %xor3A_366 = vector.broadcast %xor3A : i32 to vector<16xi32>
        %xor3A_367 = arith.xori %iota3A, %xor3A_366 : vector<16xi32>
        %or3A = vector.broadcast %mul3A_346 : i32 to vector<16xi32>
        %or3A_368 = arith.ori %xor3A_367, %or3A : vector<16xi32>
        %gather3A = tpu.vector_load_idx %arg13[%add3A_353, %or3A_368] : memref<160x128xf32, #tpu.memory_space<vmem>>[vector<16xi32>, vector<16xi32>], vector<16xf32>,
        %gather3A_369 = tpu.vector_load_idx %arg14[%add3A_353, %or3A_368] : memref<160x128xf32, #tpu.memory_space<vmem>>[vector<16xi32>, vector<16xi32>], vector<16xf32>,
        %add3A_370 = arith.addf %gather3A, %gather3A_369 : vector<16xf32>
        %mul3A_371 = arith.constant 2.000000e-01 : f32
        %mul3A_372 = vector.broadcast %mul3A_371 : f32 to vector<16xf32>
        %mul3A_373 = arith.mulf %mul3A_372, %add3A_370 : vector<16xf32>
        %max3A = arith.maximumf %add3A_370, %mul3A_373 : vector<16xf32>
        %add3A_374 = arith.constant 0 : i32
        %add3A_375 = arith.addi %mul3A_346, %add3A_374 : i32
        %get3A = arith.index_cast %add3A_375 : i32 to index
        %get3A_376 = arith.constant 0 : index
        %get3A_377 = tpu.vector_load %arg16[%get3A, %get3A_376] {strides = array<i32>} : memref<128x16xf32, #tpu.memory_space<vmem>>, vector<16xf32>,
        %mul3A_378 = arith.mulf %get3A_377, %max3A : vector<16xf32>
        %add3A_379 = arith.addf %broadcast_in_dim3A_359, %mul3A_378 : vector<16xf32>
        %xor3A_380 = arith.constant 1 : i32
        %xor3A_381 = vector.broadcast %xor3A_380 : i32 to vector<16xi32>
        %xor3A_382 = arith.xori %iota3A, %xor3A_381 : vector<16xi32>
        %or3A_383 = vector.broadcast %mul3A_346 : i32 to vector<16xi32>
        %or3A_384 = arith.ori %xor3A_382, %or3A_383 : vector<16xi32>
        %gather3A_385 = tpu.vector_load_idx %arg13[%add3A_353, %or3A_384] : memref<160x128xf32, #tpu.memory_space<vmem>>[vector<16xi32>, vector<16xi32>], vector<16xf32>,
        %gather3A_386 = tpu.vector_load_idx %arg14[%add3A_353, %or3A_384] : memref<160x128xf32, #tpu.memory_space<vmem>>[vector<16xi32>, vector<16xi32>], vector<16xf32>,
        %add3A_387 = arith.addf %gather3A_385, %gather3A_386 : vector<16xf32>
        %mul3A_388 = arith.constant 2.000000e-01 : f32
        %mul3A_389 = vector.broadcast %mul3A_388 : f32 to vector<16xf32>
        %mul3A_390 = arith.mulf %mul3A_389, %add3A_387 : vector<16xf32>
        %max3A_391 = arith.maximumf %add3A_387, %mul3A_390 : vector<16xf32>
        %add3A_392 = arith.constant 1 : i32
        %add3A_393 = arith.addi %mul3A_346, %add3A_392 : i32
        %get3A_394 = arith.index_cast %add3A_393 : i32 to index
        %get3A_395 = arith.constant 0 : index
        %get3A_396 = tpu.vector_load %arg16[%get3A_394, %get3A_395] {strides = array<i32>} : memref<128x16xf32, #tpu.memory_space<vmem>>, vector<16xf32>,
        %mul3A_397 = arith.mulf %get3A_396, %max3A_391 : vector<16xf32>
        %add3A_398 = arith.addf %broadcast_in_dim3A_361, %mul3A_397 : vector<16xf32>
        %xor3A_399 = arith.constant 2 : i32
        %xor3A_400 = vector.broadcast %xor3A_399 : i32 to vector<16xi32>
        %xor3A_401 = arith.xori %iota3A, %xor3A_400 : vector<16xi32>
        %or3A_402 = vector.broadcast %mul3A_346 : i32 to vector<16xi32>
        %or3A_403 = arith.ori %xor3A_401, %or3A_402 : vector<16xi32>
        %gather3A_404 = tpu.vector_load_idx %arg13[%add3A_353, %or3A_403] : memref<160x128xf32, #tpu.memory_space<vmem>>[vector<16xi32>, vector<16xi32>], vector<16xf32>,
        %gather3A_405 = tpu.vector_load_idx %arg14[%add3A_353, %or3A_403] : memref<160x128xf32, #tpu.memory_space<vmem>>[vector<16xi32>, vector<16xi32>], vector<16xf32>,
        %add3A_406 = arith.addf %gather3A_404, %gather3A_405 : vector<16xf32>
        %mul3A_407 = arith.constant 2.000000e-01 : f32
        %mul3A_408 = vector.broadcast %mul3A_407 : f32 to vector<16xf32>
        %mul3A_409 = arith.mulf %mul3A_408, %add3A_406 : vector<16xf32>
        %max3A_410 = arith.maximumf %add3A_406, %mul3A_409 : vector<16xf32>
        %add3A_411 = arith.constant 2 : i32
        %add3A_412 = arith.addi %mul3A_346, %add3A_411 : i32
        %get3A_413 = arith.index_cast %add3A_412 : i32 to index
        %get3A_414 = arith.constant 0 : index
        %get3A_415 = tpu.vector_load %arg16[%get3A_413, %get3A_414] {strides = array<i32>} : memref<128x16xf32, #tpu.memory_space<vmem>>, vector<16xf32>,
        %mul3A_416 = arith.mulf %get3A_415, %max3A_410 : vector<16xf32>
        %add3A_417 = arith.addf %broadcast_in_dim3A_363, %mul3A_416 : vector<16xf32>
        %xor3A_418 = arith.constant 3 : i32
        %xor3A_419 = vector.broadcast %xor3A_418 : i32 to vector<16xi32>
        %xor3A_420 = arith.xori %iota3A, %xor3A_419 : vector<16xi32>
        %or3A_421 = vector.broadcast %mul3A_346 : i32 to vector<16xi32>
        %or3A_422 = arith.ori %xor3A_420, %or3A_421 : vector<16xi32>
        %gather3A_423 = tpu.vector_load_idx %arg13[%add3A_353, %or3A_422] : memref<160x128xf32, #tpu.memory_space<vmem>>[vector<16xi32>, vector<16xi32>], vector<16xf32>,
        %gather3A_424 = tpu.vector_load_idx %arg14[%add3A_353, %or3A_422] : memref<160x128xf32, #tpu.memory_space<vmem>>[vector<16xi32>, vector<16xi32>], vector<16xf32>,
        %add3A_425 = arith.addf %gather3A_423, %gather3A_424 : vector<16xf32>
        %mul3A_426 = arith.constant 2.000000e-01 : f32
        %mul3A_427 = vector.broadcast %mul3A_426 : f32 to vector<16xf32>
        %mul3A_428 = arith.mulf %mul3A_427, %add3A_425 : vector<16xf32>
        %max3A_429 = arith.maximumf %add3A_425, %mul3A_428 : vector<16xf32>
        %add3A_430 = arith.constant 3 : i32
        %add3A_431 = arith.addi %mul3A_346, %add3A_430 : i32
        %get3A_432 = arith.index_cast %add3A_431 : i32 to index
        %get3A_433 = arith.constant 0 : index
        %get3A_434 = tpu.vector_load %arg16[%get3A_432, %get3A_433] {strides = array<i32>} : memref<128x16xf32, #tpu.memory_space<vmem>>, vector<16xf32>,
        %mul3A_435 = arith.mulf %get3A_434, %max3A_429 : vector<16xf32>
        %add3A_436 = arith.addf %broadcast_in_dim3A_365, %mul3A_435 : vector<16xf32>
        %xor3A_437 = arith.constant 4 : i32
        %xor3A_438 = vector.broadcast %xor3A_437 : i32 to vector<16xi32>
        %xor3A_439 = arith.xori %iota3A, %xor3A_438 : vector<16xi32>
        %or3A_440 = vector.broadcast %mul3A_346 : i32 to vector<16xi32>
        %or3A_441 = arith.ori %xor3A_439, %or3A_440 : vector<16xi32>
        %gather3A_442 = tpu.vector_load_idx %arg13[%add3A_353, %or3A_441] : memref<160x128xf32, #tpu.memory_space<vmem>>[vector<16xi32>, vector<16xi32>], vector<16xf32>,
        %gather3A_443 = tpu.vector_load_idx %arg14[%add3A_353, %or3A_441] : memref<160x128xf32, #tpu.memory_space<vmem>>[vector<16xi32>, vector<16xi32>], vector<16xf32>,
        %add3A_444 = arith.addf %gather3A_442, %gather3A_443 : vector<16xf32>
        %mul3A_445 = arith.constant 2.000000e-01 : f32
        %mul3A_446 = vector.broadcast %mul3A_445 : f32 to vector<16xf32>
        %mul3A_447 = arith.mulf %mul3A_446, %add3A_444 : vector<16xf32>
        %max3A_448 = arith.maximumf %add3A_444, %mul3A_447 : vector<16xf32>
        %add3A_449 = arith.constant 4 : i32
        %add3A_450 = arith.addi %mul3A_346, %add3A_449 : i32
        %get3A_451 = arith.index_cast %add3A_450 : i32 to index
        %get3A_452 = arith.constant 0 : index
        %get3A_453 = tpu.vector_load %arg16[%get3A_451, %get3A_452] {strides = array<i32>} : memref<128x16xf32, #tpu.memory_space<vmem>>, vector<16xf32>,
        %mul3A_454 = arith.mulf %get3A_453, %max3A_448 : vector<16xf32>
        %add3A_455 = arith.addf %add3A_379, %mul3A_454 : vector<16xf32>
        %xor3A_456 = arith.constant 5 : i32
        %xor3A_457 = vector.broadcast %xor3A_456 : i32 to vector<16xi32>
        %xor3A_458 = arith.xori %iota3A, %xor3A_457 : vector<16xi32>
        %or3A_459 = vector.broadcast %mul3A_346 : i32 to vector<16xi32>
        %or3A_460 = arith.ori %xor3A_458, %or3A_459 : vector<16xi32>
        %gather3A_461 = tpu.vector_load_idx %arg13[%add3A_353, %or3A_460] : memref<160x128xf32, #tpu.memory_space<vmem>>[vector<16xi32>, vector<16xi32>], vector<16xf32>,
        %gather3A_462 = tpu.vector_load_idx %arg14[%add3A_353, %or3A_460] : memref<160x128xf32, #tpu.memory_space<vmem>>[vector<16xi32>, vector<16xi32>], vector<16xf32>,
        %add3A_463 = arith.addf %gather3A_461, %gather3A_462 : vector<16xf32>
        %mul3A_464 = arith.constant 2.000000e-01 : f32
        %mul3A_465 = vector.broadcast %mul3A_464 : f32 to vector<16xf32>
        %mul3A_466 = arith.mulf %mul3A_465, %add3A_463 : vector<16xf32>
        %max3A_467 = arith.maximumf %add3A_463, %mul3A_466 : vector<16xf32>
        %add3A_468 = arith.constant 5 : i32
        %add3A_469 = arith.addi %mul3A_346, %add3A_468 : i32
        %get3A_470 = arith.index_cast %add3A_469 : i32 to index
        %get3A_471 = arith.constant 0 : index
        %get3A_472 = tpu.vector_load %arg16[%get3A_470, %get3A_471] {strides = array<i32>} : memref<128x16xf32, #tpu.memory_space<vmem>>, vector<16xf32>,
        %mul3A_473 = arith.mulf %get3A_472, %max3A_467 : vector<16xf32>
        %add3A_474 = arith.addf %add3A_398, %mul3A_473 : vector<16xf32>
        %xor3A_475 = arith.constant 6 : i32
        %xor3A_476 = vector.broadcast %xor3A_475 : i32 to vector<16xi32>
        %xor3A_477 = arith.xori %iota3A, %xor3A_476 : vector<16xi32>
        %or3A_478 = vector.broadcast %mul3A_346 : i32 to vector<16xi32>
        %or3A_479 = arith.ori %xor3A_477, %or3A_478 : vector<16xi32>
        %gather3A_480 = tpu.vector_load_idx %arg13[%add3A_353, %or3A_479] : memref<160x128xf32, #tpu.memory_space<vmem>>[vector<16xi32>, vector<16xi32>], vector<16xf32>,
        %gather3A_481 = tpu.vector_load_idx %arg14[%add3A_353, %or3A_479] : memref<160x128xf32, #tpu.memory_space<vmem>>[vector<16xi32>, vector<16xi32>], vector<16xf32>,
        %add3A_482 = arith.addf %gather3A_480, %gather3A_481 : vector<16xf32>
        %mul3A_483 = arith.constant 2.000000e-01 : f32
        %mul3A_484 = vector.broadcast %mul3A_483 : f32 to vector<16xf32>
        %mul3A_485 = arith.mulf %mul3A_484, %add3A_482 : vector<16xf32>
        %max3A_486 = arith.maximumf %add3A_482, %mul3A_485 : vector<16xf32>
        %add3A_487 = arith.constant 6 : i32
        %add3A_488 = arith.addi %mul3A_346, %add3A_487 : i32
        %get3A_489 = arith.index_cast %add3A_488 : i32 to index
        %get3A_490 = arith.constant 0 : index
        %get3A_491 = tpu.vector_load %arg16[%get3A_489, %get3A_490] {strides = array<i32>} : memref<128x16xf32, #tpu.memory_space<vmem>>, vector<16xf32>,
        %mul3A_492 = arith.mulf %get3A_491, %max3A_486 : vector<16xf32>
        %add3A_493 = arith.addf %add3A_417, %mul3A_492 : vector<16xf32>
        %xor3A_494 = arith.constant 7 : i32
        %xor3A_495 = vector.broadcast %xor3A_494 : i32 to vector<16xi32>
        %xor3A_496 = arith.xori %iota3A, %xor3A_495 : vector<16xi32>
        %or3A_497 = vector.broadcast %mul3A_346 : i32 to vector<16xi32>
        %or3A_498 = arith.ori %xor3A_496, %or3A_497 : vector<16xi32>
        %gather3A_499 = tpu.vector_load_idx %arg13[%add3A_353, %or3A_498] : memref<160x128xf32, #tpu.memory_space<vmem>>[vector<16xi32>, vector<16xi32>], vector<16xf32>,
        %gather3A_500 = tpu.vector_load_idx %arg14[%add3A_353, %or3A_498] : memref<160x128xf32, #tpu.memory_space<vmem>>[vector<16xi32>, vector<16xi32>], vector<16xf32>,
        %add3A_501 = arith.addf %gather3A_499, %gather3A_500 : vector<16xf32>
        %mul3A_502 = arith.constant 2.000000e-01 : f32
        %mul3A_503 = vector.broadcast %mul3A_502 : f32 to vector<16xf32>
        %mul3A_504 = arith.mulf %mul3A_503, %add3A_501 : vector<16xf32>
        %max3A_505 = arith.maximumf %add3A_501, %mul3A_504 : vector<16xf32>
        %add3A_506 = arith.constant 7 : i32
        %add3A_507 = arith.addi %mul3A_346, %add3A_506 : i32
        %get3A_508 = arith.index_cast %add3A_507 : i32 to index
        %get3A_509 = arith.constant 0 : index
        %get3A_510 = tpu.vector_load %arg16[%get3A_508, %get3A_509] {strides = array<i32>} : memref<128x16xf32, #tpu.memory_space<vmem>>, vector<16xf32>,
        %mul3A_511 = arith.mulf %get3A_510, %max3A_505 : vector<16xf32>
        %add3A_512 = arith.addf %add3A_436, %mul3A_511 : vector<16xf32>
        %xor3A_513 = arith.constant 8 : i32
        %xor3A_514 = vector.broadcast %xor3A_513 : i32 to vector<16xi32>
        %xor3A_515 = arith.xori %iota3A, %xor3A_514 : vector<16xi32>
        %or3A_516 = vector.broadcast %mul3A_346 : i32 to vector<16xi32>
        %or3A_517 = arith.ori %xor3A_515, %or3A_516 : vector<16xi32>
        %gather3A_518 = tpu.vector_load_idx %arg13[%add3A_353, %or3A_517] : memref<160x128xf32, #tpu.memory_space<vmem>>[vector<16xi32>, vector<16xi32>], vector<16xf32>,
        %gather3A_519 = tpu.vector_load_idx %arg14[%add3A_353, %or3A_517] : memref<160x128xf32, #tpu.memory_space<vmem>>[vector<16xi32>, vector<16xi32>], vector<16xf32>,
        %add3A_520 = arith.addf %gather3A_518, %gather3A_519 : vector<16xf32>
        %mul3A_521 = arith.constant 2.000000e-01 : f32
        %mul3A_522 = vector.broadcast %mul3A_521 : f32 to vector<16xf32>
        %mul3A_523 = arith.mulf %mul3A_522, %add3A_520 : vector<16xf32>
        %max3A_524 = arith.maximumf %add3A_520, %mul3A_523 : vector<16xf32>
        %add3A_525 = arith.constant 8 : i32
        %add3A_526 = arith.addi %mul3A_346, %add3A_525 : i32
        %get3A_527 = arith.index_cast %add3A_526 : i32 to index
        %get3A_528 = arith.constant 0 : index
        %get3A_529 = tpu.vector_load %arg16[%get3A_527, %get3A_528] {strides = array<i32>} : memref<128x16xf32, #tpu.memory_space<vmem>>, vector<16xf32>,
        %mul3A_530 = arith.mulf %get3A_529, %max3A_524 : vector<16xf32>
        %add3A_531 = arith.addf %add3A_455, %mul3A_530 : vector<16xf32>
        %xor3A_532 = arith.constant 9 : i32
        %xor3A_533 = vector.broadcast %xor3A_532 : i32 to vector<16xi32>
        %xor3A_534 = arith.xori %iota3A, %xor3A_533 : vector<16xi32>
        %or3A_535 = vector.broadcast %mul3A_346 : i32 to vector<16xi32>
        %or3A_536 = arith.ori %xor3A_534, %or3A_535 : vector<16xi32>
        %gather3A_537 = tpu.vector_load_idx %arg13[%add3A_353, %or3A_536] : memref<160x128xf32, #tpu.memory_space<vmem>>[vector<16xi32>, vector<16xi32>], vector<16xf32>,
        %gather3A_538 = tpu.vector_load_idx %arg14[%add3A_353, %or3A_536] : memref<160x128xf32, #tpu.memory_space<vmem>>[vector<16xi32>, vector<16xi32>], vector<16xf32>,
        %add3A_539 = arith.addf %gather3A_537, %gather3A_538 : vector<16xf32>
        %mul3A_540 = arith.constant 2.000000e-01 : f32
        %mul3A_541 = vector.broadcast %mul3A_540 : f32 to vector<16xf32>
        %mul3A_542 = arith.mulf %mul3A_541, %add3A_539 : vector<16xf32>
        %max3A_543 = arith.maximumf %add3A_539, %mul3A_542 : vector<16xf32>
        %add3A_544 = arith.constant 9 : i32
        %add3A_545 = arith.addi %mul3A_346, %add3A_544 : i32
        %get3A_546 = arith.index_cast %add3A_545 : i32 to index
        %get3A_547 = arith.constant 0 : index
        %get3A_548 = tpu.vector_load %arg16[%get3A_546, %get3A_547] {strides = array<i32>} : memref<128x16xf32, #tpu.memory_space<vmem>>, vector<16xf32>,
        %mul3A_549 = arith.mulf %get3A_548, %max3A_543 : vector<16xf32>
        %add3A_550 = arith.addf %add3A_474, %mul3A_549 : vector<16xf32>
        %xor3A_551 = arith.constant 10 : i32
        %xor3A_552 = vector.broadcast %xor3A_551 : i32 to vector<16xi32>
        %xor3A_553 = arith.xori %iota3A, %xor3A_552 : vector<16xi32>
        %or3A_554 = vector.broadcast %mul3A_346 : i32 to vector<16xi32>
        %or3A_555 = arith.ori %xor3A_553, %or3A_554 : vector<16xi32>
        %gather3A_556 = tpu.vector_load_idx %arg13[%add3A_353, %or3A_555] : memref<160x128xf32, #tpu.memory_space<vmem>>[vector<16xi32>, vector<16xi32>], vector<16xf32>,
        %gather3A_557 = tpu.vector_load_idx %arg14[%add3A_353, %or3A_555] : memref<160x128xf32, #tpu.memory_space<vmem>>[vector<16xi32>, vector<16xi32>], vector<16xf32>,
        %add3A_558 = arith.addf %gather3A_556, %gather3A_557 : vector<16xf32>
        %mul3A_559 = arith.constant 2.000000e-01 : f32
        %mul3A_560 = vector.broadcast %mul3A_559 : f32 to vector<16xf32>
        %mul3A_561 = arith.mulf %mul3A_560, %add3A_558 : vector<16xf32>
        %max3A_562 = arith.maximumf %add3A_558, %mul3A_561 : vector<16xf32>
        %add3A_563 = arith.constant 10 : i32
        %add3A_564 = arith.addi %mul3A_346, %add3A_563 : i32
        %get3A_565 = arith.index_cast %add3A_564 : i32 to index
        %get3A_566 = arith.constant 0 : index
        %get3A_567 = tpu.vector_load %arg16[%get3A_565, %get3A_566] {strides = array<i32>} : memref<128x16xf32, #tpu.memory_space<vmem>>, vector<16xf32>,
        %mul3A_568 = arith.mulf %get3A_567, %max3A_562 : vector<16xf32>
        %add3A_569 = arith.addf %add3A_493, %mul3A_568 : vector<16xf32>
        %xor3A_570 = arith.constant 11 : i32
        %xor3A_571 = vector.broadcast %xor3A_570 : i32 to vector<16xi32>
        %xor3A_572 = arith.xori %iota3A, %xor3A_571 : vector<16xi32>
        %or3A_573 = vector.broadcast %mul3A_346 : i32 to vector<16xi32>
        %or3A_574 = arith.ori %xor3A_572, %or3A_573 : vector<16xi32>
        %gather3A_575 = tpu.vector_load_idx %arg13[%add3A_353, %or3A_574] : memref<160x128xf32, #tpu.memory_space<vmem>>[vector<16xi32>, vector<16xi32>], vector<16xf32>,
        %gather3A_576 = tpu.vector_load_idx %arg14[%add3A_353, %or3A_574] : memref<160x128xf32, #tpu.memory_space<vmem>>[vector<16xi32>, vector<16xi32>], vector<16xf32>,
        %add3A_577 = arith.addf %gather3A_575, %gather3A_576 : vector<16xf32>
        %mul3A_578 = arith.constant 2.000000e-01 : f32
        %mul3A_579 = vector.broadcast %mul3A_578 : f32 to vector<16xf32>
        %mul3A_580 = arith.mulf %mul3A_579, %add3A_577 : vector<16xf32>
        %max3A_581 = arith.maximumf %add3A_577, %mul3A_580 : vector<16xf32>
        %add3A_582 = arith.constant 11 : i32
        %add3A_583 = arith.addi %mul3A_346, %add3A_582 : i32
        %get3A_584 = arith.index_cast %add3A_583 : i32 to index
        %get3A_585 = arith.constant 0 : index
        %get3A_586 = tpu.vector_load %arg16[%get3A_584, %get3A_585] {strides = array<i32>} : memref<128x16xf32, #tpu.memory_space<vmem>>, vector<16xf32>,
        %mul3A_587 = arith.mulf %get3A_586, %max3A_581 : vector<16xf32>
        %add3A_588 = arith.addf %add3A_512, %mul3A_587 : vector<16xf32>
        %xor3A_589 = arith.constant 12 : i32
        %xor3A_590 = vector.broadcast %xor3A_589 : i32 to vector<16xi32>
        %xor3A_591 = arith.xori %iota3A, %xor3A_590 : vector<16xi32>
        %or3A_592 = vector.broadcast %mul3A_346 : i32 to vector<16xi32>
        %or3A_593 = arith.ori %xor3A_591, %or3A_592 : vector<16xi32>
        %gather3A_594 = tpu.vector_load_idx %arg13[%add3A_353, %or3A_593] : memref<160x128xf32, #tpu.memory_space<vmem>>[vector<16xi32>, vector<16xi32>], vector<16xf32>,
        %gather3A_595 = tpu.vector_load_idx %arg14[%add3A_353, %or3A_593] : memref<160x128xf32, #tpu.memory_space<vmem>>[vector<16xi32>, vector<16xi32>], vector<16xf32>,
        %add3A_596 = arith.addf %gather3A_594, %gather3A_595 : vector<16xf32>
        %mul3A_597 = arith.constant 2.000000e-01 : f32
        %mul3A_598 = vector.broadcast %mul3A_597 : f32 to vector<16xf32>
        %mul3A_599 = arith.mulf %mul3A_598, %add3A_596 : vector<16xf32>
        %max3A_600 = arith.maximumf %add3A_596, %mul3A_599 : vector<16xf32>
        %add3A_601 = arith.constant 12 : i32
        %add3A_602 = arith.addi %mul3A_346, %add3A_601 : i32
        %get3A_603 = arith.index_cast %add3A_602 : i32 to index
        %get3A_604 = arith.constant 0 : index
        %get3A_605 = tpu.vector_load %arg16[%get3A_603, %get3A_604] {strides = array<i32>} : memref<128x16xf32, #tpu.memory_space<vmem>>, vector<16xf32>,
        %mul3A_606 = arith.mulf %get3A_605, %max3A_600 : vector<16xf32>
        %add3A_607 = arith.addf %add3A_531, %mul3A_606 : vector<16xf32>
        %xor3A_608 = arith.constant 13 : i32
        %xor3A_609 = vector.broadcast %xor3A_608 : i32 to vector<16xi32>
        %xor3A_610 = arith.xori %iota3A, %xor3A_609 : vector<16xi32>
        %or3A_611 = vector.broadcast %mul3A_346 : i32 to vector<16xi32>
        %or3A_612 = arith.ori %xor3A_610, %or3A_611 : vector<16xi32>
        %gather3A_613 = tpu.vector_load_idx %arg13[%add3A_353, %or3A_612] : memref<160x128xf32, #tpu.memory_space<vmem>>[vector<16xi32>, vector<16xi32>], vector<16xf32>,
        %gather3A_614 = tpu.vector_load_idx %arg14[%add3A_353, %or3A_612] : memref<160x128xf32, #tpu.memory_space<vmem>>[vector<16xi32>, vector<16xi32>], vector<16xf32>,
        %add3A_615 = arith.addf %gather3A_613, %gather3A_614 : vector<16xf32>
        %mul3A_616 = arith.constant 2.000000e-01 : f32
        %mul3A_617 = vector.broadcast %mul3A_616 : f32 to vector<16xf32>
        %mul3A_618 = arith.mulf %mul3A_617, %add3A_615 : vector<16xf32>
        %max3A_619 = arith.maximumf %add3A_615, %mul3A_618 : vector<16xf32>
        %add3A_620 = arith.constant 13 : i32
        %add3A_621 = arith.addi %mul3A_346, %add3A_620 : i32
        %get3A_622 = arith.index_cast %add3A_621 : i32 to index
        %get3A_623 = arith.constant 0 : index
        %get3A_624 = tpu.vector_load %arg16[%get3A_622, %get3A_623] {strides = array<i32>} : memref<128x16xf32, #tpu.memory_space<vmem>>, vector<16xf32>,
        %mul3A_625 = arith.mulf %get3A_624, %max3A_619 : vector<16xf32>
        %add3A_626 = arith.addf %add3A_550, %mul3A_625 : vector<16xf32>
        %xor3A_627 = arith.constant 14 : i32
        %xor3A_628 = vector.broadcast %xor3A_627 : i32 to vector<16xi32>
        %xor3A_629 = arith.xori %iota3A, %xor3A_628 : vector<16xi32>
        %or3A_630 = vector.broadcast %mul3A_346 : i32 to vector<16xi32>
        %or3A_631 = arith.ori %xor3A_629, %or3A_630 : vector<16xi32>
        %gather3A_632 = tpu.vector_load_idx %arg13[%add3A_353, %or3A_631] : memref<160x128xf32, #tpu.memory_space<vmem>>[vector<16xi32>, vector<16xi32>], vector<16xf32>,
        %gather3A_633 = tpu.vector_load_idx %arg14[%add3A_353, %or3A_631] : memref<160x128xf32, #tpu.memory_space<vmem>>[vector<16xi32>, vector<16xi32>], vector<16xf32>,
        %add3A_634 = arith.addf %gather3A_632, %gather3A_633 : vector<16xf32>
        %mul3A_635 = arith.constant 2.000000e-01 : f32
        %mul3A_636 = vector.broadcast %mul3A_635 : f32 to vector<16xf32>
        %mul3A_637 = arith.mulf %mul3A_636, %add3A_634 : vector<16xf32>
        %max3A_638 = arith.maximumf %add3A_634, %mul3A_637 : vector<16xf32>
        %add3A_639 = arith.constant 14 : i32
        %add3A_640 = arith.addi %mul3A_346, %add3A_639 : i32
        %get3A_641 = arith.index_cast %add3A_640 : i32 to index
        %get3A_642 = arith.constant 0 : index
        %get3A_643 = tpu.vector_load %arg16[%get3A_641, %get3A_642] {strides = array<i32>} : memref<128x16xf32, #tpu.memory_space<vmem>>, vector<16xf32>,
        %mul3A_644 = arith.mulf %get3A_643, %max3A_638 : vector<16xf32>
        %add3A_645 = arith.addf %add3A_569, %mul3A_644 : vector<16xf32>
        %xor3A_646 = arith.constant 15 : i32
        %xor3A_647 = vector.broadcast %xor3A_646 : i32 to vector<16xi32>
        %xor3A_648 = arith.xori %iota3A, %xor3A_647 : vector<16xi32>
        %or3A_649 = vector.broadcast %mul3A_346 : i32 to vector<16xi32>
        %or3A_650 = arith.ori %xor3A_648, %or3A_649 : vector<16xi32>
        %gather3A_651 = tpu.vector_load_idx %arg13[%add3A_353, %or3A_650] : memref<160x128xf32, #tpu.memory_space<vmem>>[vector<16xi32>, vector<16xi32>], vector<16xf32>,
        %gather3A_652 = tpu.vector_load_idx %arg14[%add3A_353, %or3A_650] : memref<160x128xf32, #tpu.memory_space<vmem>>[vector<16xi32>, vector<16xi32>], vector<16xf32>,
        %add3A_653 = arith.addf %gather3A_651, %gather3A_652 : vector<16xf32>
        %mul3A_654 = arith.constant 2.000000e-01 : f32
        %mul3A_655 = vector.broadcast %mul3A_654 : f32 to vector<16xf32>
        %mul3A_656 = arith.mulf %mul3A_655, %add3A_653 : vector<16xf32>
        %max3A_657 = arith.maximumf %add3A_653, %mul3A_656 : vector<16xf32>
        %add3A_658 = arith.constant 15 : i32
        %add3A_659 = arith.addi %mul3A_346, %add3A_658 : i32
        %get3A_660 = arith.index_cast %add3A_659 : i32 to index
        %get3A_661 = arith.constant 0 : index
        %get3A_662 = tpu.vector_load %arg16[%get3A_660, %get3A_661] {strides = array<i32>} : memref<128x16xf32, #tpu.memory_space<vmem>>, vector<16xf32>,
        %mul3A_663 = arith.mulf %get3A_662, %max3A_657 : vector<16xf32>
        %add3A_664 = arith.addf %add3A_588, %mul3A_663 : vector<16xf32>
        %add3A_665 = arith.addf %add3A_607, %add3A_626 : vector<16xf32>
        %add3A_666 = arith.addf %add3A_645, %add3A_664 : vector<16xf32>
        %add3A_667 = arith.addf %add3A_665, %add3A_666 : vector<16xf32>
        %exp3A = math.exp %add3A_667 : vector<16xf32>
        %jit3A_668 = arith.constant 0.000000e+00 : f32
        %broadcast_in_dim3A_669 = vector.broadcast %jit3A_668 : f32 to vector<16xf32>
        %select_n3A_670 = arith.select %lt3A_358, %exp3A, %broadcast_in_dim3A_669 : vector<16xi1>, vector<16xf32>
        %broadcast_in_dim3A_671 = arith.constant 1 : i32
        %broadcast_in_dim3A_672 = vector.broadcast %broadcast_in_dim3A_671 : i32 to vector<16xi32>
        %mul3A_673 = vector.broadcast %select_n3A_341 : i32 to vector<16xi32>
        %mul3A_674 = arith.muli %broadcast_in_dim3A_672, %mul3A_673 : vector<16xi32>
        tpu.vector_store_idx %arg15[%add3A_353, %mul3A_674], %select_n3A_670 : memref<160x8xf32, #tpu.memory_space<vmem>>[vector<16xi32>, vector<16xi32>], vector<16xf32>,
        %xor3A_675 = arith.constant 0 : i32
        %xor3A_676 = vector.broadcast %xor3A_675 : i32 to vector<16xi32>
        %xor3A_677 = arith.xori %iota3A, %xor3A_676 : vector<16xi32>
        %or3A_678 = vector.broadcast %mul3A_346 : i32 to vector<16xi32>
        %or3A_679 = arith.ori %xor3A_677, %or3A_678 : vector<16xi32>
        %mul3A_680 = arith.mulf %select_n3A_670, %gather3A : vector<16xf32>
        tpu.vector_store_idx %arg14[%add3A_353, %or3A_679], %mul3A_680 : memref<160x128xf32, #tpu.memory_space<vmem>>[vector<16xi32>, vector<16xi32>], vector<16xf32>,
        %xor3A_681 = arith.constant 1 : i32
        %xor3A_682 = vector.broadcast %xor3A_681 : i32 to vector<16xi32>
        %xor3A_683 = arith.xori %iota3A, %xor3A_682 : vector<16xi32>
        %or3A_684 = vector.broadcast %mul3A_346 : i32 to vector<16xi32>
        %or3A_685 = arith.ori %xor3A_683, %or3A_684 : vector<16xi32>
        %mul3A_686 = arith.mulf %select_n3A_670, %gather3A_385 : vector<16xf32>
        tpu.vector_store_idx %arg14[%add3A_353, %or3A_685], %mul3A_686 : memref<160x128xf32, #tpu.memory_space<vmem>>[vector<16xi32>, vector<16xi32>], vector<16xf32>,
        %xor3A_687 = arith.constant 2 : i32
        %xor3A_688 = vector.broadcast %xor3A_687 : i32 to vector<16xi32>
        %xor3A_689 = arith.xori %iota3A, %xor3A_688 : vector<16xi32>
        %or3A_690 = vector.broadcast %mul3A_346 : i32 to vector<16xi32>
        %or3A_691 = arith.ori %xor3A_689, %or3A_690 : vector<16xi32>
        %mul3A_692 = arith.mulf %select_n3A_670, %gather3A_404 : vector<16xf32>
        tpu.vector_store_idx %arg14[%add3A_353, %or3A_691], %mul3A_692 : memref<160x128xf32, #tpu.memory_space<vmem>>[vector<16xi32>, vector<16xi32>], vector<16xf32>,
        %xor3A_693 = arith.constant 3 : i32
        %xor3A_694 = vector.broadcast %xor3A_693 : i32 to vector<16xi32>
        %xor3A_695 = arith.xori %iota3A, %xor3A_694 : vector<16xi32>
        %or3A_696 = vector.broadcast %mul3A_346 : i32 to vector<16xi32>
        %or3A_697 = arith.ori %xor3A_695, %or3A_696 : vector<16xi32>
        %mul3A_698 = arith.mulf %select_n3A_670, %gather3A_423 : vector<16xf32>
        tpu.vector_store_idx %arg14[%add3A_353, %or3A_697], %mul3A_698 : memref<160x128xf32, #tpu.memory_space<vmem>>[vector<16xi32>, vector<16xi32>], vector<16xf32>,
        %xor3A_699 = arith.constant 4 : i32
        %xor3A_700 = vector.broadcast %xor3A_699 : i32 to vector<16xi32>
        %xor3A_701 = arith.xori %iota3A, %xor3A_700 : vector<16xi32>
        %or3A_702 = vector.broadcast %mul3A_346 : i32 to vector<16xi32>
        %or3A_703 = arith.ori %xor3A_701, %or3A_702 : vector<16xi32>
        %mul3A_704 = arith.mulf %select_n3A_670, %gather3A_442 : vector<16xf32>
        tpu.vector_store_idx %arg14[%add3A_353, %or3A_703], %mul3A_704 : memref<160x128xf32, #tpu.memory_space<vmem>>[vector<16xi32>, vector<16xi32>], vector<16xf32>,
        %xor3A_705 = arith.constant 5 : i32
        %xor3A_706 = vector.broadcast %xor3A_705 : i32 to vector<16xi32>
        %xor3A_707 = arith.xori %iota3A, %xor3A_706 : vector<16xi32>
        %or3A_708 = vector.broadcast %mul3A_346 : i32 to vector<16xi32>
        %or3A_709 = arith.ori %xor3A_707, %or3A_708 : vector<16xi32>
        %mul3A_710 = arith.mulf %select_n3A_670, %gather3A_461 : vector<16xf32>
        tpu.vector_store_idx %arg14[%add3A_353, %or3A_709], %mul3A_710 : memref<160x128xf32, #tpu.memory_space<vmem>>[vector<16xi32>, vector<16xi32>], vector<16xf32>,
        %xor3A_711 = arith.constant 6 : i32
        %xor3A_712 = vector.broadcast %xor3A_711 : i32 to vector<16xi32>
        %xor3A_713 = arith.xori %iota3A, %xor3A_712 : vector<16xi32>
        %or3A_714 = vector.broadcast %mul3A_346 : i32 to vector<16xi32>
        %or3A_715 = arith.ori %xor3A_713, %or3A_714 : vector<16xi32>
        %mul3A_716 = arith.mulf %select_n3A_670, %gather3A_480 : vector<16xf32>
        tpu.vector_store_idx %arg14[%add3A_353, %or3A_715], %mul3A_716 : memref<160x128xf32, #tpu.memory_space<vmem>>[vector<16xi32>, vector<16xi32>], vector<16xf32>,
        %xor3A_717 = arith.constant 7 : i32
        %xor3A_718 = vector.broadcast %xor3A_717 : i32 to vector<16xi32>
        %xor3A_719 = arith.xori %iota3A, %xor3A_718 : vector<16xi32>
        %or3A_720 = vector.broadcast %mul3A_346 : i32 to vector<16xi32>
        %or3A_721 = arith.ori %xor3A_719, %or3A_720 : vector<16xi32>
        %mul3A_722 = arith.mulf %select_n3A_670, %gather3A_499 : vector<16xf32>
        tpu.vector_store_idx %arg14[%add3A_353, %or3A_721], %mul3A_722 : memref<160x128xf32, #tpu.memory_space<vmem>>[vector<16xi32>, vector<16xi32>], vector<16xf32>,
        %xor3A_723 = arith.constant 8 : i32
        %xor3A_724 = vector.broadcast %xor3A_723 : i32 to vector<16xi32>
        %xor3A_725 = arith.xori %iota3A, %xor3A_724 : vector<16xi32>
        %or3A_726 = vector.broadcast %mul3A_346 : i32 to vector<16xi32>
        %or3A_727 = arith.ori %xor3A_725, %or3A_726 : vector<16xi32>
        %mul3A_728 = arith.mulf %select_n3A_670, %gather3A_518 : vector<16xf32>
        tpu.vector_store_idx %arg14[%add3A_353, %or3A_727], %mul3A_728 : memref<160x128xf32, #tpu.memory_space<vmem>>[vector<16xi32>, vector<16xi32>], vector<16xf32>,
        %xor3A_729 = arith.constant 9 : i32
        %xor3A_730 = vector.broadcast %xor3A_729 : i32 to vector<16xi32>
        %xor3A_731 = arith.xori %iota3A, %xor3A_730 : vector<16xi32>
        %or3A_732 = vector.broadcast %mul3A_346 : i32 to vector<16xi32>
        %or3A_733 = arith.ori %xor3A_731, %or3A_732 : vector<16xi32>
        %mul3A_734 = arith.mulf %select_n3A_670, %gather3A_537 : vector<16xf32>
        tpu.vector_store_idx %arg14[%add3A_353, %or3A_733], %mul3A_734 : memref<160x128xf32, #tpu.memory_space<vmem>>[vector<16xi32>, vector<16xi32>], vector<16xf32>,
        %xor3A_735 = arith.constant 10 : i32
        %xor3A_736 = vector.broadcast %xor3A_735 : i32 to vector<16xi32>
        %xor3A_737 = arith.xori %iota3A, %xor3A_736 : vector<16xi32>
        %or3A_738 = vector.broadcast %mul3A_346 : i32 to vector<16xi32>
        %or3A_739 = arith.ori %xor3A_737, %or3A_738 : vector<16xi32>
        %mul3A_740 = arith.mulf %select_n3A_670, %gather3A_556 : vector<16xf32>
        tpu.vector_store_idx %arg14[%add3A_353, %or3A_739], %mul3A_740 : memref<160x128xf32, #tpu.memory_space<vmem>>[vector<16xi32>, vector<16xi32>], vector<16xf32>,
        %xor3A_741 = arith.constant 11 : i32
        %xor3A_742 = vector.broadcast %xor3A_741 : i32 to vector<16xi32>
        %xor3A_743 = arith.xori %iota3A, %xor3A_742 : vector<16xi32>
        %or3A_744 = vector.broadcast %mul3A_346 : i32 to vector<16xi32>
        %or3A_745 = arith.ori %xor3A_743, %or3A_744 : vector<16xi32>
        %mul3A_746 = arith.mulf %select_n3A_670, %gather3A_575 : vector<16xf32>
        tpu.vector_store_idx %arg14[%add3A_353, %or3A_745], %mul3A_746 : memref<160x128xf32, #tpu.memory_space<vmem>>[vector<16xi32>, vector<16xi32>], vector<16xf32>,
        %xor3A_747 = arith.constant 12 : i32
        %xor3A_748 = vector.broadcast %xor3A_747 : i32 to vector<16xi32>
        %xor3A_749 = arith.xori %iota3A, %xor3A_748 : vector<16xi32>
        %or3A_750 = vector.broadcast %mul3A_346 : i32 to vector<16xi32>
        %or3A_751 = arith.ori %xor3A_749, %or3A_750 : vector<16xi32>
        %mul3A_752 = arith.mulf %select_n3A_670, %gather3A_594 : vector<16xf32>
        tpu.vector_store_idx %arg14[%add3A_353, %or3A_751], %mul3A_752 : memref<160x128xf32, #tpu.memory_space<vmem>>[vector<16xi32>, vector<16xi32>], vector<16xf32>,
        %xor3A_753 = arith.constant 13 : i32
        %xor3A_754 = vector.broadcast %xor3A_753 : i32 to vector<16xi32>
        %xor3A_755 = arith.xori %iota3A, %xor3A_754 : vector<16xi32>
        %or3A_756 = vector.broadcast %mul3A_346 : i32 to vector<16xi32>
        %or3A_757 = arith.ori %xor3A_755, %or3A_756 : vector<16xi32>
        %mul3A_758 = arith.mulf %select_n3A_670, %gather3A_613 : vector<16xf32>
        tpu.vector_store_idx %arg14[%add3A_353, %or3A_757], %mul3A_758 : memref<160x128xf32, #tpu.memory_space<vmem>>[vector<16xi32>, vector<16xi32>], vector<16xf32>,
        %xor3A_759 = arith.constant 14 : i32
        %xor3A_760 = vector.broadcast %xor3A_759 : i32 to vector<16xi32>
        %xor3A_761 = arith.xori %iota3A, %xor3A_760 : vector<16xi32>
        %or3A_762 = vector.broadcast %mul3A_346 : i32 to vector<16xi32>
        %or3A_763 = arith.ori %xor3A_761, %or3A_762 : vector<16xi32>
        %mul3A_764 = arith.mulf %select_n3A_670, %gather3A_632 : vector<16xf32>
        tpu.vector_store_idx %arg14[%add3A_353, %or3A_763], %mul3A_764 : memref<160x128xf32, #tpu.memory_space<vmem>>[vector<16xi32>, vector<16xi32>], vector<16xf32>,
        %xor3A_765 = arith.constant 15 : i32
        %xor3A_766 = vector.broadcast %xor3A_765 : i32 to vector<16xi32>
        %xor3A_767 = arith.xori %iota3A, %xor3A_766 : vector<16xi32>
        %or3A_768 = vector.broadcast %mul3A_346 : i32 to vector<16xi32>
        %or3A_769 = arith.ori %xor3A_767, %or3A_768 : vector<16xi32>
        %mul3A_770 = arith.mulf %select_n3A_670, %gather3A_651 : vector<16xf32>
        tpu.vector_store_idx %arg14[%add3A_353, %or3A_769], %mul3A_770 : memref<160x128xf32, #tpu.memory_space<vmem>>[vector<16xi32>, vector<16xi32>], vector<16xf32>,
      }
      %scan3A_170 = arith.constant 40 : i32
      %dma_start3A_171 = arith.constant 1 : i32
      %dma_start3A_172 = arith.constant 0 : i32
      %dma_start3A_173 = arith.constant 0 : i32
      %dma_start3A_174 = tpu.memref_slice %arg14[%dma_start3A_172, %dma_start3A_173] : memref<160x128xf32, #tpu.memory_space<vmem>> -> memref<80x128xf32, #tpu.memory_space<vmem>>
      %dma_start3A_175 = arith.constant 0 : i32
      %dma_start3A_176 = tpu.memref_slice %arg12[%select_n3A_88, %dma_start3A_171, %dma_start3A_175] : memref<3x2x80xi32, #tpu.memory_space<vmem>> -> memref<1x1x80xi32, #tpu.memory_space<vmem>>
      %dma_start3A_177 = tpu.memref_squeeze %dma_start3A_176 : memref<1x1x80xi32, #tpu.memory_space<vmem>> -> memref<80xi32, #tpu.memory_space<vmem>>
      %dma_start3A_178 = arith.constant 0 : i32
      %dma_start3A_179 = arith.constant 0 : i32
      %dma_start3A_180 = tpu.memref_slice %arg10[%dma_start3A_178, %dma_start3A_179] : memref<10112x128xf32, #tpu.memory_space<vmem_shared>> -> memref<10112x128xf32, #tpu.memory_space<vmem_shared>>
      tpu.enqueue_indirect_dma source(%dma_start3A_174 : memref<80x128xf32, #tpu.memory_space<vmem>>) target(%dma_start3A_180 : memref<10112x128xf32, #tpu.memory_space<vmem_shared>>) offsets(%dma_start3A_177 : memref<80xi32, #tpu.memory_space<vmem>>) semaphore(%arg21 : memref<!tpu.dma_semaphore, #tpu.memory_space<semaphore_mem>>) {add = true}
      %dma_start3A_181 = arith.constant 1 : i32
      %dma_start3A_182 = arith.constant 0 : i32
      %dma_start3A_183 = arith.constant 0 : i32
      %dma_start3A_184 = tpu.memref_slice %arg15[%dma_start3A_182, %dma_start3A_183] : memref<160x8xf32, #tpu.memory_space<vmem>> -> memref<80x8xf32, #tpu.memory_space<vmem>>
      %dma_start3A_185 = arith.constant 0 : i32
      %dma_start3A_186 = tpu.memref_slice %arg12[%select_n3A_88, %dma_start3A_181, %dma_start3A_185] : memref<3x2x80xi32, #tpu.memory_space<vmem>> -> memref<1x1x80xi32, #tpu.memory_space<vmem>>
      %dma_start3A_187 = tpu.memref_squeeze %dma_start3A_186 : memref<1x1x80xi32, #tpu.memory_space<vmem>> -> memref<80xi32, #tpu.memory_space<vmem>>
      %dma_start3A_188 = arith.constant 0 : i32
      %dma_start3A_189 = arith.constant 0 : i32
      %dma_start3A_190 = tpu.memref_slice %arg11[%dma_start3A_188, %dma_start3A_189] : memref<10112x8xf32, #tpu.memory_space<vmem_shared>> -> memref<10112x8xf32, #tpu.memory_space<vmem_shared>>
      tpu.enqueue_indirect_dma source(%dma_start3A_184 : memref<80x8xf32, #tpu.memory_space<vmem>>) target(%dma_start3A_190 : memref<10112x8xf32, #tpu.memory_space<vmem_shared>>) offsets(%dma_start3A_187 : memref<80xi32, #tpu.memory_space<vmem>>) semaphore(%arg23 : memref<!tpu.dma_semaphore, #tpu.memory_space<semaphore_mem>>) {add = true}
      %mul3A_191 = arith.constant 2 : i32
      %mul3A_192 = arith.muli %add3A_75, %mul3A_191 : i32
      %add3A_193 = arith.constant 1 : i32
      %add3A_194 = arith.addi %mul3A_192, %add3A_193 : i32
      %jit3A_195 = arith.constant 3 : i32
      %eq3A_196 = arith.constant 0 : i32
      %eq3A_197 = arith.cmpi eq, %jit3A_195, %eq3A_196 : i32
      %jit3A_198 = arith.constant 1 : i32
      %select_n3A_199 = arith.select %eq3A_197, %jit3A_198, %jit3A_195 : i32
      %rem3A_200 = arith.remsi %add3A_194, %select_n3A_199 : i32
      %ne3A_201 = arith.constant 0 : i32
      %ne3A_202 = arith.cmpi ne, %rem3A_200, %ne3A_201 : i32
      %lt3A_203 = arith.constant 0 : i32
      %lt3A_204 = arith.cmpi slt, %rem3A_200, %lt3A_203 : i32
      %lt3A_205 = arith.constant 0 : i32
      %lt3A_206 = arith.cmpi slt, %select_n3A_199, %lt3A_205 : i32
      %ne3A_207 = arith.xori %lt3A_204, %lt3A_206 : i1
      %and3A_208 = arith.andi %ne3A_207, %ne3A_202 : i1
      %add3A_209 = arith.addi %rem3A_200, %select_n3A_199 : i32
      %select_n3A_210 = arith.select %and3A_208, %add3A_209, %rem3A_200 : i32
      %add3A_211 = arith.constant 1 : i32
      %add3A_212 = arith.addi %add3A_194, %add3A_211 : i32
      %jit3A_213 = arith.constant 3 : i32
      %eq3A_214 = arith.constant 0 : i32
      %eq3A_215 = arith.cmpi eq, %jit3A_213, %eq3A_214 : i32
      %jit3A_216 = arith.constant 1 : i32
      %select_n3A_217 = arith.select %eq3A_215, %jit3A_216, %jit3A_213 : i32
      %rem3A_218 = arith.remsi %add3A_212, %select_n3A_217 : i32
      %ne3A_219 = arith.constant 0 : i32
      %ne3A_220 = arith.cmpi ne, %rem3A_218, %ne3A_219 : i32
      %lt3A_221 = arith.constant 0 : i32
      %lt3A_222 = arith.cmpi slt, %rem3A_218, %lt3A_221 : i32
      %lt3A_223 = arith.constant 0 : i32
      %lt3A_224 = arith.cmpi slt, %select_n3A_217, %lt3A_223 : i32
      %ne3A_225 = arith.xori %lt3A_222, %lt3A_224 : i1
      %and3A_226 = arith.andi %ne3A_225, %ne3A_220 : i1
      %add3A_227 = arith.addi %rem3A_218, %select_n3A_217 : i32
      %select_n3A_228 = arith.select %and3A_226, %add3A_227, %rem3A_218 : i32
      %add3A_229 = arith.constant 2 : i32
      %add3A_230 = arith.addi %add3A_194, %add3A_229 : i32
      %jit3A_231 = arith.constant 3 : i32
      %eq3A_232 = arith.constant 0 : i32
      %eq3A_233 = arith.cmpi eq, %jit3A_231, %eq3A_232 : i32
      %jit3A_234 = arith.constant 1 : i32
      %select_n3A_235 = arith.select %eq3A_233, %jit3A_234, %jit3A_231 : i32
      %rem3A_236 = arith.remsi %add3A_230, %select_n3A_235 : i32
      %ne3A_237 = arith.constant 0 : i32
      %ne3A_238 = arith.cmpi ne, %rem3A_236, %ne3A_237 : i32
      %lt3A_239 = arith.constant 0 : i32
      %lt3A_240 = arith.cmpi slt, %rem3A_236, %lt3A_239 : i32
      %lt3A_241 = arith.constant 0 : i32
      %lt3A_242 = arith.cmpi slt, %select_n3A_235, %lt3A_241 : i32
      %ne3A_243 = arith.xori %lt3A_240, %lt3A_242 : i1
      %and3A_244 = arith.andi %ne3A_243, %ne3A_238 : i1
      %add3A_245 = arith.addi %rem3A_236, %select_n3A_235 : i32
      %select_n3A_246 = arith.select %and3A_244, %add3A_245, %rem3A_236 : i32
      %gt3A_247 = arith.constant 0 : i32
      %gt3A_248 = arith.cmpi sgt, %add3A_194, %gt3A_247 : i32
      %convert_element_type3A_249 = arith.extui %gt3A_248 : i1 to i32
      %cond3A_250 = arith.constant 0 : i32
      %cond3A_251 = arith.cmpi ne, %convert_element_type3A_249, %cond3A_250 : i32
      scf.if %cond3A_251 {
        %dma_wait3A_316 = arith.constant 1 : i32
        %dma_wait3A_317 = arith.constant 0 : i32
        %dma_wait3A_318 = arith.constant 0 : i32
        %dma_wait3A_319 = tpu.memref_slice %arg14[%dma_wait3A_317, %dma_wait3A_318] : memref<160x128xf32, #tpu.memory_space<vmem>> -> memref<80x128xf32, #tpu.memory_space<vmem>>
        %dma_wait3A_320 = arith.constant 0 : i32
        %dma_wait3A_321 = tpu.memref_slice %arg12[%select_n3A_246, %dma_wait3A_316, %dma_wait3A_320] : memref<3x2x80xi32, #tpu.memory_space<vmem>> -> memref<1x1x80xi32, #tpu.memory_space<vmem>>
        %dma_wait3A_322 = tpu.memref_squeeze %dma_wait3A_321 : memref<1x1x80xi32, #tpu.memory_space<vmem>> -> memref<80xi32, #tpu.memory_space<vmem>>
        %dma_wait3A_323 = arith.constant 0 : i32
        %dma_wait3A_324 = arith.constant 0 : i32
        %dma_wait3A_325 = tpu.memref_slice %arg10[%dma_wait3A_323, %dma_wait3A_324] : memref<10112x128xf32, #tpu.memory_space<vmem_shared>> -> memref<10112x128xf32, #tpu.memory_space<vmem_shared>>
        tpu.wait_indirect_dma semaphore(%arg21 : memref<!tpu.dma_semaphore, #tpu.memory_space<semaphore_mem>>) src(%dma_wait3A_319 : memref<80x128xf32, #tpu.memory_space<vmem>>) dst(%dma_wait3A_325 : memref<10112x128xf32, #tpu.memory_space<vmem_shared>>)
        %dma_wait3A_326 = arith.constant 1 : i32
        %dma_wait3A_327 = arith.constant 0 : i32
        %dma_wait3A_328 = arith.constant 0 : i32
        %dma_wait3A_329 = tpu.memref_slice %arg15[%dma_wait3A_327, %dma_wait3A_328] : memref<160x8xf32, #tpu.memory_space<vmem>> -> memref<80x8xf32, #tpu.memory_space<vmem>>
        %dma_wait3A_330 = arith.constant 0 : i32
        %dma_wait3A_331 = tpu.memref_slice %arg12[%select_n3A_246, %dma_wait3A_326, %dma_wait3A_330] : memref<3x2x80xi32, #tpu.memory_space<vmem>> -> memref<1x1x80xi32, #tpu.memory_space<vmem>>
        %dma_wait3A_332 = tpu.memref_squeeze %dma_wait3A_331 : memref<1x1x80xi32, #tpu.memory_space<vmem>> -> memref<80xi32, #tpu.memory_space<vmem>>
        %dma_wait3A_333 = arith.constant 0 : i32
        %dma_wait3A_334 = arith.constant 0 : i32
        %dma_wait3A_335 = tpu.memref_slice %arg11[%dma_wait3A_333, %dma_wait3A_334] : memref<10112x8xf32, #tpu.memory_space<vmem_shared>> -> memref<10112x8xf32, #tpu.memory_space<vmem_shared>>
        tpu.wait_indirect_dma semaphore(%arg23 : memref<!tpu.dma_semaphore, #tpu.memory_space<semaphore_mem>>) src(%dma_wait3A_329 : memref<80x8xf32, #tpu.memory_space<vmem>>) dst(%dma_wait3A_335 : memref<10112x8xf32, #tpu.memory_space<vmem_shared>>)
      } else {
      }
      %add3A_252 = arith.constant 1 : i32
      %add3A_253 = arith.addi %add3A_194, %add3A_252 : i32
      %lt3A_254 = arith.constant 126 : i32
      %lt3A_255 = arith.cmpi slt, %add3A_253, %lt3A_254 : i32
      %convert_element_type3A_256 = arith.extui %lt3A_255 : i1 to i32
      %cond3A_257 = arith.constant 0 : i32
      %cond3A_258 = arith.cmpi ne, %convert_element_type3A_256, %cond3A_257 : i32
      scf.if %cond3A_258 {
        %add3A_316 = arith.addi %mul3A_4, %add3A_194 : i32
        %add3A_317 = arith.constant 1 : i32
        %add3A_318 = arith.addi %add3A_316, %add3A_317 : i32
        %dma_wait3A_319 = arith.constant 0 : i32
        %dma_wait3A_320 = arith.constant 0 : i32
        %dma_wait3A_321 = tpu.memref_slice %arg12[%select_n3A_228, %dma_wait3A_319, %dma_wait3A_320] : memref<3x2x80xi32, #tpu.memory_space<vmem>> -> memref<1x2x80xi32, #tpu.memory_space<vmem>>
        %dma_wait3A_322 = tpu.memref_squeeze %dma_wait3A_321 : memref<1x2x80xi32, #tpu.memory_space<vmem>> -> memref<2x80xi32, #tpu.memory_space<vmem>>
        %dma_wait3A_323 = arith.constant 0 : i32
        %dma_wait3A_324 = arith.constant 0 : i32
        %dma_wait3A_325 = tpu.memref_slice %arg4[%add3A_318, %dma_wait3A_323, %dma_wait3A_324] : memref<4032x2x80xi32, #tpu.memory_space<hbm>> -> memref<1x2x80xi32, #tpu.memory_space<hbm>>
        %dma_wait3A_326 = tpu.memref_squeeze %dma_wait3A_325 : memref<1x2x80xi32, #tpu.memory_space<hbm>> -> memref<2x80xi32, #tpu.memory_space<hbm>>
        %dma_wait3A_327 = arith.constant 0 : i32
        %dma_wait3A_328 = arith.constant 0 : i32
        %dma_wait3A_329 = tpu.memref_slice %arg12[%select_n3A_228, %dma_wait3A_327, %dma_wait3A_328] : memref<3x2x80xi32, #tpu.memory_space<vmem>> -> memref<1x2x80xi32, #tpu.memory_space<vmem>>
        %dma_wait3A_330 = tpu.memref_squeeze %dma_wait3A_329 : memref<1x2x80xi32, #tpu.memory_space<vmem>> -> memref<2x80xi32, #tpu.memory_space<vmem>>
        %dma_wait3A_331 = arith.constant 0 : i32
        %dma_wait3A_332 = arith.constant 0 : i32
        %dma_wait3A_333 = tpu.memref_slice %arg4[%add3A_318, %dma_wait3A_331, %dma_wait3A_332] : memref<4032x2x80xi32, #tpu.memory_space<hbm>> -> memref<1x2x80xi32, #tpu.memory_space<hbm>>
        %dma_wait3A_334 = tpu.memref_squeeze %dma_wait3A_333 : memref<1x2x80xi32, #tpu.memory_space<hbm>> -> memref<2x80xi32, #tpu.memory_space<hbm>>
        tpu.wait_dma2 semaphore(%arg25 : memref<!tpu.dma_semaphore, #tpu.memory_space<semaphore_mem>>) src(%dma_wait3A_334 : memref<2x80xi32, #tpu.memory_space<hbm>>) dst(%dma_wait3A_330 : memref<2x80xi32, #tpu.memory_space<vmem>>)
        %dma_start3A_335 = arith.constant 0 : i32
        %dma_start3A_336 = arith.constant 0 : i32
        %dma_start3A_337 = arith.constant 0 : i32
        %dma_start3A_338 = tpu.memref_slice %arg13[%dma_start3A_336, %dma_start3A_337] : memref<160x128xf32, #tpu.memory_space<vmem>> -> memref<80x128xf32, #tpu.memory_space<vmem>>
        %dma_start3A_339 = arith.constant 0 : i32
        %dma_start3A_340 = tpu.memref_slice %arg12[%select_n3A_228, %dma_start3A_335, %dma_start3A_339] : memref<3x2x80xi32, #tpu.memory_space<vmem>> -> memref<1x1x80xi32, #tpu.memory_space<vmem>>
        %dma_start3A_341 = tpu.memref_squeeze %dma_start3A_340 : memref<1x1x80xi32, #tpu.memory_space<vmem>> -> memref<80xi32, #tpu.memory_space<vmem>>
        %dma_start3A_342 = arith.constant 0 : i32
        %dma_start3A_343 = arith.constant 0 : i32
        %dma_start3A_344 = tpu.memref_slice %arg2[%dma_start3A_342, %dma_start3A_343] : memref<10000x128xf32, #tpu.memory_space<hbm>> -> memref<10000x128xf32, #tpu.memory_space<hbm>>
        tpu.enqueue_indirect_dma source(%dma_start3A_344 : memref<10000x128xf32, #tpu.memory_space<hbm>>) target(%dma_start3A_338 : memref<80x128xf32, #tpu.memory_space<vmem>>) offsets(%dma_start3A_341 : memref<80xi32, #tpu.memory_space<vmem>>) semaphore(%arg17 : memref<!tpu.dma_semaphore, #tpu.memory_space<semaphore_mem>>)
        %dma_start3A_345 = arith.constant 1 : i32
        %dma_start3A_346 = arith.constant 0 : i32
        %dma_start3A_347 = arith.constant 0 : i32
        %dma_start3A_348 = tpu.memref_slice %arg14[%dma_start3A_346, %dma_start3A_347] : memref<160x128xf32, #tpu.memory_space<vmem>> -> memref<80x128xf32, #tpu.memory_space<vmem>>
        %dma_start3A_349 = arith.constant 0 : i32
        %dma_start3A_350 = tpu.memref_slice %arg12[%select_n3A_228, %dma_start3A_345, %dma_start3A_349] : memref<3x2x80xi32, #tpu.memory_space<vmem>> -> memref<1x1x80xi32, #tpu.memory_space<vmem>>
        %dma_start3A_351 = tpu.memref_squeeze %dma_start3A_350 : memref<1x1x80xi32, #tpu.memory_space<vmem>> -> memref<80xi32, #tpu.memory_space<vmem>>
        %dma_start3A_352 = arith.constant 0 : i32
        %dma_start3A_353 = arith.constant 0 : i32
        %dma_start3A_354 = tpu.memref_slice %arg3[%dma_start3A_352, %dma_start3A_353] : memref<10000x128xf32, #tpu.memory_space<hbm>> -> memref<10000x128xf32, #tpu.memory_space<hbm>>
        tpu.enqueue_indirect_dma source(%dma_start3A_354 : memref<10000x128xf32, #tpu.memory_space<hbm>>) target(%dma_start3A_348 : memref<80x128xf32, #tpu.memory_space<vmem>>) offsets(%dma_start3A_351 : memref<80xi32, #tpu.memory_space<vmem>>) semaphore(%arg19 : memref<!tpu.dma_semaphore, #tpu.memory_space<semaphore_mem>>)
      } else {
      }
      %dma_wait3A_259 = arith.constant 0 : i32
      %dma_wait3A_260 = arith.constant 80 : i32
      %dma_wait3A_261 = arith.constant 0 : i32
      %dma_wait3A_262 = tpu.memref_slice %arg13[%dma_wait3A_260, %dma_wait3A_261] : memref<160x128xf32, #tpu.memory_space<vmem>> -> memref<80x128xf32, #tpu.memory_space<vmem>>
      %dma_wait3A_263 = arith.constant 0 : i32
      %dma_wait3A_264 = tpu.memref_slice %arg12[%select_n3A_210, %dma_wait3A_259, %dma_wait3A_263] : memref<3x2x80xi32, #tpu.memory_space<vmem>> -> memref<1x1x80xi32, #tpu.memory_space<vmem>>
      %dma_wait3A_265 = tpu.memref_squeeze %dma_wait3A_264 : memref<1x1x80xi32, #tpu.memory_space<vmem>> -> memref<80xi32, #tpu.memory_space<vmem>>
      %dma_wait3A_266 = arith.constant 0 : i32
      %dma_wait3A_267 = arith.constant 0 : i32
      %dma_wait3A_268 = tpu.memref_slice %arg2[%dma_wait3A_266, %dma_wait3A_267] : memref<10000x128xf32, #tpu.memory_space<hbm>> -> memref<10000x128xf32, #tpu.memory_space<hbm>>
      tpu.wait_indirect_dma semaphore(%arg18 : memref<!tpu.dma_semaphore, #tpu.memory_space<semaphore_mem>>) src(%dma_wait3A_268 : memref<10000x128xf32, #tpu.memory_space<hbm>>) dst(%dma_wait3A_262 : memref<80x128xf32, #tpu.memory_space<vmem>>)
      %dma_wait3A_269 = arith.constant 1 : i32
      %dma_wait3A_270 = arith.constant 80 : i32
      %dma_wait3A_271 = arith.constant 0 : i32
      %dma_wait3A_272 = tpu.memref_slice %arg14[%dma_wait3A_270, %dma_wait3A_271] : memref<160x128xf32, #tpu.memory_space<vmem>> -> memref<80x128xf32, #tpu.memory_space<vmem>>
      %dma_wait3A_273 = arith.constant 0 : i32
      %dma_wait3A_274 = tpu.memref_slice %arg12[%select_n3A_210, %dma_wait3A_269, %dma_wait3A_273] : memref<3x2x80xi32, #tpu.memory_space<vmem>> -> memref<1x1x80xi32, #tpu.memory_space<vmem>>
      %dma_wait3A_275 = tpu.memref_squeeze %dma_wait3A_274 : memref<1x1x80xi32, #tpu.memory_space<vmem>> -> memref<80xi32, #tpu.memory_space<vmem>>
      %dma_wait3A_276 = arith.constant 0 : i32
      %dma_wait3A_277 = arith.constant 0 : i32
      %dma_wait3A_278 = tpu.memref_slice %arg3[%dma_wait3A_276, %dma_wait3A_277] : memref<10000x128xf32, #tpu.memory_space<hbm>> -> memref<10000x128xf32, #tpu.memory_space<hbm>>
      tpu.wait_indirect_dma semaphore(%arg20 : memref<!tpu.dma_semaphore, #tpu.memory_space<semaphore_mem>>) src(%dma_wait3A_278 : memref<10000x128xf32, #tpu.memory_space<hbm>>) dst(%dma_wait3A_272 : memref<80x128xf32, #tpu.memory_space<vmem>>)
      %add3A_279 = arith.constant 2 : i32
      %add3A_280 = arith.addi %add3A_194, %add3A_279 : i32
      %lt3A_281 = arith.constant 126 : i32
      %lt3A_282 = arith.cmpi slt, %add3A_280, %lt3A_281 : i32
      %convert_element_type3A_283 = arith.extui %lt3A_282 : i1 to i32
      %cond3A_284 = arith.constant 0 : i32
      %cond3A_285 = arith.cmpi ne, %convert_element_type3A_283, %cond3A_284 : i32
      scf.if %cond3A_285 {
        %add3A_316 = arith.addi %mul3A_4, %add3A_194 : i32
        %add3A_317 = arith.constant 2 : i32
        %add3A_318 = arith.addi %add3A_316, %add3A_317 : i32
        %dma_start3A_319 = arith.constant 0 : i32
        %dma_start3A_320 = arith.constant 0 : i32
        %dma_start3A_321 = tpu.memref_slice %arg12[%select_n3A_246, %dma_start3A_319, %dma_start3A_320] : memref<3x2x80xi32, #tpu.memory_space<vmem>> -> memref<1x2x80xi32, #tpu.memory_space<vmem>>
        %dma_start3A_322 = tpu.memref_squeeze %dma_start3A_321 : memref<1x2x80xi32, #tpu.memory_space<vmem>> -> memref<2x80xi32, #tpu.memory_space<vmem>>
        %dma_start3A_323 = arith.constant 0 : i32
        %dma_start3A_324 = arith.constant 0 : i32
        %dma_start3A_325 = tpu.memref_slice %arg4[%add3A_318, %dma_start3A_323, %dma_start3A_324] : memref<4032x2x80xi32, #tpu.memory_space<hbm>> -> memref<1x2x80xi32, #tpu.memory_space<hbm>>
        %dma_start3A_326 = tpu.memref_squeeze %dma_start3A_325 : memref<1x2x80xi32, #tpu.memory_space<hbm>> -> memref<2x80xi32, #tpu.memory_space<hbm>>
        %dma_start3A_327 = arith.constant 0 : i32
        %dma_start3A_328 = arith.constant 0 : i32
        %dma_start3A_329 = tpu.memref_slice %arg12[%select_n3A_246, %dma_start3A_327, %dma_start3A_328] : memref<3x2x80xi32, #tpu.memory_space<vmem>> -> memref<1x2x80xi32, #tpu.memory_space<vmem>>
        %dma_start3A_330 = tpu.memref_squeeze %dma_start3A_329 : memref<1x2x80xi32, #tpu.memory_space<vmem>> -> memref<2x80xi32, #tpu.memory_space<vmem>>
        %dma_start3A_331 = arith.constant 0 : i32
        %dma_start3A_332 = arith.constant 0 : i32
        %dma_start3A_333 = tpu.memref_slice %arg4[%add3A_318, %dma_start3A_331, %dma_start3A_332] : memref<4032x2x80xi32, #tpu.memory_space<hbm>> -> memref<1x2x80xi32, #tpu.memory_space<hbm>>
        %dma_start3A_334 = tpu.memref_squeeze %dma_start3A_333 : memref<1x2x80xi32, #tpu.memory_space<hbm>> -> memref<2x80xi32, #tpu.memory_space<hbm>>
        tpu.enqueue_dma source(%dma_start3A_334 : memref<2x80xi32, #tpu.memory_space<hbm>>) target(%dma_start3A_330 : memref<2x80xi32, #tpu.memory_space<vmem>>) target_semaphore(%arg25 : memref<!tpu.dma_semaphore, #tpu.memory_space<semaphore_mem>>)
      } else {
      }
      %mul3A_286 = arith.constant 10080 : i32
      %mul3A_287 = arith.muli %add3A, %mul3A_286 : i32
      %mul3A_288 = arith.constant 80 : i32
      %mul3A_289 = arith.muli %add3A_194, %mul3A_288 : i32
      %add3A_290 = arith.addi %mul3A_287, %mul3A_289 : i32
      %scan3A_291 = arith.constant 0 : i32
      %scan3A_292 = arith.constant 40 : i32
      %scan3A_293 = arith.addi %scan3A_291, %scan3A_292 : i32
      %scan3A_294 = arith.constant 1 : i32
      scf.for %scan3A_316 = %scan3A_291 to %scan3A_293 step %scan3A_294  : i32 {
        %mul3A_317 = arith.constant 1 : i32
        %mul3A_318 = arith.muli %scan3A_316, %mul3A_317 : i32
        %add3A_319 = arith.constant 0 : i32
        %add3A_320 = arith.addi %add3A_319, %mul3A_318 : i32
        %jit3A_321 = arith.constant 5 : i32
        %div3A = arith.divsi %add3A_320, %jit3A_321 : i32
        %sign3A = arith.constant 0 : i32
        %sign3A_322 = arith.cmpi sgt, %add3A_320, %sign3A : i32
        %sign3A_323 = arith.extui %sign3A_322 : i1 to i32
        %sign3A_324 = arith.constant 0 : i32
        %sign3A_325 = arith.cmpi slt, %add3A_320, %sign3A_324 : i32
        %sign3A_326 = arith.extui %sign3A_325 : i1 to i32
        %sign3A_327 = arith.subi %sign3A_323, %sign3A_326 : i32
        %sign3A_328 = arith.constant 0 : i32
        %sign3A_329 = arith.cmpi sgt, %jit3A_321, %sign3A_328 : i32
        %sign3A_330 = arith.extui %sign3A_329 : i1 to i32
        %sign3A_331 = arith.constant 0 : i32
        %sign3A_332 = arith.cmpi slt, %jit3A_321, %sign3A_331 : i32
        %sign3A_333 = arith.extui %sign3A_332 : i1 to i32
        %sign3A_334 = arith.subi %sign3A_330, %sign3A_333 : i32
        %ne3A_335 = arith.cmpi ne, %sign3A_327, %sign3A_334 : i32
        %rem3A_336 = arith.remsi %add3A_320, %jit3A_321 : i32
        %ne3A_337 = arith.constant 0 : i32
        %ne3A_338 = arith.cmpi ne, %rem3A_336, %ne3A_337 : i32
        %and3A_339 = arith.andi %ne3A_335, %ne3A_338 : i1
        %sub3A = arith.constant 1 : i32
        %sub3A_340 = arith.subi %div3A, %sub3A : i32
        %select_n3A_341 = arith.select %and3A_339, %sub3A_340, %div3A : i32
        %mul3A_342 = arith.constant 5 : i32
        %mul3A_343 = arith.muli %select_n3A_341, %mul3A_342 : i32
        %sub3A_344 = arith.subi %add3A_320, %mul3A_343 : i32
        %mul3A_345 = arith.constant 16 : i32
        %mul3A_346 = arith.muli %select_n3A_341, %mul3A_345 : i32
        %iota3A = tpu.iota {dimensions = array<i32: 0>} : vector<16xi32>
        %mul3A_347 = arith.constant 16 : i32
        %mul3A_348 = arith.muli %sub3A_344, %mul3A_347 : i32
        %add3A_349 = vector.broadcast %mul3A_348 : i32 to vector<16xi32>
        %add3A_350 = arith.addi %iota3A, %add3A_349 : vector<16xi32>
        %add3A_351 = arith.constant 80 : i32
        %add3A_352 = vector.broadcast %add3A_351 : i32 to vector<16xi32>
        %add3A_353 = arith.addi %add3A_350, %add3A_352 : vector<16xi32>
        %add3A_354 = vector.broadcast %add3A_290 : i32 to vector<16xi32>
        %add3A_355 = arith.addi %add3A_354, %add3A_350 : vector<16xi32>
        %lt3A_356 = arith.constant 320000 : i32
        %lt3A_357 = vector.broadcast %lt3A_356 : i32 to vector<16xi32>
        %lt3A_358 = arith.cmpi slt, %add3A_355, %lt3A_357 : vector<16xi32>
        %broadcast_in_dim3A = arith.constant 0.000000e+00 : f32
        %broadcast_in_dim3A_359 = vector.broadcast %broadcast_in_dim3A : f32 to vector<16xf32>
        %broadcast_in_dim3A_360 = arith.constant 0.000000e+00 : f32
        %broadcast_in_dim3A_361 = vector.broadcast %broadcast_in_dim3A_360 : f32 to vector<16xf32>
        %broadcast_in_dim3A_362 = arith.constant 0.000000e+00 : f32
        %broadcast_in_dim3A_363 = vector.broadcast %broadcast_in_dim3A_362 : f32 to vector<16xf32>
        %broadcast_in_dim3A_364 = arith.constant 0.000000e+00 : f32
        %broadcast_in_dim3A_365 = vector.broadcast %broadcast_in_dim3A_364 : f32 to vector<16xf32>
        %xor3A = arith.constant 0 : i32
        %xor3A_366 = vector.broadcast %xor3A : i32 to vector<16xi32>
        %xor3A_367 = arith.xori %iota3A, %xor3A_366 : vector<16xi32>
        %or3A = vector.broadcast %mul3A_346 : i32 to vector<16xi32>
        %or3A_368 = arith.ori %xor3A_367, %or3A : vector<16xi32>
        %gather3A = tpu.vector_load_idx %arg13[%add3A_353, %or3A_368] : memref<160x128xf32, #tpu.memory_space<vmem>>[vector<16xi32>, vector<16xi32>], vector<16xf32>,
        %gather3A_369 = tpu.vector_load_idx %arg14[%add3A_353, %or3A_368] : memref<160x128xf32, #tpu.memory_space<vmem>>[vector<16xi32>, vector<16xi32>], vector<16xf32>,
        %add3A_370 = arith.addf %gather3A, %gather3A_369 : vector<16xf32>
        %mul3A_371 = arith.constant 2.000000e-01 : f32
        %mul3A_372 = vector.broadcast %mul3A_371 : f32 to vector<16xf32>
        %mul3A_373 = arith.mulf %mul3A_372, %add3A_370 : vector<16xf32>
        %max3A = arith.maximumf %add3A_370, %mul3A_373 : vector<16xf32>
        %add3A_374 = arith.constant 0 : i32
        %add3A_375 = arith.addi %mul3A_346, %add3A_374 : i32
        %get3A = arith.index_cast %add3A_375 : i32 to index
        %get3A_376 = arith.constant 0 : index
        %get3A_377 = tpu.vector_load %arg16[%get3A, %get3A_376] {strides = array<i32>} : memref<128x16xf32, #tpu.memory_space<vmem>>, vector<16xf32>,
        %mul3A_378 = arith.mulf %get3A_377, %max3A : vector<16xf32>
        %add3A_379 = arith.addf %broadcast_in_dim3A_359, %mul3A_378 : vector<16xf32>
        %xor3A_380 = arith.constant 1 : i32
        %xor3A_381 = vector.broadcast %xor3A_380 : i32 to vector<16xi32>
        %xor3A_382 = arith.xori %iota3A, %xor3A_381 : vector<16xi32>
        %or3A_383 = vector.broadcast %mul3A_346 : i32 to vector<16xi32>
        %or3A_384 = arith.ori %xor3A_382, %or3A_383 : vector<16xi32>
        %gather3A_385 = tpu.vector_load_idx %arg13[%add3A_353, %or3A_384] : memref<160x128xf32, #tpu.memory_space<vmem>>[vector<16xi32>, vector<16xi32>], vector<16xf32>,
        %gather3A_386 = tpu.vector_load_idx %arg14[%add3A_353, %or3A_384] : memref<160x128xf32, #tpu.memory_space<vmem>>[vector<16xi32>, vector<16xi32>], vector<16xf32>,
        %add3A_387 = arith.addf %gather3A_385, %gather3A_386 : vector<16xf32>
        %mul3A_388 = arith.constant 2.000000e-01 : f32
        %mul3A_389 = vector.broadcast %mul3A_388 : f32 to vector<16xf32>
        %mul3A_390 = arith.mulf %mul3A_389, %add3A_387 : vector<16xf32>
        %max3A_391 = arith.maximumf %add3A_387, %mul3A_390 : vector<16xf32>
        %add3A_392 = arith.constant 1 : i32
        %add3A_393 = arith.addi %mul3A_346, %add3A_392 : i32
        %get3A_394 = arith.index_cast %add3A_393 : i32 to index
        %get3A_395 = arith.constant 0 : index
        %get3A_396 = tpu.vector_load %arg16[%get3A_394, %get3A_395] {strides = array<i32>} : memref<128x16xf32, #tpu.memory_space<vmem>>, vector<16xf32>,
        %mul3A_397 = arith.mulf %get3A_396, %max3A_391 : vector<16xf32>
        %add3A_398 = arith.addf %broadcast_in_dim3A_361, %mul3A_397 : vector<16xf32>
        %xor3A_399 = arith.constant 2 : i32
        %xor3A_400 = vector.broadcast %xor3A_399 : i32 to vector<16xi32>
        %xor3A_401 = arith.xori %iota3A, %xor3A_400 : vector<16xi32>
        %or3A_402 = vector.broadcast %mul3A_346 : i32 to vector<16xi32>
        %or3A_403 = arith.ori %xor3A_401, %or3A_402 : vector<16xi32>
        %gather3A_404 = tpu.vector_load_idx %arg13[%add3A_353, %or3A_403] : memref<160x128xf32, #tpu.memory_space<vmem>>[vector<16xi32>, vector<16xi32>], vector<16xf32>,
        %gather3A_405 = tpu.vector_load_idx %arg14[%add3A_353, %or3A_403] : memref<160x128xf32, #tpu.memory_space<vmem>>[vector<16xi32>, vector<16xi32>], vector<16xf32>,
        %add3A_406 = arith.addf %gather3A_404, %gather3A_405 : vector<16xf32>
        %mul3A_407 = arith.constant 2.000000e-01 : f32
        %mul3A_408 = vector.broadcast %mul3A_407 : f32 to vector<16xf32>
        %mul3A_409 = arith.mulf %mul3A_408, %add3A_406 : vector<16xf32>
        %max3A_410 = arith.maximumf %add3A_406, %mul3A_409 : vector<16xf32>
        %add3A_411 = arith.constant 2 : i32
        %add3A_412 = arith.addi %mul3A_346, %add3A_411 : i32
        %get3A_413 = arith.index_cast %add3A_412 : i32 to index
        %get3A_414 = arith.constant 0 : index
        %get3A_415 = tpu.vector_load %arg16[%get3A_413, %get3A_414] {strides = array<i32>} : memref<128x16xf32, #tpu.memory_space<vmem>>, vector<16xf32>,
        %mul3A_416 = arith.mulf %get3A_415, %max3A_410 : vector<16xf32>
        %add3A_417 = arith.addf %broadcast_in_dim3A_363, %mul3A_416 : vector<16xf32>
        %xor3A_418 = arith.constant 3 : i32
        %xor3A_419 = vector.broadcast %xor3A_418 : i32 to vector<16xi32>
        %xor3A_420 = arith.xori %iota3A, %xor3A_419 : vector<16xi32>
        %or3A_421 = vector.broadcast %mul3A_346 : i32 to vector<16xi32>
        %or3A_422 = arith.ori %xor3A_420, %or3A_421 : vector<16xi32>
        %gather3A_423 = tpu.vector_load_idx %arg13[%add3A_353, %or3A_422] : memref<160x128xf32, #tpu.memory_space<vmem>>[vector<16xi32>, vector<16xi32>], vector<16xf32>,
        %gather3A_424 = tpu.vector_load_idx %arg14[%add3A_353, %or3A_422] : memref<160x128xf32, #tpu.memory_space<vmem>>[vector<16xi32>, vector<16xi32>], vector<16xf32>,
        %add3A_425 = arith.addf %gather3A_423, %gather3A_424 : vector<16xf32>
        %mul3A_426 = arith.constant 2.000000e-01 : f32
        %mul3A_427 = vector.broadcast %mul3A_426 : f32 to vector<16xf32>
        %mul3A_428 = arith.mulf %mul3A_427, %add3A_425 : vector<16xf32>
        %max3A_429 = arith.maximumf %add3A_425, %mul3A_428 : vector<16xf32>
        %add3A_430 = arith.constant 3 : i32
        %add3A_431 = arith.addi %mul3A_346, %add3A_430 : i32
        %get3A_432 = arith.index_cast %add3A_431 : i32 to index
        %get3A_433 = arith.constant 0 : index
        %get3A_434 = tpu.vector_load %arg16[%get3A_432, %get3A_433] {strides = array<i32>} : memref<128x16xf32, #tpu.memory_space<vmem>>, vector<16xf32>,
        %mul3A_435 = arith.mulf %get3A_434, %max3A_429 : vector<16xf32>
        %add3A_436 = arith.addf %broadcast_in_dim3A_365, %mul3A_435 : vector<16xf32>
        %xor3A_437 = arith.constant 4 : i32
        %xor3A_438 = vector.broadcast %xor3A_437 : i32 to vector<16xi32>
        %xor3A_439 = arith.xori %iota3A, %xor3A_438 : vector<16xi32>
        %or3A_440 = vector.broadcast %mul3A_346 : i32 to vector<16xi32>
        %or3A_441 = arith.ori %xor3A_439, %or3A_440 : vector<16xi32>
        %gather3A_442 = tpu.vector_load_idx %arg13[%add3A_353, %or3A_441] : memref<160x128xf32, #tpu.memory_space<vmem>>[vector<16xi32>, vector<16xi32>], vector<16xf32>,
        %gather3A_443 = tpu.vector_load_idx %arg14[%add3A_353, %or3A_441] : memref<160x128xf32, #tpu.memory_space<vmem>>[vector<16xi32>, vector<16xi32>], vector<16xf32>,
        %add3A_444 = arith.addf %gather3A_442, %gather3A_443 : vector<16xf32>
        %mul3A_445 = arith.constant 2.000000e-01 : f32
        %mul3A_446 = vector.broadcast %mul3A_445 : f32 to vector<16xf32>
        %mul3A_447 = arith.mulf %mul3A_446, %add3A_444 : vector<16xf32>
        %max3A_448 = arith.maximumf %add3A_444, %mul3A_447 : vector<16xf32>
        %add3A_449 = arith.constant 4 : i32
        %add3A_450 = arith.addi %mul3A_346, %add3A_449 : i32
        %get3A_451 = arith.index_cast %add3A_450 : i32 to index
        %get3A_452 = arith.constant 0 : index
        %get3A_453 = tpu.vector_load %arg16[%get3A_451, %get3A_452] {strides = array<i32>} : memref<128x16xf32, #tpu.memory_space<vmem>>, vector<16xf32>,
        %mul3A_454 = arith.mulf %get3A_453, %max3A_448 : vector<16xf32>
        %add3A_455 = arith.addf %add3A_379, %mul3A_454 : vector<16xf32>
        %xor3A_456 = arith.constant 5 : i32
        %xor3A_457 = vector.broadcast %xor3A_456 : i32 to vector<16xi32>
        %xor3A_458 = arith.xori %iota3A, %xor3A_457 : vector<16xi32>
        %or3A_459 = vector.broadcast %mul3A_346 : i32 to vector<16xi32>
        %or3A_460 = arith.ori %xor3A_458, %or3A_459 : vector<16xi32>
        %gather3A_461 = tpu.vector_load_idx %arg13[%add3A_353, %or3A_460] : memref<160x128xf32, #tpu.memory_space<vmem>>[vector<16xi32>, vector<16xi32>], vector<16xf32>,
        %gather3A_462 = tpu.vector_load_idx %arg14[%add3A_353, %or3A_460] : memref<160x128xf32, #tpu.memory_space<vmem>>[vector<16xi32>, vector<16xi32>], vector<16xf32>,
        %add3A_463 = arith.addf %gather3A_461, %gather3A_462 : vector<16xf32>
        %mul3A_464 = arith.constant 2.000000e-01 : f32
        %mul3A_465 = vector.broadcast %mul3A_464 : f32 to vector<16xf32>
        %mul3A_466 = arith.mulf %mul3A_465, %add3A_463 : vector<16xf32>
        %max3A_467 = arith.maximumf %add3A_463, %mul3A_466 : vector<16xf32>
        %add3A_468 = arith.constant 5 : i32
        %add3A_469 = arith.addi %mul3A_346, %add3A_468 : i32
        %get3A_470 = arith.index_cast %add3A_469 : i32 to index
        %get3A_471 = arith.constant 0 : index
        %get3A_472 = tpu.vector_load %arg16[%get3A_470, %get3A_471] {strides = array<i32>} : memref<128x16xf32, #tpu.memory_space<vmem>>, vector<16xf32>,
        %mul3A_473 = arith.mulf %get3A_472, %max3A_467 : vector<16xf32>
        %add3A_474 = arith.addf %add3A_398, %mul3A_473 : vector<16xf32>
        %xor3A_475 = arith.constant 6 : i32
        %xor3A_476 = vector.broadcast %xor3A_475 : i32 to vector<16xi32>
        %xor3A_477 = arith.xori %iota3A, %xor3A_476 : vector<16xi32>
        %or3A_478 = vector.broadcast %mul3A_346 : i32 to vector<16xi32>
        %or3A_479 = arith.ori %xor3A_477, %or3A_478 : vector<16xi32>
        %gather3A_480 = tpu.vector_load_idx %arg13[%add3A_353, %or3A_479] : memref<160x128xf32, #tpu.memory_space<vmem>>[vector<16xi32>, vector<16xi32>], vector<16xf32>,
        %gather3A_481 = tpu.vector_load_idx %arg14[%add3A_353, %or3A_479] : memref<160x128xf32, #tpu.memory_space<vmem>>[vector<16xi32>, vector<16xi32>], vector<16xf32>,
        %add3A_482 = arith.addf %gather3A_480, %gather3A_481 : vector<16xf32>
        %mul3A_483 = arith.constant 2.000000e-01 : f32
        %mul3A_484 = vector.broadcast %mul3A_483 : f32 to vector<16xf32>
        %mul3A_485 = arith.mulf %mul3A_484, %add3A_482 : vector<16xf32>
        %max3A_486 = arith.maximumf %add3A_482, %mul3A_485 : vector<16xf32>
        %add3A_487 = arith.constant 6 : i32
        %add3A_488 = arith.addi %mul3A_346, %add3A_487 : i32
        %get3A_489 = arith.index_cast %add3A_488 : i32 to index
        %get3A_490 = arith.constant 0 : index
        %get3A_491 = tpu.vector_load %arg16[%get3A_489, %get3A_490] {strides = array<i32>} : memref<128x16xf32, #tpu.memory_space<vmem>>, vector<16xf32>,
        %mul3A_492 = arith.mulf %get3A_491, %max3A_486 : vector<16xf32>
        %add3A_493 = arith.addf %add3A_417, %mul3A_492 : vector<16xf32>
        %xor3A_494 = arith.constant 7 : i32
        %xor3A_495 = vector.broadcast %xor3A_494 : i32 to vector<16xi32>
        %xor3A_496 = arith.xori %iota3A, %xor3A_495 : vector<16xi32>
        %or3A_497 = vector.broadcast %mul3A_346 : i32 to vector<16xi32>
        %or3A_498 = arith.ori %xor3A_496, %or3A_497 : vector<16xi32>
        %gather3A_499 = tpu.vector_load_idx %arg13[%add3A_353, %or3A_498] : memref<160x128xf32, #tpu.memory_space<vmem>>[vector<16xi32>, vector<16xi32>], vector<16xf32>,
        %gather3A_500 = tpu.vector_load_idx %arg14[%add3A_353, %or3A_498] : memref<160x128xf32, #tpu.memory_space<vmem>>[vector<16xi32>, vector<16xi32>], vector<16xf32>,
        %add3A_501 = arith.addf %gather3A_499, %gather3A_500 : vector<16xf32>
        %mul3A_502 = arith.constant 2.000000e-01 : f32
        %mul3A_503 = vector.broadcast %mul3A_502 : f32 to vector<16xf32>
        %mul3A_504 = arith.mulf %mul3A_503, %add3A_501 : vector<16xf32>
        %max3A_505 = arith.maximumf %add3A_501, %mul3A_504 : vector<16xf32>
        %add3A_506 = arith.constant 7 : i32
        %add3A_507 = arith.addi %mul3A_346, %add3A_506 : i32
        %get3A_508 = arith.index_cast %add3A_507 : i32 to index
        %get3A_509 = arith.constant 0 : index
        %get3A_510 = tpu.vector_load %arg16[%get3A_508, %get3A_509] {strides = array<i32>} : memref<128x16xf32, #tpu.memory_space<vmem>>, vector<16xf32>,
        %mul3A_511 = arith.mulf %get3A_510, %max3A_505 : vector<16xf32>
        %add3A_512 = arith.addf %add3A_436, %mul3A_511 : vector<16xf32>
        %xor3A_513 = arith.constant 8 : i32
        %xor3A_514 = vector.broadcast %xor3A_513 : i32 to vector<16xi32>
        %xor3A_515 = arith.xori %iota3A, %xor3A_514 : vector<16xi32>
        %or3A_516 = vector.broadcast %mul3A_346 : i32 to vector<16xi32>
        %or3A_517 = arith.ori %xor3A_515, %or3A_516 : vector<16xi32>
        %gather3A_518 = tpu.vector_load_idx %arg13[%add3A_353, %or3A_517] : memref<160x128xf32, #tpu.memory_space<vmem>>[vector<16xi32>, vector<16xi32>], vector<16xf32>,
        %gather3A_519 = tpu.vector_load_idx %arg14[%add3A_353, %or3A_517] : memref<160x128xf32, #tpu.memory_space<vmem>>[vector<16xi32>, vector<16xi32>], vector<16xf32>,
        %add3A_520 = arith.addf %gather3A_518, %gather3A_519 : vector<16xf32>
        %mul3A_521 = arith.constant 2.000000e-01 : f32
        %mul3A_522 = vector.broadcast %mul3A_521 : f32 to vector<16xf32>
        %mul3A_523 = arith.mulf %mul3A_522, %add3A_520 : vector<16xf32>
        %max3A_524 = arith.maximumf %add3A_520, %mul3A_523 : vector<16xf32>
        %add3A_525 = arith.constant 8 : i32
        %add3A_526 = arith.addi %mul3A_346, %add3A_525 : i32
        %get3A_527 = arith.index_cast %add3A_526 : i32 to index
        %get3A_528 = arith.constant 0 : index
        %get3A_529 = tpu.vector_load %arg16[%get3A_527, %get3A_528] {strides = array<i32>} : memref<128x16xf32, #tpu.memory_space<vmem>>, vector<16xf32>,
        %mul3A_530 = arith.mulf %get3A_529, %max3A_524 : vector<16xf32>
        %add3A_531 = arith.addf %add3A_455, %mul3A_530 : vector<16xf32>
        %xor3A_532 = arith.constant 9 : i32
        %xor3A_533 = vector.broadcast %xor3A_532 : i32 to vector<16xi32>
        %xor3A_534 = arith.xori %iota3A, %xor3A_533 : vector<16xi32>
        %or3A_535 = vector.broadcast %mul3A_346 : i32 to vector<16xi32>
        %or3A_536 = arith.ori %xor3A_534, %or3A_535 : vector<16xi32>
        %gather3A_537 = tpu.vector_load_idx %arg13[%add3A_353, %or3A_536] : memref<160x128xf32, #tpu.memory_space<vmem>>[vector<16xi32>, vector<16xi32>], vector<16xf32>,
        %gather3A_538 = tpu.vector_load_idx %arg14[%add3A_353, %or3A_536] : memref<160x128xf32, #tpu.memory_space<vmem>>[vector<16xi32>, vector<16xi32>], vector<16xf32>,
        %add3A_539 = arith.addf %gather3A_537, %gather3A_538 : vector<16xf32>
        %mul3A_540 = arith.constant 2.000000e-01 : f32
        %mul3A_541 = vector.broadcast %mul3A_540 : f32 to vector<16xf32>
        %mul3A_542 = arith.mulf %mul3A_541, %add3A_539 : vector<16xf32>
        %max3A_543 = arith.maximumf %add3A_539, %mul3A_542 : vector<16xf32>
        %add3A_544 = arith.constant 9 : i32
        %add3A_545 = arith.addi %mul3A_346, %add3A_544 : i32
        %get3A_546 = arith.index_cast %add3A_545 : i32 to index
        %get3A_547 = arith.constant 0 : index
        %get3A_548 = tpu.vector_load %arg16[%get3A_546, %get3A_547] {strides = array<i32>} : memref<128x16xf32, #tpu.memory_space<vmem>>, vector<16xf32>,
        %mul3A_549 = arith.mulf %get3A_548, %max3A_543 : vector<16xf32>
        %add3A_550 = arith.addf %add3A_474, %mul3A_549 : vector<16xf32>
        %xor3A_551 = arith.constant 10 : i32
        %xor3A_552 = vector.broadcast %xor3A_551 : i32 to vector<16xi32>
        %xor3A_553 = arith.xori %iota3A, %xor3A_552 : vector<16xi32>
        %or3A_554 = vector.broadcast %mul3A_346 : i32 to vector<16xi32>
        %or3A_555 = arith.ori %xor3A_553, %or3A_554 : vector<16xi32>
        %gather3A_556 = tpu.vector_load_idx %arg13[%add3A_353, %or3A_555] : memref<160x128xf32, #tpu.memory_space<vmem>>[vector<16xi32>, vector<16xi32>], vector<16xf32>,
        %gather3A_557 = tpu.vector_load_idx %arg14[%add3A_353, %or3A_555] : memref<160x128xf32, #tpu.memory_space<vmem>>[vector<16xi32>, vector<16xi32>], vector<16xf32>,
        %add3A_558 = arith.addf %gather3A_556, %gather3A_557 : vector<16xf32>
        %mul3A_559 = arith.constant 2.000000e-01 : f32
        %mul3A_560 = vector.broadcast %mul3A_559 : f32 to vector<16xf32>
        %mul3A_561 = arith.mulf %mul3A_560, %add3A_558 : vector<16xf32>
        %max3A_562 = arith.maximumf %add3A_558, %mul3A_561 : vector<16xf32>
        %add3A_563 = arith.constant 10 : i32
        %add3A_564 = arith.addi %mul3A_346, %add3A_563 : i32
        %get3A_565 = arith.index_cast %add3A_564 : i32 to index
        %get3A_566 = arith.constant 0 : index
        %get3A_567 = tpu.vector_load %arg16[%get3A_565, %get3A_566] {strides = array<i32>} : memref<128x16xf32, #tpu.memory_space<vmem>>, vector<16xf32>,
        %mul3A_568 = arith.mulf %get3A_567, %max3A_562 : vector<16xf32>
        %add3A_569 = arith.addf %add3A_493, %mul3A_568 : vector<16xf32>
        %xor3A_570 = arith.constant 11 : i32
        %xor3A_571 = vector.broadcast %xor3A_570 : i32 to vector<16xi32>
        %xor3A_572 = arith.xori %iota3A, %xor3A_571 : vector<16xi32>
        %or3A_573 = vector.broadcast %mul3A_346 : i32 to vector<16xi32>
        %or3A_574 = arith.ori %xor3A_572, %or3A_573 : vector<16xi32>
        %gather3A_575 = tpu.vector_load_idx %arg13[%add3A_353, %or3A_574] : memref<160x128xf32, #tpu.memory_space<vmem>>[vector<16xi32>, vector<16xi32>], vector<16xf32>,
        %gather3A_576 = tpu.vector_load_idx %arg14[%add3A_353, %or3A_574] : memref<160x128xf32, #tpu.memory_space<vmem>>[vector<16xi32>, vector<16xi32>], vector<16xf32>,
        %add3A_577 = arith.addf %gather3A_575, %gather3A_576 : vector<16xf32>
        %mul3A_578 = arith.constant 2.000000e-01 : f32
        %mul3A_579 = vector.broadcast %mul3A_578 : f32 to vector<16xf32>
        %mul3A_580 = arith.mulf %mul3A_579, %add3A_577 : vector<16xf32>
        %max3A_581 = arith.maximumf %add3A_577, %mul3A_580 : vector<16xf32>
        %add3A_582 = arith.constant 11 : i32
        %add3A_583 = arith.addi %mul3A_346, %add3A_582 : i32
        %get3A_584 = arith.index_cast %add3A_583 : i32 to index
        %get3A_585 = arith.constant 0 : index
        %get3A_586 = tpu.vector_load %arg16[%get3A_584, %get3A_585] {strides = array<i32>} : memref<128x16xf32, #tpu.memory_space<vmem>>, vector<16xf32>,
        %mul3A_587 = arith.mulf %get3A_586, %max3A_581 : vector<16xf32>
        %add3A_588 = arith.addf %add3A_512, %mul3A_587 : vector<16xf32>
        %xor3A_589 = arith.constant 12 : i32
        %xor3A_590 = vector.broadcast %xor3A_589 : i32 to vector<16xi32>
        %xor3A_591 = arith.xori %iota3A, %xor3A_590 : vector<16xi32>
        %or3A_592 = vector.broadcast %mul3A_346 : i32 to vector<16xi32>
        %or3A_593 = arith.ori %xor3A_591, %or3A_592 : vector<16xi32>
        %gather3A_594 = tpu.vector_load_idx %arg13[%add3A_353, %or3A_593] : memref<160x128xf32, #tpu.memory_space<vmem>>[vector<16xi32>, vector<16xi32>], vector<16xf32>,
        %gather3A_595 = tpu.vector_load_idx %arg14[%add3A_353, %or3A_593] : memref<160x128xf32, #tpu.memory_space<vmem>>[vector<16xi32>, vector<16xi32>], vector<16xf32>,
        %add3A_596 = arith.addf %gather3A_594, %gather3A_595 : vector<16xf32>
        %mul3A_597 = arith.constant 2.000000e-01 : f32
        %mul3A_598 = vector.broadcast %mul3A_597 : f32 to vector<16xf32>
        %mul3A_599 = arith.mulf %mul3A_598, %add3A_596 : vector<16xf32>
        %max3A_600 = arith.maximumf %add3A_596, %mul3A_599 : vector<16xf32>
        %add3A_601 = arith.constant 12 : i32
        %add3A_602 = arith.addi %mul3A_346, %add3A_601 : i32
        %get3A_603 = arith.index_cast %add3A_602 : i32 to index
        %get3A_604 = arith.constant 0 : index
        %get3A_605 = tpu.vector_load %arg16[%get3A_603, %get3A_604] {strides = array<i32>} : memref<128x16xf32, #tpu.memory_space<vmem>>, vector<16xf32>,
        %mul3A_606 = arith.mulf %get3A_605, %max3A_600 : vector<16xf32>
        %add3A_607 = arith.addf %add3A_531, %mul3A_606 : vector<16xf32>
        %xor3A_608 = arith.constant 13 : i32
        %xor3A_609 = vector.broadcast %xor3A_608 : i32 to vector<16xi32>
        %xor3A_610 = arith.xori %iota3A, %xor3A_609 : vector<16xi32>
        %or3A_611 = vector.broadcast %mul3A_346 : i32 to vector<16xi32>
        %or3A_612 = arith.ori %xor3A_610, %or3A_611 : vector<16xi32>
        %gather3A_613 = tpu.vector_load_idx %arg13[%add3A_353, %or3A_612] : memref<160x128xf32, #tpu.memory_space<vmem>>[vector<16xi32>, vector<16xi32>], vector<16xf32>,
        %gather3A_614 = tpu.vector_load_idx %arg14[%add3A_353, %or3A_612] : memref<160x128xf32, #tpu.memory_space<vmem>>[vector<16xi32>, vector<16xi32>], vector<16xf32>,
        %add3A_615 = arith.addf %gather3A_613, %gather3A_614 : vector<16xf32>
        %mul3A_616 = arith.constant 2.000000e-01 : f32
        %mul3A_617 = vector.broadcast %mul3A_616 : f32 to vector<16xf32>
        %mul3A_618 = arith.mulf %mul3A_617, %add3A_615 : vector<16xf32>
        %max3A_619 = arith.maximumf %add3A_615, %mul3A_618 : vector<16xf32>
        %add3A_620 = arith.constant 13 : i32
        %add3A_621 = arith.addi %mul3A_346, %add3A_620 : i32
        %get3A_622 = arith.index_cast %add3A_621 : i32 to index
        %get3A_623 = arith.constant 0 : index
        %get3A_624 = tpu.vector_load %arg16[%get3A_622, %get3A_623] {strides = array<i32>} : memref<128x16xf32, #tpu.memory_space<vmem>>, vector<16xf32>,
        %mul3A_625 = arith.mulf %get3A_624, %max3A_619 : vector<16xf32>
        %add3A_626 = arith.addf %add3A_550, %mul3A_625 : vector<16xf32>
        %xor3A_627 = arith.constant 14 : i32
        %xor3A_628 = vector.broadcast %xor3A_627 : i32 to vector<16xi32>
        %xor3A_629 = arith.xori %iota3A, %xor3A_628 : vector<16xi32>
        %or3A_630 = vector.broadcast %mul3A_346 : i32 to vector<16xi32>
        %or3A_631 = arith.ori %xor3A_629, %or3A_630 : vector<16xi32>
        %gather3A_632 = tpu.vector_load_idx %arg13[%add3A_353, %or3A_631] : memref<160x128xf32, #tpu.memory_space<vmem>>[vector<16xi32>, vector<16xi32>], vector<16xf32>,
        %gather3A_633 = tpu.vector_load_idx %arg14[%add3A_353, %or3A_631] : memref<160x128xf32, #tpu.memory_space<vmem>>[vector<16xi32>, vector<16xi32>], vector<16xf32>,
        %add3A_634 = arith.addf %gather3A_632, %gather3A_633 : vector<16xf32>
        %mul3A_635 = arith.constant 2.000000e-01 : f32
        %mul3A_636 = vector.broadcast %mul3A_635 : f32 to vector<16xf32>
        %mul3A_637 = arith.mulf %mul3A_636, %add3A_634 : vector<16xf32>
        %max3A_638 = arith.maximumf %add3A_634, %mul3A_637 : vector<16xf32>
        %add3A_639 = arith.constant 14 : i32
        %add3A_640 = arith.addi %mul3A_346, %add3A_639 : i32
        %get3A_641 = arith.index_cast %add3A_640 : i32 to index
        %get3A_642 = arith.constant 0 : index
        %get3A_643 = tpu.vector_load %arg16[%get3A_641, %get3A_642] {strides = array<i32>} : memref<128x16xf32, #tpu.memory_space<vmem>>, vector<16xf32>,
        %mul3A_644 = arith.mulf %get3A_643, %max3A_638 : vector<16xf32>
        %add3A_645 = arith.addf %add3A_569, %mul3A_644 : vector<16xf32>
        %xor3A_646 = arith.constant 15 : i32
        %xor3A_647 = vector.broadcast %xor3A_646 : i32 to vector<16xi32>
        %xor3A_648 = arith.xori %iota3A, %xor3A_647 : vector<16xi32>
        %or3A_649 = vector.broadcast %mul3A_346 : i32 to vector<16xi32>
        %or3A_650 = arith.ori %xor3A_648, %or3A_649 : vector<16xi32>
        %gather3A_651 = tpu.vector_load_idx %arg13[%add3A_353, %or3A_650] : memref<160x128xf32, #tpu.memory_space<vmem>>[vector<16xi32>, vector<16xi32>], vector<16xf32>,
        %gather3A_652 = tpu.vector_load_idx %arg14[%add3A_353, %or3A_650] : memref<160x128xf32, #tpu.memory_space<vmem>>[vector<16xi32>, vector<16xi32>], vector<16xf32>,
        %add3A_653 = arith.addf %gather3A_651, %gather3A_652 : vector<16xf32>
        %mul3A_654 = arith.constant 2.000000e-01 : f32
        %mul3A_655 = vector.broadcast %mul3A_654 : f32 to vector<16xf32>
        %mul3A_656 = arith.mulf %mul3A_655, %add3A_653 : vector<16xf32>
        %max3A_657 = arith.maximumf %add3A_653, %mul3A_656 : vector<16xf32>
        %add3A_658 = arith.constant 15 : i32
        %add3A_659 = arith.addi %mul3A_346, %add3A_658 : i32
        %get3A_660 = arith.index_cast %add3A_659 : i32 to index
        %get3A_661 = arith.constant 0 : index
        %get3A_662 = tpu.vector_load %arg16[%get3A_660, %get3A_661] {strides = array<i32>} : memref<128x16xf32, #tpu.memory_space<vmem>>, vector<16xf32>,
        %mul3A_663 = arith.mulf %get3A_662, %max3A_657 : vector<16xf32>
        %add3A_664 = arith.addf %add3A_588, %mul3A_663 : vector<16xf32>
        %add3A_665 = arith.addf %add3A_607, %add3A_626 : vector<16xf32>
        %add3A_666 = arith.addf %add3A_645, %add3A_664 : vector<16xf32>
        %add3A_667 = arith.addf %add3A_665, %add3A_666 : vector<16xf32>
        %exp3A = math.exp %add3A_667 : vector<16xf32>
        %jit3A_668 = arith.constant 0.000000e+00 : f32
        %broadcast_in_dim3A_669 = vector.broadcast %jit3A_668 : f32 to vector<16xf32>
        %select_n3A_670 = arith.select %lt3A_358, %exp3A, %broadcast_in_dim3A_669 : vector<16xi1>, vector<16xf32>
        %broadcast_in_dim3A_671 = arith.constant 1 : i32
        %broadcast_in_dim3A_672 = vector.broadcast %broadcast_in_dim3A_671 : i32 to vector<16xi32>
        %mul3A_673 = vector.broadcast %select_n3A_341 : i32 to vector<16xi32>
        %mul3A_674 = arith.muli %broadcast_in_dim3A_672, %mul3A_673 : vector<16xi32>
        tpu.vector_store_idx %arg15[%add3A_353, %mul3A_674], %select_n3A_670 : memref<160x8xf32, #tpu.memory_space<vmem>>[vector<16xi32>, vector<16xi32>], vector<16xf32>,
        %xor3A_675 = arith.constant 0 : i32
        %xor3A_676 = vector.broadcast %xor3A_675 : i32 to vector<16xi32>
        %xor3A_677 = arith.xori %iota3A, %xor3A_676 : vector<16xi32>
        %or3A_678 = vector.broadcast %mul3A_346 : i32 to vector<16xi32>
        %or3A_679 = arith.ori %xor3A_677, %or3A_678 : vector<16xi32>
        %mul3A_680 = arith.mulf %select_n3A_670, %gather3A : vector<16xf32>
        tpu.vector_store_idx %arg14[%add3A_353, %or3A_679], %mul3A_680 : memref<160x128xf32, #tpu.memory_space<vmem>>[vector<16xi32>, vector<16xi32>], vector<16xf32>,
        %xor3A_681 = arith.constant 1 : i32
        %xor3A_682 = vector.broadcast %xor3A_681 : i32 to vector<16xi32>
        %xor3A_683 = arith.xori %iota3A, %xor3A_682 : vector<16xi32>
        %or3A_684 = vector.broadcast %mul3A_346 : i32 to vector<16xi32>
        %or3A_685 = arith.ori %xor3A_683, %or3A_684 : vector<16xi32>
        %mul3A_686 = arith.mulf %select_n3A_670, %gather3A_385 : vector<16xf32>
        tpu.vector_store_idx %arg14[%add3A_353, %or3A_685], %mul3A_686 : memref<160x128xf32, #tpu.memory_space<vmem>>[vector<16xi32>, vector<16xi32>], vector<16xf32>,
        %xor3A_687 = arith.constant 2 : i32
        %xor3A_688 = vector.broadcast %xor3A_687 : i32 to vector<16xi32>
        %xor3A_689 = arith.xori %iota3A, %xor3A_688 : vector<16xi32>
        %or3A_690 = vector.broadcast %mul3A_346 : i32 to vector<16xi32>
        %or3A_691 = arith.ori %xor3A_689, %or3A_690 : vector<16xi32>
        %mul3A_692 = arith.mulf %select_n3A_670, %gather3A_404 : vector<16xf32>
        tpu.vector_store_idx %arg14[%add3A_353, %or3A_691], %mul3A_692 : memref<160x128xf32, #tpu.memory_space<vmem>>[vector<16xi32>, vector<16xi32>], vector<16xf32>,
        %xor3A_693 = arith.constant 3 : i32
        %xor3A_694 = vector.broadcast %xor3A_693 : i32 to vector<16xi32>
        %xor3A_695 = arith.xori %iota3A, %xor3A_694 : vector<16xi32>
        %or3A_696 = vector.broadcast %mul3A_346 : i32 to vector<16xi32>
        %or3A_697 = arith.ori %xor3A_695, %or3A_696 : vector<16xi32>
        %mul3A_698 = arith.mulf %select_n3A_670, %gather3A_423 : vector<16xf32>
        tpu.vector_store_idx %arg14[%add3A_353, %or3A_697], %mul3A_698 : memref<160x128xf32, #tpu.memory_space<vmem>>[vector<16xi32>, vector<16xi32>], vector<16xf32>,
        %xor3A_699 = arith.constant 4 : i32
        %xor3A_700 = vector.broadcast %xor3A_699 : i32 to vector<16xi32>
        %xor3A_701 = arith.xori %iota3A, %xor3A_700 : vector<16xi32>
        %or3A_702 = vector.broadcast %mul3A_346 : i32 to vector<16xi32>
        %or3A_703 = arith.ori %xor3A_701, %or3A_702 : vector<16xi32>
        %mul3A_704 = arith.mulf %select_n3A_670, %gather3A_442 : vector<16xf32>
        tpu.vector_store_idx %arg14[%add3A_353, %or3A_703], %mul3A_704 : memref<160x128xf32, #tpu.memory_space<vmem>>[vector<16xi32>, vector<16xi32>], vector<16xf32>,
        %xor3A_705 = arith.constant 5 : i32
        %xor3A_706 = vector.broadcast %xor3A_705 : i32 to vector<16xi32>
        %xor3A_707 = arith.xori %iota3A, %xor3A_706 : vector<16xi32>
        %or3A_708 = vector.broadcast %mul3A_346 : i32 to vector<16xi32>
        %or3A_709 = arith.ori %xor3A_707, %or3A_708 : vector<16xi32>
        %mul3A_710 = arith.mulf %select_n3A_670, %gather3A_461 : vector<16xf32>
        tpu.vector_store_idx %arg14[%add3A_353, %or3A_709], %mul3A_710 : memref<160x128xf32, #tpu.memory_space<vmem>>[vector<16xi32>, vector<16xi32>], vector<16xf32>,
        %xor3A_711 = arith.constant 6 : i32
        %xor3A_712 = vector.broadcast %xor3A_711 : i32 to vector<16xi32>
        %xor3A_713 = arith.xori %iota3A, %xor3A_712 : vector<16xi32>
        %or3A_714 = vector.broadcast %mul3A_346 : i32 to vector<16xi32>
        %or3A_715 = arith.ori %xor3A_713, %or3A_714 : vector<16xi32>
        %mul3A_716 = arith.mulf %select_n3A_670, %gather3A_480 : vector<16xf32>
        tpu.vector_store_idx %arg14[%add3A_353, %or3A_715], %mul3A_716 : memref<160x128xf32, #tpu.memory_space<vmem>>[vector<16xi32>, vector<16xi32>], vector<16xf32>,
        %xor3A_717 = arith.constant 7 : i32
        %xor3A_718 = vector.broadcast %xor3A_717 : i32 to vector<16xi32>
        %xor3A_719 = arith.xori %iota3A, %xor3A_718 : vector<16xi32>
        %or3A_720 = vector.broadcast %mul3A_346 : i32 to vector<16xi32>
        %or3A_721 = arith.ori %xor3A_719, %or3A_720 : vector<16xi32>
        %mul3A_722 = arith.mulf %select_n3A_670, %gather3A_499 : vector<16xf32>
        tpu.vector_store_idx %arg14[%add3A_353, %or3A_721], %mul3A_722 : memref<160x128xf32, #tpu.memory_space<vmem>>[vector<16xi32>, vector<16xi32>], vector<16xf32>,
        %xor3A_723 = arith.constant 8 : i32
        %xor3A_724 = vector.broadcast %xor3A_723 : i32 to vector<16xi32>
        %xor3A_725 = arith.xori %iota3A, %xor3A_724 : vector<16xi32>
        %or3A_726 = vector.broadcast %mul3A_346 : i32 to vector<16xi32>
        %or3A_727 = arith.ori %xor3A_725, %or3A_726 : vector<16xi32>
        %mul3A_728 = arith.mulf %select_n3A_670, %gather3A_518 : vector<16xf32>
        tpu.vector_store_idx %arg14[%add3A_353, %or3A_727], %mul3A_728 : memref<160x128xf32, #tpu.memory_space<vmem>>[vector<16xi32>, vector<16xi32>], vector<16xf32>,
        %xor3A_729 = arith.constant 9 : i32
        %xor3A_730 = vector.broadcast %xor3A_729 : i32 to vector<16xi32>
        %xor3A_731 = arith.xori %iota3A, %xor3A_730 : vector<16xi32>
        %or3A_732 = vector.broadcast %mul3A_346 : i32 to vector<16xi32>
        %or3A_733 = arith.ori %xor3A_731, %or3A_732 : vector<16xi32>
        %mul3A_734 = arith.mulf %select_n3A_670, %gather3A_537 : vector<16xf32>
        tpu.vector_store_idx %arg14[%add3A_353, %or3A_733], %mul3A_734 : memref<160x128xf32, #tpu.memory_space<vmem>>[vector<16xi32>, vector<16xi32>], vector<16xf32>,
        %xor3A_735 = arith.constant 10 : i32
        %xor3A_736 = vector.broadcast %xor3A_735 : i32 to vector<16xi32>
        %xor3A_737 = arith.xori %iota3A, %xor3A_736 : vector<16xi32>
        %or3A_738 = vector.broadcast %mul3A_346 : i32 to vector<16xi32>
        %or3A_739 = arith.ori %xor3A_737, %or3A_738 : vector<16xi32>
        %mul3A_740 = arith.mulf %select_n3A_670, %gather3A_556 : vector<16xf32>
        tpu.vector_store_idx %arg14[%add3A_353, %or3A_739], %mul3A_740 : memref<160x128xf32, #tpu.memory_space<vmem>>[vector<16xi32>, vector<16xi32>], vector<16xf32>,
        %xor3A_741 = arith.constant 11 : i32
        %xor3A_742 = vector.broadcast %xor3A_741 : i32 to vector<16xi32>
        %xor3A_743 = arith.xori %iota3A, %xor3A_742 : vector<16xi32>
        %or3A_744 = vector.broadcast %mul3A_346 : i32 to vector<16xi32>
        %or3A_745 = arith.ori %xor3A_743, %or3A_744 : vector<16xi32>
        %mul3A_746 = arith.mulf %select_n3A_670, %gather3A_575 : vector<16xf32>
        tpu.vector_store_idx %arg14[%add3A_353, %or3A_745], %mul3A_746 : memref<160x128xf32, #tpu.memory_space<vmem>>[vector<16xi32>, vector<16xi32>], vector<16xf32>,
        %xor3A_747 = arith.constant 12 : i32
        %xor3A_748 = vector.broadcast %xor3A_747 : i32 to vector<16xi32>
        %xor3A_749 = arith.xori %iota3A, %xor3A_748 : vector<16xi32>
        %or3A_750 = vector.broadcast %mul3A_346 : i32 to vector<16xi32>
        %or3A_751 = arith.ori %xor3A_749, %or3A_750 : vector<16xi32>
        %mul3A_752 = arith.mulf %select_n3A_670, %gather3A_594 : vector<16xf32>
        tpu.vector_store_idx %arg14[%add3A_353, %or3A_751], %mul3A_752 : memref<160x128xf32, #tpu.memory_space<vmem>>[vector<16xi32>, vector<16xi32>], vector<16xf32>,
        %xor3A_753 = arith.constant 13 : i32
        %xor3A_754 = vector.broadcast %xor3A_753 : i32 to vector<16xi32>
        %xor3A_755 = arith.xori %iota3A, %xor3A_754 : vector<16xi32>
        %or3A_756 = vector.broadcast %mul3A_346 : i32 to vector<16xi32>
        %or3A_757 = arith.ori %xor3A_755, %or3A_756 : vector<16xi32>
        %mul3A_758 = arith.mulf %select_n3A_670, %gather3A_613 : vector<16xf32>
        tpu.vector_store_idx %arg14[%add3A_353, %or3A_757], %mul3A_758 : memref<160x128xf32, #tpu.memory_space<vmem>>[vector<16xi32>, vector<16xi32>], vector<16xf32>,
        %xor3A_759 = arith.constant 14 : i32
        %xor3A_760 = vector.broadcast %xor3A_759 : i32 to vector<16xi32>
        %xor3A_761 = arith.xori %iota3A, %xor3A_760 : vector<16xi32>
        %or3A_762 = vector.broadcast %mul3A_346 : i32 to vector<16xi32>
        %or3A_763 = arith.ori %xor3A_761, %or3A_762 : vector<16xi32>
        %mul3A_764 = arith.mulf %select_n3A_670, %gather3A_632 : vector<16xf32>
        tpu.vector_store_idx %arg14[%add3A_353, %or3A_763], %mul3A_764 : memref<160x128xf32, #tpu.memory_space<vmem>>[vector<16xi32>, vector<16xi32>], vector<16xf32>,
        %xor3A_765 = arith.constant 15 : i32
        %xor3A_766 = vector.broadcast %xor3A_765 : i32 to vector<16xi32>
        %xor3A_767 = arith.xori %iota3A, %xor3A_766 : vector<16xi32>
        %or3A_768 = vector.broadcast %mul3A_346 : i32 to vector<16xi32>
        %or3A_769 = arith.ori %xor3A_767, %or3A_768 : vector<16xi32>
        %mul3A_770 = arith.mulf %select_n3A_670, %gather3A_651 : vector<16xf32>
        tpu.vector_store_idx %arg14[%add3A_353, %or3A_769], %mul3A_770 : memref<160x128xf32, #tpu.memory_space<vmem>>[vector<16xi32>, vector<16xi32>], vector<16xf32>,
      }
      %scan3A_295 = arith.constant 40 : i32
      %dma_start3A_296 = arith.constant 1 : i32
      %dma_start3A_297 = arith.constant 80 : i32
      %dma_start3A_298 = arith.constant 0 : i32
      %dma_start3A_299 = tpu.memref_slice %arg14[%dma_start3A_297, %dma_start3A_298] : memref<160x128xf32, #tpu.memory_space<vmem>> -> memref<80x128xf32, #tpu.memory_space<vmem>>
      %dma_start3A_300 = arith.constant 0 : i32
      %dma_start3A_301 = tpu.memref_slice %arg12[%select_n3A_210, %dma_start3A_296, %dma_start3A_300] : memref<3x2x80xi32, #tpu.memory_space<vmem>> -> memref<1x1x80xi32, #tpu.memory_space<vmem>>
      %dma_start3A_302 = tpu.memref_squeeze %dma_start3A_301 : memref<1x1x80xi32, #tpu.memory_space<vmem>> -> memref<80xi32, #tpu.memory_space<vmem>>
      %dma_start3A_303 = arith.constant 0 : i32
      %dma_start3A_304 = arith.constant 0 : i32
      %dma_start3A_305 = tpu.memref_slice %arg10[%dma_start3A_303, %dma_start3A_304] : memref<10112x128xf32, #tpu.memory_space<vmem_shared>> -> memref<10112x128xf32, #tpu.memory_space<vmem_shared>>
      tpu.enqueue_indirect_dma source(%dma_start3A_299 : memref<80x128xf32, #tpu.memory_space<vmem>>) target(%dma_start3A_305 : memref<10112x128xf32, #tpu.memory_space<vmem_shared>>) offsets(%dma_start3A_302 : memref<80xi32, #tpu.memory_space<vmem>>) semaphore(%arg22 : memref<!tpu.dma_semaphore, #tpu.memory_space<semaphore_mem>>) {add = true}
      %dma_start3A_306 = arith.constant 1 : i32
      %dma_start3A_307 = arith.constant 80 : i32
      %dma_start3A_308 = arith.constant 0 : i32
      %dma_start3A_309 = tpu.memref_slice %arg15[%dma_start3A_307, %dma_start3A_308] : memref<160x8xf32, #tpu.memory_space<vmem>> -> memref<80x8xf32, #tpu.memory_space<vmem>>
      %dma_start3A_310 = arith.constant 0 : i32
      %dma_start3A_311 = tpu.memref_slice %arg12[%select_n3A_210, %dma_start3A_306, %dma_start3A_310] : memref<3x2x80xi32, #tpu.memory_space<vmem>> -> memref<1x1x80xi32, #tpu.memory_space<vmem>>
      %dma_start3A_312 = tpu.memref_squeeze %dma_start3A_311 : memref<1x1x80xi32, #tpu.memory_space<vmem>> -> memref<80xi32, #tpu.memory_space<vmem>>
      %dma_start3A_313 = arith.constant 0 : i32
      %dma_start3A_314 = arith.constant 0 : i32
      %dma_start3A_315 = tpu.memref_slice %arg11[%dma_start3A_313, %dma_start3A_314] : memref<10112x8xf32, #tpu.memory_space<vmem_shared>> -> memref<10112x8xf32, #tpu.memory_space<vmem_shared>>
      tpu.enqueue_indirect_dma source(%dma_start3A_309 : memref<80x8xf32, #tpu.memory_space<vmem>>) target(%dma_start3A_315 : memref<10112x8xf32, #tpu.memory_space<vmem_shared>>) offsets(%dma_start3A_312 : memref<80xi32, #tpu.memory_space<vmem>>) semaphore(%arg24 : memref<!tpu.dma_semaphore, #tpu.memory_space<semaphore_mem>>) {add = true}
    }
    %scan3A_48 = arith.constant 63 : i32
    %dma_wait3A = arith.constant 2 : i32
    %dma_wait3A_49 = arith.constant 1 : i32
    %dma_wait3A_50 = arith.constant 80 : i32
    %dma_wait3A_51 = arith.constant 0 : i32
    %dma_wait3A_52 = tpu.memref_slice %arg14[%dma_wait3A_50, %dma_wait3A_51] : memref<160x128xf32, #tpu.memory_space<vmem>> -> memref<80x128xf32, #tpu.memory_space<vmem>>
    %dma_wait3A_53 = arith.constant 0 : i32
    %dma_wait3A_54 = tpu.memref_slice %arg12[%dma_wait3A, %dma_wait3A_49, %dma_wait3A_53] : memref<3x2x80xi32, #tpu.memory_space<vmem>> -> memref<1x1x80xi32, #tpu.memory_space<vmem>>
    %dma_wait3A_55 = tpu.memref_squeeze %dma_wait3A_54 : memref<1x1x80xi32, #tpu.memory_space<vmem>> -> memref<80xi32, #tpu.memory_space<vmem>>
    %dma_wait3A_56 = arith.constant 0 : i32
    %dma_wait3A_57 = arith.constant 0 : i32
    %dma_wait3A_58 = tpu.memref_slice %arg10[%dma_wait3A_56, %dma_wait3A_57] : memref<10112x128xf32, #tpu.memory_space<vmem_shared>> -> memref<10112x128xf32, #tpu.memory_space<vmem_shared>>
    tpu.wait_indirect_dma semaphore(%arg22 : memref<!tpu.dma_semaphore, #tpu.memory_space<semaphore_mem>>) src(%dma_wait3A_52 : memref<80x128xf32, #tpu.memory_space<vmem>>) dst(%dma_wait3A_58 : memref<10112x128xf32, #tpu.memory_space<vmem_shared>>)
    %dma_wait3A_59 = arith.constant 2 : i32
    %dma_wait3A_60 = arith.constant 1 : i32
    %dma_wait3A_61 = arith.constant 80 : i32
    %dma_wait3A_62 = arith.constant 0 : i32
    %dma_wait3A_63 = tpu.memref_slice %arg15[%dma_wait3A_61, %dma_wait3A_62] : memref<160x8xf32, #tpu.memory_space<vmem>> -> memref<80x8xf32, #tpu.memory_space<vmem>>
    %dma_wait3A_64 = arith.constant 0 : i32
    %dma_wait3A_65 = tpu.memref_slice %arg12[%dma_wait3A_59, %dma_wait3A_60, %dma_wait3A_64] : memref<3x2x80xi32, #tpu.memory_space<vmem>> -> memref<1x1x80xi32, #tpu.memory_space<vmem>>
    %dma_wait3A_66 = tpu.memref_squeeze %dma_wait3A_65 : memref<1x1x80xi32, #tpu.memory_space<vmem>> -> memref<80xi32, #tpu.memory_space<vmem>>
    %dma_wait3A_67 = arith.constant 0 : i32
    %dma_wait3A_68 = arith.constant 0 : i32
    %dma_wait3A_69 = tpu.memref_slice %arg11[%dma_wait3A_67, %dma_wait3A_68] : memref<10112x8xf32, #tpu.memory_space<vmem_shared>> -> memref<10112x8xf32, #tpu.memory_space<vmem_shared>>
    tpu.wait_indirect_dma semaphore(%arg24 : memref<!tpu.dma_semaphore, #tpu.memory_space<semaphore_mem>>) src(%dma_wait3A_63 : memref<80x8xf32, #tpu.memory_space<vmem>>) dst(%dma_wait3A_69 : memref<10112x8xf32, #tpu.memory_space<vmem_shared>>)
    %barrier3A_70 = arith.constant 0 : index
    tpu.barrier barrier_id(%barrier3A_70)
    "tpu.region"() ({
      %run_scoped3A_71 = tpu.sem_alloc : memref<!tpu.dma_semaphore, #tpu.memory_space<semaphore_mem>>
      %dma_start3A_72 = arith.constant 0 : i32
      %dma_start3A_73 = tpu.memref_slice %arg8[%arg0, %mul3A_2, %dma_start3A_72] : memref<2x10112x128xf32, #tpu.memory_space<hbm>> -> memref<1x632x128xf32, #tpu.memory_space<hbm>>
      %dma_start3A_74 = tpu.memref_squeeze %dma_start3A_73 : memref<1x632x128xf32, #tpu.memory_space<hbm>> -> memref<632x128xf32, #tpu.memory_space<hbm>>
      %dma_start3A_75 = arith.constant 0 : i32
      %dma_start3A_76 = tpu.memref_slice %arg10[%mul3A_2, %dma_start3A_75] : memref<10112x128xf32, #tpu.memory_space<vmem_shared>> -> memref<632x128xf32, #tpu.memory_space<vmem_shared>>
      tpu.enqueue_dma source(%dma_start3A_76 : memref<632x128xf32, #tpu.memory_space<vmem_shared>>) target(%dma_start3A_74 : memref<632x128xf32, #tpu.memory_space<hbm>>) target_semaphore(%run_scoped3A_71 : memref<!tpu.dma_semaphore, #tpu.memory_space<semaphore_mem>>)
      %dma_wait3A_77 = arith.constant 0 : i32
      %dma_wait3A_78 = tpu.memref_slice %arg8[%arg0, %mul3A_2, %dma_wait3A_77] : memref<2x10112x128xf32, #tpu.memory_space<hbm>> -> memref<1x632x128xf32, #tpu.memory_space<hbm>>
      %dma_wait3A_79 = tpu.memref_squeeze %dma_wait3A_78 : memref<1x632x128xf32, #tpu.memory_space<hbm>> -> memref<632x128xf32, #tpu.memory_space<hbm>>
      %dma_wait3A_80 = arith.constant 0 : i32
      %dma_wait3A_81 = tpu.memref_slice %arg10[%mul3A_2, %dma_wait3A_80] : memref<10112x128xf32, #tpu.memory_space<vmem_shared>> -> memref<632x128xf32, #tpu.memory_space<vmem_shared>>
      tpu.wait_dma2 semaphore(%run_scoped3A_71 : memref<!tpu.dma_semaphore, #tpu.memory_space<semaphore_mem>>) src(%dma_wait3A_81 : memref<632x128xf32, #tpu.memory_space<vmem_shared>>) dst(%dma_wait3A_79 : memref<632x128xf32, #tpu.memory_space<hbm>>)
      tpu.yield
    }) : () -> ()
    "tpu.region"() ({
      %run_scoped3A_71 = tpu.sem_alloc : memref<!tpu.dma_semaphore, #tpu.memory_space<semaphore_mem>>
      %dma_start3A_72 = arith.constant 0 : i32
      %dma_start3A_73 = tpu.memref_slice %arg9[%arg0, %mul3A_2, %dma_start3A_72] : memref<2x10112x8xf32, #tpu.memory_space<hbm>> -> memref<1x632x8xf32, #tpu.memory_space<hbm>>
      %dma_start3A_74 = tpu.memref_squeeze %dma_start3A_73 : memref<1x632x8xf32, #tpu.memory_space<hbm>> -> memref<632x8xf32, #tpu.memory_space<hbm>>
      %dma_start3A_75 = arith.constant 0 : i32
      %dma_start3A_76 = tpu.memref_slice %arg11[%mul3A_2, %dma_start3A_75] : memref<10112x8xf32, #tpu.memory_space<vmem_shared>> -> memref<632x8xf32, #tpu.memory_space<vmem_shared>>
      tpu.enqueue_dma source(%dma_start3A_76 : memref<632x8xf32, #tpu.memory_space<vmem_shared>>) target(%dma_start3A_74 : memref<632x8xf32, #tpu.memory_space<hbm>>) target_semaphore(%run_scoped3A_71 : memref<!tpu.dma_semaphore, #tpu.memory_space<semaphore_mem>>)
      %dma_wait3A_77 = arith.constant 0 : i32
      %dma_wait3A_78 = tpu.memref_slice %arg9[%arg0, %mul3A_2, %dma_wait3A_77] : memref<2x10112x8xf32, #tpu.memory_space<hbm>> -> memref<1x632x8xf32, #tpu.memory_space<hbm>>
      %dma_wait3A_79 = tpu.memref_squeeze %dma_wait3A_78 : memref<1x632x8xf32, #tpu.memory_space<hbm>> -> memref<632x8xf32, #tpu.memory_space<hbm>>
      %dma_wait3A_80 = arith.constant 0 : i32
      %dma_wait3A_81 = tpu.memref_slice %arg11[%mul3A_2, %dma_wait3A_80] : memref<10112x8xf32, #tpu.memory_space<vmem_shared>> -> memref<632x8xf32, #tpu.memory_space<vmem_shared>>
      tpu.wait_dma2 semaphore(%run_scoped3A_71 : memref<!tpu.dma_semaphore, #tpu.memory_space<semaphore_mem>>) src(%dma_wait3A_81 : memref<632x8xf32, #tpu.memory_space<vmem_shared>>) dst(%dma_wait3A_79 : memref<632x8xf32, #tpu.memory_space<hbm>>)
      tpu.yield
    }) : () -> ()
    return
  }
}

#map = affine_map<(d0, d1) -> (0, 0)>
#map1 = affine_map<(d0, d1) -> (0, 0, 0)>
module attributes {stable_mosaic.version = 14 : i64} {
  func.func @k(%arg0: i32, %arg1: i32, %arg2: memref<10000x16xf32, #tpu.memory_space<hbm>>, %arg3: memref<10000x16xf32, #tpu.memory_space<hbm>>, %arg4: memref<2560x2x128xi32, #tpu.memory_space<hbm>>, %arg5: memref<16x16xf32, #tpu.memory_space<hbm>>, %arg6: memref<632x16xf32, #tpu.memory_space<hbm>>, %arg7: memref<632x8xf32, #tpu.memory_space<hbm>>, %arg8: memref<2x10112x16xf32, #tpu.memory_space<hbm>>, %arg9: memref<2x10112x8xf32, #tpu.memory_space<hbm>>, %arg10: memref<10112x16xf32, #tpu.memory_space<vmem_shared>>, %arg11: memref<10112x8xf32, #tpu.memory_space<vmem_shared>>, %arg12: memref<3x2x128xi32, #tpu.memory_space<vmem>>, %arg13: memref<256x16xf32, #tpu.memory_space<vmem>>, %arg14: memref<256x16xf32, #tpu.memory_space<vmem>>, %arg15: memref<256x8xf32, #tpu.memory_space<vmem>>, %arg16: memref<16x16xf32, #tpu.memory_space<vmem>>, %arg17: memref<!tpu.dma_semaphore, #tpu.memory_space<semaphore_mem>>, %arg18: memref<!tpu.dma_semaphore, #tpu.memory_space<semaphore_mem>>, %arg19: memref<!tpu.dma_semaphore, #tpu.memory_space<semaphore_mem>>, %arg20: memref<!tpu.dma_semaphore, #tpu.memory_space<semaphore_mem>>, %arg21: memref<!tpu.dma_semaphore, #tpu.memory_space<semaphore_mem>>, %arg22: memref<!tpu.dma_semaphore, #tpu.memory_space<semaphore_mem>>, %arg23: memref<!tpu.dma_semaphore, #tpu.memory_space<semaphore_mem>>, %arg24: memref<!tpu.dma_semaphore, #tpu.memory_space<semaphore_mem>>, %arg25: memref<!tpu.dma_semaphore, #tpu.memory_space<semaphore_mem>>) attributes {dimension_semantics = [#tpu.dimension_semantics<core_parallel>, #tpu.dimension_semantics<subcore_parallel>], iteration_bounds = array<i64: 2, 16>, scalar_prefetch = 0 : i64, scratch_operands = 16 : i64, tpu.core_type = #tpu.core_type<sc_vector_subcore>, window_params = [{transform_indices = #map}, {transform_indices = #map}, {transform_indices = #map1}, {transform_indices = #map}, {transform_indices = #map}, {transform_indices = #map}, {transform_indices = #map1}, {transform_indices = #map1}]} {
    %mul3A = arith.constant 16 : i32
    %mul3A_0 = arith.muli %arg0, %mul3A : i32
    %add3A = arith.addi %mul3A_0, %arg1 : i32
    %mul3A_1 = arith.constant 632 : i32
    %mul3A_2 = arith.muli %arg1, %mul3A_1 : i32
    "tpu.region"() ({
      %run_scoped3A_107 = tpu.sem_alloc : memref<!tpu.dma_semaphore, #tpu.memory_space<semaphore_mem>>
      %dma_start3A_108 = arith.constant 0 : i32
      %dma_start3A_109 = tpu.memref_slice %arg10[%mul3A_2, %dma_start3A_108] : memref<10112x16xf32, #tpu.memory_space<vmem_shared>> -> memref<632x16xf32, #tpu.memory_space<vmem_shared>>
      tpu.enqueue_dma source(%arg6 : memref<632x16xf32, #tpu.memory_space<hbm>>) target(%dma_start3A_109 : memref<632x16xf32, #tpu.memory_space<vmem_shared>>) target_semaphore(%run_scoped3A_107 : memref<!tpu.dma_semaphore, #tpu.memory_space<semaphore_mem>>)
      %dma_wait3A_110 = arith.constant 0 : i32
      %dma_wait3A_111 = tpu.memref_slice %arg10[%mul3A_2, %dma_wait3A_110] : memref<10112x16xf32, #tpu.memory_space<vmem_shared>> -> memref<632x16xf32, #tpu.memory_space<vmem_shared>>
      tpu.wait_dma2 semaphore(%run_scoped3A_107 : memref<!tpu.dma_semaphore, #tpu.memory_space<semaphore_mem>>) src(%arg6 : memref<632x16xf32, #tpu.memory_space<hbm>>) dst(%dma_wait3A_111 : memref<632x16xf32, #tpu.memory_space<vmem_shared>>)
      tpu.yield
    }) : () -> ()
    "tpu.region"() ({
      %run_scoped3A_107 = tpu.sem_alloc : memref<!tpu.dma_semaphore, #tpu.memory_space<semaphore_mem>>
      %dma_start3A_108 = arith.constant 0 : i32
      %dma_start3A_109 = tpu.memref_slice %arg11[%mul3A_2, %dma_start3A_108] : memref<10112x8xf32, #tpu.memory_space<vmem_shared>> -> memref<632x8xf32, #tpu.memory_space<vmem_shared>>
      tpu.enqueue_dma source(%arg7 : memref<632x8xf32, #tpu.memory_space<hbm>>) target(%dma_start3A_109 : memref<632x8xf32, #tpu.memory_space<vmem_shared>>) target_semaphore(%run_scoped3A_107 : memref<!tpu.dma_semaphore, #tpu.memory_space<semaphore_mem>>)
      %dma_wait3A_110 = arith.constant 0 : i32
      %dma_wait3A_111 = tpu.memref_slice %arg11[%mul3A_2, %dma_wait3A_110] : memref<10112x8xf32, #tpu.memory_space<vmem_shared>> -> memref<632x8xf32, #tpu.memory_space<vmem_shared>>
      tpu.wait_dma2 semaphore(%run_scoped3A_107 : memref<!tpu.dma_semaphore, #tpu.memory_space<semaphore_mem>>) src(%arg7 : memref<632x8xf32, #tpu.memory_space<hbm>>) dst(%dma_wait3A_111 : memref<632x8xf32, #tpu.memory_space<vmem_shared>>)
      tpu.yield
    }) : () -> ()
    "tpu.region"() ({
      %run_scoped3A_107 = tpu.sem_alloc : memref<!tpu.dma_semaphore, #tpu.memory_space<semaphore_mem>>
      tpu.enqueue_dma source(%arg5 : memref<16x16xf32, #tpu.memory_space<hbm>>) target(%arg16 : memref<16x16xf32, #tpu.memory_space<vmem>>) target_semaphore(%run_scoped3A_107 : memref<!tpu.dma_semaphore, #tpu.memory_space<semaphore_mem>>)
      tpu.wait_dma2 semaphore(%run_scoped3A_107 : memref<!tpu.dma_semaphore, #tpu.memory_space<semaphore_mem>>) src(%arg5 : memref<16x16xf32, #tpu.memory_space<hbm>>) dst(%arg16 : memref<16x16xf32, #tpu.memory_space<vmem>>)
      tpu.yield
    }) : () -> ()
    %broadcast_in_dim3A = arith.constant 0.000000e+00 : f32
    %broadcast_in_dim3A_3 = vector.broadcast %broadcast_in_dim3A : f32 to vector<16xf32>
    %scan3A = arith.constant 0 : i32
    %scan3A_4 = arith.constant 16 : i32
    %scan3A_5 = arith.addi %scan3A, %scan3A_4 : i32
    %scan3A_6 = arith.constant 1 : i32
    scf.for %scan3A_107 = %scan3A to %scan3A_5 step %scan3A_6  : i32 {
      %mul3A_108 = arith.constant 1 : i32
      %mul3A_109 = arith.muli %scan3A_107, %mul3A_108 : i32
      %add3A_110 = arith.constant 0 : i32
      %add3A_111 = arith.addi %add3A_110, %mul3A_109 : i32
      %iota3A = tpu.iota {dimensions = array<i32: 0>} : vector<16xi32>
      %mul3A_112 = arith.constant 16 : i32
      %mul3A_113 = arith.muli %add3A_111, %mul3A_112 : i32
      %add3A_114 = vector.broadcast %mul3A_113 : i32 to vector<16xi32>
      %add3A_115 = arith.addi %iota3A, %add3A_114 : vector<16xi32>
      %broadcast_in_dim3A_116 = arith.constant 1 : i32
      %broadcast_in_dim3A_117 = vector.broadcast %broadcast_in_dim3A_116 : i32 to vector<16xi32>
      tpu.vector_store_idx %arg15[%add3A_115, %broadcast_in_dim3A_117], %broadcast_in_dim3A_3 : memref<256x8xf32, #tpu.memory_space<vmem>>[vector<16xi32>, vector<16xi32>], vector<16xf32>,
    }
    %scan3A_7 = arith.constant 16 : i32
    %scan3A_8 = arith.constant 0 : i32
    %scan3A_9 = arith.constant 16 : i32
    %scan3A_10 = arith.addi %scan3A_8, %scan3A_9 : i32
    %scan3A_11 = arith.constant 1 : i32
    scf.for %scan3A_107 = %scan3A_8 to %scan3A_10 step %scan3A_11  : i32 {
      %mul3A_108 = arith.constant 1 : i32
      %mul3A_109 = arith.muli %scan3A_107, %mul3A_108 : i32
      %add3A_110 = arith.constant 0 : i32
      %add3A_111 = arith.addi %add3A_110, %mul3A_109 : i32
      %iota3A = tpu.iota {dimensions = array<i32: 0>} : vector<16xi32>
      %mul3A_112 = arith.constant 16 : i32
      %mul3A_113 = arith.muli %add3A_111, %mul3A_112 : i32
      %add3A_114 = vector.broadcast %mul3A_113 : i32 to vector<16xi32>
      %add3A_115 = arith.addi %iota3A, %add3A_114 : vector<16xi32>
      %broadcast_in_dim3A_116 = arith.constant 2 : i32
      %broadcast_in_dim3A_117 = vector.broadcast %broadcast_in_dim3A_116 : i32 to vector<16xi32>
      tpu.vector_store_idx %arg15[%add3A_115, %broadcast_in_dim3A_117], %broadcast_in_dim3A_3 : memref<256x8xf32, #tpu.memory_space<vmem>>[vector<16xi32>, vector<16xi32>], vector<16xf32>,
    }
    %scan3A_12 = arith.constant 16 : i32
    %scan3A_13 = arith.constant 0 : i32
    %scan3A_14 = arith.constant 16 : i32
    %scan3A_15 = arith.addi %scan3A_13, %scan3A_14 : i32
    %scan3A_16 = arith.constant 1 : i32
    scf.for %scan3A_107 = %scan3A_13 to %scan3A_15 step %scan3A_16  : i32 {
      %mul3A_108 = arith.constant 1 : i32
      %mul3A_109 = arith.muli %scan3A_107, %mul3A_108 : i32
      %add3A_110 = arith.constant 0 : i32
      %add3A_111 = arith.addi %add3A_110, %mul3A_109 : i32
      %iota3A = tpu.iota {dimensions = array<i32: 0>} : vector<16xi32>
      %mul3A_112 = arith.constant 16 : i32
      %mul3A_113 = arith.muli %add3A_111, %mul3A_112 : i32
      %add3A_114 = vector.broadcast %mul3A_113 : i32 to vector<16xi32>
      %add3A_115 = arith.addi %iota3A, %add3A_114 : vector<16xi32>
      %broadcast_in_dim3A_116 = arith.constant 3 : i32
      %broadcast_in_dim3A_117 = vector.broadcast %broadcast_in_dim3A_116 : i32 to vector<16xi32>
      tpu.vector_store_idx %arg15[%add3A_115, %broadcast_in_dim3A_117], %broadcast_in_dim3A_3 : memref<256x8xf32, #tpu.memory_space<vmem>>[vector<16xi32>, vector<16xi32>], vector<16xf32>,
    }
    %scan3A_17 = arith.constant 16 : i32
    %scan3A_18 = arith.constant 0 : i32
    %scan3A_19 = arith.constant 16 : i32
    %scan3A_20 = arith.addi %scan3A_18, %scan3A_19 : i32
    %scan3A_21 = arith.constant 1 : i32
    scf.for %scan3A_107 = %scan3A_18 to %scan3A_20 step %scan3A_21  : i32 {
      %mul3A_108 = arith.constant 1 : i32
      %mul3A_109 = arith.muli %scan3A_107, %mul3A_108 : i32
      %add3A_110 = arith.constant 0 : i32
      %add3A_111 = arith.addi %add3A_110, %mul3A_109 : i32
      %iota3A = tpu.iota {dimensions = array<i32: 0>} : vector<16xi32>
      %mul3A_112 = arith.constant 16 : i32
      %mul3A_113 = arith.muli %add3A_111, %mul3A_112 : i32
      %add3A_114 = vector.broadcast %mul3A_113 : i32 to vector<16xi32>
      %add3A_115 = arith.addi %iota3A, %add3A_114 : vector<16xi32>
      %broadcast_in_dim3A_116 = arith.constant 4 : i32
      %broadcast_in_dim3A_117 = vector.broadcast %broadcast_in_dim3A_116 : i32 to vector<16xi32>
      tpu.vector_store_idx %arg15[%add3A_115, %broadcast_in_dim3A_117], %broadcast_in_dim3A_3 : memref<256x8xf32, #tpu.memory_space<vmem>>[vector<16xi32>, vector<16xi32>], vector<16xf32>,
    }
    %scan3A_22 = arith.constant 16 : i32
    %scan3A_23 = arith.constant 0 : i32
    %scan3A_24 = arith.constant 16 : i32
    %scan3A_25 = arith.addi %scan3A_23, %scan3A_24 : i32
    %scan3A_26 = arith.constant 1 : i32
    scf.for %scan3A_107 = %scan3A_23 to %scan3A_25 step %scan3A_26  : i32 {
      %mul3A_108 = arith.constant 1 : i32
      %mul3A_109 = arith.muli %scan3A_107, %mul3A_108 : i32
      %add3A_110 = arith.constant 0 : i32
      %add3A_111 = arith.addi %add3A_110, %mul3A_109 : i32
      %iota3A = tpu.iota {dimensions = array<i32: 0>} : vector<16xi32>
      %mul3A_112 = arith.constant 16 : i32
      %mul3A_113 = arith.muli %add3A_111, %mul3A_112 : i32
      %add3A_114 = vector.broadcast %mul3A_113 : i32 to vector<16xi32>
      %add3A_115 = arith.addi %iota3A, %add3A_114 : vector<16xi32>
      %broadcast_in_dim3A_116 = arith.constant 5 : i32
      %broadcast_in_dim3A_117 = vector.broadcast %broadcast_in_dim3A_116 : i32 to vector<16xi32>
      tpu.vector_store_idx %arg15[%add3A_115, %broadcast_in_dim3A_117], %broadcast_in_dim3A_3 : memref<256x8xf32, #tpu.memory_space<vmem>>[vector<16xi32>, vector<16xi32>], vector<16xf32>,
    }
    %scan3A_27 = arith.constant 16 : i32
    %scan3A_28 = arith.constant 0 : i32
    %scan3A_29 = arith.constant 16 : i32
    %scan3A_30 = arith.addi %scan3A_28, %scan3A_29 : i32
    %scan3A_31 = arith.constant 1 : i32
    scf.for %scan3A_107 = %scan3A_28 to %scan3A_30 step %scan3A_31  : i32 {
      %mul3A_108 = arith.constant 1 : i32
      %mul3A_109 = arith.muli %scan3A_107, %mul3A_108 : i32
      %add3A_110 = arith.constant 0 : i32
      %add3A_111 = arith.addi %add3A_110, %mul3A_109 : i32
      %iota3A = tpu.iota {dimensions = array<i32: 0>} : vector<16xi32>
      %mul3A_112 = arith.constant 16 : i32
      %mul3A_113 = arith.muli %add3A_111, %mul3A_112 : i32
      %add3A_114 = vector.broadcast %mul3A_113 : i32 to vector<16xi32>
      %add3A_115 = arith.addi %iota3A, %add3A_114 : vector<16xi32>
      %broadcast_in_dim3A_116 = arith.constant 6 : i32
      %broadcast_in_dim3A_117 = vector.broadcast %broadcast_in_dim3A_116 : i32 to vector<16xi32>
      tpu.vector_store_idx %arg15[%add3A_115, %broadcast_in_dim3A_117], %broadcast_in_dim3A_3 : memref<256x8xf32, #tpu.memory_space<vmem>>[vector<16xi32>, vector<16xi32>], vector<16xf32>,
    }
    %scan3A_32 = arith.constant 16 : i32
    %scan3A_33 = arith.constant 0 : i32
    %scan3A_34 = arith.constant 16 : i32
    %scan3A_35 = arith.addi %scan3A_33, %scan3A_34 : i32
    %scan3A_36 = arith.constant 1 : i32
    scf.for %scan3A_107 = %scan3A_33 to %scan3A_35 step %scan3A_36  : i32 {
      %mul3A_108 = arith.constant 1 : i32
      %mul3A_109 = arith.muli %scan3A_107, %mul3A_108 : i32
      %add3A_110 = arith.constant 0 : i32
      %add3A_111 = arith.addi %add3A_110, %mul3A_109 : i32
      %iota3A = tpu.iota {dimensions = array<i32: 0>} : vector<16xi32>
      %mul3A_112 = arith.constant 16 : i32
      %mul3A_113 = arith.muli %add3A_111, %mul3A_112 : i32
      %add3A_114 = vector.broadcast %mul3A_113 : i32 to vector<16xi32>
      %add3A_115 = arith.addi %iota3A, %add3A_114 : vector<16xi32>
      %broadcast_in_dim3A_116 = arith.constant 7 : i32
      %broadcast_in_dim3A_117 = vector.broadcast %broadcast_in_dim3A_116 : i32 to vector<16xi32>
      tpu.vector_store_idx %arg15[%add3A_115, %broadcast_in_dim3A_117], %broadcast_in_dim3A_3 : memref<256x8xf32, #tpu.memory_space<vmem>>[vector<16xi32>, vector<16xi32>], vector<16xf32>,
    }
    %scan3A_37 = arith.constant 16 : i32
    %barrier3A = arith.constant 0 : index
    tpu.barrier barrier_id(%barrier3A)
    %mul3A_38 = arith.constant 80 : i32
    %mul3A_39 = arith.muli %add3A, %mul3A_38 : i32
    %run_scoped3A = arith.constant 0 : i32
    "tpu.region"() ({
      %run_scoped3A_107 = tpu.sem_alloc : memref<!tpu.dma_semaphore, #tpu.memory_space<semaphore_mem>>
      %dma_start3A_108 = arith.constant 0 : i32
      %dma_start3A_109 = arith.constant 0 : i32
      %dma_start3A_110 = tpu.memref_slice %arg12[%run_scoped3A, %dma_start3A_108, %dma_start3A_109] : memref<3x2x128xi32, #tpu.memory_space<vmem>> -> memref<1x2x128xi32, #tpu.memory_space<vmem>>
      %dma_start3A_111 = tpu.memref_squeeze %dma_start3A_110 : memref<1x2x128xi32, #tpu.memory_space<vmem>> -> memref<2x128xi32, #tpu.memory_space<vmem>>
      %dma_start3A_112 = arith.constant 0 : i32
      %dma_start3A_113 = arith.constant 0 : i32
      %dma_start3A_114 = tpu.memref_slice %arg4[%mul3A_39, %dma_start3A_112, %dma_start3A_113] : memref<2560x2x128xi32, #tpu.memory_space<hbm>> -> memref<1x2x128xi32, #tpu.memory_space<hbm>>
      %dma_start3A_115 = tpu.memref_squeeze %dma_start3A_114 : memref<1x2x128xi32, #tpu.memory_space<hbm>> -> memref<2x128xi32, #tpu.memory_space<hbm>>
      %dma_start3A_116 = arith.constant 0 : i32
      %dma_start3A_117 = arith.constant 0 : i32
      %dma_start3A_118 = tpu.memref_slice %arg12[%run_scoped3A, %dma_start3A_116, %dma_start3A_117] : memref<3x2x128xi32, #tpu.memory_space<vmem>> -> memref<1x2x128xi32, #tpu.memory_space<vmem>>
      %dma_start3A_119 = tpu.memref_squeeze %dma_start3A_118 : memref<1x2x128xi32, #tpu.memory_space<vmem>> -> memref<2x128xi32, #tpu.memory_space<vmem>>
      %dma_start3A_120 = arith.constant 0 : i32
      %dma_start3A_121 = arith.constant 0 : i32
      %dma_start3A_122 = tpu.memref_slice %arg4[%mul3A_39, %dma_start3A_120, %dma_start3A_121] : memref<2560x2x128xi32, #tpu.memory_space<hbm>> -> memref<1x2x128xi32, #tpu.memory_space<hbm>>
      %dma_start3A_123 = tpu.memref_squeeze %dma_start3A_122 : memref<1x2x128xi32, #tpu.memory_space<hbm>> -> memref<2x128xi32, #tpu.memory_space<hbm>>
      tpu.enqueue_dma source(%dma_start3A_123 : memref<2x128xi32, #tpu.memory_space<hbm>>) target(%dma_start3A_119 : memref<2x128xi32, #tpu.memory_space<vmem>>) target_semaphore(%run_scoped3A_107 : memref<!tpu.dma_semaphore, #tpu.memory_space<semaphore_mem>>)
      %dma_wait3A_124 = arith.constant 0 : i32
      %dma_wait3A_125 = arith.constant 0 : i32
      %dma_wait3A_126 = tpu.memref_slice %arg12[%run_scoped3A, %dma_wait3A_124, %dma_wait3A_125] : memref<3x2x128xi32, #tpu.memory_space<vmem>> -> memref<1x2x128xi32, #tpu.memory_space<vmem>>
      %dma_wait3A_127 = tpu.memref_squeeze %dma_wait3A_126 : memref<1x2x128xi32, #tpu.memory_space<vmem>> -> memref<2x128xi32, #tpu.memory_space<vmem>>
      %dma_wait3A_128 = arith.constant 0 : i32
      %dma_wait3A_129 = arith.constant 0 : i32
      %dma_wait3A_130 = tpu.memref_slice %arg4[%mul3A_39, %dma_wait3A_128, %dma_wait3A_129] : memref<2560x2x128xi32, #tpu.memory_space<hbm>> -> memref<1x2x128xi32, #tpu.memory_space<hbm>>
      %dma_wait3A_131 = tpu.memref_squeeze %dma_wait3A_130 : memref<1x2x128xi32, #tpu.memory_space<hbm>> -> memref<2x128xi32, #tpu.memory_space<hbm>>
      %dma_wait3A_132 = arith.constant 0 : i32
      %dma_wait3A_133 = arith.constant 0 : i32
      %dma_wait3A_134 = tpu.memref_slice %arg12[%run_scoped3A, %dma_wait3A_132, %dma_wait3A_133] : memref<3x2x128xi32, #tpu.memory_space<vmem>> -> memref<1x2x128xi32, #tpu.memory_space<vmem>>
      %dma_wait3A_135 = tpu.memref_squeeze %dma_wait3A_134 : memref<1x2x128xi32, #tpu.memory_space<vmem>> -> memref<2x128xi32, #tpu.memory_space<vmem>>
      %dma_wait3A_136 = arith.constant 0 : i32
      %dma_wait3A_137 = arith.constant 0 : i32
      %dma_wait3A_138 = tpu.memref_slice %arg4[%mul3A_39, %dma_wait3A_136, %dma_wait3A_137] : memref<2560x2x128xi32, #tpu.memory_space<hbm>> -> memref<1x2x128xi32, #tpu.memory_space<hbm>>
      %dma_wait3A_139 = tpu.memref_squeeze %dma_wait3A_138 : memref<1x2x128xi32, #tpu.memory_space<hbm>> -> memref<2x128xi32, #tpu.memory_space<hbm>>
      tpu.wait_dma2 semaphore(%run_scoped3A_107 : memref<!tpu.dma_semaphore, #tpu.memory_space<semaphore_mem>>) src(%dma_wait3A_139 : memref<2x128xi32, #tpu.memory_space<hbm>>) dst(%dma_wait3A_135 : memref<2x128xi32, #tpu.memory_space<vmem>>)
      tpu.yield
    }) : () -> ()
    %dma_start3A = arith.constant 0 : i32
    %dma_start3A_40 = arith.constant 0 : i32
    %dma_start3A_41 = arith.constant 0 : i32
    %dma_start3A_42 = arith.constant 0 : i32
    %dma_start3A_43 = tpu.memref_slice %arg13[%dma_start3A_41, %dma_start3A_42] : memref<256x16xf32, #tpu.memory_space<vmem>> -> memref<128x16xf32, #tpu.memory_space<vmem>>
    %dma_start3A_44 = arith.constant 0 : i32
    %dma_start3A_45 = tpu.memref_slice %arg12[%dma_start3A, %dma_start3A_40, %dma_start3A_44] : memref<3x2x128xi32, #tpu.memory_space<vmem>> -> memref<1x1x128xi32, #tpu.memory_space<vmem>>
    %dma_start3A_46 = tpu.memref_squeeze %dma_start3A_45 : memref<1x1x128xi32, #tpu.memory_space<vmem>> -> memref<128xi32, #tpu.memory_space<vmem>>
    %dma_start3A_47 = arith.constant 0 : i32
    %dma_start3A_48 = arith.constant 0 : i32
    %dma_start3A_49 = tpu.memref_slice %arg2[%dma_start3A_47, %dma_start3A_48] : memref<10000x16xf32, #tpu.memory_space<hbm>> -> memref<10000x16xf32, #tpu.memory_space<hbm>>
    tpu.enqueue_indirect_dma source(%dma_start3A_49 : memref<10000x16xf32, #tpu.memory_space<hbm>>) target(%dma_start3A_43 : memref<128x16xf32, #tpu.memory_space<vmem>>) offsets(%dma_start3A_46 : memref<128xi32, #tpu.memory_space<vmem>>) semaphore(%arg17 : memref<!tpu.dma_semaphore, #tpu.memory_space<semaphore_mem>>)
    %dma_start3A_50 = arith.constant 0 : i32
    %dma_start3A_51 = arith.constant 1 : i32
    %dma_start3A_52 = arith.constant 0 : i32
    %dma_start3A_53 = arith.constant 0 : i32
    %dma_start3A_54 = tpu.memref_slice %arg14[%dma_start3A_52, %dma_start3A_53] : memref<256x16xf32, #tpu.memory_space<vmem>> -> memref<128x16xf32, #tpu.memory_space<vmem>>
    %dma_start3A_55 = arith.constant 0 : i32
    %dma_start3A_56 = tpu.memref_slice %arg12[%dma_start3A_50, %dma_start3A_51, %dma_start3A_55] : memref<3x2x128xi32, #tpu.memory_space<vmem>> -> memref<1x1x128xi32, #tpu.memory_space<vmem>>
    %dma_start3A_57 = tpu.memref_squeeze %dma_start3A_56 : memref<1x1x128xi32, #tpu.memory_space<vmem>> -> memref<128xi32, #tpu.memory_space<vmem>>
    %dma_start3A_58 = arith.constant 0 : i32
    %dma_start3A_59 = arith.constant 0 : i32
    %dma_start3A_60 = tpu.memref_slice %arg3[%dma_start3A_58, %dma_start3A_59] : memref<10000x16xf32, #tpu.memory_space<hbm>> -> memref<10000x16xf32, #tpu.memory_space<hbm>>
    tpu.enqueue_indirect_dma source(%dma_start3A_60 : memref<10000x16xf32, #tpu.memory_space<hbm>>) target(%dma_start3A_54 : memref<128x16xf32, #tpu.memory_space<vmem>>) offsets(%dma_start3A_57 : memref<128xi32, #tpu.memory_space<vmem>>) semaphore(%arg19 : memref<!tpu.dma_semaphore, #tpu.memory_space<semaphore_mem>>)
    %add3A_61 = arith.constant 1 : i32
    %add3A_62 = arith.addi %mul3A_39, %add3A_61 : i32
    %dma_start3A_63 = arith.constant 1 : i32
    %dma_start3A_64 = arith.constant 0 : i32
    %dma_start3A_65 = arith.constant 0 : i32
    %dma_start3A_66 = tpu.memref_slice %arg12[%dma_start3A_63, %dma_start3A_64, %dma_start3A_65] : memref<3x2x128xi32, #tpu.memory_space<vmem>> -> memref<1x2x128xi32, #tpu.memory_space<vmem>>
    %dma_start3A_67 = tpu.memref_squeeze %dma_start3A_66 : memref<1x2x128xi32, #tpu.memory_space<vmem>> -> memref<2x128xi32, #tpu.memory_space<vmem>>
    %dma_start3A_68 = arith.constant 0 : i32
    %dma_start3A_69 = arith.constant 0 : i32
    %dma_start3A_70 = tpu.memref_slice %arg4[%add3A_62, %dma_start3A_68, %dma_start3A_69] : memref<2560x2x128xi32, #tpu.memory_space<hbm>> -> memref<1x2x128xi32, #tpu.memory_space<hbm>>
    %dma_start3A_71 = tpu.memref_squeeze %dma_start3A_70 : memref<1x2x128xi32, #tpu.memory_space<hbm>> -> memref<2x128xi32, #tpu.memory_space<hbm>>
    %dma_start3A_72 = arith.constant 0 : i32
    %dma_start3A_73 = arith.constant 0 : i32
    %dma_start3A_74 = tpu.memref_slice %arg12[%dma_start3A_63, %dma_start3A_72, %dma_start3A_73] : memref<3x2x128xi32, #tpu.memory_space<vmem>> -> memref<1x2x128xi32, #tpu.memory_space<vmem>>
    %dma_start3A_75 = tpu.memref_squeeze %dma_start3A_74 : memref<1x2x128xi32, #tpu.memory_space<vmem>> -> memref<2x128xi32, #tpu.memory_space<vmem>>
    %dma_start3A_76 = arith.constant 0 : i32
    %dma_start3A_77 = arith.constant 0 : i32
    %dma_start3A_78 = tpu.memref_slice %arg4[%add3A_62, %dma_start3A_76, %dma_start3A_77] : memref<2560x2x128xi32, #tpu.memory_space<hbm>> -> memref<1x2x128xi32, #tpu.memory_space<hbm>>
    %dma_start3A_79 = tpu.memref_squeeze %dma_start3A_78 : memref<1x2x128xi32, #tpu.memory_space<hbm>> -> memref<2x128xi32, #tpu.memory_space<hbm>>
    tpu.enqueue_dma source(%dma_start3A_79 : memref<2x128xi32, #tpu.memory_space<hbm>>) target(%dma_start3A_75 : memref<2x128xi32, #tpu.memory_space<vmem>>) target_semaphore(%arg25 : memref<!tpu.dma_semaphore, #tpu.memory_space<semaphore_mem>>)
    %scan3A_80 = arith.constant 0 : i32
    %scan3A_81 = arith.constant 40 : i32
    %scan3A_82 = arith.addi %scan3A_80, %scan3A_81 : i32
    %scan3A_83 = arith.constant 1 : i32
    scf.for %scan3A_107 = %scan3A_80 to %scan3A_82 step %scan3A_83  : i32 {
      %mul3A_108 = arith.constant 1 : i32
      %mul3A_109 = arith.muli %scan3A_107, %mul3A_108 : i32
      %add3A_110 = arith.constant 0 : i32
      %add3A_111 = arith.addi %add3A_110, %mul3A_109 : i32
      %mul3A_112 = arith.constant 2 : i32
      %mul3A_113 = arith.muli %add3A_111, %mul3A_112 : i32
      %add3A_114 = arith.constant 0 : i32
      %add3A_115 = arith.addi %mul3A_113, %add3A_114 : i32
      %jit3A = arith.constant 3 : i32
      %eq3A = arith.constant 0 : i32
      %eq3A_116 = arith.cmpi eq, %jit3A, %eq3A : i32
      %jit3A_117 = arith.constant 1 : i32
      %select_n3A = arith.select %eq3A_116, %jit3A_117, %jit3A : i32
      %rem3A = arith.remsi %add3A_115, %select_n3A : i32
      %ne3A = arith.constant 0 : i32
      %ne3A_118 = arith.cmpi ne, %rem3A, %ne3A : i32
      %lt3A = arith.constant 0 : i32
      %lt3A_119 = arith.cmpi slt, %rem3A, %lt3A : i32
      %lt3A_120 = arith.constant 0 : i32
      %lt3A_121 = arith.cmpi slt, %select_n3A, %lt3A_120 : i32
      %ne3A_122 = arith.xori %lt3A_119, %lt3A_121 : i1
      %and3A = arith.andi %ne3A_122, %ne3A_118 : i1
      %add3A_123 = arith.addi %rem3A, %select_n3A : i32
      %select_n3A_124 = arith.select %and3A, %add3A_123, %rem3A : i32
      %add3A_125 = arith.constant 1 : i32
      %add3A_126 = arith.addi %add3A_115, %add3A_125 : i32
      %jit3A_127 = arith.constant 3 : i32
      %eq3A_128 = arith.constant 0 : i32
      %eq3A_129 = arith.cmpi eq, %jit3A_127, %eq3A_128 : i32
      %jit3A_130 = arith.constant 1 : i32
      %select_n3A_131 = arith.select %eq3A_129, %jit3A_130, %jit3A_127 : i32
      %rem3A_132 = arith.remsi %add3A_126, %select_n3A_131 : i32
      %ne3A_133 = arith.constant 0 : i32
      %ne3A_134 = arith.cmpi ne, %rem3A_132, %ne3A_133 : i32
      %lt3A_135 = arith.constant 0 : i32
      %lt3A_136 = arith.cmpi slt, %rem3A_132, %lt3A_135 : i32
      %lt3A_137 = arith.constant 0 : i32
      %lt3A_138 = arith.cmpi slt, %select_n3A_131, %lt3A_137 : i32
      %ne3A_139 = arith.xori %lt3A_136, %lt3A_138 : i1
      %and3A_140 = arith.andi %ne3A_139, %ne3A_134 : i1
      %add3A_141 = arith.addi %rem3A_132, %select_n3A_131 : i32
      %select_n3A_142 = arith.select %and3A_140, %add3A_141, %rem3A_132 : i32
      %add3A_143 = arith.constant 2 : i32
      %add3A_144 = arith.addi %add3A_115, %add3A_143 : i32
      %jit3A_145 = arith.constant 3 : i32
      %eq3A_146 = arith.constant 0 : i32
      %eq3A_147 = arith.cmpi eq, %jit3A_145, %eq3A_146 : i32
      %jit3A_148 = arith.constant 1 : i32
      %select_n3A_149 = arith.select %eq3A_147, %jit3A_148, %jit3A_145 : i32
      %rem3A_150 = arith.remsi %add3A_144, %select_n3A_149 : i32
      %ne3A_151 = arith.constant 0 : i32
      %ne3A_152 = arith.cmpi ne, %rem3A_150, %ne3A_151 : i32
      %lt3A_153 = arith.constant 0 : i32
      %lt3A_154 = arith.cmpi slt, %rem3A_150, %lt3A_153 : i32
      %lt3A_155 = arith.constant 0 : i32
      %lt3A_156 = arith.cmpi slt, %select_n3A_149, %lt3A_155 : i32
      %ne3A_157 = arith.xori %lt3A_154, %lt3A_156 : i1
      %and3A_158 = arith.andi %ne3A_157, %ne3A_152 : i1
      %add3A_159 = arith.addi %rem3A_150, %select_n3A_149 : i32
      %select_n3A_160 = arith.select %and3A_158, %add3A_159, %rem3A_150 : i32
      %gt3A = arith.constant 0 : i32
      %gt3A_161 = arith.cmpi sgt, %add3A_115, %gt3A : i32
      %convert_element_type3A = arith.extui %gt3A_161 : i1 to i32
      %cond3A = arith.constant 0 : i32
      %cond3A_162 = arith.cmpi ne, %convert_element_type3A, %cond3A : i32
      scf.if %cond3A_162 {
        %dma_wait3A_352 = arith.constant 1 : i32
        %dma_wait3A_353 = arith.constant 128 : i32
        %dma_wait3A_354 = arith.constant 0 : i32
        %dma_wait3A_355 = tpu.memref_slice %arg14[%dma_wait3A_353, %dma_wait3A_354] : memref<256x16xf32, #tpu.memory_space<vmem>> -> memref<128x16xf32, #tpu.memory_space<vmem>>
        %dma_wait3A_356 = arith.constant 0 : i32
        %dma_wait3A_357 = tpu.memref_slice %arg12[%select_n3A_160, %dma_wait3A_352, %dma_wait3A_356] : memref<3x2x128xi32, #tpu.memory_space<vmem>> -> memref<1x1x128xi32, #tpu.memory_space<vmem>>
        %dma_wait3A_358 = tpu.memref_squeeze %dma_wait3A_357 : memref<1x1x128xi32, #tpu.memory_space<vmem>> -> memref<128xi32, #tpu.memory_space<vmem>>
        %dma_wait3A_359 = arith.constant 0 : i32
        %dma_wait3A_360 = arith.constant 0 : i32
        %dma_wait3A_361 = tpu.memref_slice %arg10[%dma_wait3A_359, %dma_wait3A_360] : memref<10112x16xf32, #tpu.memory_space<vmem_shared>> -> memref<10112x16xf32, #tpu.memory_space<vmem_shared>>
        tpu.wait_indirect_dma semaphore(%arg22 : memref<!tpu.dma_semaphore, #tpu.memory_space<semaphore_mem>>) src(%dma_wait3A_355 : memref<128x16xf32, #tpu.memory_space<vmem>>) dst(%dma_wait3A_361 : memref<10112x16xf32, #tpu.memory_space<vmem_shared>>)
        %dma_wait3A_362 = arith.constant 1 : i32
        %dma_wait3A_363 = arith.constant 128 : i32
        %dma_wait3A_364 = arith.constant 0 : i32
        %dma_wait3A_365 = tpu.memref_slice %arg15[%dma_wait3A_363, %dma_wait3A_364] : memref<256x8xf32, #tpu.memory_space<vmem>> -> memref<128x8xf32, #tpu.memory_space<vmem>>
        %dma_wait3A_366 = arith.constant 0 : i32
        %dma_wait3A_367 = tpu.memref_slice %arg12[%select_n3A_160, %dma_wait3A_362, %dma_wait3A_366] : memref<3x2x128xi32, #tpu.memory_space<vmem>> -> memref<1x1x128xi32, #tpu.memory_space<vmem>>
        %dma_wait3A_368 = tpu.memref_squeeze %dma_wait3A_367 : memref<1x1x128xi32, #tpu.memory_space<vmem>> -> memref<128xi32, #tpu.memory_space<vmem>>
        %dma_wait3A_369 = arith.constant 0 : i32
        %dma_wait3A_370 = arith.constant 0 : i32
        %dma_wait3A_371 = tpu.memref_slice %arg11[%dma_wait3A_369, %dma_wait3A_370] : memref<10112x8xf32, #tpu.memory_space<vmem_shared>> -> memref<10112x8xf32, #tpu.memory_space<vmem_shared>>
        tpu.wait_indirect_dma semaphore(%arg24 : memref<!tpu.dma_semaphore, #tpu.memory_space<semaphore_mem>>) src(%dma_wait3A_365 : memref<128x8xf32, #tpu.memory_space<vmem>>) dst(%dma_wait3A_371 : memref<10112x8xf32, #tpu.memory_space<vmem_shared>>)
      } else {
      }
      %add3A_163 = arith.constant 1 : i32
      %add3A_164 = arith.addi %add3A_115, %add3A_163 : i32
      %lt3A_165 = arith.constant 80 : i32
      %lt3A_166 = arith.cmpi slt, %add3A_164, %lt3A_165 : i32
      %convert_element_type3A_167 = arith.extui %lt3A_166 : i1 to i32
      %cond3A_168 = arith.constant 0 : i32
      %cond3A_169 = arith.cmpi ne, %convert_element_type3A_167, %cond3A_168 : i32
      scf.if %cond3A_169 {
        %add3A_352 = arith.addi %mul3A_39, %add3A_115 : i32
        %add3A_353 = arith.constant 1 : i32
        %add3A_354 = arith.addi %add3A_352, %add3A_353 : i32
        %dma_wait3A_355 = arith.constant 0 : i32
        %dma_wait3A_356 = arith.constant 0 : i32
        %dma_wait3A_357 = tpu.memref_slice %arg12[%select_n3A_142, %dma_wait3A_355, %dma_wait3A_356] : memref<3x2x128xi32, #tpu.memory_space<vmem>> -> memref<1x2x128xi32, #tpu.memory_space<vmem>>
        %dma_wait3A_358 = tpu.memref_squeeze %dma_wait3A_357 : memref<1x2x128xi32, #tpu.memory_space<vmem>> -> memref<2x128xi32, #tpu.memory_space<vmem>>
        %dma_wait3A_359 = arith.constant 0 : i32
        %dma_wait3A_360 = arith.constant 0 : i32
        %dma_wait3A_361 = tpu.memref_slice %arg4[%add3A_354, %dma_wait3A_359, %dma_wait3A_360] : memref<2560x2x128xi32, #tpu.memory_space<hbm>> -> memref<1x2x128xi32, #tpu.memory_space<hbm>>
        %dma_wait3A_362 = tpu.memref_squeeze %dma_wait3A_361 : memref<1x2x128xi32, #tpu.memory_space<hbm>> -> memref<2x128xi32, #tpu.memory_space<hbm>>
        %dma_wait3A_363 = arith.constant 0 : i32
        %dma_wait3A_364 = arith.constant 0 : i32
        %dma_wait3A_365 = tpu.memref_slice %arg12[%select_n3A_142, %dma_wait3A_363, %dma_wait3A_364] : memref<3x2x128xi32, #tpu.memory_space<vmem>> -> memref<1x2x128xi32, #tpu.memory_space<vmem>>
        %dma_wait3A_366 = tpu.memref_squeeze %dma_wait3A_365 : memref<1x2x128xi32, #tpu.memory_space<vmem>> -> memref<2x128xi32, #tpu.memory_space<vmem>>
        %dma_wait3A_367 = arith.constant 0 : i32
        %dma_wait3A_368 = arith.constant 0 : i32
        %dma_wait3A_369 = tpu.memref_slice %arg4[%add3A_354, %dma_wait3A_367, %dma_wait3A_368] : memref<2560x2x128xi32, #tpu.memory_space<hbm>> -> memref<1x2x128xi32, #tpu.memory_space<hbm>>
        %dma_wait3A_370 = tpu.memref_squeeze %dma_wait3A_369 : memref<1x2x128xi32, #tpu.memory_space<hbm>> -> memref<2x128xi32, #tpu.memory_space<hbm>>
        tpu.wait_dma2 semaphore(%arg25 : memref<!tpu.dma_semaphore, #tpu.memory_space<semaphore_mem>>) src(%dma_wait3A_370 : memref<2x128xi32, #tpu.memory_space<hbm>>) dst(%dma_wait3A_366 : memref<2x128xi32, #tpu.memory_space<vmem>>)
        %dma_start3A_371 = arith.constant 0 : i32
        %dma_start3A_372 = arith.constant 128 : i32
        %dma_start3A_373 = arith.constant 0 : i32
        %dma_start3A_374 = tpu.memref_slice %arg13[%dma_start3A_372, %dma_start3A_373] : memref<256x16xf32, #tpu.memory_space<vmem>> -> memref<128x16xf32, #tpu.memory_space<vmem>>
        %dma_start3A_375 = arith.constant 0 : i32
        %dma_start3A_376 = tpu.memref_slice %arg12[%select_n3A_142, %dma_start3A_371, %dma_start3A_375] : memref<3x2x128xi32, #tpu.memory_space<vmem>> -> memref<1x1x128xi32, #tpu.memory_space<vmem>>
        %dma_start3A_377 = tpu.memref_squeeze %dma_start3A_376 : memref<1x1x128xi32, #tpu.memory_space<vmem>> -> memref<128xi32, #tpu.memory_space<vmem>>
        %dma_start3A_378 = arith.constant 0 : i32
        %dma_start3A_379 = arith.constant 0 : i32
        %dma_start3A_380 = tpu.memref_slice %arg2[%dma_start3A_378, %dma_start3A_379] : memref<10000x16xf32, #tpu.memory_space<hbm>> -> memref<10000x16xf32, #tpu.memory_space<hbm>>
        tpu.enqueue_indirect_dma source(%dma_start3A_380 : memref<10000x16xf32, #tpu.memory_space<hbm>>) target(%dma_start3A_374 : memref<128x16xf32, #tpu.memory_space<vmem>>) offsets(%dma_start3A_377 : memref<128xi32, #tpu.memory_space<vmem>>) semaphore(%arg18 : memref<!tpu.dma_semaphore, #tpu.memory_space<semaphore_mem>>)
        %dma_start3A_381 = arith.constant 1 : i32
        %dma_start3A_382 = arith.constant 128 : i32
        %dma_start3A_383 = arith.constant 0 : i32
        %dma_start3A_384 = tpu.memref_slice %arg14[%dma_start3A_382, %dma_start3A_383] : memref<256x16xf32, #tpu.memory_space<vmem>> -> memref<128x16xf32, #tpu.memory_space<vmem>>
        %dma_start3A_385 = arith.constant 0 : i32
        %dma_start3A_386 = tpu.memref_slice %arg12[%select_n3A_142, %dma_start3A_381, %dma_start3A_385] : memref<3x2x128xi32, #tpu.memory_space<vmem>> -> memref<1x1x128xi32, #tpu.memory_space<vmem>>
        %dma_start3A_387 = tpu.memref_squeeze %dma_start3A_386 : memref<1x1x128xi32, #tpu.memory_space<vmem>> -> memref<128xi32, #tpu.memory_space<vmem>>
        %dma_start3A_388 = arith.constant 0 : i32
        %dma_start3A_389 = arith.constant 0 : i32
        %dma_start3A_390 = tpu.memref_slice %arg3[%dma_start3A_388, %dma_start3A_389] : memref<10000x16xf32, #tpu.memory_space<hbm>> -> memref<10000x16xf32, #tpu.memory_space<hbm>>
        tpu.enqueue_indirect_dma source(%dma_start3A_390 : memref<10000x16xf32, #tpu.memory_space<hbm>>) target(%dma_start3A_384 : memref<128x16xf32, #tpu.memory_space<vmem>>) offsets(%dma_start3A_387 : memref<128xi32, #tpu.memory_space<vmem>>) semaphore(%arg20 : memref<!tpu.dma_semaphore, #tpu.memory_space<semaphore_mem>>)
      } else {
      }
      %dma_wait3A_170 = arith.constant 0 : i32
      %dma_wait3A_171 = arith.constant 0 : i32
      %dma_wait3A_172 = arith.constant 0 : i32
      %dma_wait3A_173 = tpu.memref_slice %arg13[%dma_wait3A_171, %dma_wait3A_172] : memref<256x16xf32, #tpu.memory_space<vmem>> -> memref<128x16xf32, #tpu.memory_space<vmem>>
      %dma_wait3A_174 = arith.constant 0 : i32
      %dma_wait3A_175 = tpu.memref_slice %arg12[%select_n3A_124, %dma_wait3A_170, %dma_wait3A_174] : memref<3x2x128xi32, #tpu.memory_space<vmem>> -> memref<1x1x128xi32, #tpu.memory_space<vmem>>
      %dma_wait3A_176 = tpu.memref_squeeze %dma_wait3A_175 : memref<1x1x128xi32, #tpu.memory_space<vmem>> -> memref<128xi32, #tpu.memory_space<vmem>>
      %dma_wait3A_177 = arith.constant 0 : i32
      %dma_wait3A_178 = arith.constant 0 : i32
      %dma_wait3A_179 = tpu.memref_slice %arg2[%dma_wait3A_177, %dma_wait3A_178] : memref<10000x16xf32, #tpu.memory_space<hbm>> -> memref<10000x16xf32, #tpu.memory_space<hbm>>
      tpu.wait_indirect_dma semaphore(%arg17 : memref<!tpu.dma_semaphore, #tpu.memory_space<semaphore_mem>>) src(%dma_wait3A_179 : memref<10000x16xf32, #tpu.memory_space<hbm>>) dst(%dma_wait3A_173 : memref<128x16xf32, #tpu.memory_space<vmem>>)
      %dma_wait3A_180 = arith.constant 1 : i32
      %dma_wait3A_181 = arith.constant 0 : i32
      %dma_wait3A_182 = arith.constant 0 : i32
      %dma_wait3A_183 = tpu.memref_slice %arg14[%dma_wait3A_181, %dma_wait3A_182] : memref<256x16xf32, #tpu.memory_space<vmem>> -> memref<128x16xf32, #tpu.memory_space<vmem>>
      %dma_wait3A_184 = arith.constant 0 : i32
      %dma_wait3A_185 = tpu.memref_slice %arg12[%select_n3A_124, %dma_wait3A_180, %dma_wait3A_184] : memref<3x2x128xi32, #tpu.memory_space<vmem>> -> memref<1x1x128xi32, #tpu.memory_space<vmem>>
      %dma_wait3A_186 = tpu.memref_squeeze %dma_wait3A_185 : memref<1x1x128xi32, #tpu.memory_space<vmem>> -> memref<128xi32, #tpu.memory_space<vmem>>
      %dma_wait3A_187 = arith.constant 0 : i32
      %dma_wait3A_188 = arith.constant 0 : i32
      %dma_wait3A_189 = tpu.memref_slice %arg3[%dma_wait3A_187, %dma_wait3A_188] : memref<10000x16xf32, #tpu.memory_space<hbm>> -> memref<10000x16xf32, #tpu.memory_space<hbm>>
      tpu.wait_indirect_dma semaphore(%arg19 : memref<!tpu.dma_semaphore, #tpu.memory_space<semaphore_mem>>) src(%dma_wait3A_189 : memref<10000x16xf32, #tpu.memory_space<hbm>>) dst(%dma_wait3A_183 : memref<128x16xf32, #tpu.memory_space<vmem>>)
      %add3A_190 = arith.constant 2 : i32
      %add3A_191 = arith.addi %add3A_115, %add3A_190 : i32
      %lt3A_192 = arith.constant 80 : i32
      %lt3A_193 = arith.cmpi slt, %add3A_191, %lt3A_192 : i32
      %convert_element_type3A_194 = arith.extui %lt3A_193 : i1 to i32
      %cond3A_195 = arith.constant 0 : i32
      %cond3A_196 = arith.cmpi ne, %convert_element_type3A_194, %cond3A_195 : i32
      scf.if %cond3A_196 {
        %add3A_352 = arith.addi %mul3A_39, %add3A_115 : i32
        %add3A_353 = arith.constant 2 : i32
        %add3A_354 = arith.addi %add3A_352, %add3A_353 : i32
        %dma_start3A_355 = arith.constant 0 : i32
        %dma_start3A_356 = arith.constant 0 : i32
        %dma_start3A_357 = tpu.memref_slice %arg12[%select_n3A_160, %dma_start3A_355, %dma_start3A_356] : memref<3x2x128xi32, #tpu.memory_space<vmem>> -> memref<1x2x128xi32, #tpu.memory_space<vmem>>
        %dma_start3A_358 = tpu.memref_squeeze %dma_start3A_357 : memref<1x2x128xi32, #tpu.memory_space<vmem>> -> memref<2x128xi32, #tpu.memory_space<vmem>>
        %dma_start3A_359 = arith.constant 0 : i32
        %dma_start3A_360 = arith.constant 0 : i32
        %dma_start3A_361 = tpu.memref_slice %arg4[%add3A_354, %dma_start3A_359, %dma_start3A_360] : memref<2560x2x128xi32, #tpu.memory_space<hbm>> -> memref<1x2x128xi32, #tpu.memory_space<hbm>>
        %dma_start3A_362 = tpu.memref_squeeze %dma_start3A_361 : memref<1x2x128xi32, #tpu.memory_space<hbm>> -> memref<2x128xi32, #tpu.memory_space<hbm>>
        %dma_start3A_363 = arith.constant 0 : i32
        %dma_start3A_364 = arith.constant 0 : i32
        %dma_start3A_365 = tpu.memref_slice %arg12[%select_n3A_160, %dma_start3A_363, %dma_start3A_364] : memref<3x2x128xi32, #tpu.memory_space<vmem>> -> memref<1x2x128xi32, #tpu.memory_space<vmem>>
        %dma_start3A_366 = tpu.memref_squeeze %dma_start3A_365 : memref<1x2x128xi32, #tpu.memory_space<vmem>> -> memref<2x128xi32, #tpu.memory_space<vmem>>
        %dma_start3A_367 = arith.constant 0 : i32
        %dma_start3A_368 = arith.constant 0 : i32
        %dma_start3A_369 = tpu.memref_slice %arg4[%add3A_354, %dma_start3A_367, %dma_start3A_368] : memref<2560x2x128xi32, #tpu.memory_space<hbm>> -> memref<1x2x128xi32, #tpu.memory_space<hbm>>
        %dma_start3A_370 = tpu.memref_squeeze %dma_start3A_369 : memref<1x2x128xi32, #tpu.memory_space<hbm>> -> memref<2x128xi32, #tpu.memory_space<hbm>>
        tpu.enqueue_dma source(%dma_start3A_370 : memref<2x128xi32, #tpu.memory_space<hbm>>) target(%dma_start3A_366 : memref<2x128xi32, #tpu.memory_space<vmem>>) target_semaphore(%arg25 : memref<!tpu.dma_semaphore, #tpu.memory_space<semaphore_mem>>)
      } else {
      }
      %mul3A_197 = arith.constant 10240 : i32
      %mul3A_198 = arith.muli %add3A, %mul3A_197 : i32
      %mul3A_199 = arith.constant 128 : i32
      %mul3A_200 = arith.muli %add3A_115, %mul3A_199 : i32
      %add3A_201 = arith.addi %mul3A_198, %mul3A_200 : i32
      %scan3A_202 = arith.constant 0 : i32
      %scan3A_203 = arith.constant 8 : i32
      %scan3A_204 = arith.addi %scan3A_202, %scan3A_203 : i32
      %scan3A_205 = arith.constant 1 : i32
      scf.for %scan3A_352 = %scan3A_202 to %scan3A_204 step %scan3A_205  : i32 {
        %mul3A_353 = arith.constant 1 : i32
        %mul3A_354 = arith.muli %scan3A_352, %mul3A_353 : i32
        %add3A_355 = arith.constant 0 : i32
        %add3A_356 = arith.addi %add3A_355, %mul3A_354 : i32
        %jit3A_357 = arith.constant 8 : i32
        %div3A = arith.divsi %add3A_356, %jit3A_357 : i32
        %sign3A = arith.constant 0 : i32
        %sign3A_358 = arith.cmpi sgt, %add3A_356, %sign3A : i32
        %sign3A_359 = arith.extui %sign3A_358 : i1 to i32
        %sign3A_360 = arith.constant 0 : i32
        %sign3A_361 = arith.cmpi slt, %add3A_356, %sign3A_360 : i32
        %sign3A_362 = arith.extui %sign3A_361 : i1 to i32
        %sign3A_363 = arith.subi %sign3A_359, %sign3A_362 : i32
        %sign3A_364 = arith.constant 0 : i32
        %sign3A_365 = arith.cmpi sgt, %jit3A_357, %sign3A_364 : i32
        %sign3A_366 = arith.extui %sign3A_365 : i1 to i32
        %sign3A_367 = arith.constant 0 : i32
        %sign3A_368 = arith.cmpi slt, %jit3A_357, %sign3A_367 : i32
        %sign3A_369 = arith.extui %sign3A_368 : i1 to i32
        %sign3A_370 = arith.subi %sign3A_366, %sign3A_369 : i32
        %ne3A_371 = arith.cmpi ne, %sign3A_363, %sign3A_370 : i32
        %rem3A_372 = arith.remsi %add3A_356, %jit3A_357 : i32
        %ne3A_373 = arith.constant 0 : i32
        %ne3A_374 = arith.cmpi ne, %rem3A_372, %ne3A_373 : i32
        %and3A_375 = arith.andi %ne3A_371, %ne3A_374 : i1
        %sub3A = arith.constant 1 : i32
        %sub3A_376 = arith.subi %div3A, %sub3A : i32
        %select_n3A_377 = arith.select %and3A_375, %sub3A_376, %div3A : i32
        %mul3A_378 = arith.constant 8 : i32
        %mul3A_379 = arith.muli %select_n3A_377, %mul3A_378 : i32
        %sub3A_380 = arith.subi %add3A_356, %mul3A_379 : i32
        %mul3A_381 = arith.constant 16 : i32
        %mul3A_382 = arith.muli %select_n3A_377, %mul3A_381 : i32
        %iota3A = tpu.iota {dimensions = array<i32: 0>} : vector<16xi32>
        %mul3A_383 = arith.constant 16 : i32
        %mul3A_384 = arith.muli %sub3A_380, %mul3A_383 : i32
        %add3A_385 = vector.broadcast %mul3A_384 : i32 to vector<16xi32>
        %add3A_386 = arith.addi %iota3A, %add3A_385 : vector<16xi32>
        %add3A_387 = arith.constant 0 : i32
        %add3A_388 = vector.broadcast %add3A_387 : i32 to vector<16xi32>
        %add3A_389 = arith.addi %add3A_386, %add3A_388 : vector<16xi32>
        %add3A_390 = vector.broadcast %add3A_201 : i32 to vector<16xi32>
        %add3A_391 = arith.addi %add3A_390, %add3A_386 : vector<16xi32>
        %lt3A_392 = arith.constant 320000 : i32
        %lt3A_393 = vector.broadcast %lt3A_392 : i32 to vector<16xi32>
        %lt3A_394 = arith.cmpi slt, %add3A_391, %lt3A_393 : vector<16xi32>
        %broadcast_in_dim3A_395 = arith.constant 0.000000e+00 : f32
        %broadcast_in_dim3A_396 = vector.broadcast %broadcast_in_dim3A_395 : f32 to vector<16xf32>
        %broadcast_in_dim3A_397 = arith.constant 0.000000e+00 : f32
        %broadcast_in_dim3A_398 = vector.broadcast %broadcast_in_dim3A_397 : f32 to vector<16xf32>
        %broadcast_in_dim3A_399 = arith.constant 0.000000e+00 : f32
        %broadcast_in_dim3A_400 = vector.broadcast %broadcast_in_dim3A_399 : f32 to vector<16xf32>
        %broadcast_in_dim3A_401 = arith.constant 0.000000e+00 : f32
        %broadcast_in_dim3A_402 = vector.broadcast %broadcast_in_dim3A_401 : f32 to vector<16xf32>
        %xor3A = arith.constant 0 : i32
        %xor3A_403 = vector.broadcast %xor3A : i32 to vector<16xi32>
        %xor3A_404 = arith.xori %iota3A, %xor3A_403 : vector<16xi32>
        %or3A = vector.broadcast %mul3A_382 : i32 to vector<16xi32>
        %or3A_405 = arith.ori %xor3A_404, %or3A : vector<16xi32>
        %gather3A = tpu.vector_load_idx %arg13[%add3A_389, %or3A_405] : memref<256x16xf32, #tpu.memory_space<vmem>>[vector<16xi32>, vector<16xi32>], vector<16xf32>,
        %gather3A_406 = tpu.vector_load_idx %arg14[%add3A_389, %or3A_405] : memref<256x16xf32, #tpu.memory_space<vmem>>[vector<16xi32>, vector<16xi32>], vector<16xf32>,
        %add3A_407 = arith.addf %gather3A, %gather3A_406 : vector<16xf32>
        %mul3A_408 = arith.constant 2.000000e-01 : f32
        %mul3A_409 = vector.broadcast %mul3A_408 : f32 to vector<16xf32>
        %mul3A_410 = arith.mulf %mul3A_409, %add3A_407 : vector<16xf32>
        %max3A = arith.maximumf %add3A_407, %mul3A_410 : vector<16xf32>
        %add3A_411 = arith.constant 0 : i32
        %add3A_412 = arith.addi %mul3A_382, %add3A_411 : i32
        %get3A = arith.index_cast %add3A_412 : i32 to index
        %get3A_413 = arith.constant 0 : index
        %get3A_414 = tpu.vector_load %arg16[%get3A, %get3A_413] {strides = array<i32>} : memref<16x16xf32, #tpu.memory_space<vmem>>, vector<16xf32>,
        %mul3A_415 = arith.mulf %get3A_414, %max3A : vector<16xf32>
        %add3A_416 = arith.addf %broadcast_in_dim3A_396, %mul3A_415 : vector<16xf32>
        %xor3A_417 = arith.constant 1 : i32
        %xor3A_418 = vector.broadcast %xor3A_417 : i32 to vector<16xi32>
        %xor3A_419 = arith.xori %iota3A, %xor3A_418 : vector<16xi32>
        %or3A_420 = vector.broadcast %mul3A_382 : i32 to vector<16xi32>
        %or3A_421 = arith.ori %xor3A_419, %or3A_420 : vector<16xi32>
        %gather3A_422 = tpu.vector_load_idx %arg13[%add3A_389, %or3A_421] : memref<256x16xf32, #tpu.memory_space<vmem>>[vector<16xi32>, vector<16xi32>], vector<16xf32>,
        %gather3A_423 = tpu.vector_load_idx %arg14[%add3A_389, %or3A_421] : memref<256x16xf32, #tpu.memory_space<vmem>>[vector<16xi32>, vector<16xi32>], vector<16xf32>,
        %add3A_424 = arith.addf %gather3A_422, %gather3A_423 : vector<16xf32>
        %mul3A_425 = arith.constant 2.000000e-01 : f32
        %mul3A_426 = vector.broadcast %mul3A_425 : f32 to vector<16xf32>
        %mul3A_427 = arith.mulf %mul3A_426, %add3A_424 : vector<16xf32>
        %max3A_428 = arith.maximumf %add3A_424, %mul3A_427 : vector<16xf32>
        %add3A_429 = arith.constant 1 : i32
        %add3A_430 = arith.addi %mul3A_382, %add3A_429 : i32
        %get3A_431 = arith.index_cast %add3A_430 : i32 to index
        %get3A_432 = arith.constant 0 : index
        %get3A_433 = tpu.vector_load %arg16[%get3A_431, %get3A_432] {strides = array<i32>} : memref<16x16xf32, #tpu.memory_space<vmem>>, vector<16xf32>,
        %mul3A_434 = arith.mulf %get3A_433, %max3A_428 : vector<16xf32>
        %add3A_435 = arith.addf %broadcast_in_dim3A_398, %mul3A_434 : vector<16xf32>
        %xor3A_436 = arith.constant 2 : i32
        %xor3A_437 = vector.broadcast %xor3A_436 : i32 to vector<16xi32>
        %xor3A_438 = arith.xori %iota3A, %xor3A_437 : vector<16xi32>
        %or3A_439 = vector.broadcast %mul3A_382 : i32 to vector<16xi32>
        %or3A_440 = arith.ori %xor3A_438, %or3A_439 : vector<16xi32>
        %gather3A_441 = tpu.vector_load_idx %arg13[%add3A_389, %or3A_440] : memref<256x16xf32, #tpu.memory_space<vmem>>[vector<16xi32>, vector<16xi32>], vector<16xf32>,
        %gather3A_442 = tpu.vector_load_idx %arg14[%add3A_389, %or3A_440] : memref<256x16xf32, #tpu.memory_space<vmem>>[vector<16xi32>, vector<16xi32>], vector<16xf32>,
        %add3A_443 = arith.addf %gather3A_441, %gather3A_442 : vector<16xf32>
        %mul3A_444 = arith.constant 2.000000e-01 : f32
        %mul3A_445 = vector.broadcast %mul3A_444 : f32 to vector<16xf32>
        %mul3A_446 = arith.mulf %mul3A_445, %add3A_443 : vector<16xf32>
        %max3A_447 = arith.maximumf %add3A_443, %mul3A_446 : vector<16xf32>
        %add3A_448 = arith.constant 2 : i32
        %add3A_449 = arith.addi %mul3A_382, %add3A_448 : i32
        %get3A_450 = arith.index_cast %add3A_449 : i32 to index
        %get3A_451 = arith.constant 0 : index
        %get3A_452 = tpu.vector_load %arg16[%get3A_450, %get3A_451] {strides = array<i32>} : memref<16x16xf32, #tpu.memory_space<vmem>>, vector<16xf32>,
        %mul3A_453 = arith.mulf %get3A_452, %max3A_447 : vector<16xf32>
        %add3A_454 = arith.addf %broadcast_in_dim3A_400, %mul3A_453 : vector<16xf32>
        %xor3A_455 = arith.constant 3 : i32
        %xor3A_456 = vector.broadcast %xor3A_455 : i32 to vector<16xi32>
        %xor3A_457 = arith.xori %iota3A, %xor3A_456 : vector<16xi32>
        %or3A_458 = vector.broadcast %mul3A_382 : i32 to vector<16xi32>
        %or3A_459 = arith.ori %xor3A_457, %or3A_458 : vector<16xi32>
        %gather3A_460 = tpu.vector_load_idx %arg13[%add3A_389, %or3A_459] : memref<256x16xf32, #tpu.memory_space<vmem>>[vector<16xi32>, vector<16xi32>], vector<16xf32>,
        %gather3A_461 = tpu.vector_load_idx %arg14[%add3A_389, %or3A_459] : memref<256x16xf32, #tpu.memory_space<vmem>>[vector<16xi32>, vector<16xi32>], vector<16xf32>,
        %add3A_462 = arith.addf %gather3A_460, %gather3A_461 : vector<16xf32>
        %mul3A_463 = arith.constant 2.000000e-01 : f32
        %mul3A_464 = vector.broadcast %mul3A_463 : f32 to vector<16xf32>
        %mul3A_465 = arith.mulf %mul3A_464, %add3A_462 : vector<16xf32>
        %max3A_466 = arith.maximumf %add3A_462, %mul3A_465 : vector<16xf32>
        %add3A_467 = arith.constant 3 : i32
        %add3A_468 = arith.addi %mul3A_382, %add3A_467 : i32
        %get3A_469 = arith.index_cast %add3A_468 : i32 to index
        %get3A_470 = arith.constant 0 : index
        %get3A_471 = tpu.vector_load %arg16[%get3A_469, %get3A_470] {strides = array<i32>} : memref<16x16xf32, #tpu.memory_space<vmem>>, vector<16xf32>,
        %mul3A_472 = arith.mulf %get3A_471, %max3A_466 : vector<16xf32>
        %add3A_473 = arith.addf %broadcast_in_dim3A_402, %mul3A_472 : vector<16xf32>
        %xor3A_474 = arith.constant 4 : i32
        %xor3A_475 = vector.broadcast %xor3A_474 : i32 to vector<16xi32>
        %xor3A_476 = arith.xori %iota3A, %xor3A_475 : vector<16xi32>
        %or3A_477 = vector.broadcast %mul3A_382 : i32 to vector<16xi32>
        %or3A_478 = arith.ori %xor3A_476, %or3A_477 : vector<16xi32>
        %gather3A_479 = tpu.vector_load_idx %arg13[%add3A_389, %or3A_478] : memref<256x16xf32, #tpu.memory_space<vmem>>[vector<16xi32>, vector<16xi32>], vector<16xf32>,
        %gather3A_480 = tpu.vector_load_idx %arg14[%add3A_389, %or3A_478] : memref<256x16xf32, #tpu.memory_space<vmem>>[vector<16xi32>, vector<16xi32>], vector<16xf32>,
        %add3A_481 = arith.addf %gather3A_479, %gather3A_480 : vector<16xf32>
        %mul3A_482 = arith.constant 2.000000e-01 : f32
        %mul3A_483 = vector.broadcast %mul3A_482 : f32 to vector<16xf32>
        %mul3A_484 = arith.mulf %mul3A_483, %add3A_481 : vector<16xf32>
        %max3A_485 = arith.maximumf %add3A_481, %mul3A_484 : vector<16xf32>
        %add3A_486 = arith.constant 4 : i32
        %add3A_487 = arith.addi %mul3A_382, %add3A_486 : i32
        %get3A_488 = arith.index_cast %add3A_487 : i32 to index
        %get3A_489 = arith.constant 0 : index
        %get3A_490 = tpu.vector_load %arg16[%get3A_488, %get3A_489] {strides = array<i32>} : memref<16x16xf32, #tpu.memory_space<vmem>>, vector<16xf32>,
        %mul3A_491 = arith.mulf %get3A_490, %max3A_485 : vector<16xf32>
        %add3A_492 = arith.addf %add3A_416, %mul3A_491 : vector<16xf32>
        %xor3A_493 = arith.constant 5 : i32
        %xor3A_494 = vector.broadcast %xor3A_493 : i32 to vector<16xi32>
        %xor3A_495 = arith.xori %iota3A, %xor3A_494 : vector<16xi32>
        %or3A_496 = vector.broadcast %mul3A_382 : i32 to vector<16xi32>
        %or3A_497 = arith.ori %xor3A_495, %or3A_496 : vector<16xi32>
        %gather3A_498 = tpu.vector_load_idx %arg13[%add3A_389, %or3A_497] : memref<256x16xf32, #tpu.memory_space<vmem>>[vector<16xi32>, vector<16xi32>], vector<16xf32>,
        %gather3A_499 = tpu.vector_load_idx %arg14[%add3A_389, %or3A_497] : memref<256x16xf32, #tpu.memory_space<vmem>>[vector<16xi32>, vector<16xi32>], vector<16xf32>,
        %add3A_500 = arith.addf %gather3A_498, %gather3A_499 : vector<16xf32>
        %mul3A_501 = arith.constant 2.000000e-01 : f32
        %mul3A_502 = vector.broadcast %mul3A_501 : f32 to vector<16xf32>
        %mul3A_503 = arith.mulf %mul3A_502, %add3A_500 : vector<16xf32>
        %max3A_504 = arith.maximumf %add3A_500, %mul3A_503 : vector<16xf32>
        %add3A_505 = arith.constant 5 : i32
        %add3A_506 = arith.addi %mul3A_382, %add3A_505 : i32
        %get3A_507 = arith.index_cast %add3A_506 : i32 to index
        %get3A_508 = arith.constant 0 : index
        %get3A_509 = tpu.vector_load %arg16[%get3A_507, %get3A_508] {strides = array<i32>} : memref<16x16xf32, #tpu.memory_space<vmem>>, vector<16xf32>,
        %mul3A_510 = arith.mulf %get3A_509, %max3A_504 : vector<16xf32>
        %add3A_511 = arith.addf %add3A_435, %mul3A_510 : vector<16xf32>
        %xor3A_512 = arith.constant 6 : i32
        %xor3A_513 = vector.broadcast %xor3A_512 : i32 to vector<16xi32>
        %xor3A_514 = arith.xori %iota3A, %xor3A_513 : vector<16xi32>
        %or3A_515 = vector.broadcast %mul3A_382 : i32 to vector<16xi32>
        %or3A_516 = arith.ori %xor3A_514, %or3A_515 : vector<16xi32>
        %gather3A_517 = tpu.vector_load_idx %arg13[%add3A_389, %or3A_516] : memref<256x16xf32, #tpu.memory_space<vmem>>[vector<16xi32>, vector<16xi32>], vector<16xf32>,
        %gather3A_518 = tpu.vector_load_idx %arg14[%add3A_389, %or3A_516] : memref<256x16xf32, #tpu.memory_space<vmem>>[vector<16xi32>, vector<16xi32>], vector<16xf32>,
        %add3A_519 = arith.addf %gather3A_517, %gather3A_518 : vector<16xf32>
        %mul3A_520 = arith.constant 2.000000e-01 : f32
        %mul3A_521 = vector.broadcast %mul3A_520 : f32 to vector<16xf32>
        %mul3A_522 = arith.mulf %mul3A_521, %add3A_519 : vector<16xf32>
        %max3A_523 = arith.maximumf %add3A_519, %mul3A_522 : vector<16xf32>
        %add3A_524 = arith.constant 6 : i32
        %add3A_525 = arith.addi %mul3A_382, %add3A_524 : i32
        %get3A_526 = arith.index_cast %add3A_525 : i32 to index
        %get3A_527 = arith.constant 0 : index
        %get3A_528 = tpu.vector_load %arg16[%get3A_526, %get3A_527] {strides = array<i32>} : memref<16x16xf32, #tpu.memory_space<vmem>>, vector<16xf32>,
        %mul3A_529 = arith.mulf %get3A_528, %max3A_523 : vector<16xf32>
        %add3A_530 = arith.addf %add3A_454, %mul3A_529 : vector<16xf32>
        %xor3A_531 = arith.constant 7 : i32
        %xor3A_532 = vector.broadcast %xor3A_531 : i32 to vector<16xi32>
        %xor3A_533 = arith.xori %iota3A, %xor3A_532 : vector<16xi32>
        %or3A_534 = vector.broadcast %mul3A_382 : i32 to vector<16xi32>
        %or3A_535 = arith.ori %xor3A_533, %or3A_534 : vector<16xi32>
        %gather3A_536 = tpu.vector_load_idx %arg13[%add3A_389, %or3A_535] : memref<256x16xf32, #tpu.memory_space<vmem>>[vector<16xi32>, vector<16xi32>], vector<16xf32>,
        %gather3A_537 = tpu.vector_load_idx %arg14[%add3A_389, %or3A_535] : memref<256x16xf32, #tpu.memory_space<vmem>>[vector<16xi32>, vector<16xi32>], vector<16xf32>,
        %add3A_538 = arith.addf %gather3A_536, %gather3A_537 : vector<16xf32>
        %mul3A_539 = arith.constant 2.000000e-01 : f32
        %mul3A_540 = vector.broadcast %mul3A_539 : f32 to vector<16xf32>
        %mul3A_541 = arith.mulf %mul3A_540, %add3A_538 : vector<16xf32>
        %max3A_542 = arith.maximumf %add3A_538, %mul3A_541 : vector<16xf32>
        %add3A_543 = arith.constant 7 : i32
        %add3A_544 = arith.addi %mul3A_382, %add3A_543 : i32
        %get3A_545 = arith.index_cast %add3A_544 : i32 to index
        %get3A_546 = arith.constant 0 : index
        %get3A_547 = tpu.vector_load %arg16[%get3A_545, %get3A_546] {strides = array<i32>} : memref<16x16xf32, #tpu.memory_space<vmem>>, vector<16xf32>,
        %mul3A_548 = arith.mulf %get3A_547, %max3A_542 : vector<16xf32>
        %add3A_549 = arith.addf %add3A_473, %mul3A_548 : vector<16xf32>
        %xor3A_550 = arith.constant 8 : i32
        %xor3A_551 = vector.broadcast %xor3A_550 : i32 to vector<16xi32>
        %xor3A_552 = arith.xori %iota3A, %xor3A_551 : vector<16xi32>
        %or3A_553 = vector.broadcast %mul3A_382 : i32 to vector<16xi32>
        %or3A_554 = arith.ori %xor3A_552, %or3A_553 : vector<16xi32>
        %gather3A_555 = tpu.vector_load_idx %arg13[%add3A_389, %or3A_554] : memref<256x16xf32, #tpu.memory_space<vmem>>[vector<16xi32>, vector<16xi32>], vector<16xf32>,
        %gather3A_556 = tpu.vector_load_idx %arg14[%add3A_389, %or3A_554] : memref<256x16xf32, #tpu.memory_space<vmem>>[vector<16xi32>, vector<16xi32>], vector<16xf32>,
        %add3A_557 = arith.addf %gather3A_555, %gather3A_556 : vector<16xf32>
        %mul3A_558 = arith.constant 2.000000e-01 : f32
        %mul3A_559 = vector.broadcast %mul3A_558 : f32 to vector<16xf32>
        %mul3A_560 = arith.mulf %mul3A_559, %add3A_557 : vector<16xf32>
        %max3A_561 = arith.maximumf %add3A_557, %mul3A_560 : vector<16xf32>
        %add3A_562 = arith.constant 8 : i32
        %add3A_563 = arith.addi %mul3A_382, %add3A_562 : i32
        %get3A_564 = arith.index_cast %add3A_563 : i32 to index
        %get3A_565 = arith.constant 0 : index
        %get3A_566 = tpu.vector_load %arg16[%get3A_564, %get3A_565] {strides = array<i32>} : memref<16x16xf32, #tpu.memory_space<vmem>>, vector<16xf32>,
        %mul3A_567 = arith.mulf %get3A_566, %max3A_561 : vector<16xf32>
        %add3A_568 = arith.addf %add3A_492, %mul3A_567 : vector<16xf32>
        %xor3A_569 = arith.constant 9 : i32
        %xor3A_570 = vector.broadcast %xor3A_569 : i32 to vector<16xi32>
        %xor3A_571 = arith.xori %iota3A, %xor3A_570 : vector<16xi32>
        %or3A_572 = vector.broadcast %mul3A_382 : i32 to vector<16xi32>
        %or3A_573 = arith.ori %xor3A_571, %or3A_572 : vector<16xi32>
        %gather3A_574 = tpu.vector_load_idx %arg13[%add3A_389, %or3A_573] : memref<256x16xf32, #tpu.memory_space<vmem>>[vector<16xi32>, vector<16xi32>], vector<16xf32>,
        %gather3A_575 = tpu.vector_load_idx %arg14[%add3A_389, %or3A_573] : memref<256x16xf32, #tpu.memory_space<vmem>>[vector<16xi32>, vector<16xi32>], vector<16xf32>,
        %add3A_576 = arith.addf %gather3A_574, %gather3A_575 : vector<16xf32>
        %mul3A_577 = arith.constant 2.000000e-01 : f32
        %mul3A_578 = vector.broadcast %mul3A_577 : f32 to vector<16xf32>
        %mul3A_579 = arith.mulf %mul3A_578, %add3A_576 : vector<16xf32>
        %max3A_580 = arith.maximumf %add3A_576, %mul3A_579 : vector<16xf32>
        %add3A_581 = arith.constant 9 : i32
        %add3A_582 = arith.addi %mul3A_382, %add3A_581 : i32
        %get3A_583 = arith.index_cast %add3A_582 : i32 to index
        %get3A_584 = arith.constant 0 : index
        %get3A_585 = tpu.vector_load %arg16[%get3A_583, %get3A_584] {strides = array<i32>} : memref<16x16xf32, #tpu.memory_space<vmem>>, vector<16xf32>,
        %mul3A_586 = arith.mulf %get3A_585, %max3A_580 : vector<16xf32>
        %add3A_587 = arith.addf %add3A_511, %mul3A_586 : vector<16xf32>
        %xor3A_588 = arith.constant 10 : i32
        %xor3A_589 = vector.broadcast %xor3A_588 : i32 to vector<16xi32>
        %xor3A_590 = arith.xori %iota3A, %xor3A_589 : vector<16xi32>
        %or3A_591 = vector.broadcast %mul3A_382 : i32 to vector<16xi32>
        %or3A_592 = arith.ori %xor3A_590, %or3A_591 : vector<16xi32>
        %gather3A_593 = tpu.vector_load_idx %arg13[%add3A_389, %or3A_592] : memref<256x16xf32, #tpu.memory_space<vmem>>[vector<16xi32>, vector<16xi32>], vector<16xf32>,
        %gather3A_594 = tpu.vector_load_idx %arg14[%add3A_389, %or3A_592] : memref<256x16xf32, #tpu.memory_space<vmem>>[vector<16xi32>, vector<16xi32>], vector<16xf32>,
        %add3A_595 = arith.addf %gather3A_593, %gather3A_594 : vector<16xf32>
        %mul3A_596 = arith.constant 2.000000e-01 : f32
        %mul3A_597 = vector.broadcast %mul3A_596 : f32 to vector<16xf32>
        %mul3A_598 = arith.mulf %mul3A_597, %add3A_595 : vector<16xf32>
        %max3A_599 = arith.maximumf %add3A_595, %mul3A_598 : vector<16xf32>
        %add3A_600 = arith.constant 10 : i32
        %add3A_601 = arith.addi %mul3A_382, %add3A_600 : i32
        %get3A_602 = arith.index_cast %add3A_601 : i32 to index
        %get3A_603 = arith.constant 0 : index
        %get3A_604 = tpu.vector_load %arg16[%get3A_602, %get3A_603] {strides = array<i32>} : memref<16x16xf32, #tpu.memory_space<vmem>>, vector<16xf32>,
        %mul3A_605 = arith.mulf %get3A_604, %max3A_599 : vector<16xf32>
        %add3A_606 = arith.addf %add3A_530, %mul3A_605 : vector<16xf32>
        %xor3A_607 = arith.constant 11 : i32
        %xor3A_608 = vector.broadcast %xor3A_607 : i32 to vector<16xi32>
        %xor3A_609 = arith.xori %iota3A, %xor3A_608 : vector<16xi32>
        %or3A_610 = vector.broadcast %mul3A_382 : i32 to vector<16xi32>
        %or3A_611 = arith.ori %xor3A_609, %or3A_610 : vector<16xi32>
        %gather3A_612 = tpu.vector_load_idx %arg13[%add3A_389, %or3A_611] : memref<256x16xf32, #tpu.memory_space<vmem>>[vector<16xi32>, vector<16xi32>], vector<16xf32>,
        %gather3A_613 = tpu.vector_load_idx %arg14[%add3A_389, %or3A_611] : memref<256x16xf32, #tpu.memory_space<vmem>>[vector<16xi32>, vector<16xi32>], vector<16xf32>,
        %add3A_614 = arith.addf %gather3A_612, %gather3A_613 : vector<16xf32>
        %mul3A_615 = arith.constant 2.000000e-01 : f32
        %mul3A_616 = vector.broadcast %mul3A_615 : f32 to vector<16xf32>
        %mul3A_617 = arith.mulf %mul3A_616, %add3A_614 : vector<16xf32>
        %max3A_618 = arith.maximumf %add3A_614, %mul3A_617 : vector<16xf32>
        %add3A_619 = arith.constant 11 : i32
        %add3A_620 = arith.addi %mul3A_382, %add3A_619 : i32
        %get3A_621 = arith.index_cast %add3A_620 : i32 to index
        %get3A_622 = arith.constant 0 : index
        %get3A_623 = tpu.vector_load %arg16[%get3A_621, %get3A_622] {strides = array<i32>} : memref<16x16xf32, #tpu.memory_space<vmem>>, vector<16xf32>,
        %mul3A_624 = arith.mulf %get3A_623, %max3A_618 : vector<16xf32>
        %add3A_625 = arith.addf %add3A_549, %mul3A_624 : vector<16xf32>
        %xor3A_626 = arith.constant 12 : i32
        %xor3A_627 = vector.broadcast %xor3A_626 : i32 to vector<16xi32>
        %xor3A_628 = arith.xori %iota3A, %xor3A_627 : vector<16xi32>
        %or3A_629 = vector.broadcast %mul3A_382 : i32 to vector<16xi32>
        %or3A_630 = arith.ori %xor3A_628, %or3A_629 : vector<16xi32>
        %gather3A_631 = tpu.vector_load_idx %arg13[%add3A_389, %or3A_630] : memref<256x16xf32, #tpu.memory_space<vmem>>[vector<16xi32>, vector<16xi32>], vector<16xf32>,
        %gather3A_632 = tpu.vector_load_idx %arg14[%add3A_389, %or3A_630] : memref<256x16xf32, #tpu.memory_space<vmem>>[vector<16xi32>, vector<16xi32>], vector<16xf32>,
        %add3A_633 = arith.addf %gather3A_631, %gather3A_632 : vector<16xf32>
        %mul3A_634 = arith.constant 2.000000e-01 : f32
        %mul3A_635 = vector.broadcast %mul3A_634 : f32 to vector<16xf32>
        %mul3A_636 = arith.mulf %mul3A_635, %add3A_633 : vector<16xf32>
        %max3A_637 = arith.maximumf %add3A_633, %mul3A_636 : vector<16xf32>
        %add3A_638 = arith.constant 12 : i32
        %add3A_639 = arith.addi %mul3A_382, %add3A_638 : i32
        %get3A_640 = arith.index_cast %add3A_639 : i32 to index
        %get3A_641 = arith.constant 0 : index
        %get3A_642 = tpu.vector_load %arg16[%get3A_640, %get3A_641] {strides = array<i32>} : memref<16x16xf32, #tpu.memory_space<vmem>>, vector<16xf32>,
        %mul3A_643 = arith.mulf %get3A_642, %max3A_637 : vector<16xf32>
        %add3A_644 = arith.addf %add3A_568, %mul3A_643 : vector<16xf32>
        %xor3A_645 = arith.constant 13 : i32
        %xor3A_646 = vector.broadcast %xor3A_645 : i32 to vector<16xi32>
        %xor3A_647 = arith.xori %iota3A, %xor3A_646 : vector<16xi32>
        %or3A_648 = vector.broadcast %mul3A_382 : i32 to vector<16xi32>
        %or3A_649 = arith.ori %xor3A_647, %or3A_648 : vector<16xi32>
        %gather3A_650 = tpu.vector_load_idx %arg13[%add3A_389, %or3A_649] : memref<256x16xf32, #tpu.memory_space<vmem>>[vector<16xi32>, vector<16xi32>], vector<16xf32>,
        %gather3A_651 = tpu.vector_load_idx %arg14[%add3A_389, %or3A_649] : memref<256x16xf32, #tpu.memory_space<vmem>>[vector<16xi32>, vector<16xi32>], vector<16xf32>,
        %add3A_652 = arith.addf %gather3A_650, %gather3A_651 : vector<16xf32>
        %mul3A_653 = arith.constant 2.000000e-01 : f32
        %mul3A_654 = vector.broadcast %mul3A_653 : f32 to vector<16xf32>
        %mul3A_655 = arith.mulf %mul3A_654, %add3A_652 : vector<16xf32>
        %max3A_656 = arith.maximumf %add3A_652, %mul3A_655 : vector<16xf32>
        %add3A_657 = arith.constant 13 : i32
        %add3A_658 = arith.addi %mul3A_382, %add3A_657 : i32
        %get3A_659 = arith.index_cast %add3A_658 : i32 to index
        %get3A_660 = arith.constant 0 : index
        %get3A_661 = tpu.vector_load %arg16[%get3A_659, %get3A_660] {strides = array<i32>} : memref<16x16xf32, #tpu.memory_space<vmem>>, vector<16xf32>,
        %mul3A_662 = arith.mulf %get3A_661, %max3A_656 : vector<16xf32>
        %add3A_663 = arith.addf %add3A_587, %mul3A_662 : vector<16xf32>
        %xor3A_664 = arith.constant 14 : i32
        %xor3A_665 = vector.broadcast %xor3A_664 : i32 to vector<16xi32>
        %xor3A_666 = arith.xori %iota3A, %xor3A_665 : vector<16xi32>
        %or3A_667 = vector.broadcast %mul3A_382 : i32 to vector<16xi32>
        %or3A_668 = arith.ori %xor3A_666, %or3A_667 : vector<16xi32>
        %gather3A_669 = tpu.vector_load_idx %arg13[%add3A_389, %or3A_668] : memref<256x16xf32, #tpu.memory_space<vmem>>[vector<16xi32>, vector<16xi32>], vector<16xf32>,
        %gather3A_670 = tpu.vector_load_idx %arg14[%add3A_389, %or3A_668] : memref<256x16xf32, #tpu.memory_space<vmem>>[vector<16xi32>, vector<16xi32>], vector<16xf32>,
        %add3A_671 = arith.addf %gather3A_669, %gather3A_670 : vector<16xf32>
        %mul3A_672 = arith.constant 2.000000e-01 : f32
        %mul3A_673 = vector.broadcast %mul3A_672 : f32 to vector<16xf32>
        %mul3A_674 = arith.mulf %mul3A_673, %add3A_671 : vector<16xf32>
        %max3A_675 = arith.maximumf %add3A_671, %mul3A_674 : vector<16xf32>
        %add3A_676 = arith.constant 14 : i32
        %add3A_677 = arith.addi %mul3A_382, %add3A_676 : i32
        %get3A_678 = arith.index_cast %add3A_677 : i32 to index
        %get3A_679 = arith.constant 0 : index
        %get3A_680 = tpu.vector_load %arg16[%get3A_678, %get3A_679] {strides = array<i32>} : memref<16x16xf32, #tpu.memory_space<vmem>>, vector<16xf32>,
        %mul3A_681 = arith.mulf %get3A_680, %max3A_675 : vector<16xf32>
        %add3A_682 = arith.addf %add3A_606, %mul3A_681 : vector<16xf32>
        %xor3A_683 = arith.constant 15 : i32
        %xor3A_684 = vector.broadcast %xor3A_683 : i32 to vector<16xi32>
        %xor3A_685 = arith.xori %iota3A, %xor3A_684 : vector<16xi32>
        %or3A_686 = vector.broadcast %mul3A_382 : i32 to vector<16xi32>
        %or3A_687 = arith.ori %xor3A_685, %or3A_686 : vector<16xi32>
        %gather3A_688 = tpu.vector_load_idx %arg13[%add3A_389, %or3A_687] : memref<256x16xf32, #tpu.memory_space<vmem>>[vector<16xi32>, vector<16xi32>], vector<16xf32>,
        %gather3A_689 = tpu.vector_load_idx %arg14[%add3A_389, %or3A_687] : memref<256x16xf32, #tpu.memory_space<vmem>>[vector<16xi32>, vector<16xi32>], vector<16xf32>,
        %add3A_690 = arith.addf %gather3A_688, %gather3A_689 : vector<16xf32>
        %mul3A_691 = arith.constant 2.000000e-01 : f32
        %mul3A_692 = vector.broadcast %mul3A_691 : f32 to vector<16xf32>
        %mul3A_693 = arith.mulf %mul3A_692, %add3A_690 : vector<16xf32>
        %max3A_694 = arith.maximumf %add3A_690, %mul3A_693 : vector<16xf32>
        %add3A_695 = arith.constant 15 : i32
        %add3A_696 = arith.addi %mul3A_382, %add3A_695 : i32
        %get3A_697 = arith.index_cast %add3A_696 : i32 to index
        %get3A_698 = arith.constant 0 : index
        %get3A_699 = tpu.vector_load %arg16[%get3A_697, %get3A_698] {strides = array<i32>} : memref<16x16xf32, #tpu.memory_space<vmem>>, vector<16xf32>,
        %mul3A_700 = arith.mulf %get3A_699, %max3A_694 : vector<16xf32>
        %add3A_701 = arith.addf %add3A_625, %mul3A_700 : vector<16xf32>
        %add3A_702 = arith.addf %add3A_644, %add3A_663 : vector<16xf32>
        %add3A_703 = arith.addf %add3A_682, %add3A_701 : vector<16xf32>
        %add3A_704 = arith.addf %add3A_702, %add3A_703 : vector<16xf32>
        %exp3A = math.exp %add3A_704 : vector<16xf32>
        %jit3A_705 = arith.constant 0.000000e+00 : f32
        %broadcast_in_dim3A_706 = vector.broadcast %jit3A_705 : f32 to vector<16xf32>
        %select_n3A_707 = arith.select %lt3A_394, %exp3A, %broadcast_in_dim3A_706 : vector<16xi1>, vector<16xf32>
        %broadcast_in_dim3A_708 = arith.constant 1 : i32
        %broadcast_in_dim3A_709 = vector.broadcast %broadcast_in_dim3A_708 : i32 to vector<16xi32>
        %mul3A_710 = vector.broadcast %select_n3A_377 : i32 to vector<16xi32>
        %mul3A_711 = arith.muli %broadcast_in_dim3A_709, %mul3A_710 : vector<16xi32>
        tpu.vector_store_idx %arg15[%add3A_389, %mul3A_711], %select_n3A_707 : memref<256x8xf32, #tpu.memory_space<vmem>>[vector<16xi32>, vector<16xi32>], vector<16xf32>,
        %xor3A_712 = arith.constant 0 : i32
        %xor3A_713 = vector.broadcast %xor3A_712 : i32 to vector<16xi32>
        %xor3A_714 = arith.xori %iota3A, %xor3A_713 : vector<16xi32>
        %or3A_715 = vector.broadcast %mul3A_382 : i32 to vector<16xi32>
        %or3A_716 = arith.ori %xor3A_714, %or3A_715 : vector<16xi32>
        %mul3A_717 = arith.mulf %select_n3A_707, %gather3A : vector<16xf32>
        tpu.vector_store_idx %arg14[%add3A_389, %or3A_716], %mul3A_717 : memref<256x16xf32, #tpu.memory_space<vmem>>[vector<16xi32>, vector<16xi32>], vector<16xf32>,
        %xor3A_718 = arith.constant 1 : i32
        %xor3A_719 = vector.broadcast %xor3A_718 : i32 to vector<16xi32>
        %xor3A_720 = arith.xori %iota3A, %xor3A_719 : vector<16xi32>
        %or3A_721 = vector.broadcast %mul3A_382 : i32 to vector<16xi32>
        %or3A_722 = arith.ori %xor3A_720, %or3A_721 : vector<16xi32>
        %mul3A_723 = arith.mulf %select_n3A_707, %gather3A_422 : vector<16xf32>
        tpu.vector_store_idx %arg14[%add3A_389, %or3A_722], %mul3A_723 : memref<256x16xf32, #tpu.memory_space<vmem>>[vector<16xi32>, vector<16xi32>], vector<16xf32>,
        %xor3A_724 = arith.constant 2 : i32
        %xor3A_725 = vector.broadcast %xor3A_724 : i32 to vector<16xi32>
        %xor3A_726 = arith.xori %iota3A, %xor3A_725 : vector<16xi32>
        %or3A_727 = vector.broadcast %mul3A_382 : i32 to vector<16xi32>
        %or3A_728 = arith.ori %xor3A_726, %or3A_727 : vector<16xi32>
        %mul3A_729 = arith.mulf %select_n3A_707, %gather3A_441 : vector<16xf32>
        tpu.vector_store_idx %arg14[%add3A_389, %or3A_728], %mul3A_729 : memref<256x16xf32, #tpu.memory_space<vmem>>[vector<16xi32>, vector<16xi32>], vector<16xf32>,
        %xor3A_730 = arith.constant 3 : i32
        %xor3A_731 = vector.broadcast %xor3A_730 : i32 to vector<16xi32>
        %xor3A_732 = arith.xori %iota3A, %xor3A_731 : vector<16xi32>
        %or3A_733 = vector.broadcast %mul3A_382 : i32 to vector<16xi32>
        %or3A_734 = arith.ori %xor3A_732, %or3A_733 : vector<16xi32>
        %mul3A_735 = arith.mulf %select_n3A_707, %gather3A_460 : vector<16xf32>
        tpu.vector_store_idx %arg14[%add3A_389, %or3A_734], %mul3A_735 : memref<256x16xf32, #tpu.memory_space<vmem>>[vector<16xi32>, vector<16xi32>], vector<16xf32>,
        %xor3A_736 = arith.constant 4 : i32
        %xor3A_737 = vector.broadcast %xor3A_736 : i32 to vector<16xi32>
        %xor3A_738 = arith.xori %iota3A, %xor3A_737 : vector<16xi32>
        %or3A_739 = vector.broadcast %mul3A_382 : i32 to vector<16xi32>
        %or3A_740 = arith.ori %xor3A_738, %or3A_739 : vector<16xi32>
        %mul3A_741 = arith.mulf %select_n3A_707, %gather3A_479 : vector<16xf32>
        tpu.vector_store_idx %arg14[%add3A_389, %or3A_740], %mul3A_741 : memref<256x16xf32, #tpu.memory_space<vmem>>[vector<16xi32>, vector<16xi32>], vector<16xf32>,
        %xor3A_742 = arith.constant 5 : i32
        %xor3A_743 = vector.broadcast %xor3A_742 : i32 to vector<16xi32>
        %xor3A_744 = arith.xori %iota3A, %xor3A_743 : vector<16xi32>
        %or3A_745 = vector.broadcast %mul3A_382 : i32 to vector<16xi32>
        %or3A_746 = arith.ori %xor3A_744, %or3A_745 : vector<16xi32>
        %mul3A_747 = arith.mulf %select_n3A_707, %gather3A_498 : vector<16xf32>
        tpu.vector_store_idx %arg14[%add3A_389, %or3A_746], %mul3A_747 : memref<256x16xf32, #tpu.memory_space<vmem>>[vector<16xi32>, vector<16xi32>], vector<16xf32>,
        %xor3A_748 = arith.constant 6 : i32
        %xor3A_749 = vector.broadcast %xor3A_748 : i32 to vector<16xi32>
        %xor3A_750 = arith.xori %iota3A, %xor3A_749 : vector<16xi32>
        %or3A_751 = vector.broadcast %mul3A_382 : i32 to vector<16xi32>
        %or3A_752 = arith.ori %xor3A_750, %or3A_751 : vector<16xi32>
        %mul3A_753 = arith.mulf %select_n3A_707, %gather3A_517 : vector<16xf32>
        tpu.vector_store_idx %arg14[%add3A_389, %or3A_752], %mul3A_753 : memref<256x16xf32, #tpu.memory_space<vmem>>[vector<16xi32>, vector<16xi32>], vector<16xf32>,
        %xor3A_754 = arith.constant 7 : i32
        %xor3A_755 = vector.broadcast %xor3A_754 : i32 to vector<16xi32>
        %xor3A_756 = arith.xori %iota3A, %xor3A_755 : vector<16xi32>
        %or3A_757 = vector.broadcast %mul3A_382 : i32 to vector<16xi32>
        %or3A_758 = arith.ori %xor3A_756, %or3A_757 : vector<16xi32>
        %mul3A_759 = arith.mulf %select_n3A_707, %gather3A_536 : vector<16xf32>
        tpu.vector_store_idx %arg14[%add3A_389, %or3A_758], %mul3A_759 : memref<256x16xf32, #tpu.memory_space<vmem>>[vector<16xi32>, vector<16xi32>], vector<16xf32>,
        %xor3A_760 = arith.constant 8 : i32
        %xor3A_761 = vector.broadcast %xor3A_760 : i32 to vector<16xi32>
        %xor3A_762 = arith.xori %iota3A, %xor3A_761 : vector<16xi32>
        %or3A_763 = vector.broadcast %mul3A_382 : i32 to vector<16xi32>
        %or3A_764 = arith.ori %xor3A_762, %or3A_763 : vector<16xi32>
        %mul3A_765 = arith.mulf %select_n3A_707, %gather3A_555 : vector<16xf32>
        tpu.vector_store_idx %arg14[%add3A_389, %or3A_764], %mul3A_765 : memref<256x16xf32, #tpu.memory_space<vmem>>[vector<16xi32>, vector<16xi32>], vector<16xf32>,
        %xor3A_766 = arith.constant 9 : i32
        %xor3A_767 = vector.broadcast %xor3A_766 : i32 to vector<16xi32>
        %xor3A_768 = arith.xori %iota3A, %xor3A_767 : vector<16xi32>
        %or3A_769 = vector.broadcast %mul3A_382 : i32 to vector<16xi32>
        %or3A_770 = arith.ori %xor3A_768, %or3A_769 : vector<16xi32>
        %mul3A_771 = arith.mulf %select_n3A_707, %gather3A_574 : vector<16xf32>
        tpu.vector_store_idx %arg14[%add3A_389, %or3A_770], %mul3A_771 : memref<256x16xf32, #tpu.memory_space<vmem>>[vector<16xi32>, vector<16xi32>], vector<16xf32>,
        %xor3A_772 = arith.constant 10 : i32
        %xor3A_773 = vector.broadcast %xor3A_772 : i32 to vector<16xi32>
        %xor3A_774 = arith.xori %iota3A, %xor3A_773 : vector<16xi32>
        %or3A_775 = vector.broadcast %mul3A_382 : i32 to vector<16xi32>
        %or3A_776 = arith.ori %xor3A_774, %or3A_775 : vector<16xi32>
        %mul3A_777 = arith.mulf %select_n3A_707, %gather3A_593 : vector<16xf32>
        tpu.vector_store_idx %arg14[%add3A_389, %or3A_776], %mul3A_777 : memref<256x16xf32, #tpu.memory_space<vmem>>[vector<16xi32>, vector<16xi32>], vector<16xf32>,
        %xor3A_778 = arith.constant 11 : i32
        %xor3A_779 = vector.broadcast %xor3A_778 : i32 to vector<16xi32>
        %xor3A_780 = arith.xori %iota3A, %xor3A_779 : vector<16xi32>
        %or3A_781 = vector.broadcast %mul3A_382 : i32 to vector<16xi32>
        %or3A_782 = arith.ori %xor3A_780, %or3A_781 : vector<16xi32>
        %mul3A_783 = arith.mulf %select_n3A_707, %gather3A_612 : vector<16xf32>
        tpu.vector_store_idx %arg14[%add3A_389, %or3A_782], %mul3A_783 : memref<256x16xf32, #tpu.memory_space<vmem>>[vector<16xi32>, vector<16xi32>], vector<16xf32>,
        %xor3A_784 = arith.constant 12 : i32
        %xor3A_785 = vector.broadcast %xor3A_784 : i32 to vector<16xi32>
        %xor3A_786 = arith.xori %iota3A, %xor3A_785 : vector<16xi32>
        %or3A_787 = vector.broadcast %mul3A_382 : i32 to vector<16xi32>
        %or3A_788 = arith.ori %xor3A_786, %or3A_787 : vector<16xi32>
        %mul3A_789 = arith.mulf %select_n3A_707, %gather3A_631 : vector<16xf32>
        tpu.vector_store_idx %arg14[%add3A_389, %or3A_788], %mul3A_789 : memref<256x16xf32, #tpu.memory_space<vmem>>[vector<16xi32>, vector<16xi32>], vector<16xf32>,
        %xor3A_790 = arith.constant 13 : i32
        %xor3A_791 = vector.broadcast %xor3A_790 : i32 to vector<16xi32>
        %xor3A_792 = arith.xori %iota3A, %xor3A_791 : vector<16xi32>
        %or3A_793 = vector.broadcast %mul3A_382 : i32 to vector<16xi32>
        %or3A_794 = arith.ori %xor3A_792, %or3A_793 : vector<16xi32>
        %mul3A_795 = arith.mulf %select_n3A_707, %gather3A_650 : vector<16xf32>
        tpu.vector_store_idx %arg14[%add3A_389, %or3A_794], %mul3A_795 : memref<256x16xf32, #tpu.memory_space<vmem>>[vector<16xi32>, vector<16xi32>], vector<16xf32>,
        %xor3A_796 = arith.constant 14 : i32
        %xor3A_797 = vector.broadcast %xor3A_796 : i32 to vector<16xi32>
        %xor3A_798 = arith.xori %iota3A, %xor3A_797 : vector<16xi32>
        %or3A_799 = vector.broadcast %mul3A_382 : i32 to vector<16xi32>
        %or3A_800 = arith.ori %xor3A_798, %or3A_799 : vector<16xi32>
        %mul3A_801 = arith.mulf %select_n3A_707, %gather3A_669 : vector<16xf32>
        tpu.vector_store_idx %arg14[%add3A_389, %or3A_800], %mul3A_801 : memref<256x16xf32, #tpu.memory_space<vmem>>[vector<16xi32>, vector<16xi32>], vector<16xf32>,
        %xor3A_802 = arith.constant 15 : i32
        %xor3A_803 = vector.broadcast %xor3A_802 : i32 to vector<16xi32>
        %xor3A_804 = arith.xori %iota3A, %xor3A_803 : vector<16xi32>
        %or3A_805 = vector.broadcast %mul3A_382 : i32 to vector<16xi32>
        %or3A_806 = arith.ori %xor3A_804, %or3A_805 : vector<16xi32>
        %mul3A_807 = arith.mulf %select_n3A_707, %gather3A_688 : vector<16xf32>
        tpu.vector_store_idx %arg14[%add3A_389, %or3A_806], %mul3A_807 : memref<256x16xf32, #tpu.memory_space<vmem>>[vector<16xi32>, vector<16xi32>], vector<16xf32>,
      }
      %scan3A_206 = arith.constant 8 : i32
      %dma_start3A_207 = arith.constant 1 : i32
      %dma_start3A_208 = arith.constant 0 : i32
      %dma_start3A_209 = arith.constant 0 : i32
      %dma_start3A_210 = tpu.memref_slice %arg14[%dma_start3A_208, %dma_start3A_209] : memref<256x16xf32, #tpu.memory_space<vmem>> -> memref<128x16xf32, #tpu.memory_space<vmem>>
      %dma_start3A_211 = arith.constant 0 : i32
      %dma_start3A_212 = tpu.memref_slice %arg12[%select_n3A_124, %dma_start3A_207, %dma_start3A_211] : memref<3x2x128xi32, #tpu.memory_space<vmem>> -> memref<1x1x128xi32, #tpu.memory_space<vmem>>
      %dma_start3A_213 = tpu.memref_squeeze %dma_start3A_212 : memref<1x1x128xi32, #tpu.memory_space<vmem>> -> memref<128xi32, #tpu.memory_space<vmem>>
      %dma_start3A_214 = arith.constant 0 : i32
      %dma_start3A_215 = arith.constant 0 : i32
      %dma_start3A_216 = tpu.memref_slice %arg10[%dma_start3A_214, %dma_start3A_215] : memref<10112x16xf32, #tpu.memory_space<vmem_shared>> -> memref<10112x16xf32, #tpu.memory_space<vmem_shared>>
      tpu.enqueue_indirect_dma source(%dma_start3A_210 : memref<128x16xf32, #tpu.memory_space<vmem>>) target(%dma_start3A_216 : memref<10112x16xf32, #tpu.memory_space<vmem_shared>>) offsets(%dma_start3A_213 : memref<128xi32, #tpu.memory_space<vmem>>) semaphore(%arg21 : memref<!tpu.dma_semaphore, #tpu.memory_space<semaphore_mem>>) {add = true}
      %dma_start3A_217 = arith.constant 1 : i32
      %dma_start3A_218 = arith.constant 0 : i32
      %dma_start3A_219 = arith.constant 0 : i32
      %dma_start3A_220 = tpu.memref_slice %arg15[%dma_start3A_218, %dma_start3A_219] : memref<256x8xf32, #tpu.memory_space<vmem>> -> memref<128x8xf32, #tpu.memory_space<vmem>>
      %dma_start3A_221 = arith.constant 0 : i32
      %dma_start3A_222 = tpu.memref_slice %arg12[%select_n3A_124, %dma_start3A_217, %dma_start3A_221] : memref<3x2x128xi32, #tpu.memory_space<vmem>> -> memref<1x1x128xi32, #tpu.memory_space<vmem>>
      %dma_start3A_223 = tpu.memref_squeeze %dma_start3A_222 : memref<1x1x128xi32, #tpu.memory_space<vmem>> -> memref<128xi32, #tpu.memory_space<vmem>>
      %dma_start3A_224 = arith.constant 0 : i32
      %dma_start3A_225 = arith.constant 0 : i32
      %dma_start3A_226 = tpu.memref_slice %arg11[%dma_start3A_224, %dma_start3A_225] : memref<10112x8xf32, #tpu.memory_space<vmem_shared>> -> memref<10112x8xf32, #tpu.memory_space<vmem_shared>>
      tpu.enqueue_indirect_dma source(%dma_start3A_220 : memref<128x8xf32, #tpu.memory_space<vmem>>) target(%dma_start3A_226 : memref<10112x8xf32, #tpu.memory_space<vmem_shared>>) offsets(%dma_start3A_223 : memref<128xi32, #tpu.memory_space<vmem>>) semaphore(%arg23 : memref<!tpu.dma_semaphore, #tpu.memory_space<semaphore_mem>>) {add = true}
      %mul3A_227 = arith.constant 2 : i32
      %mul3A_228 = arith.muli %add3A_111, %mul3A_227 : i32
      %add3A_229 = arith.constant 1 : i32
      %add3A_230 = arith.addi %mul3A_228, %add3A_229 : i32
      %jit3A_231 = arith.constant 3 : i32
      %eq3A_232 = arith.constant 0 : i32
      %eq3A_233 = arith.cmpi eq, %jit3A_231, %eq3A_232 : i32
      %jit3A_234 = arith.constant 1 : i32
      %select_n3A_235 = arith.select %eq3A_233, %jit3A_234, %jit3A_231 : i32
      %rem3A_236 = arith.remsi %add3A_230, %select_n3A_235 : i32
      %ne3A_237 = arith.constant 0 : i32
      %ne3A_238 = arith.cmpi ne, %rem3A_236, %ne3A_237 : i32
      %lt3A_239 = arith.constant 0 : i32
      %lt3A_240 = arith.cmpi slt, %rem3A_236, %lt3A_239 : i32
      %lt3A_241 = arith.constant 0 : i32
      %lt3A_242 = arith.cmpi slt, %select_n3A_235, %lt3A_241 : i32
      %ne3A_243 = arith.xori %lt3A_240, %lt3A_242 : i1
      %and3A_244 = arith.andi %ne3A_243, %ne3A_238 : i1
      %add3A_245 = arith.addi %rem3A_236, %select_n3A_235 : i32
      %select_n3A_246 = arith.select %and3A_244, %add3A_245, %rem3A_236 : i32
      %add3A_247 = arith.constant 1 : i32
      %add3A_248 = arith.addi %add3A_230, %add3A_247 : i32
      %jit3A_249 = arith.constant 3 : i32
      %eq3A_250 = arith.constant 0 : i32
      %eq3A_251 = arith.cmpi eq, %jit3A_249, %eq3A_250 : i32
      %jit3A_252 = arith.constant 1 : i32
      %select_n3A_253 = arith.select %eq3A_251, %jit3A_252, %jit3A_249 : i32
      %rem3A_254 = arith.remsi %add3A_248, %select_n3A_253 : i32
      %ne3A_255 = arith.constant 0 : i32
      %ne3A_256 = arith.cmpi ne, %rem3A_254, %ne3A_255 : i32
      %lt3A_257 = arith.constant 0 : i32
      %lt3A_258 = arith.cmpi slt, %rem3A_254, %lt3A_257 : i32
      %lt3A_259 = arith.constant 0 : i32
      %lt3A_260 = arith.cmpi slt, %select_n3A_253, %lt3A_259 : i32
      %ne3A_261 = arith.xori %lt3A_258, %lt3A_260 : i1
      %and3A_262 = arith.andi %ne3A_261, %ne3A_256 : i1
      %add3A_263 = arith.addi %rem3A_254, %select_n3A_253 : i32
      %select_n3A_264 = arith.select %and3A_262, %add3A_263, %rem3A_254 : i32
      %add3A_265 = arith.constant 2 : i32
      %add3A_266 = arith.addi %add3A_230, %add3A_265 : i32
      %jit3A_267 = arith.constant 3 : i32
      %eq3A_268 = arith.constant 0 : i32
      %eq3A_269 = arith.cmpi eq, %jit3A_267, %eq3A_268 : i32
      %jit3A_270 = arith.constant 1 : i32
      %select_n3A_271 = arith.select %eq3A_269, %jit3A_270, %jit3A_267 : i32
      %rem3A_272 = arith.remsi %add3A_266, %select_n3A_271 : i32
      %ne3A_273 = arith.constant 0 : i32
      %ne3A_274 = arith.cmpi ne, %rem3A_272, %ne3A_273 : i32
      %lt3A_275 = arith.constant 0 : i32
      %lt3A_276 = arith.cmpi slt, %rem3A_272, %lt3A_275 : i32
      %lt3A_277 = arith.constant 0 : i32
      %lt3A_278 = arith.cmpi slt, %select_n3A_271, %lt3A_277 : i32
      %ne3A_279 = arith.xori %lt3A_276, %lt3A_278 : i1
      %and3A_280 = arith.andi %ne3A_279, %ne3A_274 : i1
      %add3A_281 = arith.addi %rem3A_272, %select_n3A_271 : i32
      %select_n3A_282 = arith.select %and3A_280, %add3A_281, %rem3A_272 : i32
      %gt3A_283 = arith.constant 0 : i32
      %gt3A_284 = arith.cmpi sgt, %add3A_230, %gt3A_283 : i32
      %convert_element_type3A_285 = arith.extui %gt3A_284 : i1 to i32
      %cond3A_286 = arith.constant 0 : i32
      %cond3A_287 = arith.cmpi ne, %convert_element_type3A_285, %cond3A_286 : i32
      scf.if %cond3A_287 {
        %dma_wait3A_352 = arith.constant 1 : i32
        %dma_wait3A_353 = arith.constant 0 : i32
        %dma_wait3A_354 = arith.constant 0 : i32
        %dma_wait3A_355 = tpu.memref_slice %arg14[%dma_wait3A_353, %dma_wait3A_354] : memref<256x16xf32, #tpu.memory_space<vmem>> -> memref<128x16xf32, #tpu.memory_space<vmem>>
        %dma_wait3A_356 = arith.constant 0 : i32
        %dma_wait3A_357 = tpu.memref_slice %arg12[%select_n3A_282, %dma_wait3A_352, %dma_wait3A_356] : memref<3x2x128xi32, #tpu.memory_space<vmem>> -> memref<1x1x128xi32, #tpu.memory_space<vmem>>
        %dma_wait3A_358 = tpu.memref_squeeze %dma_wait3A_357 : memref<1x1x128xi32, #tpu.memory_space<vmem>> -> memref<128xi32, #tpu.memory_space<vmem>>
        %dma_wait3A_359 = arith.constant 0 : i32
        %dma_wait3A_360 = arith.constant 0 : i32
        %dma_wait3A_361 = tpu.memref_slice %arg10[%dma_wait3A_359, %dma_wait3A_360] : memref<10112x16xf32, #tpu.memory_space<vmem_shared>> -> memref<10112x16xf32, #tpu.memory_space<vmem_shared>>
        tpu.wait_indirect_dma semaphore(%arg21 : memref<!tpu.dma_semaphore, #tpu.memory_space<semaphore_mem>>) src(%dma_wait3A_355 : memref<128x16xf32, #tpu.memory_space<vmem>>) dst(%dma_wait3A_361 : memref<10112x16xf32, #tpu.memory_space<vmem_shared>>)
        %dma_wait3A_362 = arith.constant 1 : i32
        %dma_wait3A_363 = arith.constant 0 : i32
        %dma_wait3A_364 = arith.constant 0 : i32
        %dma_wait3A_365 = tpu.memref_slice %arg15[%dma_wait3A_363, %dma_wait3A_364] : memref<256x8xf32, #tpu.memory_space<vmem>> -> memref<128x8xf32, #tpu.memory_space<vmem>>
        %dma_wait3A_366 = arith.constant 0 : i32
        %dma_wait3A_367 = tpu.memref_slice %arg12[%select_n3A_282, %dma_wait3A_362, %dma_wait3A_366] : memref<3x2x128xi32, #tpu.memory_space<vmem>> -> memref<1x1x128xi32, #tpu.memory_space<vmem>>
        %dma_wait3A_368 = tpu.memref_squeeze %dma_wait3A_367 : memref<1x1x128xi32, #tpu.memory_space<vmem>> -> memref<128xi32, #tpu.memory_space<vmem>>
        %dma_wait3A_369 = arith.constant 0 : i32
        %dma_wait3A_370 = arith.constant 0 : i32
        %dma_wait3A_371 = tpu.memref_slice %arg11[%dma_wait3A_369, %dma_wait3A_370] : memref<10112x8xf32, #tpu.memory_space<vmem_shared>> -> memref<10112x8xf32, #tpu.memory_space<vmem_shared>>
        tpu.wait_indirect_dma semaphore(%arg23 : memref<!tpu.dma_semaphore, #tpu.memory_space<semaphore_mem>>) src(%dma_wait3A_365 : memref<128x8xf32, #tpu.memory_space<vmem>>) dst(%dma_wait3A_371 : memref<10112x8xf32, #tpu.memory_space<vmem_shared>>)
      } else {
      }
      %add3A_288 = arith.constant 1 : i32
      %add3A_289 = arith.addi %add3A_230, %add3A_288 : i32
      %lt3A_290 = arith.constant 80 : i32
      %lt3A_291 = arith.cmpi slt, %add3A_289, %lt3A_290 : i32
      %convert_element_type3A_292 = arith.extui %lt3A_291 : i1 to i32
      %cond3A_293 = arith.constant 0 : i32
      %cond3A_294 = arith.cmpi ne, %convert_element_type3A_292, %cond3A_293 : i32
      scf.if %cond3A_294 {
        %add3A_352 = arith.addi %mul3A_39, %add3A_230 : i32
        %add3A_353 = arith.constant 1 : i32
        %add3A_354 = arith.addi %add3A_352, %add3A_353 : i32
        %dma_wait3A_355 = arith.constant 0 : i32
        %dma_wait3A_356 = arith.constant 0 : i32
        %dma_wait3A_357 = tpu.memref_slice %arg12[%select_n3A_264, %dma_wait3A_355, %dma_wait3A_356] : memref<3x2x128xi32, #tpu.memory_space<vmem>> -> memref<1x2x128xi32, #tpu.memory_space<vmem>>
        %dma_wait3A_358 = tpu.memref_squeeze %dma_wait3A_357 : memref<1x2x128xi32, #tpu.memory_space<vmem>> -> memref<2x128xi32, #tpu.memory_space<vmem>>
        %dma_wait3A_359 = arith.constant 0 : i32
        %dma_wait3A_360 = arith.constant 0 : i32
        %dma_wait3A_361 = tpu.memref_slice %arg4[%add3A_354, %dma_wait3A_359, %dma_wait3A_360] : memref<2560x2x128xi32, #tpu.memory_space<hbm>> -> memref<1x2x128xi32, #tpu.memory_space<hbm>>
        %dma_wait3A_362 = tpu.memref_squeeze %dma_wait3A_361 : memref<1x2x128xi32, #tpu.memory_space<hbm>> -> memref<2x128xi32, #tpu.memory_space<hbm>>
        %dma_wait3A_363 = arith.constant 0 : i32
        %dma_wait3A_364 = arith.constant 0 : i32
        %dma_wait3A_365 = tpu.memref_slice %arg12[%select_n3A_264, %dma_wait3A_363, %dma_wait3A_364] : memref<3x2x128xi32, #tpu.memory_space<vmem>> -> memref<1x2x128xi32, #tpu.memory_space<vmem>>
        %dma_wait3A_366 = tpu.memref_squeeze %dma_wait3A_365 : memref<1x2x128xi32, #tpu.memory_space<vmem>> -> memref<2x128xi32, #tpu.memory_space<vmem>>
        %dma_wait3A_367 = arith.constant 0 : i32
        %dma_wait3A_368 = arith.constant 0 : i32
        %dma_wait3A_369 = tpu.memref_slice %arg4[%add3A_354, %dma_wait3A_367, %dma_wait3A_368] : memref<2560x2x128xi32, #tpu.memory_space<hbm>> -> memref<1x2x128xi32, #tpu.memory_space<hbm>>
        %dma_wait3A_370 = tpu.memref_squeeze %dma_wait3A_369 : memref<1x2x128xi32, #tpu.memory_space<hbm>> -> memref<2x128xi32, #tpu.memory_space<hbm>>
        tpu.wait_dma2 semaphore(%arg25 : memref<!tpu.dma_semaphore, #tpu.memory_space<semaphore_mem>>) src(%dma_wait3A_370 : memref<2x128xi32, #tpu.memory_space<hbm>>) dst(%dma_wait3A_366 : memref<2x128xi32, #tpu.memory_space<vmem>>)
        %dma_start3A_371 = arith.constant 0 : i32
        %dma_start3A_372 = arith.constant 0 : i32
        %dma_start3A_373 = arith.constant 0 : i32
        %dma_start3A_374 = tpu.memref_slice %arg13[%dma_start3A_372, %dma_start3A_373] : memref<256x16xf32, #tpu.memory_space<vmem>> -> memref<128x16xf32, #tpu.memory_space<vmem>>
        %dma_start3A_375 = arith.constant 0 : i32
        %dma_start3A_376 = tpu.memref_slice %arg12[%select_n3A_264, %dma_start3A_371, %dma_start3A_375] : memref<3x2x128xi32, #tpu.memory_space<vmem>> -> memref<1x1x128xi32, #tpu.memory_space<vmem>>
        %dma_start3A_377 = tpu.memref_squeeze %dma_start3A_376 : memref<1x1x128xi32, #tpu.memory_space<vmem>> -> memref<128xi32, #tpu.memory_space<vmem>>
        %dma_start3A_378 = arith.constant 0 : i32
        %dma_start3A_379 = arith.constant 0 : i32
        %dma_start3A_380 = tpu.memref_slice %arg2[%dma_start3A_378, %dma_start3A_379] : memref<10000x16xf32, #tpu.memory_space<hbm>> -> memref<10000x16xf32, #tpu.memory_space<hbm>>
        tpu.enqueue_indirect_dma source(%dma_start3A_380 : memref<10000x16xf32, #tpu.memory_space<hbm>>) target(%dma_start3A_374 : memref<128x16xf32, #tpu.memory_space<vmem>>) offsets(%dma_start3A_377 : memref<128xi32, #tpu.memory_space<vmem>>) semaphore(%arg17 : memref<!tpu.dma_semaphore, #tpu.memory_space<semaphore_mem>>)
        %dma_start3A_381 = arith.constant 1 : i32
        %dma_start3A_382 = arith.constant 0 : i32
        %dma_start3A_383 = arith.constant 0 : i32
        %dma_start3A_384 = tpu.memref_slice %arg14[%dma_start3A_382, %dma_start3A_383] : memref<256x16xf32, #tpu.memory_space<vmem>> -> memref<128x16xf32, #tpu.memory_space<vmem>>
        %dma_start3A_385 = arith.constant 0 : i32
        %dma_start3A_386 = tpu.memref_slice %arg12[%select_n3A_264, %dma_start3A_381, %dma_start3A_385] : memref<3x2x128xi32, #tpu.memory_space<vmem>> -> memref<1x1x128xi32, #tpu.memory_space<vmem>>
        %dma_start3A_387 = tpu.memref_squeeze %dma_start3A_386 : memref<1x1x128xi32, #tpu.memory_space<vmem>> -> memref<128xi32, #tpu.memory_space<vmem>>
        %dma_start3A_388 = arith.constant 0 : i32
        %dma_start3A_389 = arith.constant 0 : i32
        %dma_start3A_390 = tpu.memref_slice %arg3[%dma_start3A_388, %dma_start3A_389] : memref<10000x16xf32, #tpu.memory_space<hbm>> -> memref<10000x16xf32, #tpu.memory_space<hbm>>
        tpu.enqueue_indirect_dma source(%dma_start3A_390 : memref<10000x16xf32, #tpu.memory_space<hbm>>) target(%dma_start3A_384 : memref<128x16xf32, #tpu.memory_space<vmem>>) offsets(%dma_start3A_387 : memref<128xi32, #tpu.memory_space<vmem>>) semaphore(%arg19 : memref<!tpu.dma_semaphore, #tpu.memory_space<semaphore_mem>>)
      } else {
      }
      %dma_wait3A_295 = arith.constant 0 : i32
      %dma_wait3A_296 = arith.constant 128 : i32
      %dma_wait3A_297 = arith.constant 0 : i32
      %dma_wait3A_298 = tpu.memref_slice %arg13[%dma_wait3A_296, %dma_wait3A_297] : memref<256x16xf32, #tpu.memory_space<vmem>> -> memref<128x16xf32, #tpu.memory_space<vmem>>
      %dma_wait3A_299 = arith.constant 0 : i32
      %dma_wait3A_300 = tpu.memref_slice %arg12[%select_n3A_246, %dma_wait3A_295, %dma_wait3A_299] : memref<3x2x128xi32, #tpu.memory_space<vmem>> -> memref<1x1x128xi32, #tpu.memory_space<vmem>>
      %dma_wait3A_301 = tpu.memref_squeeze %dma_wait3A_300 : memref<1x1x128xi32, #tpu.memory_space<vmem>> -> memref<128xi32, #tpu.memory_space<vmem>>
      %dma_wait3A_302 = arith.constant 0 : i32
      %dma_wait3A_303 = arith.constant 0 : i32
      %dma_wait3A_304 = tpu.memref_slice %arg2[%dma_wait3A_302, %dma_wait3A_303] : memref<10000x16xf32, #tpu.memory_space<hbm>> -> memref<10000x16xf32, #tpu.memory_space<hbm>>
      tpu.wait_indirect_dma semaphore(%arg18 : memref<!tpu.dma_semaphore, #tpu.memory_space<semaphore_mem>>) src(%dma_wait3A_304 : memref<10000x16xf32, #tpu.memory_space<hbm>>) dst(%dma_wait3A_298 : memref<128x16xf32, #tpu.memory_space<vmem>>)
      %dma_wait3A_305 = arith.constant 1 : i32
      %dma_wait3A_306 = arith.constant 128 : i32
      %dma_wait3A_307 = arith.constant 0 : i32
      %dma_wait3A_308 = tpu.memref_slice %arg14[%dma_wait3A_306, %dma_wait3A_307] : memref<256x16xf32, #tpu.memory_space<vmem>> -> memref<128x16xf32, #tpu.memory_space<vmem>>
      %dma_wait3A_309 = arith.constant 0 : i32
      %dma_wait3A_310 = tpu.memref_slice %arg12[%select_n3A_246, %dma_wait3A_305, %dma_wait3A_309] : memref<3x2x128xi32, #tpu.memory_space<vmem>> -> memref<1x1x128xi32, #tpu.memory_space<vmem>>
      %dma_wait3A_311 = tpu.memref_squeeze %dma_wait3A_310 : memref<1x1x128xi32, #tpu.memory_space<vmem>> -> memref<128xi32, #tpu.memory_space<vmem>>
      %dma_wait3A_312 = arith.constant 0 : i32
      %dma_wait3A_313 = arith.constant 0 : i32
      %dma_wait3A_314 = tpu.memref_slice %arg3[%dma_wait3A_312, %dma_wait3A_313] : memref<10000x16xf32, #tpu.memory_space<hbm>> -> memref<10000x16xf32, #tpu.memory_space<hbm>>
      tpu.wait_indirect_dma semaphore(%arg20 : memref<!tpu.dma_semaphore, #tpu.memory_space<semaphore_mem>>) src(%dma_wait3A_314 : memref<10000x16xf32, #tpu.memory_space<hbm>>) dst(%dma_wait3A_308 : memref<128x16xf32, #tpu.memory_space<vmem>>)
      %add3A_315 = arith.constant 2 : i32
      %add3A_316 = arith.addi %add3A_230, %add3A_315 : i32
      %lt3A_317 = arith.constant 80 : i32
      %lt3A_318 = arith.cmpi slt, %add3A_316, %lt3A_317 : i32
      %convert_element_type3A_319 = arith.extui %lt3A_318 : i1 to i32
      %cond3A_320 = arith.constant 0 : i32
      %cond3A_321 = arith.cmpi ne, %convert_element_type3A_319, %cond3A_320 : i32
      scf.if %cond3A_321 {
        %add3A_352 = arith.addi %mul3A_39, %add3A_230 : i32
        %add3A_353 = arith.constant 2 : i32
        %add3A_354 = arith.addi %add3A_352, %add3A_353 : i32
        %dma_start3A_355 = arith.constant 0 : i32
        %dma_start3A_356 = arith.constant 0 : i32
        %dma_start3A_357 = tpu.memref_slice %arg12[%select_n3A_282, %dma_start3A_355, %dma_start3A_356] : memref<3x2x128xi32, #tpu.memory_space<vmem>> -> memref<1x2x128xi32, #tpu.memory_space<vmem>>
        %dma_start3A_358 = tpu.memref_squeeze %dma_start3A_357 : memref<1x2x128xi32, #tpu.memory_space<vmem>> -> memref<2x128xi32, #tpu.memory_space<vmem>>
        %dma_start3A_359 = arith.constant 0 : i32
        %dma_start3A_360 = arith.constant 0 : i32
        %dma_start3A_361 = tpu.memref_slice %arg4[%add3A_354, %dma_start3A_359, %dma_start3A_360] : memref<2560x2x128xi32, #tpu.memory_space<hbm>> -> memref<1x2x128xi32, #tpu.memory_space<hbm>>
        %dma_start3A_362 = tpu.memref_squeeze %dma_start3A_361 : memref<1x2x128xi32, #tpu.memory_space<hbm>> -> memref<2x128xi32, #tpu.memory_space<hbm>>
        %dma_start3A_363 = arith.constant 0 : i32
        %dma_start3A_364 = arith.constant 0 : i32
        %dma_start3A_365 = tpu.memref_slice %arg12[%select_n3A_282, %dma_start3A_363, %dma_start3A_364] : memref<3x2x128xi32, #tpu.memory_space<vmem>> -> memref<1x2x128xi32, #tpu.memory_space<vmem>>
        %dma_start3A_366 = tpu.memref_squeeze %dma_start3A_365 : memref<1x2x128xi32, #tpu.memory_space<vmem>> -> memref<2x128xi32, #tpu.memory_space<vmem>>
        %dma_start3A_367 = arith.constant 0 : i32
        %dma_start3A_368 = arith.constant 0 : i32
        %dma_start3A_369 = tpu.memref_slice %arg4[%add3A_354, %dma_start3A_367, %dma_start3A_368] : memref<2560x2x128xi32, #tpu.memory_space<hbm>> -> memref<1x2x128xi32, #tpu.memory_space<hbm>>
        %dma_start3A_370 = tpu.memref_squeeze %dma_start3A_369 : memref<1x2x128xi32, #tpu.memory_space<hbm>> -> memref<2x128xi32, #tpu.memory_space<hbm>>
        tpu.enqueue_dma source(%dma_start3A_370 : memref<2x128xi32, #tpu.memory_space<hbm>>) target(%dma_start3A_366 : memref<2x128xi32, #tpu.memory_space<vmem>>) target_semaphore(%arg25 : memref<!tpu.dma_semaphore, #tpu.memory_space<semaphore_mem>>)
      } else {
      }
      %mul3A_322 = arith.constant 10240 : i32
      %mul3A_323 = arith.muli %add3A, %mul3A_322 : i32
      %mul3A_324 = arith.constant 128 : i32
      %mul3A_325 = arith.muli %add3A_230, %mul3A_324 : i32
      %add3A_326 = arith.addi %mul3A_323, %mul3A_325 : i32
      %scan3A_327 = arith.constant 0 : i32
      %scan3A_328 = arith.constant 8 : i32
      %scan3A_329 = arith.addi %scan3A_327, %scan3A_328 : i32
      %scan3A_330 = arith.constant 1 : i32
      scf.for %scan3A_352 = %scan3A_327 to %scan3A_329 step %scan3A_330  : i32 {
        %mul3A_353 = arith.constant 1 : i32
        %mul3A_354 = arith.muli %scan3A_352, %mul3A_353 : i32
        %add3A_355 = arith.constant 0 : i32
        %add3A_356 = arith.addi %add3A_355, %mul3A_354 : i32
        %jit3A_357 = arith.constant 8 : i32
        %div3A = arith.divsi %add3A_356, %jit3A_357 : i32
        %sign3A = arith.constant 0 : i32
        %sign3A_358 = arith.cmpi sgt, %add3A_356, %sign3A : i32
        %sign3A_359 = arith.extui %sign3A_358 : i1 to i32
        %sign3A_360 = arith.constant 0 : i32
        %sign3A_361 = arith.cmpi slt, %add3A_356, %sign3A_360 : i32
        %sign3A_362 = arith.extui %sign3A_361 : i1 to i32
        %sign3A_363 = arith.subi %sign3A_359, %sign3A_362 : i32
        %sign3A_364 = arith.constant 0 : i32
        %sign3A_365 = arith.cmpi sgt, %jit3A_357, %sign3A_364 : i32
        %sign3A_366 = arith.extui %sign3A_365 : i1 to i32
        %sign3A_367 = arith.constant 0 : i32
        %sign3A_368 = arith.cmpi slt, %jit3A_357, %sign3A_367 : i32
        %sign3A_369 = arith.extui %sign3A_368 : i1 to i32
        %sign3A_370 = arith.subi %sign3A_366, %sign3A_369 : i32
        %ne3A_371 = arith.cmpi ne, %sign3A_363, %sign3A_370 : i32
        %rem3A_372 = arith.remsi %add3A_356, %jit3A_357 : i32
        %ne3A_373 = arith.constant 0 : i32
        %ne3A_374 = arith.cmpi ne, %rem3A_372, %ne3A_373 : i32
        %and3A_375 = arith.andi %ne3A_371, %ne3A_374 : i1
        %sub3A = arith.constant 1 : i32
        %sub3A_376 = arith.subi %div3A, %sub3A : i32
        %select_n3A_377 = arith.select %and3A_375, %sub3A_376, %div3A : i32
        %mul3A_378 = arith.constant 8 : i32
        %mul3A_379 = arith.muli %select_n3A_377, %mul3A_378 : i32
        %sub3A_380 = arith.subi %add3A_356, %mul3A_379 : i32
        %mul3A_381 = arith.constant 16 : i32
        %mul3A_382 = arith.muli %select_n3A_377, %mul3A_381 : i32
        %iota3A = tpu.iota {dimensions = array<i32: 0>} : vector<16xi32>
        %mul3A_383 = arith.constant 16 : i32
        %mul3A_384 = arith.muli %sub3A_380, %mul3A_383 : i32
        %add3A_385 = vector.broadcast %mul3A_384 : i32 to vector<16xi32>
        %add3A_386 = arith.addi %iota3A, %add3A_385 : vector<16xi32>
        %add3A_387 = arith.constant 128 : i32
        %add3A_388 = vector.broadcast %add3A_387 : i32 to vector<16xi32>
        %add3A_389 = arith.addi %add3A_386, %add3A_388 : vector<16xi32>
        %add3A_390 = vector.broadcast %add3A_326 : i32 to vector<16xi32>
        %add3A_391 = arith.addi %add3A_390, %add3A_386 : vector<16xi32>
        %lt3A_392 = arith.constant 320000 : i32
        %lt3A_393 = vector.broadcast %lt3A_392 : i32 to vector<16xi32>
        %lt3A_394 = arith.cmpi slt, %add3A_391, %lt3A_393 : vector<16xi32>
        %broadcast_in_dim3A_395 = arith.constant 0.000000e+00 : f32
        %broadcast_in_dim3A_396 = vector.broadcast %broadcast_in_dim3A_395 : f32 to vector<16xf32>
        %broadcast_in_dim3A_397 = arith.constant 0.000000e+00 : f32
        %broadcast_in_dim3A_398 = vector.broadcast %broadcast_in_dim3A_397 : f32 to vector<16xf32>
        %broadcast_in_dim3A_399 = arith.constant 0.000000e+00 : f32
        %broadcast_in_dim3A_400 = vector.broadcast %broadcast_in_dim3A_399 : f32 to vector<16xf32>
        %broadcast_in_dim3A_401 = arith.constant 0.000000e+00 : f32
        %broadcast_in_dim3A_402 = vector.broadcast %broadcast_in_dim3A_401 : f32 to vector<16xf32>
        %xor3A = arith.constant 0 : i32
        %xor3A_403 = vector.broadcast %xor3A : i32 to vector<16xi32>
        %xor3A_404 = arith.xori %iota3A, %xor3A_403 : vector<16xi32>
        %or3A = vector.broadcast %mul3A_382 : i32 to vector<16xi32>
        %or3A_405 = arith.ori %xor3A_404, %or3A : vector<16xi32>
        %gather3A = tpu.vector_load_idx %arg13[%add3A_389, %or3A_405] : memref<256x16xf32, #tpu.memory_space<vmem>>[vector<16xi32>, vector<16xi32>], vector<16xf32>,
        %gather3A_406 = tpu.vector_load_idx %arg14[%add3A_389, %or3A_405] : memref<256x16xf32, #tpu.memory_space<vmem>>[vector<16xi32>, vector<16xi32>], vector<16xf32>,
        %add3A_407 = arith.addf %gather3A, %gather3A_406 : vector<16xf32>
        %mul3A_408 = arith.constant 2.000000e-01 : f32
        %mul3A_409 = vector.broadcast %mul3A_408 : f32 to vector<16xf32>
        %mul3A_410 = arith.mulf %mul3A_409, %add3A_407 : vector<16xf32>
        %max3A = arith.maximumf %add3A_407, %mul3A_410 : vector<16xf32>
        %add3A_411 = arith.constant 0 : i32
        %add3A_412 = arith.addi %mul3A_382, %add3A_411 : i32
        %get3A = arith.index_cast %add3A_412 : i32 to index
        %get3A_413 = arith.constant 0 : index
        %get3A_414 = tpu.vector_load %arg16[%get3A, %get3A_413] {strides = array<i32>} : memref<16x16xf32, #tpu.memory_space<vmem>>, vector<16xf32>,
        %mul3A_415 = arith.mulf %get3A_414, %max3A : vector<16xf32>
        %add3A_416 = arith.addf %broadcast_in_dim3A_396, %mul3A_415 : vector<16xf32>
        %xor3A_417 = arith.constant 1 : i32
        %xor3A_418 = vector.broadcast %xor3A_417 : i32 to vector<16xi32>
        %xor3A_419 = arith.xori %iota3A, %xor3A_418 : vector<16xi32>
        %or3A_420 = vector.broadcast %mul3A_382 : i32 to vector<16xi32>
        %or3A_421 = arith.ori %xor3A_419, %or3A_420 : vector<16xi32>
        %gather3A_422 = tpu.vector_load_idx %arg13[%add3A_389, %or3A_421] : memref<256x16xf32, #tpu.memory_space<vmem>>[vector<16xi32>, vector<16xi32>], vector<16xf32>,
        %gather3A_423 = tpu.vector_load_idx %arg14[%add3A_389, %or3A_421] : memref<256x16xf32, #tpu.memory_space<vmem>>[vector<16xi32>, vector<16xi32>], vector<16xf32>,
        %add3A_424 = arith.addf %gather3A_422, %gather3A_423 : vector<16xf32>
        %mul3A_425 = arith.constant 2.000000e-01 : f32
        %mul3A_426 = vector.broadcast %mul3A_425 : f32 to vector<16xf32>
        %mul3A_427 = arith.mulf %mul3A_426, %add3A_424 : vector<16xf32>
        %max3A_428 = arith.maximumf %add3A_424, %mul3A_427 : vector<16xf32>
        %add3A_429 = arith.constant 1 : i32
        %add3A_430 = arith.addi %mul3A_382, %add3A_429 : i32
        %get3A_431 = arith.index_cast %add3A_430 : i32 to index
        %get3A_432 = arith.constant 0 : index
        %get3A_433 = tpu.vector_load %arg16[%get3A_431, %get3A_432] {strides = array<i32>} : memref<16x16xf32, #tpu.memory_space<vmem>>, vector<16xf32>,
        %mul3A_434 = arith.mulf %get3A_433, %max3A_428 : vector<16xf32>
        %add3A_435 = arith.addf %broadcast_in_dim3A_398, %mul3A_434 : vector<16xf32>
        %xor3A_436 = arith.constant 2 : i32
        %xor3A_437 = vector.broadcast %xor3A_436 : i32 to vector<16xi32>
        %xor3A_438 = arith.xori %iota3A, %xor3A_437 : vector<16xi32>
        %or3A_439 = vector.broadcast %mul3A_382 : i32 to vector<16xi32>
        %or3A_440 = arith.ori %xor3A_438, %or3A_439 : vector<16xi32>
        %gather3A_441 = tpu.vector_load_idx %arg13[%add3A_389, %or3A_440] : memref<256x16xf32, #tpu.memory_space<vmem>>[vector<16xi32>, vector<16xi32>], vector<16xf32>,
        %gather3A_442 = tpu.vector_load_idx %arg14[%add3A_389, %or3A_440] : memref<256x16xf32, #tpu.memory_space<vmem>>[vector<16xi32>, vector<16xi32>], vector<16xf32>,
        %add3A_443 = arith.addf %gather3A_441, %gather3A_442 : vector<16xf32>
        %mul3A_444 = arith.constant 2.000000e-01 : f32
        %mul3A_445 = vector.broadcast %mul3A_444 : f32 to vector<16xf32>
        %mul3A_446 = arith.mulf %mul3A_445, %add3A_443 : vector<16xf32>
        %max3A_447 = arith.maximumf %add3A_443, %mul3A_446 : vector<16xf32>
        %add3A_448 = arith.constant 2 : i32
        %add3A_449 = arith.addi %mul3A_382, %add3A_448 : i32
        %get3A_450 = arith.index_cast %add3A_449 : i32 to index
        %get3A_451 = arith.constant 0 : index
        %get3A_452 = tpu.vector_load %arg16[%get3A_450, %get3A_451] {strides = array<i32>} : memref<16x16xf32, #tpu.memory_space<vmem>>, vector<16xf32>,
        %mul3A_453 = arith.mulf %get3A_452, %max3A_447 : vector<16xf32>
        %add3A_454 = arith.addf %broadcast_in_dim3A_400, %mul3A_453 : vector<16xf32>
        %xor3A_455 = arith.constant 3 : i32
        %xor3A_456 = vector.broadcast %xor3A_455 : i32 to vector<16xi32>
        %xor3A_457 = arith.xori %iota3A, %xor3A_456 : vector<16xi32>
        %or3A_458 = vector.broadcast %mul3A_382 : i32 to vector<16xi32>
        %or3A_459 = arith.ori %xor3A_457, %or3A_458 : vector<16xi32>
        %gather3A_460 = tpu.vector_load_idx %arg13[%add3A_389, %or3A_459] : memref<256x16xf32, #tpu.memory_space<vmem>>[vector<16xi32>, vector<16xi32>], vector<16xf32>,
        %gather3A_461 = tpu.vector_load_idx %arg14[%add3A_389, %or3A_459] : memref<256x16xf32, #tpu.memory_space<vmem>>[vector<16xi32>, vector<16xi32>], vector<16xf32>,
        %add3A_462 = arith.addf %gather3A_460, %gather3A_461 : vector<16xf32>
        %mul3A_463 = arith.constant 2.000000e-01 : f32
        %mul3A_464 = vector.broadcast %mul3A_463 : f32 to vector<16xf32>
        %mul3A_465 = arith.mulf %mul3A_464, %add3A_462 : vector<16xf32>
        %max3A_466 = arith.maximumf %add3A_462, %mul3A_465 : vector<16xf32>
        %add3A_467 = arith.constant 3 : i32
        %add3A_468 = arith.addi %mul3A_382, %add3A_467 : i32
        %get3A_469 = arith.index_cast %add3A_468 : i32 to index
        %get3A_470 = arith.constant 0 : index
        %get3A_471 = tpu.vector_load %arg16[%get3A_469, %get3A_470] {strides = array<i32>} : memref<16x16xf32, #tpu.memory_space<vmem>>, vector<16xf32>,
        %mul3A_472 = arith.mulf %get3A_471, %max3A_466 : vector<16xf32>
        %add3A_473 = arith.addf %broadcast_in_dim3A_402, %mul3A_472 : vector<16xf32>
        %xor3A_474 = arith.constant 4 : i32
        %xor3A_475 = vector.broadcast %xor3A_474 : i32 to vector<16xi32>
        %xor3A_476 = arith.xori %iota3A, %xor3A_475 : vector<16xi32>
        %or3A_477 = vector.broadcast %mul3A_382 : i32 to vector<16xi32>
        %or3A_478 = arith.ori %xor3A_476, %or3A_477 : vector<16xi32>
        %gather3A_479 = tpu.vector_load_idx %arg13[%add3A_389, %or3A_478] : memref<256x16xf32, #tpu.memory_space<vmem>>[vector<16xi32>, vector<16xi32>], vector<16xf32>,
        %gather3A_480 = tpu.vector_load_idx %arg14[%add3A_389, %or3A_478] : memref<256x16xf32, #tpu.memory_space<vmem>>[vector<16xi32>, vector<16xi32>], vector<16xf32>,
        %add3A_481 = arith.addf %gather3A_479, %gather3A_480 : vector<16xf32>
        %mul3A_482 = arith.constant 2.000000e-01 : f32
        %mul3A_483 = vector.broadcast %mul3A_482 : f32 to vector<16xf32>
        %mul3A_484 = arith.mulf %mul3A_483, %add3A_481 : vector<16xf32>
        %max3A_485 = arith.maximumf %add3A_481, %mul3A_484 : vector<16xf32>
        %add3A_486 = arith.constant 4 : i32
        %add3A_487 = arith.addi %mul3A_382, %add3A_486 : i32
        %get3A_488 = arith.index_cast %add3A_487 : i32 to index
        %get3A_489 = arith.constant 0 : index
        %get3A_490 = tpu.vector_load %arg16[%get3A_488, %get3A_489] {strides = array<i32>} : memref<16x16xf32, #tpu.memory_space<vmem>>, vector<16xf32>,
        %mul3A_491 = arith.mulf %get3A_490, %max3A_485 : vector<16xf32>
        %add3A_492 = arith.addf %add3A_416, %mul3A_491 : vector<16xf32>
        %xor3A_493 = arith.constant 5 : i32
        %xor3A_494 = vector.broadcast %xor3A_493 : i32 to vector<16xi32>
        %xor3A_495 = arith.xori %iota3A, %xor3A_494 : vector<16xi32>
        %or3A_496 = vector.broadcast %mul3A_382 : i32 to vector<16xi32>
        %or3A_497 = arith.ori %xor3A_495, %or3A_496 : vector<16xi32>
        %gather3A_498 = tpu.vector_load_idx %arg13[%add3A_389, %or3A_497] : memref<256x16xf32, #tpu.memory_space<vmem>>[vector<16xi32>, vector<16xi32>], vector<16xf32>,
        %gather3A_499 = tpu.vector_load_idx %arg14[%add3A_389, %or3A_497] : memref<256x16xf32, #tpu.memory_space<vmem>>[vector<16xi32>, vector<16xi32>], vector<16xf32>,
        %add3A_500 = arith.addf %gather3A_498, %gather3A_499 : vector<16xf32>
        %mul3A_501 = arith.constant 2.000000e-01 : f32
        %mul3A_502 = vector.broadcast %mul3A_501 : f32 to vector<16xf32>
        %mul3A_503 = arith.mulf %mul3A_502, %add3A_500 : vector<16xf32>
        %max3A_504 = arith.maximumf %add3A_500, %mul3A_503 : vector<16xf32>
        %add3A_505 = arith.constant 5 : i32
        %add3A_506 = arith.addi %mul3A_382, %add3A_505 : i32
        %get3A_507 = arith.index_cast %add3A_506 : i32 to index
        %get3A_508 = arith.constant 0 : index
        %get3A_509 = tpu.vector_load %arg16[%get3A_507, %get3A_508] {strides = array<i32>} : memref<16x16xf32, #tpu.memory_space<vmem>>, vector<16xf32>,
        %mul3A_510 = arith.mulf %get3A_509, %max3A_504 : vector<16xf32>
        %add3A_511 = arith.addf %add3A_435, %mul3A_510 : vector<16xf32>
        %xor3A_512 = arith.constant 6 : i32
        %xor3A_513 = vector.broadcast %xor3A_512 : i32 to vector<16xi32>
        %xor3A_514 = arith.xori %iota3A, %xor3A_513 : vector<16xi32>
        %or3A_515 = vector.broadcast %mul3A_382 : i32 to vector<16xi32>
        %or3A_516 = arith.ori %xor3A_514, %or3A_515 : vector<16xi32>
        %gather3A_517 = tpu.vector_load_idx %arg13[%add3A_389, %or3A_516] : memref<256x16xf32, #tpu.memory_space<vmem>>[vector<16xi32>, vector<16xi32>], vector<16xf32>,
        %gather3A_518 = tpu.vector_load_idx %arg14[%add3A_389, %or3A_516] : memref<256x16xf32, #tpu.memory_space<vmem>>[vector<16xi32>, vector<16xi32>], vector<16xf32>,
        %add3A_519 = arith.addf %gather3A_517, %gather3A_518 : vector<16xf32>
        %mul3A_520 = arith.constant 2.000000e-01 : f32
        %mul3A_521 = vector.broadcast %mul3A_520 : f32 to vector<16xf32>
        %mul3A_522 = arith.mulf %mul3A_521, %add3A_519 : vector<16xf32>
        %max3A_523 = arith.maximumf %add3A_519, %mul3A_522 : vector<16xf32>
        %add3A_524 = arith.constant 6 : i32
        %add3A_525 = arith.addi %mul3A_382, %add3A_524 : i32
        %get3A_526 = arith.index_cast %add3A_525 : i32 to index
        %get3A_527 = arith.constant 0 : index
        %get3A_528 = tpu.vector_load %arg16[%get3A_526, %get3A_527] {strides = array<i32>} : memref<16x16xf32, #tpu.memory_space<vmem>>, vector<16xf32>,
        %mul3A_529 = arith.mulf %get3A_528, %max3A_523 : vector<16xf32>
        %add3A_530 = arith.addf %add3A_454, %mul3A_529 : vector<16xf32>
        %xor3A_531 = arith.constant 7 : i32
        %xor3A_532 = vector.broadcast %xor3A_531 : i32 to vector<16xi32>
        %xor3A_533 = arith.xori %iota3A, %xor3A_532 : vector<16xi32>
        %or3A_534 = vector.broadcast %mul3A_382 : i32 to vector<16xi32>
        %or3A_535 = arith.ori %xor3A_533, %or3A_534 : vector<16xi32>
        %gather3A_536 = tpu.vector_load_idx %arg13[%add3A_389, %or3A_535] : memref<256x16xf32, #tpu.memory_space<vmem>>[vector<16xi32>, vector<16xi32>], vector<16xf32>,
        %gather3A_537 = tpu.vector_load_idx %arg14[%add3A_389, %or3A_535] : memref<256x16xf32, #tpu.memory_space<vmem>>[vector<16xi32>, vector<16xi32>], vector<16xf32>,
        %add3A_538 = arith.addf %gather3A_536, %gather3A_537 : vector<16xf32>
        %mul3A_539 = arith.constant 2.000000e-01 : f32
        %mul3A_540 = vector.broadcast %mul3A_539 : f32 to vector<16xf32>
        %mul3A_541 = arith.mulf %mul3A_540, %add3A_538 : vector<16xf32>
        %max3A_542 = arith.maximumf %add3A_538, %mul3A_541 : vector<16xf32>
        %add3A_543 = arith.constant 7 : i32
        %add3A_544 = arith.addi %mul3A_382, %add3A_543 : i32
        %get3A_545 = arith.index_cast %add3A_544 : i32 to index
        %get3A_546 = arith.constant 0 : index
        %get3A_547 = tpu.vector_load %arg16[%get3A_545, %get3A_546] {strides = array<i32>} : memref<16x16xf32, #tpu.memory_space<vmem>>, vector<16xf32>,
        %mul3A_548 = arith.mulf %get3A_547, %max3A_542 : vector<16xf32>
        %add3A_549 = arith.addf %add3A_473, %mul3A_548 : vector<16xf32>
        %xor3A_550 = arith.constant 8 : i32
        %xor3A_551 = vector.broadcast %xor3A_550 : i32 to vector<16xi32>
        %xor3A_552 = arith.xori %iota3A, %xor3A_551 : vector<16xi32>
        %or3A_553 = vector.broadcast %mul3A_382 : i32 to vector<16xi32>
        %or3A_554 = arith.ori %xor3A_552, %or3A_553 : vector<16xi32>
        %gather3A_555 = tpu.vector_load_idx %arg13[%add3A_389, %or3A_554] : memref<256x16xf32, #tpu.memory_space<vmem>>[vector<16xi32>, vector<16xi32>], vector<16xf32>,
        %gather3A_556 = tpu.vector_load_idx %arg14[%add3A_389, %or3A_554] : memref<256x16xf32, #tpu.memory_space<vmem>>[vector<16xi32>, vector<16xi32>], vector<16xf32>,
        %add3A_557 = arith.addf %gather3A_555, %gather3A_556 : vector<16xf32>
        %mul3A_558 = arith.constant 2.000000e-01 : f32
        %mul3A_559 = vector.broadcast %mul3A_558 : f32 to vector<16xf32>
        %mul3A_560 = arith.mulf %mul3A_559, %add3A_557 : vector<16xf32>
        %max3A_561 = arith.maximumf %add3A_557, %mul3A_560 : vector<16xf32>
        %add3A_562 = arith.constant 8 : i32
        %add3A_563 = arith.addi %mul3A_382, %add3A_562 : i32
        %get3A_564 = arith.index_cast %add3A_563 : i32 to index
        %get3A_565 = arith.constant 0 : index
        %get3A_566 = tpu.vector_load %arg16[%get3A_564, %get3A_565] {strides = array<i32>} : memref<16x16xf32, #tpu.memory_space<vmem>>, vector<16xf32>,
        %mul3A_567 = arith.mulf %get3A_566, %max3A_561 : vector<16xf32>
        %add3A_568 = arith.addf %add3A_492, %mul3A_567 : vector<16xf32>
        %xor3A_569 = arith.constant 9 : i32
        %xor3A_570 = vector.broadcast %xor3A_569 : i32 to vector<16xi32>
        %xor3A_571 = arith.xori %iota3A, %xor3A_570 : vector<16xi32>
        %or3A_572 = vector.broadcast %mul3A_382 : i32 to vector<16xi32>
        %or3A_573 = arith.ori %xor3A_571, %or3A_572 : vector<16xi32>
        %gather3A_574 = tpu.vector_load_idx %arg13[%add3A_389, %or3A_573] : memref<256x16xf32, #tpu.memory_space<vmem>>[vector<16xi32>, vector<16xi32>], vector<16xf32>,
        %gather3A_575 = tpu.vector_load_idx %arg14[%add3A_389, %or3A_573] : memref<256x16xf32, #tpu.memory_space<vmem>>[vector<16xi32>, vector<16xi32>], vector<16xf32>,
        %add3A_576 = arith.addf %gather3A_574, %gather3A_575 : vector<16xf32>
        %mul3A_577 = arith.constant 2.000000e-01 : f32
        %mul3A_578 = vector.broadcast %mul3A_577 : f32 to vector<16xf32>
        %mul3A_579 = arith.mulf %mul3A_578, %add3A_576 : vector<16xf32>
        %max3A_580 = arith.maximumf %add3A_576, %mul3A_579 : vector<16xf32>
        %add3A_581 = arith.constant 9 : i32
        %add3A_582 = arith.addi %mul3A_382, %add3A_581 : i32
        %get3A_583 = arith.index_cast %add3A_582 : i32 to index
        %get3A_584 = arith.constant 0 : index
        %get3A_585 = tpu.vector_load %arg16[%get3A_583, %get3A_584] {strides = array<i32>} : memref<16x16xf32, #tpu.memory_space<vmem>>, vector<16xf32>,
        %mul3A_586 = arith.mulf %get3A_585, %max3A_580 : vector<16xf32>
        %add3A_587 = arith.addf %add3A_511, %mul3A_586 : vector<16xf32>
        %xor3A_588 = arith.constant 10 : i32
        %xor3A_589 = vector.broadcast %xor3A_588 : i32 to vector<16xi32>
        %xor3A_590 = arith.xori %iota3A, %xor3A_589 : vector<16xi32>
        %or3A_591 = vector.broadcast %mul3A_382 : i32 to vector<16xi32>
        %or3A_592 = arith.ori %xor3A_590, %or3A_591 : vector<16xi32>
        %gather3A_593 = tpu.vector_load_idx %arg13[%add3A_389, %or3A_592] : memref<256x16xf32, #tpu.memory_space<vmem>>[vector<16xi32>, vector<16xi32>], vector<16xf32>,
        %gather3A_594 = tpu.vector_load_idx %arg14[%add3A_389, %or3A_592] : memref<256x16xf32, #tpu.memory_space<vmem>>[vector<16xi32>, vector<16xi32>], vector<16xf32>,
        %add3A_595 = arith.addf %gather3A_593, %gather3A_594 : vector<16xf32>
        %mul3A_596 = arith.constant 2.000000e-01 : f32
        %mul3A_597 = vector.broadcast %mul3A_596 : f32 to vector<16xf32>
        %mul3A_598 = arith.mulf %mul3A_597, %add3A_595 : vector<16xf32>
        %max3A_599 = arith.maximumf %add3A_595, %mul3A_598 : vector<16xf32>
        %add3A_600 = arith.constant 10 : i32
        %add3A_601 = arith.addi %mul3A_382, %add3A_600 : i32
        %get3A_602 = arith.index_cast %add3A_601 : i32 to index
        %get3A_603 = arith.constant 0 : index
        %get3A_604 = tpu.vector_load %arg16[%get3A_602, %get3A_603] {strides = array<i32>} : memref<16x16xf32, #tpu.memory_space<vmem>>, vector<16xf32>,
        %mul3A_605 = arith.mulf %get3A_604, %max3A_599 : vector<16xf32>
        %add3A_606 = arith.addf %add3A_530, %mul3A_605 : vector<16xf32>
        %xor3A_607 = arith.constant 11 : i32
        %xor3A_608 = vector.broadcast %xor3A_607 : i32 to vector<16xi32>
        %xor3A_609 = arith.xori %iota3A, %xor3A_608 : vector<16xi32>
        %or3A_610 = vector.broadcast %mul3A_382 : i32 to vector<16xi32>
        %or3A_611 = arith.ori %xor3A_609, %or3A_610 : vector<16xi32>
        %gather3A_612 = tpu.vector_load_idx %arg13[%add3A_389, %or3A_611] : memref<256x16xf32, #tpu.memory_space<vmem>>[vector<16xi32>, vector<16xi32>], vector<16xf32>,
        %gather3A_613 = tpu.vector_load_idx %arg14[%add3A_389, %or3A_611] : memref<256x16xf32, #tpu.memory_space<vmem>>[vector<16xi32>, vector<16xi32>], vector<16xf32>,
        %add3A_614 = arith.addf %gather3A_612, %gather3A_613 : vector<16xf32>
        %mul3A_615 = arith.constant 2.000000e-01 : f32
        %mul3A_616 = vector.broadcast %mul3A_615 : f32 to vector<16xf32>
        %mul3A_617 = arith.mulf %mul3A_616, %add3A_614 : vector<16xf32>
        %max3A_618 = arith.maximumf %add3A_614, %mul3A_617 : vector<16xf32>
        %add3A_619 = arith.constant 11 : i32
        %add3A_620 = arith.addi %mul3A_382, %add3A_619 : i32
        %get3A_621 = arith.index_cast %add3A_620 : i32 to index
        %get3A_622 = arith.constant 0 : index
        %get3A_623 = tpu.vector_load %arg16[%get3A_621, %get3A_622] {strides = array<i32>} : memref<16x16xf32, #tpu.memory_space<vmem>>, vector<16xf32>,
        %mul3A_624 = arith.mulf %get3A_623, %max3A_618 : vector<16xf32>
        %add3A_625 = arith.addf %add3A_549, %mul3A_624 : vector<16xf32>
        %xor3A_626 = arith.constant 12 : i32
        %xor3A_627 = vector.broadcast %xor3A_626 : i32 to vector<16xi32>
        %xor3A_628 = arith.xori %iota3A, %xor3A_627 : vector<16xi32>
        %or3A_629 = vector.broadcast %mul3A_382 : i32 to vector<16xi32>
        %or3A_630 = arith.ori %xor3A_628, %or3A_629 : vector<16xi32>
        %gather3A_631 = tpu.vector_load_idx %arg13[%add3A_389, %or3A_630] : memref<256x16xf32, #tpu.memory_space<vmem>>[vector<16xi32>, vector<16xi32>], vector<16xf32>,
        %gather3A_632 = tpu.vector_load_idx %arg14[%add3A_389, %or3A_630] : memref<256x16xf32, #tpu.memory_space<vmem>>[vector<16xi32>, vector<16xi32>], vector<16xf32>,
        %add3A_633 = arith.addf %gather3A_631, %gather3A_632 : vector<16xf32>
        %mul3A_634 = arith.constant 2.000000e-01 : f32
        %mul3A_635 = vector.broadcast %mul3A_634 : f32 to vector<16xf32>
        %mul3A_636 = arith.mulf %mul3A_635, %add3A_633 : vector<16xf32>
        %max3A_637 = arith.maximumf %add3A_633, %mul3A_636 : vector<16xf32>
        %add3A_638 = arith.constant 12 : i32
        %add3A_639 = arith.addi %mul3A_382, %add3A_638 : i32
        %get3A_640 = arith.index_cast %add3A_639 : i32 to index
        %get3A_641 = arith.constant 0 : index
        %get3A_642 = tpu.vector_load %arg16[%get3A_640, %get3A_641] {strides = array<i32>} : memref<16x16xf32, #tpu.memory_space<vmem>>, vector<16xf32>,
        %mul3A_643 = arith.mulf %get3A_642, %max3A_637 : vector<16xf32>
        %add3A_644 = arith.addf %add3A_568, %mul3A_643 : vector<16xf32>
        %xor3A_645 = arith.constant 13 : i32
        %xor3A_646 = vector.broadcast %xor3A_645 : i32 to vector<16xi32>
        %xor3A_647 = arith.xori %iota3A, %xor3A_646 : vector<16xi32>
        %or3A_648 = vector.broadcast %mul3A_382 : i32 to vector<16xi32>
        %or3A_649 = arith.ori %xor3A_647, %or3A_648 : vector<16xi32>
        %gather3A_650 = tpu.vector_load_idx %arg13[%add3A_389, %or3A_649] : memref<256x16xf32, #tpu.memory_space<vmem>>[vector<16xi32>, vector<16xi32>], vector<16xf32>,
        %gather3A_651 = tpu.vector_load_idx %arg14[%add3A_389, %or3A_649] : memref<256x16xf32, #tpu.memory_space<vmem>>[vector<16xi32>, vector<16xi32>], vector<16xf32>,
        %add3A_652 = arith.addf %gather3A_650, %gather3A_651 : vector<16xf32>
        %mul3A_653 = arith.constant 2.000000e-01 : f32
        %mul3A_654 = vector.broadcast %mul3A_653 : f32 to vector<16xf32>
        %mul3A_655 = arith.mulf %mul3A_654, %add3A_652 : vector<16xf32>
        %max3A_656 = arith.maximumf %add3A_652, %mul3A_655 : vector<16xf32>
        %add3A_657 = arith.constant 13 : i32
        %add3A_658 = arith.addi %mul3A_382, %add3A_657 : i32
        %get3A_659 = arith.index_cast %add3A_658 : i32 to index
        %get3A_660 = arith.constant 0 : index
        %get3A_661 = tpu.vector_load %arg16[%get3A_659, %get3A_660] {strides = array<i32>} : memref<16x16xf32, #tpu.memory_space<vmem>>, vector<16xf32>,
        %mul3A_662 = arith.mulf %get3A_661, %max3A_656 : vector<16xf32>
        %add3A_663 = arith.addf %add3A_587, %mul3A_662 : vector<16xf32>
        %xor3A_664 = arith.constant 14 : i32
        %xor3A_665 = vector.broadcast %xor3A_664 : i32 to vector<16xi32>
        %xor3A_666 = arith.xori %iota3A, %xor3A_665 : vector<16xi32>
        %or3A_667 = vector.broadcast %mul3A_382 : i32 to vector<16xi32>
        %or3A_668 = arith.ori %xor3A_666, %or3A_667 : vector<16xi32>
        %gather3A_669 = tpu.vector_load_idx %arg13[%add3A_389, %or3A_668] : memref<256x16xf32, #tpu.memory_space<vmem>>[vector<16xi32>, vector<16xi32>], vector<16xf32>,
        %gather3A_670 = tpu.vector_load_idx %arg14[%add3A_389, %or3A_668] : memref<256x16xf32, #tpu.memory_space<vmem>>[vector<16xi32>, vector<16xi32>], vector<16xf32>,
        %add3A_671 = arith.addf %gather3A_669, %gather3A_670 : vector<16xf32>
        %mul3A_672 = arith.constant 2.000000e-01 : f32
        %mul3A_673 = vector.broadcast %mul3A_672 : f32 to vector<16xf32>
        %mul3A_674 = arith.mulf %mul3A_673, %add3A_671 : vector<16xf32>
        %max3A_675 = arith.maximumf %add3A_671, %mul3A_674 : vector<16xf32>
        %add3A_676 = arith.constant 14 : i32
        %add3A_677 = arith.addi %mul3A_382, %add3A_676 : i32
        %get3A_678 = arith.index_cast %add3A_677 : i32 to index
        %get3A_679 = arith.constant 0 : index
        %get3A_680 = tpu.vector_load %arg16[%get3A_678, %get3A_679] {strides = array<i32>} : memref<16x16xf32, #tpu.memory_space<vmem>>, vector<16xf32>,
        %mul3A_681 = arith.mulf %get3A_680, %max3A_675 : vector<16xf32>
        %add3A_682 = arith.addf %add3A_606, %mul3A_681 : vector<16xf32>
        %xor3A_683 = arith.constant 15 : i32
        %xor3A_684 = vector.broadcast %xor3A_683 : i32 to vector<16xi32>
        %xor3A_685 = arith.xori %iota3A, %xor3A_684 : vector<16xi32>
        %or3A_686 = vector.broadcast %mul3A_382 : i32 to vector<16xi32>
        %or3A_687 = arith.ori %xor3A_685, %or3A_686 : vector<16xi32>
        %gather3A_688 = tpu.vector_load_idx %arg13[%add3A_389, %or3A_687] : memref<256x16xf32, #tpu.memory_space<vmem>>[vector<16xi32>, vector<16xi32>], vector<16xf32>,
        %gather3A_689 = tpu.vector_load_idx %arg14[%add3A_389, %or3A_687] : memref<256x16xf32, #tpu.memory_space<vmem>>[vector<16xi32>, vector<16xi32>], vector<16xf32>,
        %add3A_690 = arith.addf %gather3A_688, %gather3A_689 : vector<16xf32>
        %mul3A_691 = arith.constant 2.000000e-01 : f32
        %mul3A_692 = vector.broadcast %mul3A_691 : f32 to vector<16xf32>
        %mul3A_693 = arith.mulf %mul3A_692, %add3A_690 : vector<16xf32>
        %max3A_694 = arith.maximumf %add3A_690, %mul3A_693 : vector<16xf32>
        %add3A_695 = arith.constant 15 : i32
        %add3A_696 = arith.addi %mul3A_382, %add3A_695 : i32
        %get3A_697 = arith.index_cast %add3A_696 : i32 to index
        %get3A_698 = arith.constant 0 : index
        %get3A_699 = tpu.vector_load %arg16[%get3A_697, %get3A_698] {strides = array<i32>} : memref<16x16xf32, #tpu.memory_space<vmem>>, vector<16xf32>,
        %mul3A_700 = arith.mulf %get3A_699, %max3A_694 : vector<16xf32>
        %add3A_701 = arith.addf %add3A_625, %mul3A_700 : vector<16xf32>
        %add3A_702 = arith.addf %add3A_644, %add3A_663 : vector<16xf32>
        %add3A_703 = arith.addf %add3A_682, %add3A_701 : vector<16xf32>
        %add3A_704 = arith.addf %add3A_702, %add3A_703 : vector<16xf32>
        %exp3A = math.exp %add3A_704 : vector<16xf32>
        %jit3A_705 = arith.constant 0.000000e+00 : f32
        %broadcast_in_dim3A_706 = vector.broadcast %jit3A_705 : f32 to vector<16xf32>
        %select_n3A_707 = arith.select %lt3A_394, %exp3A, %broadcast_in_dim3A_706 : vector<16xi1>, vector<16xf32>
        %broadcast_in_dim3A_708 = arith.constant 1 : i32
        %broadcast_in_dim3A_709 = vector.broadcast %broadcast_in_dim3A_708 : i32 to vector<16xi32>
        %mul3A_710 = vector.broadcast %select_n3A_377 : i32 to vector<16xi32>
        %mul3A_711 = arith.muli %broadcast_in_dim3A_709, %mul3A_710 : vector<16xi32>
        tpu.vector_store_idx %arg15[%add3A_389, %mul3A_711], %select_n3A_707 : memref<256x8xf32, #tpu.memory_space<vmem>>[vector<16xi32>, vector<16xi32>], vector<16xf32>,
        %xor3A_712 = arith.constant 0 : i32
        %xor3A_713 = vector.broadcast %xor3A_712 : i32 to vector<16xi32>
        %xor3A_714 = arith.xori %iota3A, %xor3A_713 : vector<16xi32>
        %or3A_715 = vector.broadcast %mul3A_382 : i32 to vector<16xi32>
        %or3A_716 = arith.ori %xor3A_714, %or3A_715 : vector<16xi32>
        %mul3A_717 = arith.mulf %select_n3A_707, %gather3A : vector<16xf32>
        tpu.vector_store_idx %arg14[%add3A_389, %or3A_716], %mul3A_717 : memref<256x16xf32, #tpu.memory_space<vmem>>[vector<16xi32>, vector<16xi32>], vector<16xf32>,
        %xor3A_718 = arith.constant 1 : i32
        %xor3A_719 = vector.broadcast %xor3A_718 : i32 to vector<16xi32>
        %xor3A_720 = arith.xori %iota3A, %xor3A_719 : vector<16xi32>
        %or3A_721 = vector.broadcast %mul3A_382 : i32 to vector<16xi32>
        %or3A_722 = arith.ori %xor3A_720, %or3A_721 : vector<16xi32>
        %mul3A_723 = arith.mulf %select_n3A_707, %gather3A_422 : vector<16xf32>
        tpu.vector_store_idx %arg14[%add3A_389, %or3A_722], %mul3A_723 : memref<256x16xf32, #tpu.memory_space<vmem>>[vector<16xi32>, vector<16xi32>], vector<16xf32>,
        %xor3A_724 = arith.constant 2 : i32
        %xor3A_725 = vector.broadcast %xor3A_724 : i32 to vector<16xi32>
        %xor3A_726 = arith.xori %iota3A, %xor3A_725 : vector<16xi32>
        %or3A_727 = vector.broadcast %mul3A_382 : i32 to vector<16xi32>
        %or3A_728 = arith.ori %xor3A_726, %or3A_727 : vector<16xi32>
        %mul3A_729 = arith.mulf %select_n3A_707, %gather3A_441 : vector<16xf32>
        tpu.vector_store_idx %arg14[%add3A_389, %or3A_728], %mul3A_729 : memref<256x16xf32, #tpu.memory_space<vmem>>[vector<16xi32>, vector<16xi32>], vector<16xf32>,
        %xor3A_730 = arith.constant 3 : i32
        %xor3A_731 = vector.broadcast %xor3A_730 : i32 to vector<16xi32>
        %xor3A_732 = arith.xori %iota3A, %xor3A_731 : vector<16xi32>
        %or3A_733 = vector.broadcast %mul3A_382 : i32 to vector<16xi32>
        %or3A_734 = arith.ori %xor3A_732, %or3A_733 : vector<16xi32>
        %mul3A_735 = arith.mulf %select_n3A_707, %gather3A_460 : vector<16xf32>
        tpu.vector_store_idx %arg14[%add3A_389, %or3A_734], %mul3A_735 : memref<256x16xf32, #tpu.memory_space<vmem>>[vector<16xi32>, vector<16xi32>], vector<16xf32>,
        %xor3A_736 = arith.constant 4 : i32
        %xor3A_737 = vector.broadcast %xor3A_736 : i32 to vector<16xi32>
        %xor3A_738 = arith.xori %iota3A, %xor3A_737 : vector<16xi32>
        %or3A_739 = vector.broadcast %mul3A_382 : i32 to vector<16xi32>
        %or3A_740 = arith.ori %xor3A_738, %or3A_739 : vector<16xi32>
        %mul3A_741 = arith.mulf %select_n3A_707, %gather3A_479 : vector<16xf32>
        tpu.vector_store_idx %arg14[%add3A_389, %or3A_740], %mul3A_741 : memref<256x16xf32, #tpu.memory_space<vmem>>[vector<16xi32>, vector<16xi32>], vector<16xf32>,
        %xor3A_742 = arith.constant 5 : i32
        %xor3A_743 = vector.broadcast %xor3A_742 : i32 to vector<16xi32>
        %xor3A_744 = arith.xori %iota3A, %xor3A_743 : vector<16xi32>
        %or3A_745 = vector.broadcast %mul3A_382 : i32 to vector<16xi32>
        %or3A_746 = arith.ori %xor3A_744, %or3A_745 : vector<16xi32>
        %mul3A_747 = arith.mulf %select_n3A_707, %gather3A_498 : vector<16xf32>
        tpu.vector_store_idx %arg14[%add3A_389, %or3A_746], %mul3A_747 : memref<256x16xf32, #tpu.memory_space<vmem>>[vector<16xi32>, vector<16xi32>], vector<16xf32>,
        %xor3A_748 = arith.constant 6 : i32
        %xor3A_749 = vector.broadcast %xor3A_748 : i32 to vector<16xi32>
        %xor3A_750 = arith.xori %iota3A, %xor3A_749 : vector<16xi32>
        %or3A_751 = vector.broadcast %mul3A_382 : i32 to vector<16xi32>
        %or3A_752 = arith.ori %xor3A_750, %or3A_751 : vector<16xi32>
        %mul3A_753 = arith.mulf %select_n3A_707, %gather3A_517 : vector<16xf32>
        tpu.vector_store_idx %arg14[%add3A_389, %or3A_752], %mul3A_753 : memref<256x16xf32, #tpu.memory_space<vmem>>[vector<16xi32>, vector<16xi32>], vector<16xf32>,
        %xor3A_754 = arith.constant 7 : i32
        %xor3A_755 = vector.broadcast %xor3A_754 : i32 to vector<16xi32>
        %xor3A_756 = arith.xori %iota3A, %xor3A_755 : vector<16xi32>
        %or3A_757 = vector.broadcast %mul3A_382 : i32 to vector<16xi32>
        %or3A_758 = arith.ori %xor3A_756, %or3A_757 : vector<16xi32>
        %mul3A_759 = arith.mulf %select_n3A_707, %gather3A_536 : vector<16xf32>
        tpu.vector_store_idx %arg14[%add3A_389, %or3A_758], %mul3A_759 : memref<256x16xf32, #tpu.memory_space<vmem>>[vector<16xi32>, vector<16xi32>], vector<16xf32>,
        %xor3A_760 = arith.constant 8 : i32
        %xor3A_761 = vector.broadcast %xor3A_760 : i32 to vector<16xi32>
        %xor3A_762 = arith.xori %iota3A, %xor3A_761 : vector<16xi32>
        %or3A_763 = vector.broadcast %mul3A_382 : i32 to vector<16xi32>
        %or3A_764 = arith.ori %xor3A_762, %or3A_763 : vector<16xi32>
        %mul3A_765 = arith.mulf %select_n3A_707, %gather3A_555 : vector<16xf32>
        tpu.vector_store_idx %arg14[%add3A_389, %or3A_764], %mul3A_765 : memref<256x16xf32, #tpu.memory_space<vmem>>[vector<16xi32>, vector<16xi32>], vector<16xf32>,
        %xor3A_766 = arith.constant 9 : i32
        %xor3A_767 = vector.broadcast %xor3A_766 : i32 to vector<16xi32>
        %xor3A_768 = arith.xori %iota3A, %xor3A_767 : vector<16xi32>
        %or3A_769 = vector.broadcast %mul3A_382 : i32 to vector<16xi32>
        %or3A_770 = arith.ori %xor3A_768, %or3A_769 : vector<16xi32>
        %mul3A_771 = arith.mulf %select_n3A_707, %gather3A_574 : vector<16xf32>
        tpu.vector_store_idx %arg14[%add3A_389, %or3A_770], %mul3A_771 : memref<256x16xf32, #tpu.memory_space<vmem>>[vector<16xi32>, vector<16xi32>], vector<16xf32>,
        %xor3A_772 = arith.constant 10 : i32
        %xor3A_773 = vector.broadcast %xor3A_772 : i32 to vector<16xi32>
        %xor3A_774 = arith.xori %iota3A, %xor3A_773 : vector<16xi32>
        %or3A_775 = vector.broadcast %mul3A_382 : i32 to vector<16xi32>
        %or3A_776 = arith.ori %xor3A_774, %or3A_775 : vector<16xi32>
        %mul3A_777 = arith.mulf %select_n3A_707, %gather3A_593 : vector<16xf32>
        tpu.vector_store_idx %arg14[%add3A_389, %or3A_776], %mul3A_777 : memref<256x16xf32, #tpu.memory_space<vmem>>[vector<16xi32>, vector<16xi32>], vector<16xf32>,
        %xor3A_778 = arith.constant 11 : i32
        %xor3A_779 = vector.broadcast %xor3A_778 : i32 to vector<16xi32>
        %xor3A_780 = arith.xori %iota3A, %xor3A_779 : vector<16xi32>
        %or3A_781 = vector.broadcast %mul3A_382 : i32 to vector<16xi32>
        %or3A_782 = arith.ori %xor3A_780, %or3A_781 : vector<16xi32>
        %mul3A_783 = arith.mulf %select_n3A_707, %gather3A_612 : vector<16xf32>
        tpu.vector_store_idx %arg14[%add3A_389, %or3A_782], %mul3A_783 : memref<256x16xf32, #tpu.memory_space<vmem>>[vector<16xi32>, vector<16xi32>], vector<16xf32>,
        %xor3A_784 = arith.constant 12 : i32
        %xor3A_785 = vector.broadcast %xor3A_784 : i32 to vector<16xi32>
        %xor3A_786 = arith.xori %iota3A, %xor3A_785 : vector<16xi32>
        %or3A_787 = vector.broadcast %mul3A_382 : i32 to vector<16xi32>
        %or3A_788 = arith.ori %xor3A_786, %or3A_787 : vector<16xi32>
        %mul3A_789 = arith.mulf %select_n3A_707, %gather3A_631 : vector<16xf32>
        tpu.vector_store_idx %arg14[%add3A_389, %or3A_788], %mul3A_789 : memref<256x16xf32, #tpu.memory_space<vmem>>[vector<16xi32>, vector<16xi32>], vector<16xf32>,
        %xor3A_790 = arith.constant 13 : i32
        %xor3A_791 = vector.broadcast %xor3A_790 : i32 to vector<16xi32>
        %xor3A_792 = arith.xori %iota3A, %xor3A_791 : vector<16xi32>
        %or3A_793 = vector.broadcast %mul3A_382 : i32 to vector<16xi32>
        %or3A_794 = arith.ori %xor3A_792, %or3A_793 : vector<16xi32>
        %mul3A_795 = arith.mulf %select_n3A_707, %gather3A_650 : vector<16xf32>
        tpu.vector_store_idx %arg14[%add3A_389, %or3A_794], %mul3A_795 : memref<256x16xf32, #tpu.memory_space<vmem>>[vector<16xi32>, vector<16xi32>], vector<16xf32>,
        %xor3A_796 = arith.constant 14 : i32
        %xor3A_797 = vector.broadcast %xor3A_796 : i32 to vector<16xi32>
        %xor3A_798 = arith.xori %iota3A, %xor3A_797 : vector<16xi32>
        %or3A_799 = vector.broadcast %mul3A_382 : i32 to vector<16xi32>
        %or3A_800 = arith.ori %xor3A_798, %or3A_799 : vector<16xi32>
        %mul3A_801 = arith.mulf %select_n3A_707, %gather3A_669 : vector<16xf32>
        tpu.vector_store_idx %arg14[%add3A_389, %or3A_800], %mul3A_801 : memref<256x16xf32, #tpu.memory_space<vmem>>[vector<16xi32>, vector<16xi32>], vector<16xf32>,
        %xor3A_802 = arith.constant 15 : i32
        %xor3A_803 = vector.broadcast %xor3A_802 : i32 to vector<16xi32>
        %xor3A_804 = arith.xori %iota3A, %xor3A_803 : vector<16xi32>
        %or3A_805 = vector.broadcast %mul3A_382 : i32 to vector<16xi32>
        %or3A_806 = arith.ori %xor3A_804, %or3A_805 : vector<16xi32>
        %mul3A_807 = arith.mulf %select_n3A_707, %gather3A_688 : vector<16xf32>
        tpu.vector_store_idx %arg14[%add3A_389, %or3A_806], %mul3A_807 : memref<256x16xf32, #tpu.memory_space<vmem>>[vector<16xi32>, vector<16xi32>], vector<16xf32>,
      }
      %scan3A_331 = arith.constant 8 : i32
      %dma_start3A_332 = arith.constant 1 : i32
      %dma_start3A_333 = arith.constant 128 : i32
      %dma_start3A_334 = arith.constant 0 : i32
      %dma_start3A_335 = tpu.memref_slice %arg14[%dma_start3A_333, %dma_start3A_334] : memref<256x16xf32, #tpu.memory_space<vmem>> -> memref<128x16xf32, #tpu.memory_space<vmem>>
      %dma_start3A_336 = arith.constant 0 : i32
      %dma_start3A_337 = tpu.memref_slice %arg12[%select_n3A_246, %dma_start3A_332, %dma_start3A_336] : memref<3x2x128xi32, #tpu.memory_space<vmem>> -> memref<1x1x128xi32, #tpu.memory_space<vmem>>
      %dma_start3A_338 = tpu.memref_squeeze %dma_start3A_337 : memref<1x1x128xi32, #tpu.memory_space<vmem>> -> memref<128xi32, #tpu.memory_space<vmem>>
      %dma_start3A_339 = arith.constant 0 : i32
      %dma_start3A_340 = arith.constant 0 : i32
      %dma_start3A_341 = tpu.memref_slice %arg10[%dma_start3A_339, %dma_start3A_340] : memref<10112x16xf32, #tpu.memory_space<vmem_shared>> -> memref<10112x16xf32, #tpu.memory_space<vmem_shared>>
      tpu.enqueue_indirect_dma source(%dma_start3A_335 : memref<128x16xf32, #tpu.memory_space<vmem>>) target(%dma_start3A_341 : memref<10112x16xf32, #tpu.memory_space<vmem_shared>>) offsets(%dma_start3A_338 : memref<128xi32, #tpu.memory_space<vmem>>) semaphore(%arg22 : memref<!tpu.dma_semaphore, #tpu.memory_space<semaphore_mem>>) {add = true}
      %dma_start3A_342 = arith.constant 1 : i32
      %dma_start3A_343 = arith.constant 128 : i32
      %dma_start3A_344 = arith.constant 0 : i32
      %dma_start3A_345 = tpu.memref_slice %arg15[%dma_start3A_343, %dma_start3A_344] : memref<256x8xf32, #tpu.memory_space<vmem>> -> memref<128x8xf32, #tpu.memory_space<vmem>>
      %dma_start3A_346 = arith.constant 0 : i32
      %dma_start3A_347 = tpu.memref_slice %arg12[%select_n3A_246, %dma_start3A_342, %dma_start3A_346] : memref<3x2x128xi32, #tpu.memory_space<vmem>> -> memref<1x1x128xi32, #tpu.memory_space<vmem>>
      %dma_start3A_348 = tpu.memref_squeeze %dma_start3A_347 : memref<1x1x128xi32, #tpu.memory_space<vmem>> -> memref<128xi32, #tpu.memory_space<vmem>>
      %dma_start3A_349 = arith.constant 0 : i32
      %dma_start3A_350 = arith.constant 0 : i32
      %dma_start3A_351 = tpu.memref_slice %arg11[%dma_start3A_349, %dma_start3A_350] : memref<10112x8xf32, #tpu.memory_space<vmem_shared>> -> memref<10112x8xf32, #tpu.memory_space<vmem_shared>>
      tpu.enqueue_indirect_dma source(%dma_start3A_345 : memref<128x8xf32, #tpu.memory_space<vmem>>) target(%dma_start3A_351 : memref<10112x8xf32, #tpu.memory_space<vmem_shared>>) offsets(%dma_start3A_348 : memref<128xi32, #tpu.memory_space<vmem>>) semaphore(%arg24 : memref<!tpu.dma_semaphore, #tpu.memory_space<semaphore_mem>>) {add = true}
    }
    %scan3A_84 = arith.constant 40 : i32
    %dma_wait3A = arith.constant 1 : i32
    %dma_wait3A_85 = arith.constant 1 : i32
    %dma_wait3A_86 = arith.constant 128 : i32
    %dma_wait3A_87 = arith.constant 0 : i32
    %dma_wait3A_88 = tpu.memref_slice %arg14[%dma_wait3A_86, %dma_wait3A_87] : memref<256x16xf32, #tpu.memory_space<vmem>> -> memref<128x16xf32, #tpu.memory_space<vmem>>
    %dma_wait3A_89 = arith.constant 0 : i32
    %dma_wait3A_90 = tpu.memref_slice %arg12[%dma_wait3A, %dma_wait3A_85, %dma_wait3A_89] : memref<3x2x128xi32, #tpu.memory_space<vmem>> -> memref<1x1x128xi32, #tpu.memory_space<vmem>>
    %dma_wait3A_91 = tpu.memref_squeeze %dma_wait3A_90 : memref<1x1x128xi32, #tpu.memory_space<vmem>> -> memref<128xi32, #tpu.memory_space<vmem>>
    %dma_wait3A_92 = arith.constant 0 : i32
    %dma_wait3A_93 = arith.constant 0 : i32
    %dma_wait3A_94 = tpu.memref_slice %arg10[%dma_wait3A_92, %dma_wait3A_93] : memref<10112x16xf32, #tpu.memory_space<vmem_shared>> -> memref<10112x16xf32, #tpu.memory_space<vmem_shared>>
    tpu.wait_indirect_dma semaphore(%arg22 : memref<!tpu.dma_semaphore, #tpu.memory_space<semaphore_mem>>) src(%dma_wait3A_88 : memref<128x16xf32, #tpu.memory_space<vmem>>) dst(%dma_wait3A_94 : memref<10112x16xf32, #tpu.memory_space<vmem_shared>>)
    %dma_wait3A_95 = arith.constant 1 : i32
    %dma_wait3A_96 = arith.constant 1 : i32
    %dma_wait3A_97 = arith.constant 128 : i32
    %dma_wait3A_98 = arith.constant 0 : i32
    %dma_wait3A_99 = tpu.memref_slice %arg15[%dma_wait3A_97, %dma_wait3A_98] : memref<256x8xf32, #tpu.memory_space<vmem>> -> memref<128x8xf32, #tpu.memory_space<vmem>>
    %dma_wait3A_100 = arith.constant 0 : i32
    %dma_wait3A_101 = tpu.memref_slice %arg12[%dma_wait3A_95, %dma_wait3A_96, %dma_wait3A_100] : memref<3x2x128xi32, #tpu.memory_space<vmem>> -> memref<1x1x128xi32, #tpu.memory_space<vmem>>
    %dma_wait3A_102 = tpu.memref_squeeze %dma_wait3A_101 : memref<1x1x128xi32, #tpu.memory_space<vmem>> -> memref<128xi32, #tpu.memory_space<vmem>>
    %dma_wait3A_103 = arith.constant 0 : i32
    %dma_wait3A_104 = arith.constant 0 : i32
    %dma_wait3A_105 = tpu.memref_slice %arg11[%dma_wait3A_103, %dma_wait3A_104] : memref<10112x8xf32, #tpu.memory_space<vmem_shared>> -> memref<10112x8xf32, #tpu.memory_space<vmem_shared>>
    tpu.wait_indirect_dma semaphore(%arg24 : memref<!tpu.dma_semaphore, #tpu.memory_space<semaphore_mem>>) src(%dma_wait3A_99 : memref<128x8xf32, #tpu.memory_space<vmem>>) dst(%dma_wait3A_105 : memref<10112x8xf32, #tpu.memory_space<vmem_shared>>)
    %barrier3A_106 = arith.constant 0 : index
    tpu.barrier barrier_id(%barrier3A_106)
    "tpu.region"() ({
      %run_scoped3A_107 = tpu.sem_alloc : memref<!tpu.dma_semaphore, #tpu.memory_space<semaphore_mem>>
      %dma_start3A_108 = arith.constant 0 : i32
      %dma_start3A_109 = tpu.memref_slice %arg8[%arg0, %mul3A_2, %dma_start3A_108] : memref<2x10112x16xf32, #tpu.memory_space<hbm>> -> memref<1x632x16xf32, #tpu.memory_space<hbm>>
      %dma_start3A_110 = tpu.memref_squeeze %dma_start3A_109 : memref<1x632x16xf32, #tpu.memory_space<hbm>> -> memref<632x16xf32, #tpu.memory_space<hbm>>
      %dma_start3A_111 = arith.constant 0 : i32
      %dma_start3A_112 = tpu.memref_slice %arg10[%mul3A_2, %dma_start3A_111] : memref<10112x16xf32, #tpu.memory_space<vmem_shared>> -> memref<632x16xf32, #tpu.memory_space<vmem_shared>>
      tpu.enqueue_dma source(%dma_start3A_112 : memref<632x16xf32, #tpu.memory_space<vmem_shared>>) target(%dma_start3A_110 : memref<632x16xf32, #tpu.memory_space<hbm>>) target_semaphore(%run_scoped3A_107 : memref<!tpu.dma_semaphore, #tpu.memory_space<semaphore_mem>>)
      %dma_wait3A_113 = arith.constant 0 : i32
      %dma_wait3A_114 = tpu.memref_slice %arg8[%arg0, %mul3A_2, %dma_wait3A_113] : memref<2x10112x16xf32, #tpu.memory_space<hbm>> -> memref<1x632x16xf32, #tpu.memory_space<hbm>>
      %dma_wait3A_115 = tpu.memref_squeeze %dma_wait3A_114 : memref<1x632x16xf32, #tpu.memory_space<hbm>> -> memref<632x16xf32, #tpu.memory_space<hbm>>
      %dma_wait3A_116 = arith.constant 0 : i32
      %dma_wait3A_117 = tpu.memref_slice %arg10[%mul3A_2, %dma_wait3A_116] : memref<10112x16xf32, #tpu.memory_space<vmem_shared>> -> memref<632x16xf32, #tpu.memory_space<vmem_shared>>
      tpu.wait_dma2 semaphore(%run_scoped3A_107 : memref<!tpu.dma_semaphore, #tpu.memory_space<semaphore_mem>>) src(%dma_wait3A_117 : memref<632x16xf32, #tpu.memory_space<vmem_shared>>) dst(%dma_wait3A_115 : memref<632x16xf32, #tpu.memory_space<hbm>>)
      tpu.yield
    }) : () -> ()
    "tpu.region"() ({
      %run_scoped3A_107 = tpu.sem_alloc : memref<!tpu.dma_semaphore, #tpu.memory_space<semaphore_mem>>
      %dma_start3A_108 = arith.constant 0 : i32
      %dma_start3A_109 = tpu.memref_slice %arg9[%arg0, %mul3A_2, %dma_start3A_108] : memref<2x10112x8xf32, #tpu.memory_space<hbm>> -> memref<1x632x8xf32, #tpu.memory_space<hbm>>
      %dma_start3A_110 = tpu.memref_squeeze %dma_start3A_109 : memref<1x632x8xf32, #tpu.memory_space<hbm>> -> memref<632x8xf32, #tpu.memory_space<hbm>>
      %dma_start3A_111 = arith.constant 0 : i32
      %dma_start3A_112 = tpu.memref_slice %arg11[%mul3A_2, %dma_start3A_111] : memref<10112x8xf32, #tpu.memory_space<vmem_shared>> -> memref<632x8xf32, #tpu.memory_space<vmem_shared>>
      tpu.enqueue_dma source(%dma_start3A_112 : memref<632x8xf32, #tpu.memory_space<vmem_shared>>) target(%dma_start3A_110 : memref<632x8xf32, #tpu.memory_space<hbm>>) target_semaphore(%run_scoped3A_107 : memref<!tpu.dma_semaphore, #tpu.memory_space<semaphore_mem>>)
      %dma_wait3A_113 = arith.constant 0 : i32
      %dma_wait3A_114 = tpu.memref_slice %arg9[%arg0, %mul3A_2, %dma_wait3A_113] : memref<2x10112x8xf32, #tpu.memory_space<hbm>> -> memref<1x632x8xf32, #tpu.memory_space<hbm>>
      %dma_wait3A_115 = tpu.memref_squeeze %dma_wait3A_114 : memref<1x632x8xf32, #tpu.memory_space<hbm>> -> memref<632x8xf32, #tpu.memory_space<hbm>>
      %dma_wait3A_116 = arith.constant 0 : i32
      %dma_wait3A_117 = tpu.memref_slice %arg11[%mul3A_2, %dma_wait3A_116] : memref<10112x8xf32, #tpu.memory_space<vmem_shared>> -> memref<632x8xf32, #tpu.memory_space<vmem_shared>>
      tpu.wait_dma2 semaphore(%run_scoped3A_107 : memref<!tpu.dma_semaphore, #tpu.memory_space<semaphore_mem>>) src(%dma_wait3A_117 : memref<632x8xf32, #tpu.memory_space<vmem_shared>>) dst(%dma_wait3A_115 : memref<632x8xf32, #tpu.memory_space<hbm>>)
      tpu.yield
    }) : () -> ()
    return
  }
}

module attributes {stable_mosaic.version = 14 : i64} {
  func.func @_mm2_kernel(%arg0: i32, %arg1: memref<2000x128xf32, #tpu.memory_space<vmem>>, %arg2: memref<128x128xf32, #tpu.memory_space<vmem>>, %arg3: memref<128x128xf32, #tpu.memory_space<vmem>>, %arg4: memref<2000x128xf32, #tpu.memory_space<vmem>>, %arg5: memref<2000x128xf32, #tpu.memory_space<vmem>>) attributes {dimension_semantics = [#tpu.dimension_semantics<arbitrary>], iteration_bounds = array<i64: 5>, scalar_prefetch = 0 : i64, scratch_operands = 0 : i64, tpu.core_type = #tpu.core_type<tc>, window_params = [{transform_indices = @transform_0, window_bounds = array<i64: 2000, 128>}, {pipeline_mode = #tpu.pipeline_mode<synchronous>, transform_indices = @transform_1, window_bounds = array<i64: 128, 128>}, {pipeline_mode = #tpu.pipeline_mode<synchronous>, transform_indices = @transform_2, window_bounds = array<i64: 128, 128>}, {transform_indices = @transform_3, window_bounds = array<i64: 2000, 128>}, {transform_indices = @transform_4, window_bounds = array<i64: 2000, 128>}]} {
    %get3A = arith.constant 0 : index
    %get3A_0 = arith.constant 0 : index
    %get3A_1 = vector.load %arg1[%get3A, %get3A_0] : memref<2000x128xf32, #tpu.memory_space<vmem>>, vector<2000x128xf32>
    %get3A_2 = arith.constant 0 : index
    %get3A_3 = arith.constant 0 : index
    %get3A_4 = vector.load %arg2[%get3A_2, %get3A_3] : memref<128x128xf32, #tpu.memory_space<vmem>>, vector<128x128xf32>
    %dot_general3A = arith.constant dense<0.000000e+00> : vector<2000x128xf32>
    %dot_general3A_5 = tpu.matmul %get3A_1, %get3A_4, %dot_general3A {dimension_numbers = #tpu.dot_dimension_numbers<[1], [0], [0], [1], [0, 0, 1, 1], [], []>, transpose_lhs_hint = false} : vector<2000x128xf32>, vector<128x128xf32>, vector<2000x128xf32> -> vector<2000x128xf32>
    %swap3A = arith.constant 0 : index
    %swap3A_6 = arith.constant 0 : index
    %swap3A_7 = vector.load %arg4[%swap3A, %swap3A_6] : memref<2000x128xf32, #tpu.memory_space<vmem>>, vector<2000x128xf32>
    tpu.vector_store %arg4[%swap3A, %swap3A_6], %dot_general3A_5 {strides = array<i32>} : memref<2000x128xf32, #tpu.memory_space<vmem>>, vector<2000x128xf32>,
    %get3A_8 = arith.constant 0 : index
    %get3A_9 = arith.constant 0 : index
    %get3A_10 = vector.load %arg3[%get3A_8, %get3A_9] : memref<128x128xf32, #tpu.memory_space<vmem>>, vector<128x128xf32>
    %dot_general3A_11 = arith.constant dense<0.000000e+00> : vector<2000x128xf32>
    %dot_general3A_12 = tpu.matmul %get3A_1, %get3A_10, %dot_general3A_11 {dimension_numbers = #tpu.dot_dimension_numbers<[1], [0], [0], [1], [0, 0, 1, 1], [], []>, transpose_lhs_hint = false} : vector<2000x128xf32>, vector<128x128xf32>, vector<2000x128xf32> -> vector<2000x128xf32>
    %swap3A_13 = arith.constant 0 : index
    %swap3A_14 = arith.constant 0 : index
    %swap3A_15 = vector.load %arg5[%swap3A_13, %swap3A_14] : memref<2000x128xf32, #tpu.memory_space<vmem>>, vector<2000x128xf32>
    tpu.vector_store %arg5[%swap3A_13, %swap3A_14], %dot_general3A_12 {strides = array<i32>} : memref<2000x128xf32, #tpu.memory_space<vmem>>, vector<2000x128xf32>,
    return
  }
  func.func @transform_0(%arg0: i32) -> (i32, i32) {
    %c0_i32 = arith.constant 0 : i32
    %c0_i32_0 = arith.constant 0 : i32
    return %arg0, %c0_i32 : i32, i32
  }
  func.func @transform_1(%arg0: i32) -> (i32, i32) {
    %c0_i32 = arith.constant 0 : i32
    %c0_i32_0 = arith.constant 0 : i32
    %c0_i32_1 = arith.constant 0 : i32
    return %c0_i32, %c0_i32_0 : i32, i32
  }
  func.func @transform_2(%arg0: i32) -> (i32, i32) {
    %c0_i32 = arith.constant 0 : i32
    %c0_i32_0 = arith.constant 0 : i32
    %c0_i32_1 = arith.constant 0 : i32
    return %c0_i32, %c0_i32_0 : i32, i32
  }
  func.func @transform_3(%arg0: i32) -> (i32, i32) {
    %c0_i32 = arith.constant 0 : i32
    %c0_i32_0 = arith.constant 0 : i32
    return %arg0, %c0_i32 : i32, i32
  }
  func.func @transform_4(%arg0: i32) -> (i32, i32) {
    %c0_i32 = arith.constant 0 : i32
    %c0_i32_0 = arith.constant 0 : i32
    return %arg0, %c0_i32 : i32, i32
  }
}

module attributes {stable_mosaic.version = 14 : i64} {
  func.func @_combine1_kernel(%arg0: i32, %arg1: memref<2x2000x128xf32, #tpu.memory_space<vmem>>, %arg2: memref<2x2000x8xf32, #tpu.memory_space<vmem>>, %arg3: memref<1x128xf32, #tpu.memory_space<vmem>>, %arg4: memref<128x16xf32, #tpu.memory_space<vmem>>, %arg5: memref<128x16xf32, #tpu.memory_space<vmem>>, %arg6: memref<2000x16xf32, #tpu.memory_space<vmem>>, %arg7: memref<2000x16xf32, #tpu.memory_space<vmem>>) attributes {dimension_semantics = [#tpu.dimension_semantics<arbitrary>], iteration_bounds = array<i64: 5>, scalar_prefetch = 0 : i64, scratch_operands = 0 : i64, tpu.core_type = #tpu.core_type<tc>, window_params = [{transform_indices = @transform_0, window_bounds = array<i64: 2, 2000, 128>}, {transform_indices = @transform_1, window_bounds = array<i64: 2, 2000, 8>}, {pipeline_mode = #tpu.pipeline_mode<synchronous>, transform_indices = @transform_2, window_bounds = array<i64: 1, 128>}, {pipeline_mode = #tpu.pipeline_mode<synchronous>, transform_indices = @transform_3, window_bounds = array<i64: 128, 16>}, {pipeline_mode = #tpu.pipeline_mode<synchronous>, transform_indices = @transform_4, window_bounds = array<i64: 128, 16>}, {transform_indices = @transform_5, window_bounds = array<i64: 2000, 16>}, {transform_indices = @transform_6, window_bounds = array<i64: 2000, 16>}]} {
    %get3A = arith.constant 0 : index
    %get3A_0 = arith.constant 0 : index
    %get3A_1 = arith.constant 0 : index
    %get3A_2 = vector.load %arg1[%get3A, %get3A_0, %get3A_1] : memref<2x2000x128xf32, #tpu.memory_space<vmem>>, vector<1x2000x128xf32>
    %get3A_3 = vector.shape_cast %get3A_2 : vector<1x2000x128xf32> to vector<2000x128xf32>
    %get3A_4 = arith.constant 1 : index
    %get3A_5 = arith.constant 0 : index
    %get3A_6 = arith.constant 0 : index
    %get3A_7 = vector.load %arg1[%get3A_4, %get3A_5, %get3A_6] : memref<2x2000x128xf32, #tpu.memory_space<vmem>>, vector<1x2000x128xf32>
    %get3A_8 = vector.shape_cast %get3A_7 : vector<1x2000x128xf32> to vector<2000x128xf32>
    %add3A = arith.addf %get3A_3, %get3A_8 : vector<2000x128xf32>
    %get3A_9 = arith.constant 0 : index
    %get3A_10 = arith.constant 0 : index
    %get3A_11 = arith.constant 0 : index
    %get3A_12 = vector.load %arg2[%get3A_9, %get3A_10, %get3A_11] : memref<2x2000x8xf32, #tpu.memory_space<vmem>>, vector<1x2000x8xf32>
    %get3A_13 = vector.shape_cast %get3A_12 : vector<1x2000x8xf32> to vector<2000x8xf32>
    %get3A_14 = arith.constant 1 : index
    %get3A_15 = arith.constant 0 : index
    %get3A_16 = arith.constant 0 : index
    %get3A_17 = vector.load %arg2[%get3A_14, %get3A_15, %get3A_16] : memref<2x2000x8xf32, #tpu.memory_space<vmem>>, vector<1x2000x8xf32>
    %get3A_18 = vector.shape_cast %get3A_17 : vector<1x2000x8xf32> to vector<2000x8xf32>
    %add3A_19 = arith.addf %get3A_13, %get3A_18 : vector<2000x8xf32>
    %add3A_20 = arith.constant 1.000000e-16 : f32
    %add3A_21 = vector.broadcast %add3A_20 : f32 to vector<2000x8xf32>
    %add3A_22 = arith.addf %add3A_19, %add3A_21 : vector<2000x8xf32>
    %div3A = arith.constant 1.000000e+00 : f32
    %div3A_23 = vector.broadcast %div3A : f32 to vector<2000x8xf32>
    %div3A_24 = arith.divf %div3A_23, %add3A_22 : vector<2000x8xf32>
    %broadcast_in_dim3A = vector.shape_cast %div3A_24 : vector<2000x8xf32> to vector<2000x8x1xf32>
    %broadcast_in_dim3A_25 = vector.broadcast %broadcast_in_dim3A : vector<2000x8x1xf32> to vector<2000x8x16xf32>
    %reshape3A = vector.shape_cast %broadcast_in_dim3A_25 : vector<2000x8x16xf32> to vector<2000x128xf32>
    %mul3A = arith.mulf %add3A, %reshape3A : vector<2000x128xf32>
    %get3A_26 = arith.constant 0 : index
    %get3A_27 = arith.constant 0 : index
    %get3A_28 = vector.load %arg3[%get3A_26, %get3A_27] : memref<1x128xf32, #tpu.memory_space<vmem>>, vector<1x128xf32>
    %add3A_29 = vector.broadcast %get3A_28 : vector<1x128xf32> to vector<2000x128xf32>
    %add3A_30 = arith.addf %mul3A, %add3A_29 : vector<2000x128xf32>
    %gt3A = arith.constant 0.000000e+00 : f32
    %gt3A_31 = vector.broadcast %gt3A : f32 to vector<2000x128xf32>
    %gt3A_32 = arith.cmpf ogt, %add3A_30, %gt3A_31 : vector<2000x128xf32>
    %min3A = arith.constant 0.000000e+00 : f32
    %min3A_33 = vector.broadcast %min3A : f32 to vector<2000x128xf32>
    %min3A_34 = arith.minimumf %add3A_30, %min3A_33 : vector<2000x128xf32>
    %exp3A = math.exp %min3A_34 : vector<2000x128xf32>
    %sub3A = arith.constant 1.000000e+00 : f32
    %sub3A_35 = vector.broadcast %sub3A : f32 to vector<2000x128xf32>
    %sub3A_36 = arith.subf %exp3A, %sub3A_35 : vector<2000x128xf32>
    %select_n3A = arith.select %gt3A_32, %add3A_30, %sub3A_36 : vector<2000x128xi1>, vector<2000x128xf32>
    %get3A_37 = arith.constant 0 : index
    %get3A_38 = arith.constant 0 : index
    %get3A_39 = vector.load %arg4[%get3A_37, %get3A_38] : memref<128x16xf32, #tpu.memory_space<vmem>>, vector<128x16xf32>
    %dot_general3A = arith.constant dense<0.000000e+00> : vector<2000x16xf32>
    %dot_general3A_40 = tpu.matmul %select_n3A, %get3A_39, %dot_general3A {dimension_numbers = #tpu.dot_dimension_numbers<[1], [0], [0], [1], [0, 0, 1, 1], [], []>, transpose_lhs_hint = false} : vector<2000x128xf32>, vector<128x16xf32>, vector<2000x16xf32> -> vector<2000x16xf32>
    %swap3A = arith.constant 0 : index
    %swap3A_41 = arith.constant 0 : index
    %swap3A_42 = vector.load %arg6[%swap3A, %swap3A_41] : memref<2000x16xf32, #tpu.memory_space<vmem>>, vector<2000x16xf32>
    tpu.vector_store %arg6[%swap3A, %swap3A_41], %dot_general3A_40 {strides = array<i32>} : memref<2000x16xf32, #tpu.memory_space<vmem>>, vector<2000x16xf32>,
    %get3A_43 = arith.constant 0 : index
    %get3A_44 = arith.constant 0 : index
    %get3A_45 = vector.load %arg5[%get3A_43, %get3A_44] : memref<128x16xf32, #tpu.memory_space<vmem>>, vector<128x16xf32>
    %dot_general3A_46 = arith.constant dense<0.000000e+00> : vector<2000x16xf32>
    %dot_general3A_47 = tpu.matmul %select_n3A, %get3A_45, %dot_general3A_46 {dimension_numbers = #tpu.dot_dimension_numbers<[1], [0], [0], [1], [0, 0, 1, 1], [], []>, transpose_lhs_hint = false} : vector<2000x128xf32>, vector<128x16xf32>, vector<2000x16xf32> -> vector<2000x16xf32>
    %swap3A_48 = arith.constant 0 : index
    %swap3A_49 = arith.constant 0 : index
    %swap3A_50 = vector.load %arg7[%swap3A_48, %swap3A_49] : memref<2000x16xf32, #tpu.memory_space<vmem>>, vector<2000x16xf32>
    tpu.vector_store %arg7[%swap3A_48, %swap3A_49], %dot_general3A_47 {strides = array<i32>} : memref<2000x16xf32, #tpu.memory_space<vmem>>, vector<2000x16xf32>,
    return
  }
  func.func @transform_0(%arg0: i32) -> (i32, i32, i32) {
    %c0_i32 = arith.constant 0 : i32
    %c0_i32_0 = arith.constant 0 : i32
    %c0_i32_1 = arith.constant 0 : i32
    return %c0_i32, %arg0, %c0_i32_0 : i32, i32, i32
  }
  func.func @transform_1(%arg0: i32) -> (i32, i32, i32) {
    %c0_i32 = arith.constant 0 : i32
    %c0_i32_0 = arith.constant 0 : i32
    %c0_i32_1 = arith.constant 0 : i32
    return %c0_i32, %arg0, %c0_i32_0 : i32, i32, i32
  }
  func.func @transform_2(%arg0: i32) -> (i32, i32) {
    %c0_i32 = arith.constant 0 : i32
    %c0_i32_0 = arith.constant 0 : i32
    %c0_i32_1 = arith.constant 0 : i32
    return %c0_i32, %c0_i32_0 : i32, i32
  }
  func.func @transform_3(%arg0: i32) -> (i32, i32) {
    %c0_i32 = arith.constant 0 : i32
    %c0_i32_0 = arith.constant 0 : i32
    %c0_i32_1 = arith.constant 0 : i32
    return %c0_i32, %c0_i32_0 : i32, i32
  }
  func.func @transform_4(%arg0: i32) -> (i32, i32) {
    %c0_i32 = arith.constant 0 : i32
    %c0_i32_0 = arith.constant 0 : i32
    %c0_i32_1 = arith.constant 0 : i32
    return %c0_i32, %c0_i32_0 : i32, i32
  }
  func.func @transform_5(%arg0: i32) -> (i32, i32) {
    %c0_i32 = arith.constant 0 : i32
    %c0_i32_0 = arith.constant 0 : i32
    return %arg0, %c0_i32 : i32, i32
  }
  func.func @transform_6(%arg0: i32) -> (i32, i32) {
    %c0_i32 = arith.constant 0 : i32
    %c0_i32_0 = arith.constant 0 : i32
    return %arg0, %c0_i32 : i32, i32
  }
}

module attributes {stable_mosaic.version = 14 : i64} {
  func.func @_combine2_kernel(%arg0: i32, %arg1: memref<2x2000x16xf32, #tpu.memory_space<vmem>>, %arg2: memref<2x2000x8xf32, #tpu.memory_space<vmem>>, %arg3: memref<1x16xf32, #tpu.memory_space<vmem>>, %arg4: memref<2000x16xf32, #tpu.memory_space<vmem>>) attributes {dimension_semantics = [#tpu.dimension_semantics<arbitrary>], iteration_bounds = array<i64: 5>, scalar_prefetch = 0 : i64, scratch_operands = 0 : i64, tpu.core_type = #tpu.core_type<tc>, window_params = [{transform_indices = @transform_0, window_bounds = array<i64: 2, 2000, 16>}, {transform_indices = @transform_1, window_bounds = array<i64: 2, 2000, 8>}, {pipeline_mode = #tpu.pipeline_mode<synchronous>, transform_indices = @transform_2, window_bounds = array<i64: 1, 16>}, {transform_indices = @transform_3, window_bounds = array<i64: 2000, 16>}]} {
    %get3A = arith.constant 0 : index
    %get3A_0 = arith.constant 0 : index
    %get3A_1 = arith.constant 0 : index
    %get3A_2 = vector.load %arg1[%get3A, %get3A_0, %get3A_1] : memref<2x2000x16xf32, #tpu.memory_space<vmem>>, vector<1x2000x16xf32>
    %get3A_3 = vector.shape_cast %get3A_2 : vector<1x2000x16xf32> to vector<2000x16xf32>
    %get3A_4 = arith.constant 1 : index
    %get3A_5 = arith.constant 0 : index
    %get3A_6 = arith.constant 0 : index
    %get3A_7 = vector.load %arg1[%get3A_4, %get3A_5, %get3A_6] : memref<2x2000x16xf32, #tpu.memory_space<vmem>>, vector<1x2000x16xf32>
    %get3A_8 = vector.shape_cast %get3A_7 : vector<1x2000x16xf32> to vector<2000x16xf32>
    %add3A = arith.addf %get3A_3, %get3A_8 : vector<2000x16xf32>
    %get3A_9 = arith.constant 0 : index
    %get3A_10 = arith.constant 0 : index
    %get3A_11 = arith.constant 0 : index
    %get3A_12 = vector.load %arg2[%get3A_9, %get3A_10, %get3A_11] : memref<2x2000x8xf32, #tpu.memory_space<vmem>>, vector<1x2000x8xf32>
    %get3A_13 = vector.shape_cast %get3A_12 : vector<1x2000x8xf32> to vector<2000x8xf32>
    %get3A_14 = arith.constant 1 : index
    %get3A_15 = arith.constant 0 : index
    %get3A_16 = arith.constant 0 : index
    %get3A_17 = vector.load %arg2[%get3A_14, %get3A_15, %get3A_16] : memref<2x2000x8xf32, #tpu.memory_space<vmem>>, vector<1x2000x8xf32>
    %get3A_18 = vector.shape_cast %get3A_17 : vector<1x2000x8xf32> to vector<2000x8xf32>
    %add3A_19 = arith.addf %get3A_13, %get3A_18 : vector<2000x8xf32>
    %slice3A = vector.extract_strided_slice %add3A_19 {offsets = [0, 0], sizes = [2000, 1], strides = [1, 1]} : vector<2000x8xf32> to vector<2000x1xf32>
    %add3A_20 = arith.constant 1.000000e-16 : f32
    %add3A_21 = vector.broadcast %add3A_20 : f32 to vector<2000x1xf32>
    %add3A_22 = arith.addf %slice3A, %add3A_21 : vector<2000x1xf32>
    %div3A = vector.broadcast %add3A_22 : vector<2000x1xf32> to vector<2000x16xf32>
    %div3A_23 = arith.divf %add3A, %div3A : vector<2000x16xf32>
    %get3A_24 = arith.constant 0 : index
    %get3A_25 = arith.constant 0 : index
    %get3A_26 = vector.load %arg3[%get3A_24, %get3A_25] : memref<1x16xf32, #tpu.memory_space<vmem>>, vector<1x16xf32>
    %add3A_27 = vector.broadcast %get3A_26 : vector<1x16xf32> to vector<2000x16xf32>
    %add3A_28 = arith.addf %div3A_23, %add3A_27 : vector<2000x16xf32>
    %swap3A = arith.constant 0 : index
    %swap3A_29 = arith.constant 0 : index
    %swap3A_30 = vector.load %arg4[%swap3A, %swap3A_29] : memref<2000x16xf32, #tpu.memory_space<vmem>>, vector<2000x16xf32>
    tpu.vector_store %arg4[%swap3A, %swap3A_29], %add3A_28 {strides = array<i32>} : memref<2000x16xf32, #tpu.memory_space<vmem>>, vector<2000x16xf32>,
    return
  }
  func.func @transform_0(%arg0: i32) -> (i32, i32, i32) {
    %c0_i32 = arith.constant 0 : i32
    %c0_i32_0 = arith.constant 0 : i32
    %c0_i32_1 = arith.constant 0 : i32
    return %c0_i32, %arg0, %c0_i32_0 : i32, i32, i32
  }
  func.func @transform_1(%arg0: i32) -> (i32, i32, i32) {
    %c0_i32 = arith.constant 0 : i32
    %c0_i32_0 = arith.constant 0 : i32
    %c0_i32_1 = arith.constant 0 : i32
    return %c0_i32, %arg0, %c0_i32_0 : i32, i32, i32
  }
  func.func @transform_2(%arg0: i32) -> (i32, i32) {
    %c0_i32 = arith.constant 0 : i32
    %c0_i32_0 = arith.constant 0 : i32
    %c0_i32_1 = arith.constant 0 : i32
    return %c0_i32, %c0_i32_0 : i32, i32
  }
  func.func @transform_3(%arg0: i32) -> (i32, i32) {
    %c0_i32 = arith.constant 0 : i32
    %c0_i32_0 = arith.constant 0 : i32
    return %arg0, %c0_i32 : i32, i32
  }
}

</mosaic_0001>

<sc_bundles>
// kernel: kernel.10.cloned.1.call-start
scs
__scs_entry_jumppad:
0x0: {  	(pc) =	sbr.rel $0x88, $3  }
0x1: {  	(tag) =	ssettag $0x0;
	lr =	simm.s32 $0x1  }
0x2: {  	[smem:$0x3F97] =	sst lr;
	_ =	strace $0xD0000000  }
0x3: {  	_ = 	snop  }
0x4: {  	_ = 	snop  }
0x5: {  	_ = 	snop  }
0x6: {  	_ = 	snop  }
0x7: {  	_ = 	snop  }
__scs_overlays_trampoline_lowered:
0x8: {  	[smem:$0x3FA6] =	sst s0  }
0x9: {  	[smem:$0x3FA7] =	sst s1  }
0xa: {  	[smem:$0x3FA8] =	sst s2  }
0xb: {  	[smem:$0x3FA9] =	sst s3  }
0xc: {  	[smem:$0x3FAA] =	sst s4  }
0xd: {  	[smem:$0x3FAB] =	sst s5  }
0xe: {  	[smem:$0x3FAC] =	sst s6  }
0xf: {  	[smem:$0x3FAD] =	sst s7  }
0x10: {  	[smem:$0x3FAE] =	sst s8  }
0x11: {  	[smem:$0x3FAF] =	sst s9;
	s0 =	simm.s32 @!p0 $0x0  }
0x12: {  	s1 =	sld [smem:$0x3F95];
	s0 =	simm.s32 @p0 $0x1  }
0x13: {  	[smem:$0x3FB0] =	sst s0;
	s0 =	simm.s32 @!p1 $0x0  }
0x14: {  	s2 =	sld [smem:$0x3F94];
	s0 =	simm.s32 @p1 $0x1  }
0x15: {  	[smem:$0x3FB1] =	sst s0;
	s0 =	simm.s32 @!p2 $0x0  }
0x16: {  	s3 =	sld [smem:$0x3FDB];
	s0 =	simm.s32 @p2 $0x1  }
0x17: {  	s4 =	simm.s32 $0x1BF5;
	[smem:$0x3FB3] =	sst s0  }
0x18: {  	s0 =	sld [smem:$0x3F96];
	_ =	swait.ge [sflag:s4], $0x0  }
0x19: {  	s7 =	sld [smem:$0x3F97]  }
0x1a: {  	s8 =	sadd.s32 $0xFFFFE003, lr  }
0x1b: {  	s9 =	sadd.s32 $0xFFFFFEF7, lr;
	s5 =	simm.s32 $0xFFFFFFFF;
	p2 =	slt.u32 s8, $0xFFFFF086  }
0x1c: {  	p1 =	slt.u32 s9, $0xF7A;
	s5 =	simm.s32 @!p2 $0x0  }
0x1d: {  	s5 =	simm.s32 @p1 $0x1;
	p0 =	seq.s32 s7, s2  }
0x1e: {  	s7 =	smul.u32 @!p0 $0xF7A, s2;
	p2 =	seq.s32 @!p0 s5, $0x0  }
0x1f: {  	s9 =	smul.u32 $0xF7A, s1;
	s8 =	simm.s32 @!p0 $0x1BF5;
	p2 =	por !p2, p0  }
0x20: {  	[sflag:s8] =	ssyncset.s32 @!p0 $0xFFFFF086;
	s6 =	sadd.s32 @!p0 s3, s7;
	s7 =	simm.s32 @!p0 $0x108  }
0x21: {  	s3 =	sadd.s32 s3, s9;
	s6 =	sadd.s32 @!p0 $0x88, s6;
	s7 =	simm.s32 @p2 $0x1082  }
0x22: {  	[simem:s7], [sflag:s8] =	dma.local @!p0 [hbm:s6], $0xF7A  }
0x23: {  	s9 =	sor.u32 $0xD0000000, s2;
	s6 =	simm.s32 $0x108;
	_ =	swait.ge @!p0 [sflag:s8], $0x0  }
0x24: {  	s3 =	sadd.s32 $0x88, s3;
	s6 =	simm.s32 @!p1 $0x1082;
	[sflag:s4] =	ssyncset.s32 $0xFFFFF086  }
0x25: {  	[simem:s6], [sflag:s4] =	dma.local [hbm:s3], $0xF7A  }
0x26: {  	[smem:$0x3F97] =	sst s1;
	(tag) =	ssettag s2;
	_ =	strace s9  }
0x27: {  	s1 =	sld [smem:$0x3FA7]  }
0x28: {  	s2 =	sld [smem:$0x3FA8]  }
0x29: {  	s4 =	sld [smem:$0x3FAA]  }
0x2a: {  	p0 =	seq.s32 s5, $0x0;
	s5 =	sld [smem:$0x3FAB]  }
0x2b: {  	s6 =	sld [smem:$0x3FAC]  }
0x2c: {  	s7 =	sld [smem:$0x3FAD]  }
0x2d: {  	s3 =	simm.s32 $0x108;
	s8 =	sld [smem:$0x3FAE]  }
0x2e: {  	s3 =	simm.s32 @!p0 $0x1082;
	s9 =	sld [smem:$0x3FAF]  }
0x2f: {  	lr =	sadd.s32 s0, s3;
	s0 =	sld [smem:$0x3FA6]  }
0x30: {  	s3 =	sld [smem:$0x3FA9]  }
0x31: {  	[smem:$0x3FB2] =	sst s10  }
0x32: {  	s10 =	sld [smem:$0x3FB0];
	_ =	sdelay $0x3  }
0x33: {  	p0 =	seq.s32 s10, $0x1;
	s10 =	sld [smem:$0x3FB2];
	_ =	sdelay $0x3  }
0x34: {  	[smem:$0x3FB2] =	sst s10  }
0x35: {  	s10 =	sld [smem:$0x3FB1];
	_ =	sdelay $0x3  }
0x36: {  	p1 =	seq.s32 s10, $0x1;
	s10 =	sld [smem:$0x3FB2];
	_ =	sdelay $0x3  }
0x37: {  	[smem:$0x3FB2] =	sst s10  }
0x38: {  	s10 =	sld [smem:$0x3FB3]  }
0x39: {  	_ = 	snop;
	(pc) =	sbr.ind lr, $3  }
0x3a: {  	_ = 	snop  }
0x3b: {  	_ = 	snop  }
0x3c: {  	p2 =	seq.s32 s10, $0x1;
	s10 =	sld [smem:$0x3FB2]  }
0x3d: {  	_ =	shalt  }
0x3e: {  	_ =	shalt  }
0x3f: {  	_ =	shalt  }
0x40: {  	_ =	shalt  }
0x41: {  	_ =	shalt  }
0x42: {  	_ =	shalt  }
0x43: {  	_ =	shalt  }
0x44: {  	_ =	shalt  }
0x45: {  	_ =	shalt  }
0x46: {  	_ =	shalt  }
0x47: {  	_ =	shalt  }
0x48: {  	_ =	shalt  }
0x49: {  	_ =	shalt  }
0x4a: {  	_ =	shalt  }
0x4b: {  	_ =	shalt  }
0x4c: {  	_ =	shalt  }
0x4d: {  	_ =	shalt  }
0x4e: {  	_ =	shalt  }
0x4f: {  	_ =	shalt  }
0x50: {  	_ =	shalt  }
0x51: {  	_ =	shalt  }
0x52: {  	_ =	shalt  }
0x53: {  	_ =	shalt  }
0x54: {  	_ =	shalt  }
0x55: {  	_ =	shalt  }
0x56: {  	_ =	shalt  }
0x57: {  	_ =	shalt  }
0x58: {  	_ =	shalt  }
0x59: {  	_ =	shalt  }
0x5a: {  	_ =	shalt  }
0x5b: {  	_ =	shalt  }
0x5c: {  	_ =	shalt  }
0x5d: {  	_ =	shalt  }
0x5e: {  	_ =	shalt  }
0x5f: {  	_ =	shalt  }
0x60: {  	_ =	shalt  }
0x61: {  	_ =	shalt  }
0x62: {  	_ =	shalt  }
0x63: {  	_ =	shalt  }
0x64: {  	_ =	shalt  }
0x65: {  	_ =	shalt  }
0x66: {  	_ =	shalt  }
0x67: {  	_ =	shalt  }
0x68: {  	_ =	shalt  }
0x69: {  	_ =	shalt  }
0x6a: {  	_ =	shalt  }
0x6b: {  	_ =	shalt  }
0x6c: {  	_ =	shalt  }
0x6d: {  	_ =	shalt  }
0x6e: {  	_ =	shalt  }
0x6f: {  	_ =	shalt  }
0x70: {  	_ =	shalt  }
0x71: {  	_ =	shalt  }
0x72: {  	_ =	shalt  }
0x73: {  	_ =	shalt  }
0x74: {  	_ =	shalt  }
0x75: {  	_ =	shalt  }
0x76: {  	_ =	shalt  }
0x77: {  	_ =	shalt  }
0x78: {  	_ =	shalt  }
0x79: {  	_ =	shalt  }
0x7a: {  	_ =	shalt  }
0x7b: {  	_ =	shalt  }
0x7c: {  	_ =	shalt  }
0x7d: {  	_ =	shalt  }
0x7e: {  	_ =	shalt  }
0x7f: {  	_ =	shalt  }
0x80: {  	_ =	shalt  }
0x81: {  	_ =	shalt  }
0x82: {  	_ =	shalt  }
0x83: {  	_ =	shalt  }
0x84: {  	_ =	shalt  }
0x85: {  	_ =	shalt  }
0x86: {  	_ =	shalt  }
0x87: {  	_ =	shalt  }
.Lfunc_end0:
.L_simem_size_0:
called_computation.1_lowered:
.L_overlay_start_0:
0x88: {  	s2 =	sld [smem:$0x3FD9]  }
0x89: {  	s3 =	sld [smem:$0x3FFE];
	_ =	sdelay $0x1  }
0x8a: {  	s1 =	srdreg.scid  }
0x8b: {  	s0 =	sand.u32 $0x1, s1  }
0x8c: {  	s17 =	sshll.u32 s0, $0xA;
	s2 =	sadd.s32 s3, s2  }
0x8d: {  	s2 =	sadd.s32 s2, s17  }
0x8e: {  	[smem:$0x3FBE] =	sst s2  }
0x8f: {  	_ = 	snop  }
0x90: {  	s2 =	sld [smem:$0x3FD0];
	(tm) =	ssettm $0x1  }
0x91: {  	s18 =	sld [smem:$0x3FFB];
	_ =	sdelay $0x3  }
0x92: {  	_ =	strace s18  }
0x93: {  	s3 =	sld [smem:$0x3FFC];
	_ =	sdelay $0x3  }
0x94: {  	_ =	strace s3  }
0x95: {  	s3 =	sld [smem:$0x3FFD];
	_ =	sdelay $0x3  }
0x96: {  	_ =	strace s3  }
0x97: {  	_ =	strace $0x8FFFFFFF  }
0x98: {  	s19 =	sld [smem:$0x3FDB];
	_ =	sdelay $0x1  }
0x99: {  	s4 =	simm.s32 $_scs_section_size  }
0x9a: {  	s5 =	simm.s32 $_size__tile_overlayer_lowered;
	s6 =	simm.s32 $_tile_overlayer_lowered  }
0x9b: {  	s22 =	simm.s32 $0x1BFF;
	s21 =	sshll.u32 s6, $0x1;
	s3 =	sadd.s32 s4, s19  }
0x9c: {  	s7 =	simm.s32 $0x0;
	s20 =	sshll.u32 s5, $0x1;
	s5 =	sadd.s32 s21, s3  }
0x9d: {  	[timem:s7], [sflag:s22] =	dma.local [hbm:s5], s20  }
0x9e: {  	_ =	swait.ge [sflag:s22], s20  }
0x9f: {  	s4 =	ssub.s32 $0x0, s20;
	[sflag:s22] =	ssyncset.done $0x0  }
0xa0: {  	[sflag:s22] =	ssyncadd.s32 s4;
	_ =	sdelay $0x1  }
0xa1: {  	s23 =	simm.s32 $0x1B8B  }
0xa2: {  	_ =	swait.ge [sflag:s23], $0x1  }
0xa3: {  	[sflag:s23] =	ssyncset.done $0x0  }
0xa4: {  	s25 =	simm.s32 $0x1B8E;
	s24 =	sld [smem:$0x3FFE];
	[sflag:s23] =	ssyncadd.s32 $0xFFFFFFFF  }
0xa5: {  	s26 =	simm.s32 $execute0_lowered;
	[smem:$0x3FD2] =	sst s25  }
0xa6: {  	s5 =	sshll.u32 s26, $0x1;
	_ =	strace $0x80000049;
	[dreg:$0x1] =	wrdreg $0xFFFFFFFF  }
0xa7: {  	s28 =	simm.s32 $_size_execute0_lowered;
	s3 =	sadd.s32 s3, s5;
	[dreg:$0x0] =	wrdreg $0x0  }
0xa8: {  	s5 =	sshll.u32 s28, $0x1;
	[dreg:$0x2] =	wrdreg s3  }
0xa9: {  	[dreg:$0x3] =	wrdreg s5  }
0xaa: {  	[dreg:$0x4] =	wrdreg $0xC0  }
0xab: {  	_ =	task [dreg:s7], $0x5FFFF  }
0xac: {  	[dreg:$0x1] =	wrdreg $0xFFFFFFFF  }
0xad: {  	[dreg:$0x0] =	wrdreg $0x60  }
0xae: {  	[dreg:$0x2] =	wrdreg s24  }
0xaf: {  	[dreg:$0x3] =	wrdreg s2  }
0xb0: {  	[dreg:$0x4] =	wrdreg $0x0  }
0xb1: {  	[dreg:$0x5] =	wrdreg $0x27800  }
0xb2: {  	[dreg:$0x6] =	wrdreg $0x9  }
0xb3: {  	_ =	task.clear_ibuf [dreg:s7], $0x7FFFF;
	_ =	strace $0x90000049  }
0xb4: {  	s29 =	simm.s32 $0x9;
	_ =	strace $0x8000004B  }
0xb5: {  	_ =	swait.ge [sflag:s29], $0x1  }
0xb6: {  	[sflag:s29] =	ssyncadd.s32 $0xFFFFFFFF  }
0xb7: {  	_ =	strace $0x9000004B  }
0xb8: {  	_ =	sfence  }
0xb9: {  	s30 =	sld [smem:$0x0];
	_ =	sdelay $0x2  }
0xba: {  	s31 =	sshll.u32 s1, $0xD;
	s1 =	sshrl.u32 s1, $0x2  }
0xbb: {  	s3 =	sand.u32 $0x4000, s31;
	s1 =	sadd.s32 s1, s30  }
0xbc: {  	s0 =	sor.u32 s3, s0;
	s1 =	sshll.u32 s1, $0x11  }
0xbd: {  	s0 =	sor.u32 s1, s0  }
0xbe: {  	s0 =	sadd.s32 $0x8F2B, s0  }
0xbf: {  	[sflag:s0] =	ssyncadd.remote.s32 $0x1  }
0xc0: {  	_ =	sfence.sel $0xFFFF  }
0xc1: {  	[dreg:$0x0] =	wrdreg $0xFFFFFFFF;
	(pc) =	sbr.abs _section_cstart, $3  }
0xc2: {  	[dreg:$0x1] =	wrdreg $0xFFFFFFFF  }
0xc3: {  	_ =	task.clear_ibuf [dreg:s7], $0x2FFFF;
	_ =	strace $0x9FFFFFFF  }
0xc4: {  	(tm) =	ssettm $0x7FFFFFFF  }
0xc5: {  	_ =	shalt  }
tec
execute0_lowered:
.L_overlay_start_1:
0x0: {  	(tag) =	ssettag $0x1  }
0x1: {  	v0 =	vimm.s32 $0xEFCDAB89;
	v1 =	vimm.s32 $0x67452301;
	v2 =	vimm.s32 $0xDCFE98BA  }
0x2: {  	v3 =	vimm.s32 $0x54761032;
	v56 =	vlaneseq.u32;
	v6 =	vimm.s32 $0xBA98FEDC  }
0x3: {  	v7 =	vimm.s32 $0x32107654;
	v8 =	vimm.s32 $0xAB89EFCD;
	v9 =	vimm.s32 $0x23016745  }
0x4: {  	v16 =	vimm.s32 $0x98BADCFE;
	v0 =	vunpack.c.l.s4.s8 v0;
	v1 =	vunpack.c.l.s4.s8 v1  }
0x5: {  	v2 =	vunpack.c.l.s4.s8 v2;
	v3 =	vunpack.c.l.s4.s8 v3;
	v6 =	vunpack.c.l.s4.s8 v6  }
0x6: {  	v7 =	vunpack.c.l.s4.s8 v7;
	v8 =	vunpack.c.l.s4.s8 v8;
	v9 =	vunpack.c.l.s4.s8 v9  }
0x7: {  	s2 =	rddreg [dreg:$0x0];
	s1 =	srdreg.scid;
	v16 =	vunpack.c.l.s4.s8 v16;
	v10 =	vunpack.c.0.s8.s32 v0;
	v11 =	vunpack.c.0.s8.s32 v1  }
0x8: {  	s0 =	rddreg [dreg:$0x1];
	s13 =	stileid.u32;
	v12 =	vunpack.c.0.s8.s32 v2;
	v13 =	vunpack.c.0.s8.s32 v3;
	v0 =	vimm.s32 $0xCDEF89AB  }
0x9: {  	s3 =	rddreg [dreg:$0x3];
	s5 =	simm.s32 $0x0;
	s29 =	simm.s32 $0x4E40;
	v1 =	vimm.s32 $0x45670123;
	v17 =	vunpack.c.0.s8.s32 v6;
	v18 =	vunpack.c.0.s8.s32 v7  }
0xa: {  	s31 =	simm.s32 $0x9;
	s28 =	simm.s32 $0x3;
	[smem:$0x7FF] =	sst s5;
	v19 =	vunpack.c.0.s8.s32 v8;
	v20 =	vunpack.c.0.s8.s32 v9;
	v16 =	vunpack.c.0.s8.s32 v16  }
0xb: {  	s30 =	simm.s32 $0x5;
	s7 =	sand.u32 $0x1, s1;
	s1 =	rddreg [dreg:$0x2];
	v6 =	vimm.s32 $0x10325476;
	v7 =	vimm.s32 $0x89ABCDEF;
	v8 =	vimm.s32 $0x1234567  }
0xc: {  	s9 =	smul.u32 $0x2780, s13;
	s5 =	sadd.s32 $0x6A400, s2;
	s6 =	sadd.s32 $0x65400, s2;
	v9 =	vimm.s32 $0xFEDCBA98;
	v2 =	vunpack.c.l.s4.s8 v0;
	v3 =	vunpack.c.l.s4.s8 v1  }
0xd: {  	s11 =	sadd.s32 $0xB6C00, s2;
	s20 =	sadd.s32 $0x6F400, s2;
	s12 =	sadd.s32 $0x65000, s2;
	v0 =	vmul.u32 $0x8, v56;
	v6 =	vunpack.c.l.s4.s8 v6;
	v7 =	vunpack.c.l.s4.s8 v7  }
0xe: {  	s23 =	sshll.u32 s13, $0x6;
	s4 =	sshll.u32 s7, $0x4;
	s10 =	smul.u32 $0x27800, s7;
	v8 =	vunpack.c.l.s4.s8 v8;
	v4 =	vcombine.low v11, v10;
	v5 =	vcombine.low v13, v12  }
0xf: {  	s21 =	ssub.s32 $0x2, s7;
	s17 =	sor.u32 $0x1C0A, s23;
	s7 =	smul.u32 $0x13C00, s7;
	v9 =	vunpack.c.l.s4.s8 v9;
	v22 =	vcombine.low v18, v17;
	v23 =	vcombine.low v20, v19  }
0x10: {  	s23 =	simm.s32 $0x5E40;
	s4 =	sor.u32 s13, s4;
	s13 =	smul.u32 $0x13C0, s13;
	v10 =	vand.u32 $0xF, v10;
	v12 =	vand.u32 $0xF, v12;
	v14 =	vunpack.c.0.s8.s32 v2  }
0x11: {  	s22 =	sshrl.u32 s21, $0x1;
	s8 =	smul.u32 $0xA00, s4;
	s10 =	sadd.s32 s9, s10;
	v15 =	vunpack.c.0.s8.s32 v3;
	v21 =	vunpack.c.0.s8.s32 v6;
	v6 =	vimm.s32 $0x76543210  }
0x12: {  	s9 =	sadd.s32 s9, s1;
	s15 =	smul.u32 $0x2800, s4;
	s10 =	sshrl.u32 s10, $0x3;
	v7 =	vunpack.c.0.s8.s32 v7;
	v8 =	vunpack.c.0.s8.s32 v8;
	v2 =	vand.u32 $0xF, v5  }
0x13: {  	s16 =	sadd.s32 s13, s3;
	s24 =	sadd.s32 s13, s7;
	s7 =	simm.s32 $0x6240;
	v9 =	vunpack.c.0.s8.s32 v9;
	v63 =	vcombine.low v12, v13;
	v62 =	vand.u32 $0xF, v4;
	[tilespmem:$0x1FF40] =	vst v2  }
0x14: {  	s13 =	simm.s32 $0x0;
	v6 =	vunpack.c.l.s4.s8 v6;
	v5 =	vcombine.low v15, v14;
	v24 =	vcombine.low v8, v7;
	_ =	strace $0x8000004A;
	[dreg:$0x5] =	wrdreg s11;
	[tilespmem:$0x1FF80] =	vst v0  }
0x15: {  	s8 =	sadd.s32 s8, s2;
	s10 =	sadd.s32 s10, s2;
	v8 =	vcombine.low v21, v16;
	v14 =	vand.u32 $0xF, v14;
	v16 =	vand.u32 $0xF, v16;
	[dreg:$0x6] =	wrdreg s20;
	[tilespmem:$0x1FFD0] =	vst v62  }
0x16: {  	s14 =	sadd.s32 $0xB6E00, s8;
	s8 =	sadd.s32 $0xB6E20, s8;
	[dreg:$0x7] =	wrdreg s12;
	v25 =	vunpack.c.0.s8.s32 v6;
	v3 =	vcombine.low v14, v15;
	[tilespmem:$0x1FFE0] =	vst v63;
	v2 =	vand.u32 $0xF, v5  }
0x17: {  	s25 =	sadd.s32 $0x6FA00, s10;
	s10 =	sshrl.u32 s16, $0x3;
	[dreg:$0x9] =	wrdreg s14;
	v14 =	vand.u32 $0xF, v17;
	v15 =	vand.u32 $0xF, v19;
	v17 =	vmul.u32 $0xFFFFFFFF, v56;
	[tilespmem:$0x1FF50] =	vst v2  }
0x18: {  	s12 =	ssub.s32 s21, s22;
	s11 =	smul.u32 $0x50, s4;
	[dreg:$0xa] =	wrdreg s8;
	v5 =	vand.u32 $0xF, v23;
	v4 =	vcombine.low v14, v18;
	v2 =	vand.u32 $0xF, v22;
	[tilespmem:$0x1FFB0] =	vst v3  }
0x19: {  	s14 =	sadd.s32 $0xB6E40, s2;
	[dreg:$0xb] =	wrdreg s25;
	s2 =	sshrl.u32 s24, $0x3;
	v6 =	vand.u32 $0xF, v8;
	v8 =	vcombine.low v10, v11;
	v13 =	vmovc v5;
	v5 =	vcombine.low v15, v20;
	[tilespmem:$0x1FF60] =	vst v2  }
0x1a: {  	v9 =	vand.u32 $0xF, v9;
	s8 =	sshrl.u32 s9, $0x3;
	s9 =	simm.s32 $0xA;
	[dreg:$0x8] =	wrdreg s17;
	[tilespmem:$0x1FF90] =	vst v4  }
0x1b: {  	s25 =	simm.s32 $0x80;
	s22 =	simm.s32 $0x1;
	[dreg:$0xf] =	wrdreg s10;
	v2 =	vand.u32 $0xF, v24;
	v14 =	vmovc v6;
	v6 =	vcombine.low v16, v21;
	v16 =	vmovc v8;
	v8 =	vadd.s32 $0xF, v17;
	[tilespmem:$0x1FFC0] =	vst v5  }
0x1c: {  	s4 =	simm.s32 $0x7;
	s0 =	sadd.s32 s0, s2;
	[dreg:$0xe] =	wrdreg s8;
	v7 =	vcombine.low v9, v25;
	v17 =	vmov v2;
	v2 =	vor.u32 $0x80, v56;
	[tilespmem:$0x1FFF0] =	vst v8  }
0x1d: {  	s26 =	smax.u32 s12, $0x1;
	s12 =	simm.s32 $0x0;
	[dreg:$0xc] =	wrdreg s0;
	[tilespmem:$0x1FF70] =	vst v2  }
0x1e: {  	v1 =	vimm.f32 $0.0e+00;
	[dreg:$0xd] =	wrdreg s26;
	s26 =	simm.s32 $0x3E40;
	s0 =	simm.s32 $0x5640;
	v15 =	vmov v7;
	[tilespmem:$0x1FFA0] =	vst v6  }
.LBB2_1:
0x1f: {  	[dreg:$0x10] =	wrdreg s12  }
0x20: {  	s2 =	rddreg [dreg:$0x6]  }
0x21: {  	[spmem:s8], [sflag:s17] =	dma.local [hbm:s2], $0x4F0  }
0x22: {  	_ =	swait.ge [sflag:s9], $0x4F0  }
0x23: {  	[sflag:s9] =	ssyncset.done $0x0  }
0x24: {  	s19 =	rddreg [dreg:$0x7];
	[sflag:s9] =	ssyncadd.s32 $0xFFFFFB10  }
0x25: {  	[spmem:s10], [sflag:s17] =	dma.local [hbm:s19], $0x278  }
0x26: {  	_ =	swait.ge [sflag:s9], $0x278  }
0x27: {  	s20 =	simm.s32 $0x0;
	[sflag:s9] =	ssyncset.done $0x0  }
0x28: {  	s24 =	simm.s32 $0x6640;
	s21 =	rddreg [dreg:$0x5];
	[sflag:s9] =	ssyncadd.s32 $0xFFFFFD88  }
0x29: {  	v19 =	vmov s20;
	[tilespmem:s24], [sflag:$0xA] =	stream.linear.gather [hbm4b:s21+s20], $0x100, $0x38;
	[tilespmem:$0x6740] =	vst v63  }
0x2a: {  	v19 =	vshll.u32 v19, $0x3;
	_ =	swait.ge [sflag:s9], $0x100  }
0x2b: {  	v19 =	vor.u32 v0, v19;
	[sflag:s9] =	ssyncset.done $0x0  }
0x2c: {  	s8 =	simm.s32 $0x10;
	v20 =	vor.u32 $0x1, v19;
	[sflag:s9] =	ssyncadd.s32 $0xFFFFFF00  }
.LBB2_2:
0x2d: {  	p0 =	sne.s32 s8, $0xF0  }
.Ltmp0:
0x2e: {  	_ = 	snop;
	(pc) =	sbr.rel @p0 .LBB2_2-.Ltmp0, $4  }
0x2f: {  	v19 =	vmov s8  }
0x30: {  	v19 =	vshll.u32 v19, $0x3  }
0x31: {  	v19 =	vor.u32 v0, v19  }
0x32: {  	s8 =	sadd.s32 $0x10, s8;
	[tilespmem:v20+s23+$0x0] =	vst.idx.msk $0xffff, v1;
	v20 =	vor.u32 $0x1, v19  }
0x33: {  	s8 =	simm.s32 $0x0  }
0x34: {  	v19 =	vmov s8  }
0x35: {  	v19 =	vshll.u32 v19, $0x3  }
0x36: {  	v19 =	vor.u32 v0, v19  }
0x37: {  	[tilespmem:v20+s23+$0x0] =	vst.idx.msk $0xffff, v1;
	s8 =	simm.s32 $0x10;
	v20 =	vor.u32 $0x2, v19  }
.LBB2_4:
0x38: {  	p0 =	sne.s32 s8, $0xF0  }
.Ltmp1:
0x39: {  	_ = 	snop;
	(pc) =	sbr.rel @p0 .LBB2_4-.Ltmp1, $4  }
0x3a: {  	v21 =	vmov s8  }
0x3b: {  	v21 =	vshll.u32 v21, $0x3  }
0x3c: {  	v21 =	vor.u32 v0, v21  }
0x3d: {  	s8 =	sadd.s32 $0x10, s8;
	[tilespmem:v20+s23+$0x0] =	vst.idx.msk $0xffff, v1;
	v20 =	vor.u32 $0x2, v21  }
0x3e: {  	_ =	sdelay $0x3  }
0x3f: {  	[tilespmem:v20+s23+$0x0] =	vst.idx.msk $0xffff, v1;
	s8 =	simm.s32 $0x10;
	v20 =	vor.u32 $0x3, v19  }
.LBB2_6:
0x40: {  	p0 =	sne.s32 s8, $0xF0  }
.Ltmp2:
0x41: {  	_ = 	snop;
	(pc) =	sbr.rel @p0 .LBB2_6-.Ltmp2, $4  }
0x42: {  	v19 =	vmov s8  }
0x43: {  	v19 =	vshll.u32 v19, $0x3  }
0x44: {  	v19 =	vor.u32 v0, v19  }
0x45: {  	s8 =	sadd.s32 $0x10, s8;
	[tilespmem:v20+s23+$0x0] =	vst.idx.msk $0xffff, v1;
	v20 =	vor.u32 $0x3, v19  }
0x46: {  	s8 =	simm.s32 $0x0  }
0x47: {  	v19 =	vmov s8  }
0x48: {  	v19 =	vshll.u32 v19, $0x3  }
0x49: {  	v19 =	vor.u32 v0, v19  }
0x4a: {  	[tilespmem:v20+s23+$0x0] =	vst.idx.msk $0xffff, v1;
	s8 =	simm.s32 $0x10;
	v20 =	vor.u32 $0x4, v19  }
.LBB2_8:
0x4b: {  	p0 =	sne.s32 s8, $0xF0  }
.Ltmp3:
0x4c: {  	_ = 	snop;
	(pc) =	sbr.rel @p0 .LBB2_8-.Ltmp3, $4  }
0x4d: {  	v21 =	vmov s8  }
0x4e: {  	v21 =	vshll.u32 v21, $0x3  }
0x4f: {  	v21 =	vor.u32 v0, v21  }
0x50: {  	s8 =	sadd.s32 $0x10, s8;
	[tilespmem:v20+s23+$0x0] =	vst.idx.msk $0xffff, v1;
	v20 =	vor.u32 $0x4, v21  }
0x51: {  	_ =	sdelay $0x3  }
0x52: {  	[tilespmem:v20+s23+$0x0] =	vst.idx.msk $0xffff, v1;
	s8 =	simm.s32 $0x10;
	v20 =	vor.u32 $0x5, v19  }
.LBB2_10:
0x53: {  	p0 =	sne.s32 s8, $0xF0  }
.Ltmp4:
0x54: {  	_ = 	snop;
	(pc) =	sbr.rel @p0 .LBB2_10-.Ltmp4, $4  }
0x55: {  	v19 =	vmov s8  }
0x56: {  	v19 =	vshll.u32 v19, $0x3  }
0x57: {  	v19 =	vor.u32 v0, v19  }
0x58: {  	s8 =	sadd.s32 $0x10, s8;
	[tilespmem:v20+s23+$0x0] =	vst.idx.msk $0xffff, v1;
	v20 =	vor.u32 $0x5, v19  }
0x59: {  	s8 =	simm.s32 $0x0  }
0x5a: {  	v19 =	vmov s8  }
0x5b: {  	v19 =	vshll.u32 v19, $0x3  }
0x5c: {  	v19 =	vor.u32 v0, v19  }
0x5d: {  	[tilespmem:v20+s23+$0x0] =	vst.idx.msk $0xffff, v1;
	s8 =	simm.s32 $0x10;
	v20 =	vor.u32 $0x6, v19  }
.LBB2_12:
0x5e: {  	p0 =	sne.s32 s8, $0xF0  }
.Ltmp5:
0x5f: {  	_ = 	snop;
	(pc) =	sbr.rel @p0 .LBB2_12-.Ltmp5, $4  }
0x60: {  	v21 =	vmov s8  }
0x61: {  	v21 =	vshll.u32 v21, $0x3  }
0x62: {  	v21 =	vor.u32 v0, v21  }
0x63: {  	s8 =	sadd.s32 $0x10, s8;
	[tilespmem:v20+s23+$0x0] =	vst.idx.msk $0xffff, v1;
	v20 =	vor.u32 $0x6, v21  }
0x64: {  	_ =	sdelay $0x3  }
0x65: {  	[tilespmem:v20+s23+$0x0] =	vst.idx.msk $0xffff, v1;
	s8 =	simm.s32 $0x10;
	v19 =	vor.u32 $0x7, v19  }
.LBB2_14:
0x66: {  	p0 =	sne.s32 s8, $0xF0  }
.Ltmp6:
0x67: {  	_ = 	snop;
	(pc) =	sbr.rel @p0 .LBB2_14-.Ltmp6, $4  }
0x68: {  	v20 =	vmov s8  }
0x69: {  	v20 =	vshll.u32 v20, $0x3  }
0x6a: {  	v20 =	vor.u32 v0, v20  }
0x6b: {  	s8 =	sadd.s32 $0x10, s8;
	[tilespmem:v19+s23+$0x0] =	vst.idx.msk $0xffff, v1;
	v19 =	vor.u32 $0x7, v20  }
0x6c: {  	_ =	sdelay $0x3  }
0x6d: {  	[tilespmem:v19+s23+$0x0] =	vst.idx.msk $0xffff, v1  }
0x6e: {  	[bflag:$0x0] =	sbarrier.arrive $0xFFFF  }
0x6f: {  	s8 =	simm.s32 $0x3B40;
	s2 =	rddreg [dreg:$0x9]  }
0x70: {  	[tilespmem:s8], [sflag:$0xA] =	stream.linear.gather [hbm4b:s2+s13], $0x100, $0x38;
	[tilespmem:$0x6740] =	vst v63  }
0x71: {  	_ =	swait.ge [sflag:s9], $0x100  }
0x72: {  	[sflag:s9] =	ssyncset.done $0x0  }
0x73: {  	[sflag:s9] =	ssyncadd.s32 $0xFFFFFF00  }
0x74: {  	[tilespmem:s26], [sflag:$0x1] =	stream.indirect.gather [hbm4b:s5+s25], $0x10, s8, s25, $0xb8;
	[tilespmem:$0x6740] =	vst v63  }
0x75: {  	s20 =	simm.s32 $0x3BC0  }
0x76: {  	[tilespmem:s29], [sflag:$0x3] =	stream.indirect.gather [hbm4b:s6+s25], $0x10, s20, s25, $0xb8;
	[tilespmem:$0x6740] =	vst v63  }
0x77: {  	s24 =	simm.s32 $0x3C40;
	s21 =	rddreg [dreg:$0xa]  }
0x78: {  	[tilespmem:s24], [sflag:$0x9] =	stream.linear.gather [hbm4b:s21+s13], $0x100, $0x38;
	[tilespmem:$0x6740] =	vst v63  }
0x79: {  	s24 =	simm.s32 $0x0  }
.LBB2_16:
0x7a: {  	s17 =	sshllo.u32 s24, $0x1;
	p0 =	seq.s32 s24, $0x0  }
0x7b: {  	s8 =	smul.u32 $0xAB, s17;
	s9 =	simm.s32 @!p0 $0x6  }
0x7c: {  	_ =	swait.ge @!p0 [sflag:s9], $0x800  }
0x7d: {  	s8 =	sshrl.u32 s8, $0x9;
	[sflag:s9] =	ssyncset.done @!p0 $0x0  }
0x7e: {  	s8 =	sand.u32 $0x7F, s8;
	[sflag:s9] =	ssyncadd.s32 @!p0 $0xFFFFF800;
	s9 =	simm.s32 @!p0 $0x8  }
0x7f: {  	s8 =	smul.u32 $0x3, s8;
	_ =	swait.ge @!p0 [sflag:s9], $0x400  }
0x80: {  	s18 =	sshll.u32 s24, $0x1;
	[sflag:s9] =	ssyncset.done @!p0 $0x0  }
0x81: {  	s2 =	simm.s32 $0x4640;
	s8 =	ssub.s32 s17, s8;
	[sflag:s9] =	ssyncadd.s32 @!p0 $0xFFFFFC00  }
0x82: {  	s21 =	sadd.s32 $0x2, s18;
	s8 =	sand.u32 $0xFF, s8;
	_ =	swait.ge [sflag:s31], $0x100  }
0x83: {  	s10 =	sand.u32 $0xFE, s21;
	[sflag:s31] =	ssyncset.done $0x0;
	s8 =	sshll.u32 s8, $0x8  }
0x84: {  	s10 =	smul.u32 $0xAB, s10;
	[sflag:s31] =	ssyncadd.s32 $0xFFFFFF00;
	s12 =	sadd.s32 $0x3B40, s8  }
0x85: {  	[tilespmem:s2], [sflag:$0x2] =	stream.indirect.gather [hbm4b:s5+s25], $0x10, s12, s25, $0xb8;
	[tilespmem:$0x6740] =	vst v63  }
0x86: {  	s19 =	sshrl.u32 s10, $0x9;
	s16 =	sadd.s32 $0x3BC0, s8  }
0x87: {  	[tilespmem:s0], [sflag:$0x4] =	stream.indirect.gather [hbm4b:s6+s25], $0x10, s16, s25, $0xb8;
	[tilespmem:$0x6740] =	vst v63  }
0x88: {  	s8 =	smul.u32 $0x3, s19;
	_ =	swait.ge [sflag:s22], $0x800  }
0x89: {  	p0 =	seq.s32 s24, $0x27;
	[sflag:s22] =	ssyncset.done $0x0  }
0x8a: {  	s9 =	sadd.s32 @!p0 s11, s18;
	s8 =	ssub.s32 s21, s8;
	[sflag:s22] =	ssyncadd.s32 $0xFFFFF800  }
0x8b: {  	s10 =	sshll.u32 @!p0 s9, $0x5;
	s8 =	sand.u32 $0xFF, s8;
	_ =	swait.ge [sflag:s28], $0x800  }
0x8c: {  	s10 =	sadd.s32 @!p0 s10, s14;
	s8 =	sshll.u32 @!p0 s8, $0x8;
	[sflag:s28] =	ssyncset.done $0x0;
	v0 =	vld [tilespmem:$0x1FF50]  }
0x8d: {  	s12 =	simm.s32 @!p0 $0x0;
	s9 =	sadd.s32 @!p0 $0x3B40, s8;
	v57 =	vld [tilespmem:$0x1FF40];
	[sflag:s28] =	ssyncadd.s32 $0xFFFFF800  }
0x8e: {  	v58 =	vld [tilespmem:$0x1FF60];
	[tilespmem:s9], [sflag:$0x9] =	stream.linear.gather @!p0 [hbm4b:s10+s12], $0x100, $0x38  }
0x8f: {  	v1 =	vld [tilespmem:$0x6730]  }
0x90: {  	v7 =	vld [tilespmem:$0x66B0]  }
0x91: {  	v9 =	vld [tilespmem:$0x6690]  }
0x92: {  	v11 =	vld [tilespmem:$0x6670]  }
0x93: {  	v28 =	vor.u32 s13, v56;
	v12 =	vld [tilespmem:$0x6680]  }
0x94: {  	v44 =	vshll.u32 v28, $0x4;
	v10 =	vld [tilespmem:$0x66C0]  }
0x95: {  	v19 =	vor.u32 v8, v44;
	v18 =	vld [tilespmem:$0x66E0]  }
0x96: {  	v2 =	vld [tilespmem:$0x66A0]  }
0x97: {  	v25 =	vor.u32 v56, v44;
	v55 =	vld [tilespmem:$0x6650]  }
0x98: {  	v21 =	vor.u32 v14, v44;
	v53 =	vld [tilespmem:$0x6640]  }
0x99: {  	v51 =	vld [tilespmem:$0x6660]  }
0x9a: {  	v26 =	vor.u32 v62, v44;
	v20 =	vld.idx.msk [tilespmem:v19+s26+$0x0], $0xffff  }
0x9b: {  	v23 =	vld.idx.msk [tilespmem:v19+s29+$0x0], $0xffff  }
0x9c: {  	v33 =	vld.idx.msk [tilespmem:v25+s26+$0x0], $0xffff  }
0x9d: {  	v24 =	vor.u32 v63, v44;
	v35 =	vld.idx.msk [tilespmem:v21+s29+$0x0], $0xffff  }
0x9e: {  	v29 =	vor.u32 v15, v44;
	v31 =	vld.idx.msk [tilespmem:v21+s26+$0x0], $0xffff  }
0x9f: {  	v36 =	vld.idx.msk [tilespmem:v26+s26+$0x0], $0xffff  }
0xa0: {  	v40 =	vld.idx.msk [tilespmem:v25+s29+$0x0], $0xffff  }
0xa1: {  	v41 =	vld.idx.msk [tilespmem:v26+s29+$0x0], $0xffff;
	v22 =	vor.u32 v0, v44  }
0xa2: {  	v37 =	vld.idx.msk [tilespmem:v24+s26+$0x0], $0xffff;
	v27 =	vor.u32 v57, v44  }
0xa3: {  	v43 =	vld.idx.msk [tilespmem:v29+s26+$0x0], $0xffff  }
0xa4: {  	v50 =	vld.idx.msk [tilespmem:v29+s29+$0x0], $0xffff;
	v30 =	vor.u32 v58, v44  }
0xa5: {  	v58 =	vld.idx.msk [tilespmem:v24+s29+$0x0], $0xffff  }
0xa6: {  	v34 =	vld.idx.msk [tilespmem:v22+s26+$0x0], $0xffff  }
0xa7: {  	v32 =	vor.u32 v13, v44;
	v45 =	vadd.f32 v23, v20;
	v39 =	vld.idx.msk [tilespmem:v27+s29+$0x0], $0xffff  }
0xa8: {  	v23 =	vor.u32 v17, v44;
	v62 =	vadd.f32 v40, v33;
	v41 =	vadd.f32 v41, v36;
	v38 =	vld.idx.msk [tilespmem:v27+s26+$0x0], $0xffff  }
0xa9: {  	v60 =	vadd.f32 v35, v31;
	v35 =	vor.u32 v4, v44;
	v57 =	vld.idx.msk [tilespmem:v30+s29+$0x0], $0xffff;
	v59 =	vmul.f32 $2.000000030e-01, v45  }
0xaa: {  	v40 =	vor.u32 v3, v44;
	v42 =	vld.idx.msk [tilespmem:v30+s26+$0x0], $0xffff;
	v47 =	vmul.f32 $2.000000030e-01, v62;
	v46 =	vmul.f32 $2.000000030e-01, v41  }
0xab: {  	v50 =	vadd.f32 v50, v43;
	v63 =	vld.idx.msk [tilespmem:v22+s29+$0x0], $0xffff;
	v0 =	vmax.f32 v45, v59;
	v59 =	vmul.f32 $2.000000030e-01, v60  }
0xac: {  	v52 =	vld.idx.msk [tilespmem:v32+s29+$0x0], $0xffff;
	v47 =	vmax.f32 v62, v47;
	v62 =	vmax.f32 v41, v46;
	v41 =	vor.u32 v6, v44  }
0xad: {  	v45 =	vld.idx.msk [tilespmem:v32+s26+$0x0], $0xffff;
	v61 =	vadd.f32 v39, v38  }
0xae: {  	v46 =	vld.idx.msk [tilespmem:v23+s26+$0x0], $0xffff;
	v60 =	vmax.f32 v60, v59;
	v59 =	vmul.f32 v47, v53;
	v53 =	vmul.f32 $2.000000030e-01, v50  }
0xaf: {  	v3 =	vld.idx.msk [tilespmem:v35+s29+$0x0], $0xffff;
	v39 =	vor.u32 v16, v44;
	v57 =	vadd.f32 v57, v42;
	v48 =	vmul.f32 $2.000000030e-01, v61  }
0xb0: {  	v58 =	vadd.f32 v58, v37;
	v63 =	vadd.f32 v63, v34;
	v44 =	vor.u32 v5, v44;
	v5 =	vld.idx.msk [tilespmem:v40+s29+$0x0], $0xffff  }
0xb1: {  	v53 =	vmax.f32 v50, v53;
	v49 =	vmul.f32 $2.000000030e-01, v57;
	v50 =	vld.idx.msk [tilespmem:v41+s26+$0x0], $0xffff;
	v48 =	vmax.f32 v61, v48  }
0xb2: {  	v4 =	vmul.f32 $2.000000030e-01, v58;
	v61 =	vld.idx.msk [tilespmem:v23+s29+$0x0], $0xffff;
	v54 =	vmul.f32 v48, v51  }
0xb3: {  	v2 =	vmul.f32 v60, v2;
	v60 =	vmul.f32 $2.000000030e-01, v63;
	v57 =	vmax.f32 v57, v49;
	v49 =	vld.idx.msk [tilespmem:v40+s26+$0x0], $0xffff  }
0xb4: {  	v55 =	vmul.f32 v62, v55;
	v52 =	vadd.f32 v52, v45;
	v47 =	vld.idx.msk [tilespmem:v39+s26+$0x0], $0xffff;
	v54 =	vadd.f32 $0.0e+00, v54  }
0xb5: {  	v0 =	vmul.f32 v0, v1;
	v58 =	vmax.f32 v58, v4;
	v51 =	vmax.f32 v63, v60;
	v63 =	vld.idx.msk [tilespmem:v39+s29+$0x0], $0xffff  }
0xb6: {  	v4 =	vmul.f32 $2.000000030e-01, v52;
	v48 =	vld.idx.msk [tilespmem:v35+s26+$0x0], $0xffff;
	v62 =	vmul.f32 v51, v11;
	v54 =	vadd.f32 v2, v54  }
0xb7: {  	v11 =	vld.idx.msk [tilespmem:v44+s29+$0x0], $0xffff;
	v2 =	vmul.f32 v57, v12;
	v57 =	vadd.f32 $0.0e+00, v59;
	v59 =	vadd.f32 v61, v46  }
0xb8: {  	v58 =	vmul.f32 v58, v18;
	v55 =	vadd.f32 $0.0e+00, v55;
	v53 =	vmul.f32 v53, v10;
	v51 =	vld.idx.msk [tilespmem:v44+s26+$0x0], $0xffff  }
0xb9: {  	v52 =	vmax.f32 v52, v4;
	v61 =	vld.idx.msk [tilespmem:v41+s29+$0x0], $0xffff;
	v2 =	vadd.f32 v2, v57;
	v57 =	vmul.f32 $2.000000030e-01, v59  }
0xba: {  	v10 =	vld [tilespmem:$0x66D0];
	v52 =	vmul.f32 v52, v9;
	v62 =	vadd.f32 $0.0e+00, v62;
	v63 =	vadd.f32 v63, v47  }
0xbb: {  	v9 =	vld [tilespmem:$0x66F0];
	v4 =	vadd.f32 v58, v54;
	v58 =	vadd.f32 v5, v49;
	v57 =	vmax.f32 v59, v57  }
0xbc: {  	v60 =	vld [tilespmem:$0x6720];
	v5 =	vadd.f32 v52, v55;
	v52 =	vadd.f32 v3, v48;
	v57 =	vmul.f32 v57, v7  }
0xbd: {  	v6 =	vadd.f32 v53, v2;
	v54 =	vmul.f32 $2.000000030e-01, v58;
	v59 =	vld [tilespmem:$0x6700];
	v2 =	vadd.f32 v11, v51  }
0xbe: {  	v53 =	vmul.f32 $2.000000030e-01, v63;
	v61 =	vadd.f32 v61, v50;
	v57 =	vadd.f32 v57, v62;
	v62 =	vld [tilespmem:$0x6710]  }
0xbf: {  	v55 =	vmul.f32 $2.000000030e-01, v52;
	v54 =	vmax.f32 v58, v54;
	v3 =	vmul.f32 $2.000000030e-01, v2  }
0xc0: {  	v53 =	vmax.f32 v63, v53;
	v1 =	vmul.f32 $2.000000030e-01, v61;
	v54 =	vmul.f32 v54, v9  }
0xc1: {  	v52 =	vmax.f32 v52, v55;
	v53 =	vmul.f32 v53, v10;
	v2 =	vmax.f32 v2, v3  }
0xc2: {  	v58 =	vmax.f32 v61, v1;
	v54 =	vadd.f32 v54, v57;
	v52 =	vmul.f32 v52, v59  }
0xc3: {  	v53 =	vadd.f32 v53, v5;
	v61 =	vmul.f32 v58, v60;
	v2 =	vmul.f32 v2, v62  }
0xc4: {  	v54 =	vadd.f32 v0, v54;
	v52 =	vadd.f32 v52, v6  }
0xc5: {  	v55 =	vadd.f32 v61, v4;
	v2 =	vadd.f32 v2, v53  }
0xc6: {  	s20 =	smul.u32 $0x156, s24  }
0xc7: {  	v63 =	vadd.f32 v54, v55;
	v2 =	vadd.f32 v2, v52  }
0xc8: {  	s10 =	sshrl.u32 s20, $0x9  }
0xc9: {  	s10 =	sand.u32 $0x7F, s10;
	v2 =	vadd.f32 v63, v2  }
0xca: {  	s10 =	smul.u32 $0x3, s10  }
0xcb: {  	s21 =	sshll.u32 s24, $0x8;
	v2 =	vmul.f32 $1.442695020e+00, v2  }
0xcc: {  	s21 =	sadd.s32 s15, s21;
	s10 =	ssub.s32 s18, s10  }
0xcd: {  	s12 =	simm.s32 $0x10;
	s19 =	sand.u32 $0xFF, s10;
	s10 =	simm.s32 $0x0;
	(erf) = vpow2.f32 v2  }
.LBB2_17:
0xce: {  	_ =	sdelay $0x5  }
0xcf: {  	v2 =	vshll.u32 v28, $0x3  }
0xd0: {  	s2 =	sor.u32 s21, s10  }
0xd1: {  	p2 =	slt.u32 s2, $0x4E200;
	v28 =	vpop (erf)  }
0xd2: {  	v28 =	vpsel !p2, $0x0, v28  }
0xd3: {  	v4 =	vmul.f32 v28, v33  }
0xd4: {  	[tilespmem:v2+s23+$0x0] =	vst.idx.msk $0xffff, v28;
	v5 =	vmul.f32 v28, v36  }
0xd5: {  	v52 =	vmul.f32 v28, v38;
	[tilespmem:v25+s29+$0x0] =	vst.idx.msk $0xffff, v4  }
0xd6: {  	v34 =	vmul.f32 v28, v34;
	[tilespmem:v26+s29+$0x0] =	vst.idx.msk $0xffff, v5  }
0xd7: {  	v53 =	vmul.f32 v28, v42;
	[tilespmem:v27+s29+$0x0] =	vst.idx.msk $0xffff, v52  }
0xd8: {  	v25 =	vmul.f32 v28, v45;
	[tilespmem:v22+s29+$0x0] =	vst.idx.msk $0xffff, v34  }
0xd9: {  	v26 =	vmul.f32 v28, v31;
	[tilespmem:v30+s29+$0x0] =	vst.idx.msk $0xffff, v53  }
0xda: {  	v31 =	vmul.f32 v28, v46;
	[tilespmem:v32+s29+$0x0] =	vst.idx.msk $0xffff, v25  }
0xdb: {  	v27 =	vmul.f32 v28, v43;
	[tilespmem:v21+s29+$0x0] =	vst.idx.msk $0xffff, v26  }
0xdc: {  	v54 =	vmul.f32 v28, v47;
	[tilespmem:v23+s29+$0x0] =	vst.idx.msk $0xffff, v31  }
0xdd: {  	v22 =	vmul.f32 v28, v37;
	[tilespmem:v29+s29+$0x0] =	vst.idx.msk $0xffff, v27  }
0xde: {  	v55 =	vmul.f32 v28, v49;
	[tilespmem:v39+s29+$0x0] =	vst.idx.msk $0xffff, v54  }
0xdf: {  	v57 =	vmul.f32 v28, v48;
	[tilespmem:v24+s29+$0x0] =	vst.idx.msk $0xffff, v22  }
0xe0: {  	v0 =	vld [tilespmem:$0x1FFD0];
	v30 =	vmul.f32 v28, v51;
	[tilespmem:v40+s29+$0x0] =	vst.idx.msk $0xffff, v55  }
0xe1: {  	v58 =	vld [tilespmem:$0x1FF50];
	v25 =	vmul.f32 v28, v50;
	[tilespmem:v35+s29+$0x0] =	vst.idx.msk $0xffff, v57  }
0xe2: {  	v59 =	vld [tilespmem:$0x1FF40];
	v20 =	vmul.f32 v28, v20;
	[tilespmem:v44+s29+$0x0] =	vst.idx.msk $0xffff, v30  }
0xe3: {  	v60 =	vld [tilespmem:$0x1FF60];
	[tilespmem:v41+s29+$0x0] =	vst.idx.msk $0xffff, v25  }
0xe4: {  	v62 =	vld [tilespmem:$0x1FFE0];
	[tilespmem:v19+s29+$0x0] =	vst.idx.msk $0xffff, v20  }
0xe5: {  	v52 =	vld [tilespmem:$0x6730]  }
0xe6: {  	v53 =	vld [tilespmem:$0x66B0]  }
0xe7: {  	s20 =	smov.u32 s12;
	v51 =	vld [tilespmem:$0x6690]  }
0xe8: {  	s10 =	smov.u32 s20;
	v54 =	vld [tilespmem:$0x6670]  }
0xe9: {  	v28 =	vor.u32 s10, v56;
	v55 =	vld [tilespmem:$0x6680]  }
0xea: {  	v2 =	vshll.u32 v28, $0x4;
	v57 =	vld [tilespmem:$0x66C0]  }
0xeb: {  	v21 =	vor.u32 v14, v2;
	v50 =	vld [tilespmem:$0x66E0]  }
0xec: {  	v48 =	vld [tilespmem:$0x66A0]  }
0xed: {  	v26 =	vor.u32 v0, v2;
	v44 =	vld [tilespmem:$0x6650]  }
0xee: {  	v22 =	vor.u32 v58, v2;
	v47 =	vld [tilespmem:$0x6640]  }
0xef: {  	v27 =	vor.u32 v59, v2;
	v46 =	vld [tilespmem:$0x6660]  }
0xf0: {  	v35 =	vld.idx.msk [tilespmem:v21+s29+$0x0], $0xffff  }
0xf1: {  	v31 =	vld.idx.msk [tilespmem:v21+s26+$0x0], $0xffff  }
0xf2: {  	v24 =	vor.u32 v62, v2;
	v36 =	vld.idx.msk [tilespmem:v26+s26+$0x0], $0xffff  }
0xf3: {  	v34 =	vld.idx.msk [tilespmem:v22+s26+$0x0], $0xffff  }
0xf4: {  	v39 =	vor.u32 v16, v2;
	v61 =	vld.idx.msk [tilespmem:v27+s29+$0x0], $0xffff  }
0xf5: {  	v25 =	vor.u32 v56, v2;
	v38 =	vld.idx.msk [tilespmem:v27+s26+$0x0], $0xffff  }
0xf6: {  	v1 =	vld.idx.msk [tilespmem:v26+s29+$0x0], $0xffff  }
0xf7: {  	v19 =	vor.u32 v8, v2;
	v59 =	vld.idx.msk [tilespmem:v24+s29+$0x0], $0xffff  }
0xf8: {  	v37 =	vld.idx.msk [tilespmem:v24+s26+$0x0], $0xffff  }
0xf9: {  	v30 =	vor.u32 v60, v2;
	v9 =	vld.idx.msk [tilespmem:v39+s29+$0x0], $0xffff  }
0xfa: {  	v33 =	vld.idx.msk [tilespmem:v25+s26+$0x0], $0xffff  }
0xfb: {  	v40 =	vld.idx.msk [tilespmem:v25+s29+$0x0], $0xffff  }
0xfc: {  	v20 =	vld.idx.msk [tilespmem:v19+s26+$0x0], $0xffff;
	v35 =	vadd.f32 v35, v31  }
0xfd: {  	v23 =	vor.u32 v17, v2;
	v29 =	vld.idx.msk [tilespmem:v19+s29+$0x0], $0xffff  }
0xfe: {  	v49 =	vld.idx.msk [tilespmem:v30+s29+$0x0], $0xffff;
	v62 =	vadd.f32 v1, v36;
	v3 =	vmul.f32 $2.000000030e-01, v35  }
0xff: {  	v42 =	vld.idx.msk [tilespmem:v30+s26+$0x0], $0xffff;
	v4 =	vadd.f32 v61, v38  }
0x100: {  	v32 =	vor.u32 v13, v2;
	v1 =	vmul.f32 $2.000000030e-01, v62;
	v60 =	vmax.f32 v35, v3;
	v35 =	vld [tilespmem:$0x1FF90]  }
0x101: {  	v5 =	vmul.f32 $2.000000030e-01, v4;
	v61 =	vadd.f32 v40, v33;
	v3 =	vld [tilespmem:$0x1FFB0]  }
0x102: {  	v63 =	vadd.f32 v29, v20;
	v1 =	vmax.f32 v62, v1;
	v62 =	vld.idx.msk [tilespmem:v23+s29+$0x0], $0xffff  }
0x103: {  	v29 =	vor.u32 v15, v2;
	v18 =	vmax.f32 v4, v5;
	v4 =	vld [tilespmem:$0x1FFA0];
	v45 =	vmul.f32 $2.000000030e-01, v61  }
0x104: {  	v5 =	vld [tilespmem:$0x1FFC0];
	v0 =	vmul.f32 $2.000000030e-01, v63  }
0x105: {  	v61 =	vmax.f32 v61, v45;
	v45 =	vld.idx.msk [tilespmem:v32+s26+$0x0], $0xffff  }
0x106: {  	v59 =	vadd.f32 v59, v37;
	v58 =	vmax.f32 v63, v0;
	v63 =	vld.idx.msk [tilespmem:v22+s29+$0x0], $0xffff  }
0x107: {  	v0 =	vld.idx.msk [tilespmem:v32+s29+$0x0], $0xffff;
	v35 =	vor.u32 v35, v2  }
0x108: {  	v6 =	vmul.f32 $2.000000030e-01, v59;
	v1 =	vmul.f32 v1, v44;
	v43 =	vld.idx.msk [tilespmem:v29+s26+$0x0], $0xffff;
	v40 =	vor.u32 v3, v2  }
0x109: {  	v56 =	vld.idx.msk [tilespmem:v29+s29+$0x0], $0xffff  }
0x10a: {  	v6 =	vmax.f32 v59, v6;
	v18 =	vmul.f32 v18, v46;
	v46 =	vld.idx.msk [tilespmem:v23+s26+$0x0], $0xffff;
	v1 =	vadd.f32 $0.0e+00, v1  }
0x10b: {  	v3 =	vadd.f32 v49, v42;
	v41 =	vor.u32 v4, v2;
	v49 =	vmul.f32 v61, v47;
	v47 =	vld.idx.msk [tilespmem:v39+s26+$0x0], $0xffff  }
0x10c: {  	v60 =	vmul.f32 v60, v48;
	v18 =	vadd.f32 $0.0e+00, v18;
	v61 =	vadd.f32 v63, v34;
	v63 =	vld.idx.msk [tilespmem:v35+s29+$0x0], $0xffff  }
0x10d: {  	v44 =	vor.u32 v5, v2;
	v4 =	vmul.f32 $2.000000030e-01, v3;
	v0 =	vadd.f32 v0, v45;
	v5 =	vld.idx.msk [tilespmem:v40+s29+$0x0], $0xffff  }
0x10e: {  	v6 =	vmul.f32 v6, v50;
	v2 =	vadd.f32 $0.0e+00, v49;
	v56 =	vadd.f32 v56, v43;
	v48 =	vld.idx.msk [tilespmem:v35+s26+$0x0], $0xffff  }
0x10f: {  	v3 =	vmax.f32 v3, v4;
	v49 =	vld.idx.msk [tilespmem:v40+s26+$0x0], $0xffff;
	v7 =	vmul.f32 $2.000000030e-01, v61;
	v4 =	vmul.f32 $2.000000030e-01, v0  }
0x110: {  	v10 =	vmovc v8;
	v18 =	vadd.f32 v60, v18;
	v50 =	vld.idx.msk [tilespmem:v41+s26+$0x0], $0xffff;
	v3 =	vmul.f32 v3, v55;
	v8 =	vmul.f32 $2.000000030e-01, v56  }
0x111: {  	v7 =	vmax.f32 v61, v7;
	v61 =	vadd.f32 v62, v46;
	v62 =	vld.idx.msk [tilespmem:v41+s29+$0x0], $0xffff;
	v0 =	vmax.f32 v0, v4  }
0x112: {  	v52 =	vmul.f32 v58, v52;
	v4 =	vld.idx.msk [tilespmem:v44+s29+$0x0], $0xffff;
	v8 =	vmax.f32 v56, v8;
	v0 =	vmul.f32 v0, v51  }
0x113: {  	v2 =	vadd.f32 v3, v2;
	v51 =	vld.idx.msk [tilespmem:v44+s26+$0x0], $0xffff;
	v8 =	vmul.f32 v8, v57;
	v59 =	vmul.f32 $2.000000030e-01, v61  }
0x114: {  	v7 =	vmul.f32 v7, v54;
	v0 =	vadd.f32 v0, v1;
	v1 =	vadd.f32 v9, v47;
	v9 =	vld [tilespmem:$0x66D0]  }
0x115: {  	v6 =	vadd.f32 v6, v18;
	v3 =	vmax.f32 v61, v59;
	v2 =	vadd.f32 v8, v2;
	v8 =	vld [tilespmem:$0x66F0]  }
0x116: {  	v5 =	vadd.f32 v5, v49;
	v7 =	vadd.f32 $0.0e+00, v7;
	v3 =	vmul.f32 v3, v53;
	v53 =	vld [tilespmem:$0x6720]  }
0x117: {  	v18 =	vadd.f32 v63, v48;
	v54 =	vadd.f32 v62, v50;
	v60 =	vmul.f32 $2.000000030e-01, v1;
	v62 =	vld [tilespmem:$0x6700]  }
0x118: {  	v58 =	vld [tilespmem:$0x6710];
	v61 =	vmul.f32 $2.000000030e-01, v5;
	v4 =	vadd.f32 v4, v51;
	v3 =	vadd.f32 v3, v7  }
0x119: {  	v7 =	vmul.f32 $2.000000030e-01, v18;
	v63 =	vmul.f32 $2.000000030e-01, v54;
	v1 =	vmax.f32 v1, v60  }
0x11a: {  	v5 =	vmax.f32 v5, v61;
	v60 =	vmul.f32 $2.000000030e-01, v4;
	v1 =	vmul.f32 v1, v9  }
0x11b: {  	v5 =	vmul.f32 v5, v8;
	v8 =	vmax.f32 v54, v63;
	v7 =	vmax.f32 v18, v7  }
0x11c: {  	v4 =	vmax.f32 v4, v60;
	v9 =	vmul.f32 v8, v53;
	v62 =	vmul.f32 v7, v62  }
0x11d: {  	v0 =	vadd.f32 v1, v0;
	v61 =	vadd.f32 v5, v3;
	v4 =	vmul.f32 v4, v58  }
0x11e: {  	v63 =	vadd.f32 v9, v6;
	v2 =	vadd.f32 v62, v2  }
0x11f: {  	v1 =	vadd.f32 v52, v61;
	v0 =	vadd.f32 v4, v0;
	_ =	sdelay $0x1  }
0x120: {  	v1 =	vadd.f32 v1, v63;
	v0 =	vadd.f32 v0, v2  }
0x121: {  	p1 =	sne.s32 s12, $0x70  }
.Ltmp7:
0x122: {  	v0 =	vadd.f32 v1, v0;
	(pc) =	sbr.rel @p1 .LBB2_17-.Ltmp7, $3  }
0x123: {  	_ = 	snop  }
0x124: {  	v0 =	vmul.f32 $1.442695020e+00, v0;
	_ =	sdelay $0x1  }
0x125: {  	s12 =	sadd.s32 $0x10, s12;
	v56 =	vlaneseq.u32;
	v8 =	vmov v10;
	(erf) = vpow2.f32 v0  }
0x126: {  	_ =	sdelay $0x5  }
0x127: {  	v0 =	vshll.u32 v28, $0x3  }
0x128: {  	s2 =	sor.u32 s21, s10  }
0x129: {  	p1 =	slt.u32 s2, $0x4E200;
	v1 =	vpop (erf)  }
0x12a: {  	v1 =	vpsel !p1, $0x0, v1  }
0x12b: {  	v2 =	vmul.f32 v1, v33  }
0x12c: {  	[tilespmem:v0+s23+$0x0] =	vst.idx.msk $0xffff, v1;
	v11 =	vmul.f32 v1, v36  }
0x12d: {  	v3 =	vmul.f32 v1, v38;
	[tilespmem:v25+s29+$0x0] =	vst.idx.msk $0xffff, v2  }
0x12e: {  	v33 =	vmul.f32 v1, v34;
	[tilespmem:v26+s29+$0x0] =	vst.idx.msk $0xffff, v11  }
0x12f: {  	v34 =	vmul.f32 v1, v42;
	[tilespmem:v27+s29+$0x0] =	vst.idx.msk $0xffff, v3  }
0x130: {  	v36 =	vmul.f32 v1, v45;
	[tilespmem:v22+s29+$0x0] =	vst.idx.msk $0xffff, v33  }
0x131: {  	v38 =	vmul.f32 v1, v31;
	[tilespmem:v30+s29+$0x0] =	vst.idx.msk $0xffff, v34  }
0x132: {  	v42 =	vmul.f32 v1, v46;
	[tilespmem:v32+s29+$0x0] =	vst.idx.msk $0xffff, v36  }
0x133: {  	v43 =	vmul.f32 v1, v43;
	[tilespmem:v21+s29+$0x0] =	vst.idx.msk $0xffff, v38  }
0x134: {  	v45 =	vmul.f32 v1, v47;
	[tilespmem:v23+s29+$0x0] =	vst.idx.msk $0xffff, v42  }
0x135: {  	v46 =	vmul.f32 v1, v37;
	[tilespmem:v29+s29+$0x0] =	vst.idx.msk $0xffff, v43  }
0x136: {  	v47 =	vmul.f32 v1, v49;
	[tilespmem:v39+s29+$0x0] =	vst.idx.msk $0xffff, v45  }
0x137: {  	v49 =	vmul.f32 v1, v48;
	[tilespmem:v24+s29+$0x0] =	vst.idx.msk $0xffff, v46  }
0x138: {  	v52 =	vmul.f32 v1, v51;
	[tilespmem:v40+s29+$0x0] =	vst.idx.msk $0xffff, v47  }
0x139: {  	v53 =	vmul.f32 v1, v50;
	[tilespmem:v35+s29+$0x0] =	vst.idx.msk $0xffff, v49  }
0x13a: {  	v1 =	vmul.f32 v1, v20;
	[tilespmem:v44+s29+$0x0] =	vst.idx.msk $0xffff, v52  }
0x13b: {  	s20 =	sshll.u32 s19, $0x8;
	[tilespmem:v41+s29+$0x0] =	vst.idx.msk $0xffff, v53  }
0x13c: {  	s2 =	sadd.s32 $0x3BC0, s20;
	[tilespmem:v19+s29+$0x0] =	vst.idx.msk $0xffff, v1  }
0x13d: {  	[spmem:s1] =	stream.indirect.scatter.add.f32 [tilespmem:s29], [sflag:$0x5], $0x10, s2, s25, $0xb8;
	[tilespmem:$0x6740] =	vst v63  }
0x13e: {  	_ = 	snop  }
0x13f: {  	[spmem:s3] =	stream.indirect.scatter.add.f32 [tilespmem:s23], [sflag:$0x7], $0x8, s2, s25, $0xb8;
	[tilespmem:$0x6740] =	vst v63  }
0x140: {  	_ =	swait.ge [sflag:s30], $0x800  }
0x141: {  	[sflag:s30] =	ssyncset.done $0x0  }
0x142: {  	[sflag:s30] =	ssyncadd.s32 $0xFFFFF800  }
0x143: {  	_ =	swait.ge [sflag:s4], $0x400  }
0x144: {  	[sflag:s4] =	ssyncset.done $0x0  }
0x145: {  	s2 =	simm.s32 @p0 $0x2;
	[sflag:s4] =	ssyncadd.s32 $0xFFFFFC00  }
0x146: {  	_ =	swait.ge @p0 [sflag:s2], $0x800  }
0x147: {  	[sflag:s2] =	ssyncset.done @p0 $0x0  }
0x148: {  	[sflag:s2] =	ssyncadd.s32 @p0 $0xFFFFF800;
	s2 =	simm.s32 @p0 $0x4  }
0x149: {  	_ =	swait.ge @p0 [sflag:s2], $0x800  }
0x14a: {  	[sflag:s2] =	ssyncset.done @p0 $0x0  }
0x14b: {  	[sflag:s2] =	ssyncadd.s32 @p0 $0xFFFFF800;
	s2 =	simm.s32 @!p0 $0x9  }
0x14c: {  	_ =	swait.ge @!p0 [sflag:s2], $0x100  }
0x14d: {  	[sflag:s2] =	ssyncset.done @!p0 $0x0  }
0x14e: {  	s10 =	simm.s32 @!p0 $0x3E40;
	[sflag:s2] =	ssyncadd.s32 @!p0 $0xFFFFFF00;
	s2 =	simm.s32 @!p0 $0x80  }
0x14f: {  	[tilespmem:s10], [sflag:$0x1] =	stream.indirect.gather @!p0 [hbm4b:s5+s2], $0x10, s9, s2, $0xb8;
	[tilespmem:$0x6740] =	vst v63  }
0x150: {  	s8 =	sadd.s32 @!p0 $0x3BC0, s8;
	s9 =	simm.s32 @!p0 $0x4E40  }
0x151: {  	[tilespmem:s9], [sflag:$0x3] =	stream.indirect.gather @!p0 [hbm4b:s6+s2], $0x10, s8, s2, $0xb8;
	[tilespmem:$0x6740] =	vst v63  }
0x152: {  	s8 =	simm.s32 @!p0 $0x2  }
0x153: {  	s2 =	sadd.s32 @!p0 $0x3, s18;
	_ =	swait.ge @!p0 [sflag:s8], $0x800  }
0x154: {  	s9 =	smulhi.u32 @!p0 $0x55555556, s2;
	[sflag:s8] =	ssyncset.done @!p0 $0x0  }
0x155: {  	[sflag:s8] =	ssyncadd.s32 @!p0 $0xFFFFF800;
	s8 =	simm.s32 @!p0 $0x4  }
0x156: {  	s9 =	smul.u32 @!p0 $0x3, s9;
	_ =	swait.ge @!p0 [sflag:s8], $0x800  }
0x157: {  	v19 =	vld [tilespmem:$0x1FF70]  }
0x158: {  	s2 =	ssub.s32 @!p0 s2, s9;
	[sflag:s8] =	ssyncset.done @!p0 $0x0;
	s9 =	sadd.s32 @!p0 s11, s17;
	v62 =	vld [tilespmem:$0x1FFD0]  }
0x159: {  	v10 =	vld [tilespmem:$0x1FF50];
	[sflag:s8] =	ssyncadd.s32 @!p0 $0xFFFFF800;
	s8 =	sshll.u32 @!p0 s9, $0x5;
	s2 =	sshll.u32 @!p0 s2, $0x8  }
0x15a: {  	v54 =	vld [tilespmem:$0x1FF40];
	s9 =	simm.s32 @!p0 $0x0;
	s2 =	sadd.s32 @!p0 $0x3B40, s2;
	s8 =	sadd.s32 @!p0 s8, s14  }
0x15b: {  	v63 =	vld [tilespmem:$0x1FF60];
	[tilespmem:s2], [sflag:$0x9] =	stream.linear.gather @!p0 [hbm4b:s8+s9], $0x100, $0x38  }
0x15c: {  	v0 =	vld [tilespmem:$0x6730]  }
0x15d: {  	v1 =	vld [tilespmem:$0x66B0]  }
0x15e: {  	v2 =	vld [tilespmem:$0x6690]  }
0x15f: {  	v3 =	vld [tilespmem:$0x6670]  }
0x160: {  	s8 =	simm.s32 $0x0;
	v4 =	vld [tilespmem:$0x6680]  }
0x161: {  	v6 =	vld [tilespmem:$0x66C0];
	v28 =	vor.u32 s8, v19  }
0x162: {  	v7 =	vld [tilespmem:$0x66E0];
	v5 =	vshll.u32 v28, $0x4  }
0x163: {  	v9 =	vld [tilespmem:$0x6650];
	v20 =	vor.u32 v8, v5  }
0x164: {  	v18 =	vld [tilespmem:$0x6640]  }
0x165: {  	v44 =	vld [tilespmem:$0x6660];
	v25 =	vor.u32 v56, v5  }
0x166: {  	v8 =	vld [tilespmem:$0x66A0];
	v21 =	vor.u32 v14, v5  }
0x167: {  	v30 =	vor.u32 v63, v5;
	v63 =	vld [tilespmem:$0x1FFE0]  }
0x168: {  	v26 =	vor.u32 v62, v5;
	v12 =	vld.idx.msk [tilespmem:v20+s26+$0x0], $0xffff  }
0x169: {  	v22 =	vor.u32 v10, v5;
	v23 =	vld.idx.msk [tilespmem:v20+s29+$0x0], $0xffff  }
0x16a: {  	v27 =	vor.u32 v54, v5;
	v33 =	vld.idx.msk [tilespmem:v25+s26+$0x0], $0xffff  }
0x16b: {  	v55 =	vld.idx.msk [tilespmem:v21+s29+$0x0], $0xffff  }
0x16c: {  	v31 =	vld.idx.msk [tilespmem:v21+s26+$0x0], $0xffff  }
0x16d: {  	v36 =	vld.idx.msk [tilespmem:v26+s26+$0x0], $0xffff  }
0x16e: {  	v34 =	vld.idx.msk [tilespmem:v22+s26+$0x0], $0xffff  }
0x16f: {  	v11 =	vld.idx.msk [tilespmem:v27+s29+$0x0], $0xffff  }
0x170: {  	v29 =	vor.u32 v15, v5;
	v38 =	vld.idx.msk [tilespmem:v27+s26+$0x0], $0xffff  }
0x171: {  	v56 =	vld.idx.msk [tilespmem:v25+s29+$0x0], $0xffff  }
0x172: {  	v57 =	vld.idx.msk [tilespmem:v26+s29+$0x0], $0xffff  }
0x173: {  	v24 =	vor.u32 v63, v5;
	v46 =	vld.idx.msk [tilespmem:v30+s29+$0x0], $0xffff  }
0x174: {  	v42 =	vld.idx.msk [tilespmem:v30+s26+$0x0], $0xffff  }
0x175: {  	v43 =	vld.idx.msk [tilespmem:v29+s26+$0x0], $0xffff  }
0x176: {  	v51 =	vld.idx.msk [tilespmem:v22+s29+$0x0], $0xffff;
	v58 =	vadd.f32 v23, v12  }
0x177: {  	v32 =	vor.u32 v13, v5;
	v53 =	vld.idx.msk [tilespmem:v29+s29+$0x0], $0xffff  }
0x178: {  	v47 =	vld.idx.msk [tilespmem:v24+s29+$0x0], $0xffff;
	v59 =	vmul.f32 $2.000000030e-01, v58  }
0x179: {  	v37 =	vld.idx.msk [tilespmem:v24+s26+$0x0], $0xffff;
	v49 =	vadd.f32 v55, v31  }
0x17a: {  	v60 =	vadd.f32 v11, v38;
	v52 =	vmax.f32 v58, v59;
	v58 =	vld [tilespmem:$0x1FF90]  }
0x17b: {  	v23 =	vor.u32 v17, v5;
	v61 =	vadd.f32 v56, v33;
	v45 =	vmul.f32 $2.000000030e-01, v49;
	v59 =	vld [tilespmem:$0x1FFB0]  }
0x17c: {  	v56 =	vld.idx.msk [tilespmem:v32+s29+$0x0], $0xffff;
	v54 =	vmul.f32 $2.000000030e-01, v60  }
0x17d: {  	v39 =	vor.u32 v16, v5;
	v55 =	vmul.f32 $2.000000030e-01, v61;
	v49 =	vmax.f32 v49, v45;
	v45 =	vld.idx.msk [tilespmem:v32+s26+$0x0], $0xffff  }
0x17e: {  	v41 =	vadd.f32 v57, v36;
	v51 =	vadd.f32 v51, v34;
	v48 =	vmax.f32 v60, v54;
	v60 =	vld [tilespmem:$0x1FFA0]  }
0x17f: {  	v50 =	vmax.f32 v61, v55;
	v54 =	vadd.f32 v46, v42;
	v61 =	vld [tilespmem:$0x1FFC0];
	v35 =	vor.u32 v58, v5  }
0x180: {  	v57 =	vmul.f32 $2.000000030e-01, v41;
	v55 =	vld.idx.msk [tilespmem:v23+s29+$0x0], $0xffff;
	v40 =	vor.u32 v59, v5  }
0x181: {  	v53 =	vadd.f32 v53, v43;
	v10 =	vmul.f32 $2.000000030e-01, v51;
	v46 =	vld.idx.msk [tilespmem:v23+s26+$0x0], $0xffff;
	v59 =	vmul.f32 $2.000000030e-01, v54  }
0x182: {  	v57 =	vmax.f32 v41, v57;
	v18 =	vmul.f32 v50, v18;
	v50 =	vadd.f32 v47, v37;
	v47 =	vld.idx.msk [tilespmem:v39+s26+$0x0], $0xffff  }
0x183: {  	v9 =	vmul.f32 v57, v9;
	v41 =	vor.u32 v60, v5;
	v54 =	vmax.f32 v54, v59;
	v59 =	vld.idx.msk [tilespmem:v39+s29+$0x0], $0xffff  }
0x184: {  	v51 =	vmax.f32 v51, v10;
	v11 =	vmul.f32 $2.000000030e-01, v50;
	v58 =	vmul.f32 v48, v44;
	v60 =	vld.idx.msk [tilespmem:v35+s29+$0x0], $0xffff  }
0x185: {  	v44 =	vor.u32 v61, v5;
	v5 =	vmul.f32 v49, v8;
	v56 =	vadd.f32 v56, v45;
	v8 =	vld.idx.msk [tilespmem:v40+s29+$0x0], $0xffff  }
0x186: {  	v3 =	vmul.f32 v51, v3;
	v61 =	vmul.f32 $2.000000030e-01, v53;
	v48 =	vld.idx.msk [tilespmem:v35+s26+$0x0], $0xffff  }
0x187: {  	v18 =	vadd.f32 $0.0e+00, v18;
	v50 =	vmax.f32 v50, v11;
	v11 =	vmul.f32 $2.000000030e-01, v56;
	v49 =	vld.idx.msk [tilespmem:v40+s26+$0x0], $0xffff  }
0x188: {  	v7 =	vmul.f32 v50, v7;
	v58 =	vadd.f32 $0.0e+00, v58;
	v53 =	vmax.f32 v53, v61;
	v50 =	vld.idx.msk [tilespmem:v41+s26+$0x0], $0xffff  }
0x189: {  	v4 =	vmul.f32 v54, v4;
	v54 =	vadd.f32 v55, v46;
	v61 =	vmax.f32 v56, v11;
	v56 =	vld.idx.msk [tilespmem:v41+s29+$0x0], $0xffff  }
0x18a: {  	v0 =	vmul.f32 v52, v0;
	v9 =	vadd.f32 $0.0e+00, v9;
	v5 =	vadd.f32 v5, v58;
	v57 =	vld.idx.msk [tilespmem:v44+s29+$0x0], $0xffff  }
0x18b: {  	v3 =	vadd.f32 $0.0e+00, v3;
	v2 =	vmul.f32 v61, v2;
	v51 =	vld.idx.msk [tilespmem:v44+s26+$0x0], $0xffff;
	v61 =	vmul.f32 $2.000000030e-01, v54  }
0x18c: {  	v6 =	vmul.f32 v53, v6;
	v53 =	vld [tilespmem:$0x66D0];
	v4 =	vadd.f32 v4, v18;
	v5 =	vadd.f32 v7, v5  }
0x18d: {  	v55 =	vld [tilespmem:$0x6700];
	v2 =	vadd.f32 v2, v9;
	v18 =	vadd.f32 v59, v47;
	v7 =	vmax.f32 v54, v61  }
0x18e: {  	v9 =	vld [tilespmem:$0x66F0];
	v4 =	vadd.f32 v6, v4;
	v1 =	vmul.f32 v7, v1;
	v8 =	vadd.f32 v8, v49  }
0x18f: {  	v7 =	vld [tilespmem:$0x6720];
	v6 =	vadd.f32 v60, v48;
	v54 =	vadd.f32 v56, v50;
	v60 =	vmul.f32 $2.000000030e-01, v18  }
0x190: {  	v57 =	vadd.f32 v57, v51;
	v1 =	vadd.f32 v1, v3;
	v3 =	vld [tilespmem:$0x6710];
	v11 =	vmul.f32 $2.000000030e-01, v8  }
0x191: {  	v61 =	vmul.f32 $2.000000030e-01, v6;
	v59 =	vmul.f32 $2.000000030e-01, v54;
	v18 =	vmax.f32 v18, v60  }
0x192: {  	v60 =	vmul.f32 $2.000000030e-01, v57;
	v18 =	vmul.f32 v18, v53;
	v8 =	vmax.f32 v8, v11  }
0x193: {  	v52 =	vmax.f32 v54, v59;
	v6 =	vmax.f32 v6, v61;
	v8 =	vmul.f32 v8, v9  }
0x194: {  	v9 =	vmax.f32 v57, v60;
	v7 =	vmul.f32 v52, v7;
	v6 =	vmul.f32 v6, v55  }
0x195: {  	v2 =	vadd.f32 v18, v2;
	v3 =	vmul.f32 v9, v3;
	v1 =	vadd.f32 v8, v1  }
0x196: {  	v5 =	vadd.f32 v7, v5;
	v61 =	vadd.f32 v6, v4  }
0x197: {  	v2 =	vadd.f32 v3, v2;
	v0 =	vadd.f32 v0, v1;
	_ =	sdelay $0x1  }
0x198: {  	v1 =	vadd.f32 v2, v61;
	v0 =	vadd.f32 v0, v5;
	_ =	sdelay $0x1  }
0x199: {  	v0 =	vadd.f32 v0, v1;
	_ =	sdelay $0x1  }
0x19a: {  	v0 =	vmul.f32 $1.442695020e+00, v0  }
0x19b: {  	s21 =	sshll.u32 s17, $0x7  }
0x19c: {  	s10 =	simm.s32 $0x10;
	s9 =	sadd.s32 s15, s21;
	(erf) = vpow2.f32 v0  }
.LBB2_19:
0x19d: {  	_ =	sdelay $0x5  }
0x19e: {  	v0 =	vshll.u32 v28, $0x3  }
0x19f: {  	s12 =	sor.u32 s9, s8  }
0x1a0: {  	p1 =	slt.u32 s12, $0x4E200;
	v1 =	vpop (erf)  }
0x1a1: {  	v1 =	vpsel !p1, $0x0, v1  }
0x1a2: {  	v33 =	vmul.f32 v1, v33  }
0x1a3: {  	[tilespmem:v0+s23+$0x0] =	vst.idx.msk $0xffff, v1;
	v2 =	vmul.f32 v1, v36  }
0x1a4: {  	v3 =	vmul.f32 v1, v38;
	[tilespmem:v25+s29+$0x0] =	vst.idx.msk $0xffff, v33  }
0x1a5: {  	v4 =	vmul.f32 v1, v34;
	[tilespmem:v26+s29+$0x0] =	vst.idx.msk $0xffff, v2  }
0x1a6: {  	v34 =	vmul.f32 v1, v42;
	[tilespmem:v27+s29+$0x0] =	vst.idx.msk $0xffff, v3  }
0x1a7: {  	v5 =	vmul.f32 v1, v45;
	[tilespmem:v22+s29+$0x0] =	vst.idx.msk $0xffff, v4  }
0x1a8: {  	v36 =	vmul.f32 v1, v31;
	[tilespmem:v30+s29+$0x0] =	vst.idx.msk $0xffff, v34  }
0x1a9: {  	v6 =	vmul.f32 v1, v46;
	[tilespmem:v32+s29+$0x0] =	vst.idx.msk $0xffff, v5  }
0x1aa: {  	v38 =	vmul.f32 v1, v43;
	[tilespmem:v21+s29+$0x0] =	vst.idx.msk $0xffff, v36  }
0x1ab: {  	v7 =	vmul.f32 v1, v47;
	[tilespmem:v23+s29+$0x0] =	vst.idx.msk $0xffff, v6  }
0x1ac: {  	v42 =	vmul.f32 v1, v37;
	[tilespmem:v29+s29+$0x0] =	vst.idx.msk $0xffff, v38  }
0x1ad: {  	v8 =	vmul.f32 v1, v49;
	[tilespmem:v39+s29+$0x0] =	vst.idx.msk $0xffff, v7  }
0x1ae: {  	v43 =	vmul.f32 v1, v48;
	[tilespmem:v24+s29+$0x0] =	vst.idx.msk $0xffff, v42  }
0x1af: {  	v10 =	vld [tilespmem:$0x1FF90];
	v9 =	vmul.f32 v1, v51;
	[tilespmem:v40+s29+$0x0] =	vst.idx.msk $0xffff, v8  }
0x1b0: {  	v45 =	vmul.f32 v1, v50;
	v47 =	vld [tilespmem:$0x1FFF0];
	[tilespmem:v35+s29+$0x0] =	vst.idx.msk $0xffff, v43  }
0x1b1: {  	v1 =	vmul.f32 v1, v12;
	v48 =	vld [tilespmem:$0x1FF50];
	[tilespmem:v44+s29+$0x0] =	vst.idx.msk $0xffff, v9  }
0x1b2: {  	v49 =	vld [tilespmem:$0x1FF40];
	[tilespmem:v41+s29+$0x0] =	vst.idx.msk $0xffff, v45  }
0x1b3: {  	v50 =	vld [tilespmem:$0x1FF60];
	[tilespmem:v20+s29+$0x0] =	vst.idx.msk $0xffff, v1  }
0x1b4: {  	v52 =	vld [tilespmem:$0x6730]  }
0x1b5: {  	v53 =	vld [tilespmem:$0x66B0]  }
0x1b6: {  	s2 =	smov.u32 s10;
	v51 =	vld [tilespmem:$0x6690]  }
0x1b7: {  	s8 =	smov.u32 s2;
	v54 =	vld [tilespmem:$0x6670]  }
0x1b8: {  	v28 =	vor.u32 s8, v19;
	v55 =	vld [tilespmem:$0x6680]  }
0x1b9: {  	v0 =	vshll.u32 v28, $0x4;
	v1 =	vld [tilespmem:$0x66C0]  }
0x1ba: {  	v11 =	vor.u32 v47, v0;
	v2 =	vld [tilespmem:$0x66E0]  }
0x1bb: {  	v46 =	vlaneseq.u32;
	v3 =	vld [tilespmem:$0x66A0]  }
0x1bc: {  	v25 =	vor.u32 v46, v0;
	v4 =	vld [tilespmem:$0x6650]  }
0x1bd: {  	v21 =	vor.u32 v14, v0;
	v5 =	vld [tilespmem:$0x6640]  }
0x1be: {  	v6 =	vld [tilespmem:$0x6660]  }
0x1bf: {  	v26 =	vor.u32 v62, v0;
	v12 =	vld.idx.msk [tilespmem:v11+s26+$0x0], $0xffff  }
0x1c0: {  	v22 =	vor.u32 v48, v0;
	v7 =	vld.idx.msk [tilespmem:v11+s29+$0x0], $0xffff  }
0x1c1: {  	v27 =	vor.u32 v49, v0;
	v33 =	vld.idx.msk [tilespmem:v25+s26+$0x0], $0xffff  }
0x1c2: {  	v8 =	vld.idx.msk [tilespmem:v21+s29+$0x0], $0xffff  }
0x1c3: {  	v31 =	vld.idx.msk [tilespmem:v21+s26+$0x0], $0xffff  }
0x1c4: {  	v36 =	vld.idx.msk [tilespmem:v26+s26+$0x0], $0xffff  }
0x1c5: {  	v30 =	vor.u32 v50, v0;
	v34 =	vld.idx.msk [tilespmem:v22+s26+$0x0], $0xffff  }
0x1c6: {  	v56 =	vld.idx.msk [tilespmem:v27+s29+$0x0], $0xffff  }
0x1c7: {  	v24 =	vor.u32 v63, v0;
	v38 =	vld.idx.msk [tilespmem:v27+s26+$0x0], $0xffff  }
0x1c8: {  	v18 =	vld.idx.msk [tilespmem:v25+s29+$0x0], $0xffff  }
0x1c9: {  	v29 =	vor.u32 v15, v0;
	v39 =	vld.idx.msk [tilespmem:v26+s29+$0x0], $0xffff  }
0x1ca: {  	v41 =	vld.idx.msk [tilespmem:v30+s29+$0x0], $0xffff  }
0x1cb: {  	v42 =	vld.idx.msk [tilespmem:v30+s26+$0x0], $0xffff  }
0x1cc: {  	v32 =	vor.u32 v13, v0;
	v44 =	vld.idx.msk [tilespmem:v24+s29+$0x0], $0xffff  }
0x1cd: {  	v37 =	vld.idx.msk [tilespmem:v24+s26+$0x0], $0xffff  }
0x1ce: {  	v43 =	vld.idx.msk [tilespmem:v29+s26+$0x0], $0xffff;
	v9 =	vadd.f32 v56, v38  }
0x1cf: {  	v47 =	vld.idx.msk [tilespmem:v22+s29+$0x0], $0xffff  }
0x1d0: {  	v23 =	vor.u32 v17, v0;
	v48 =	vld.idx.msk [tilespmem:v29+s29+$0x0], $0xffff;
	v18 =	vadd.f32 v18, v33;
	v59 =	vmul.f32 $2.000000030e-01, v9  }
0x1d1: {  	v35 =	vor.u32 v10, v0;
	v50 =	vld.idx.msk [tilespmem:v32+s29+$0x0], $0xffff;
	v7 =	vadd.f32 v7, v12;
	v46 =	vadd.f32 v39, v36  }
0x1d2: {  	v8 =	vadd.f32 v8, v31;
	v60 =	vmul.f32 $2.000000030e-01, v18;
	v9 =	vmax.f32 v9, v59;
	v59 =	vld [tilespmem:$0x1FFB0]  }
0x1d3: {  	v45 =	vld.idx.msk [tilespmem:v32+s26+$0x0], $0xffff;
	v39 =	vor.u32 v16, v0;
	v57 =	vmul.f32 $2.000000030e-01, v7;
	v61 =	vmul.f32 $2.000000030e-01, v46  }
0x1d4: {  	v56 =	vadd.f32 v41, v42;
	v58 =	vmul.f32 $2.000000030e-01, v8;
	v18 =	vmax.f32 v18, v60;
	v60 =	vld [tilespmem:$0x1FFA0]  }
0x1d5: {  	v7 =	vmax.f32 v7, v57;
	v49 =	vmax.f32 v46, v61;
	v61 =	vld [tilespmem:$0x1FFC0]  }
0x1d6: {  	v8 =	vmax.f32 v8, v58;
	v57 =	vld.idx.msk [tilespmem:v23+s29+$0x0], $0xffff;
	v6 =	vmul.f32 v9, v6;
	v9 =	vmul.f32 $2.000000030e-01, v56  }
0x1d7: {  	v46 =	vld.idx.msk [tilespmem:v23+s26+$0x0], $0xffff;
	v5 =	vmul.f32 v18, v5;
	v18 =	vadd.f32 v47, v34;
	v40 =	vor.u32 v59, v0  }
0x1d8: {  	v58 =	vld.idx.msk [tilespmem:v35+s29+$0x0], $0xffff;
	v4 =	vmul.f32 v49, v4;
	v3 =	vmul.f32 v8, v3;
	v6 =	vadd.f32 $0.0e+00, v6  }
0x1d9: {  	v47 =	vld.idx.msk [tilespmem:v39+s26+$0x0], $0xffff;
	v9 =	vmax.f32 v56, v9;
	v41 =	vor.u32 v60, v0;
	v59 =	vadd.f32 v44, v37  }
0x1da: {  	v19 =	vld.idx.msk [tilespmem:v39+s29+$0x0], $0xffff;
	v44 =	vor.u32 v61, v0;
	v0 =	vadd.f32 $0.0e+00, v5;
	v5 =	vadd.f32 v48, v43  }
0x1db: {  	v20 =	vmovc v17;
	v9 =	vmul.f32 v9, v55;
	v60 =	vadd.f32 v50, v45;
	v48 =	vld.idx.msk [tilespmem:v35+s26+$0x0], $0xffff;
	v50 =	vmul.f32 $2.000000030e-01, v59  }
0x1dc: {  	v17 =	vmovc v16;
	v16 =	vmovc v15;
	v4 =	vadd.f32 $0.0e+00, v4;
	v61 =	vmul.f32 $2.000000030e-01, v18;
	v15 =	vmul.f32 $2.000000030e-01, v5;
	v8 =	vld.idx.msk [tilespmem:v40+s29+$0x0], $0xffff  }
0x1dd: {  	v3 =	vadd.f32 v3, v6;
	v56 =	vmul.f32 $2.000000030e-01, v60;
	v50 =	vmax.f32 v59, v50;
	v49 =	vld.idx.msk [tilespmem:v40+s26+$0x0], $0xffff  }
0x1de: {  	v18 =	vmax.f32 v18, v61;
	v5 =	vmax.f32 v5, v15;
	v2 =	vmul.f32 v50, v2;
	v50 =	vld.idx.msk [tilespmem:v41+s26+$0x0], $0xffff  }
0x1df: {  	v6 =	vadd.f32 v57, v46;
	v18 =	vmul.f32 v18, v54;
	v1 =	vmul.f32 v5, v1;
	v5 =	vld.idx.msk [tilespmem:v41+s29+$0x0], $0xffff  }
0x1e0: {  	v15 =	vmovc v16;
	v16 =	vmovc v17;
	v17 =	vmov v20;
	v20 =	vmov v11;
	v11 =	vmax.f32 v60, v56;
	v56 =	vld.idx.msk [tilespmem:v44+s29+$0x0], $0xffff  }
0x1e1: {  	v0 =	vadd.f32 v9, v0;
	v61 =	vmul.f32 $2.000000030e-01, v6;
	v60 =	vmul.f32 v11, v51;
	v51 =	vld.idx.msk [tilespmem:v44+s26+$0x0], $0xffff  }
0x1e2: {  	v7 =	vmul.f32 v7, v52;
	v57 =	vld [tilespmem:$0x6700];
	v9 =	vadd.f32 v19, v47;
	v18 =	vadd.f32 $0.0e+00, v18  }
0x1e3: {  	v54 =	vadd.f32 v58, v48;
	v2 =	vadd.f32 v2, v3;
	v3 =	vmax.f32 v6, v61;
	v6 =	vld [tilespmem:$0x66D0]  }
0x1e4: {  	v0 =	vadd.f32 v1, v0;
	v1 =	vld [tilespmem:$0x66F0];
	v11 =	vmul.f32 $2.000000030e-01, v9;
	v8 =	vadd.f32 v8, v49  }
0x1e5: {  	v3 =	vmul.f32 v3, v53;
	v53 =	vld [tilespmem:$0x6720];
	v4 =	vadd.f32 v60, v4;
	v5 =	vadd.f32 v5, v50  }
0x1e6: {  	v58 =	vld [tilespmem:$0x6710];
	v9 =	vmax.f32 v9, v11;
	v61 =	vmul.f32 $2.000000030e-01, v8;
	v56 =	vadd.f32 v56, v51  }
0x1e7: {  	v3 =	vadd.f32 v3, v18;
	v18 =	vmul.f32 $2.000000030e-01, v54;
	v60 =	vmul.f32 $2.000000030e-01, v5  }
0x1e8: {  	v6 =	vmul.f32 v9, v6;
	v8 =	vmax.f32 v8, v61;
	v61 =	vmul.f32 $2.000000030e-01, v56  }
0x1e9: {  	v55 =	vmax.f32 v54, v18;
	v5 =	vmax.f32 v5, v60;
	v1 =	vmul.f32 v8, v1  }
0x1ea: {  	v59 =	vmul.f32 v55, v57;
	v5 =	vmul.f32 v5, v53;
	v56 =	vmax.f32 v56, v61  }
0x1eb: {  	v4 =	vadd.f32 v6, v4;
	v1 =	vadd.f32 v1, v3;
	v60 =	vmul.f32 v56, v58  }
0x1ec: {  	v0 =	vadd.f32 v59, v0;
	v2 =	vadd.f32 v5, v2  }
0x1ed: {  	v1 =	vadd.f32 v7, v1;
	v61 =	vadd.f32 v60, v4;
	_ =	sdelay $0x1  }
0x1ee: {  	v1 =	vadd.f32 v1, v2;
	v0 =	vadd.f32 v61, v0  }
0x1ef: {  	p0 =	sne.s32 s10, $0x70  }
.Ltmp8:
0x1f0: {  	v0 =	vadd.f32 v1, v0;
	(pc) =	sbr.rel @p0 .LBB2_19-.Ltmp8, $3  }
0x1f1: {  	v62 =	vmov v62  }
0x1f2: {  	v0 =	vmul.f32 $1.442695020e+00, v0;
	_ =	sdelay $0x1  }
0x1f3: {  	s10 =	sadd.s32 $0x10, s10;
	v62 =	vmov v62;
	v19 =	vld [tilespmem:$0x1FF70];
	(erf) = vpow2.f32 v0  }
0x1f4: {  	_ =	sdelay $0x5  }
0x1f5: {  	v0 =	vshll.u32 v28, $0x3  }
0x1f6: {  	s2 =	sor.u32 s9, s8  }
0x1f7: {  	p0 =	slt.u32 s2, $0x4E200;
	v1 =	vpop (erf)  }
0x1f8: {  	v1 =	vpsel !p0, $0x0, v1  }
0x1f9: {  	v2 =	vmul.f32 v1, v33  }
0x1fa: {  	[tilespmem:v0+s23+$0x0] =	vst.idx.msk $0xffff, v1;
	v0 =	vmul.f32 v1, v36  }
0x1fb: {  	v3 =	vmul.f32 v1, v38;
	[tilespmem:v25+s29+$0x0] =	vst.idx.msk $0xffff, v2  }
0x1fc: {  	v2 =	vmul.f32 v1, v34;
	[tilespmem:v26+s29+$0x0] =	vst.idx.msk $0xffff, v0  }
0x1fd: {  	v0 =	vmul.f32 v1, v42;
	[tilespmem:v27+s29+$0x0] =	vst.idx.msk $0xffff, v3  }
0x1fe: {  	v3 =	vmul.f32 v1, v45;
	[tilespmem:v22+s29+$0x0] =	vst.idx.msk $0xffff, v2  }
0x1ff: {  	v2 =	vmul.f32 v1, v31;
	[tilespmem:v30+s29+$0x0] =	vst.idx.msk $0xffff, v0  }
0x200: {  	v0 =	vmul.f32 v1, v46;
	[tilespmem:v32+s29+$0x0] =	vst.idx.msk $0xffff, v3  }
0x201: {  	v3 =	vmul.f32 v1, v43;
	[tilespmem:v21+s29+$0x0] =	vst.idx.msk $0xffff, v2  }
0x202: {  	v2 =	vmul.f32 v1, v47;
	[tilespmem:v23+s29+$0x0] =	vst.idx.msk $0xffff, v0  }
0x203: {  	v0 =	vmul.f32 v1, v37;
	[tilespmem:v29+s29+$0x0] =	vst.idx.msk $0xffff, v3  }
0x204: {  	v3 =	vmul.f32 v1, v49;
	[tilespmem:v39+s29+$0x0] =	vst.idx.msk $0xffff, v2  }
0x205: {  	v2 =	vmul.f32 v1, v48;
	[tilespmem:v24+s29+$0x0] =	vst.idx.msk $0xffff, v0  }
0x206: {  	v0 =	vmul.f32 v1, v51;
	[tilespmem:v40+s29+$0x0] =	vst.idx.msk $0xffff, v3  }
0x207: {  	s24 =	sadd.s32 $0x1, s24;
	v3 =	vmul.f32 v1, v50;
	[tilespmem:v35+s29+$0x0] =	vst.idx.msk $0xffff, v2  }
0x208: {  	p0 =	sne.s32 s24, $0x28;
	v1 =	vmul.f32 v1, v12;
	[tilespmem:v44+s29+$0x0] =	vst.idx.msk $0xffff, v0  }
.Ltmp9:
0x209: {  	v4 =	vld [tilespmem:$0x1FF90];
	[tilespmem:v41+s29+$0x0] =	vst.idx.msk $0xffff, v3;
	(pc) =	sbr.rel @p0 .LBB2_16-.Ltmp9, $4  }
0x20a: {  	v5 =	vld [tilespmem:$0x1FFC0];
	[tilespmem:v20+s29+$0x0] =	vst.idx.msk $0xffff, v1  }
0x20b: {  	v6 =	vld [tilespmem:$0x1FFA0];
	[spmem:s1] =	stream.indirect.scatter.add.f32 [tilespmem:s0], [sflag:$0x6], $0x10, s16, s25, $0xb8  }
0x20c: {  	v8 =	vld [tilespmem:$0x1FFF0]  }
0x20d: {  	v56 =	vlaneseq.u32;
	v3 =	vld [tilespmem:$0x1FFB0];
	[spmem:s3] =	stream.indirect.scatter.add.f32 [tilespmem:s7], [sflag:$0x8], $0x8, s16, s25, $0xb8  }
0x20e: {  	s2 =	simm.s32 $0x6  }
0x20f: {  	_ =	swait.ge [sflag:s2], $0x800  }
0x210: {  	[sflag:s2] =	ssyncset.done $0x0  }
0x211: {  	s19 =	simm.s32 $0x8;
	[sflag:s2] =	ssyncadd.s32 $0xFFFFF800  }
0x212: {  	_ =	swait.ge [sflag:s19], $0x400  }
0x213: {  	[sflag:s19] =	ssyncset.done $0x0  }
0x214: {  	[sflag:s19] =	ssyncadd.s32 $0xFFFFFC00  }
0x215: {  	[bflag:$0x0] =	sbarrier.arrive $0xFFFF  }
0x216: {  	s17 =	rddreg [dreg:$0x8]  }
0x217: {  	s20 =	rddreg [dreg:$0xb]  }
0x218: {  	s9 =	simm.s32 $0xA;
	s8 =	rddreg [dreg:$0xe]  }
0x219: {  	[hbm:s20], [sflag:s17] =	dma.local [spmem:s8], $0x4F0  }
0x21a: {  	_ =	swait.ge [sflag:s9], $0x4F0  }
0x21b: {  	[sflag:s9] =	ssyncset.done $0x0;
	s21 =	rddreg [dreg:$0xc]  }
0x21c: {  	s10 =	rddreg [dreg:$0xf];
	[sflag:s9] =	ssyncadd.s32 $0xFFFFFB10  }
0x21d: {  	[hbm:s21], [sflag:s17] =	dma.local [spmem:s10], $0x278  }
0x21e: {  	_ =	swait.ge [sflag:s9], $0x278  }
0x21f: {  	s12 =	rddreg [dreg:$0x10]  }
0x220: {  	s24 =	rddreg [dreg:$0xd];
	s12 =	sadd.s32 $0x1, s12  }
0x221: {  	p0 =	sne.s32 s12, s24  }
.Ltmp10:
0x222: {  	_ = 	snop;
	(pc) =	sbr.rel @p0 .LBB2_1-.Ltmp10, $3  }
0x223: {  	_ =	sdelay $0x1  }
0x224: {  	[sflag:s9] =	ssyncset.done $0x0  }
0x225: {  	v1 =	vimm.f32 $0.0e+00;
	v0 =	vld [tilespmem:$0x1FF80];
	[sflag:s9] =	ssyncadd.s32 $0xFFFFFD88  }
0x226: {  	_ =	sfence.sel $0x180000  }
0x227: {  	[bflag:$0x0] =	sbarrier.arrive $0xFFFF  }
0x228: {  	_ =	strace $0x9000004A  }
0x229: {  	s0 =	stileid.u32;
	[bflag:$0x2] =	sbarrier.arrive $0xFFFF  }
0x22a: {  	p0 =	sne.s32 s0, $0x0;
	s0 =	rddreg [dreg:$0x4]  }
0x22b: {  	s0 =	sadd.s32 @!p0 $0x100000, s0  }
0x22c: {  	[sflag:s0] =	ssyncadd.tile.s32 @!p0 $0x1;
	_ =	shalt  }
.Lfunc_end2:
_tile_overlayer_lowered:
.L_overlay_start_2:
0x22d: {  	(tag) =	ssettag $0x2  }
0x22e: {  	s0 =	rddreg [dreg:$0x0];
	s2 =	stileid.u32  }
0x22f: {  	s1 =	rddreg [dreg:$0x1];
	p0 =	sne.s32 s2, $0x0  }
0x230: {  	s3 =	rddreg [dreg:$0x2];
	[bflag:$0x3] =	sbarrier.arrive $0xFFFF;
	s2 =	simm.s32 @!p0 $0x1C0A  }
0x231: {  	[timem:s3], [sflag:s2] =	dma.local @!p0 [hbm:s0], s1  }
0x232: {  	s0 =	simm.s32 @!p0 $0xA  }
0x233: {  	_ =	swait.ge @!p0 [sflag:s0], s1  }
0x234: {  	s1 =	ssub.s32 @!p0 $0x0, s1;
	[sflag:s0] =	ssyncset.done @!p0 $0x0  }
0x235: {  	[sflag:s0] =	ssyncadd.s32 @!p0 s1  }
0x236: {  	[bflag:$0x3] =	sbarrier.arrive $0xFFFF  }
0x237: {  	_ =	shalt  }

// kernel: kernel.7.cloned.1.call-start
scs
__scs_entry_jumppad:
0x0: {  	(pc) =	sbr.rel $0x88, $3  }
0x1: {  	(tag) =	ssettag $0x0;
	lr =	simm.s32 $0x1  }
0x2: {  	[smem:$0x3F97] =	sst lr;
	_ =	strace $0xD0000000  }
0x3: {  	_ = 	snop  }
0x4: {  	_ = 	snop  }
0x5: {  	_ = 	snop  }
0x6: {  	_ = 	snop  }
0x7: {  	_ = 	snop  }
__scs_overlays_trampoline_lowered:
0x8: {  	[smem:$0x3FA6] =	sst s0  }
0x9: {  	[smem:$0x3FA7] =	sst s1  }
0xa: {  	[smem:$0x3FA8] =	sst s2  }
0xb: {  	[smem:$0x3FA9] =	sst s3  }
0xc: {  	[smem:$0x3FAA] =	sst s4  }
0xd: {  	[smem:$0x3FAB] =	sst s5  }
0xe: {  	[smem:$0x3FAC] =	sst s6  }
0xf: {  	[smem:$0x3FAD] =	sst s7  }
0x10: {  	[smem:$0x3FAE] =	sst s8  }
0x11: {  	[smem:$0x3FAF] =	sst s9;
	s0 =	simm.s32 @!p0 $0x0  }
0x12: {  	s1 =	sld [smem:$0x3F95];
	s0 =	simm.s32 @p0 $0x1  }
0x13: {  	[smem:$0x3FB0] =	sst s0;
	s0 =	simm.s32 @!p1 $0x0  }
0x14: {  	s2 =	sld [smem:$0x3F94];
	s0 =	simm.s32 @p1 $0x1  }
0x15: {  	[smem:$0x3FB1] =	sst s0;
	s0 =	simm.s32 @!p2 $0x0  }
0x16: {  	s3 =	sld [smem:$0x3FDB];
	s0 =	simm.s32 @p2 $0x1  }
0x17: {  	s4 =	simm.s32 $0x1BF5;
	[smem:$0x3FB3] =	sst s0  }
0x18: {  	s0 =	sld [smem:$0x3F96];
	_ =	swait.ge [sflag:s4], $0x0  }
0x19: {  	s7 =	sld [smem:$0x3F97]  }
0x1a: {  	s8 =	sadd.s32 $0xFFFFE003, lr  }
0x1b: {  	s9 =	sadd.s32 $0xFFFFFEF7, lr;
	s5 =	simm.s32 $0xFFFFFFFF;
	p2 =	slt.u32 s8, $0xFFFFF086  }
0x1c: {  	p1 =	slt.u32 s9, $0xF7A;
	s5 =	simm.s32 @!p2 $0x0  }
0x1d: {  	s5 =	simm.s32 @p1 $0x1;
	p0 =	seq.s32 s7, s2  }
0x1e: {  	s7 =	smul.u32 @!p0 $0xF7A, s2;
	p2 =	seq.s32 @!p0 s5, $0x0  }
0x1f: {  	s9 =	smul.u32 $0xF7A, s1;
	s8 =	simm.s32 @!p0 $0x1BF5;
	p2 =	por !p2, p0  }
0x20: {  	[sflag:s8] =	ssyncset.s32 @!p0 $0xFFFFF086;
	s6 =	sadd.s32 @!p0 s3, s7;
	s7 =	simm.s32 @!p0 $0x108  }
0x21: {  	s3 =	sadd.s32 s3, s9;
	s6 =	sadd.s32 @!p0 $0x88, s6;
	s7 =	simm.s32 @p2 $0x1082  }
0x22: {  	[simem:s7], [sflag:s8] =	dma.local @!p0 [hbm:s6], $0xF7A  }
0x23: {  	s9 =	sor.u32 $0xD0000000, s2;
	s6 =	simm.s32 $0x108;
	_ =	swait.ge @!p0 [sflag:s8], $0x0  }
0x24: {  	s3 =	sadd.s32 $0x88, s3;
	s6 =	simm.s32 @!p1 $0x1082;
	[sflag:s4] =	ssyncset.s32 $0xFFFFF086  }
0x25: {  	[simem:s6], [sflag:s4] =	dma.local [hbm:s3], $0xF7A  }
0x26: {  	[smem:$0x3F97] =	sst s1;
	(tag) =	ssettag s2;
	_ =	strace s9  }
0x27: {  	s1 =	sld [smem:$0x3FA7]  }
0x28: {  	s2 =	sld [smem:$0x3FA8]  }
0x29: {  	s4 =	sld [smem:$0x3FAA]  }
0x2a: {  	p0 =	seq.s32 s5, $0x0;
	s5 =	sld [smem:$0x3FAB]  }
0x2b: {  	s6 =	sld [smem:$0x3FAC]  }
0x2c: {  	s7 =	sld [smem:$0x3FAD]  }
0x2d: {  	s3 =	simm.s32 $0x108;
	s8 =	sld [smem:$0x3FAE]  }
0x2e: {  	s3 =	simm.s32 @!p0 $0x1082;
	s9 =	sld [smem:$0x3FAF]  }
0x2f: {  	lr =	sadd.s32 s0, s3;
	s0 =	sld [smem:$0x3FA6]  }
0x30: {  	s3 =	sld [smem:$0x3FA9]  }
0x31: {  	[smem:$0x3FB2] =	sst s10  }
0x32: {  	s10 =	sld [smem:$0x3FB0];
	_ =	sdelay $0x3  }
0x33: {  	p0 =	seq.s32 s10, $0x1;
	s10 =	sld [smem:$0x3FB2];
	_ =	sdelay $0x3  }
0x34: {  	[smem:$0x3FB2] =	sst s10  }
0x35: {  	s10 =	sld [smem:$0x3FB1];
	_ =	sdelay $0x3  }
0x36: {  	p1 =	seq.s32 s10, $0x1;
	s10 =	sld [smem:$0x3FB2];
	_ =	sdelay $0x3  }
0x37: {  	[smem:$0x3FB2] =	sst s10  }
0x38: {  	s10 =	sld [smem:$0x3FB3]  }
0x39: {  	_ = 	snop;
	(pc) =	sbr.ind lr, $3  }
0x3a: {  	_ = 	snop  }
0x3b: {  	_ = 	snop  }
0x3c: {  	p2 =	seq.s32 s10, $0x1;
	s10 =	sld [smem:$0x3FB2]  }
0x3d: {  	_ =	shalt  }
0x3e: {  	_ =	shalt  }
0x3f: {  	_ =	shalt  }
0x40: {  	_ =	shalt  }
0x41: {  	_ =	shalt  }
0x42: {  	_ =	shalt  }
0x43: {  	_ =	shalt  }
0x44: {  	_ =	shalt  }
0x45: {  	_ =	shalt  }
0x46: {  	_ =	shalt  }
0x47: {  	_ =	shalt  }
0x48: {  	_ =	shalt  }
0x49: {  	_ =	shalt  }
0x4a: {  	_ =	shalt  }
0x4b: {  	_ =	shalt  }
0x4c: {  	_ =	shalt  }
0x4d: {  	_ =	shalt  }
0x4e: {  	_ =	shalt  }
0x4f: {  	_ =	shalt  }
0x50: {  	_ =	shalt  }
0x51: {  	_ =	shalt  }
0x52: {  	_ =	shalt  }
0x53: {  	_ =	shalt  }
0x54: {  	_ =	shalt  }
0x55: {  	_ =	shalt  }
0x56: {  	_ =	shalt  }
0x57: {  	_ =	shalt  }
0x58: {  	_ =	shalt  }
0x59: {  	_ =	shalt  }
0x5a: {  	_ =	shalt  }
0x5b: {  	_ =	shalt  }
0x5c: {  	_ =	shalt  }
0x5d: {  	_ =	shalt  }
0x5e: {  	_ =	shalt  }
0x5f: {  	_ =	shalt  }
0x60: {  	_ =	shalt  }
0x61: {  	_ =	shalt  }
0x62: {  	_ =	shalt  }
0x63: {  	_ =	shalt  }
0x64: {  	_ =	shalt  }
0x65: {  	_ =	shalt  }
0x66: {  	_ =	shalt  }
0x67: {  	_ =	shalt  }
0x68: {  	_ =	shalt  }
0x69: {  	_ =	shalt  }
0x6a: {  	_ =	shalt  }
0x6b: {  	_ =	shalt  }
0x6c: {  	_ =	shalt  }
0x6d: {  	_ =	shalt  }
0x6e: {  	_ =	shalt  }
0x6f: {  	_ =	shalt  }
0x70: {  	_ =	shalt  }
0x71: {  	_ =	shalt  }
0x72: {  	_ =	shalt  }
0x73: {  	_ =	shalt  }
0x74: {  	_ =	shalt  }
0x75: {  	_ =	shalt  }
0x76: {  	_ =	shalt  }
0x77: {  	_ =	shalt  }
0x78: {  	_ =	shalt  }
0x79: {  	_ =	shalt  }
0x7a: {  	_ =	shalt  }
0x7b: {  	_ =	shalt  }
0x7c: {  	_ =	shalt  }
0x7d: {  	_ =	shalt  }
0x7e: {  	_ =	shalt  }
0x7f: {  	_ =	shalt  }
0x80: {  	_ =	shalt  }
0x81: {  	_ =	shalt  }
0x82: {  	_ =	shalt  }
0x83: {  	_ =	shalt  }
0x84: {  	_ =	shalt  }
0x85: {  	_ =	shalt  }
0x86: {  	_ =	shalt  }
0x87: {  	_ =	shalt  }
.Lfunc_end0:
.L_simem_size_0:
called_computation_lowered:
.L_overlay_start_0:
0x88: {  	s2 =	sld [smem:$0x3FD9]  }
0x89: {  	s3 =	sld [smem:$0x3FFE];
	_ =	sdelay $0x1  }
0x8a: {  	s1 =	srdreg.scid  }
0x8b: {  	s0 =	sand.u32 $0x1, s1  }
0x8c: {  	s17 =	sshll.u32 s0, $0xA;
	s2 =	sadd.s32 s3, s2  }
0x8d: {  	s2 =	sadd.s32 s2, s17  }
0x8e: {  	[smem:$0x3FBE] =	sst s2  }
0x8f: {  	_ = 	snop  }
0x90: {  	s2 =	sld [smem:$0x3FD0];
	(tm) =	ssettm $0x1  }
0x91: {  	s18 =	sld [smem:$0x3FFB];
	_ =	sdelay $0x3  }
0x92: {  	_ =	strace s18  }
0x93: {  	s3 =	sld [smem:$0x3FFC];
	_ =	sdelay $0x3  }
0x94: {  	_ =	strace s3  }
0x95: {  	s3 =	sld [smem:$0x3FFD];
	_ =	sdelay $0x3  }
0x96: {  	_ =	strace s3  }
0x97: {  	_ =	strace $0x8FFFFFFF  }
0x98: {  	s19 =	sld [smem:$0x3FDB];
	_ =	sdelay $0x1  }
0x99: {  	s4 =	simm.s32 $_scs_section_size  }
0x9a: {  	s5 =	simm.s32 $_size__tile_overlayer_lowered;
	s6 =	simm.s32 $_tile_overlayer_lowered  }
0x9b: {  	s22 =	simm.s32 $0x1BFF;
	s21 =	sshll.u32 s6, $0x1;
	s3 =	sadd.s32 s4, s19  }
0x9c: {  	s7 =	simm.s32 $0x0;
	s20 =	sshll.u32 s5, $0x1;
	s5 =	sadd.s32 s21, s3  }
0x9d: {  	[timem:s7], [sflag:s22] =	dma.local [hbm:s5], s20  }
0x9e: {  	_ =	swait.ge [sflag:s22], s20  }
0x9f: {  	s4 =	ssub.s32 $0x0, s20;
	[sflag:s22] =	ssyncset.done $0x0  }
0xa0: {  	[sflag:s22] =	ssyncadd.s32 s4;
	_ =	sdelay $0x1  }
0xa1: {  	s23 =	simm.s32 $0x1B8B  }
0xa2: {  	_ =	swait.ge [sflag:s23], $0x1  }
0xa3: {  	[sflag:s23] =	ssyncset.done $0x0  }
0xa4: {  	s25 =	simm.s32 $0x1B8E;
	s24 =	sld [smem:$0x3FFE];
	[sflag:s23] =	ssyncadd.s32 $0xFFFFFFFF  }
0xa5: {  	s26 =	simm.s32 $execute0_lowered;
	[smem:$0x3FD2] =	sst s25  }
0xa6: {  	s5 =	sshll.u32 s26, $0x1;
	_ =	strace $0x80000046;
	[dreg:$0x1] =	wrdreg $0xFFFFFFFF  }
0xa7: {  	s28 =	simm.s32 $_size_execute0_lowered;
	s3 =	sadd.s32 s3, s5;
	[dreg:$0x0] =	wrdreg $0x0  }
0xa8: {  	s5 =	sshll.u32 s28, $0x1;
	[dreg:$0x2] =	wrdreg s3  }
0xa9: {  	[dreg:$0x3] =	wrdreg s5  }
0xaa: {  	[dreg:$0x4] =	wrdreg $0xC0  }
0xab: {  	_ =	task [dreg:s7], $0x5FFFF  }
0xac: {  	[dreg:$0x1] =	wrdreg $0xFFFFFFFF  }
0xad: {  	[dreg:$0x0] =	wrdreg $0x60  }
0xae: {  	[dreg:$0x2] =	wrdreg s24  }
0xaf: {  	[dreg:$0x3] =	wrdreg s2  }
0xb0: {  	[dreg:$0x4] =	wrdreg $0x0  }
0xb1: {  	[dreg:$0x5] =	wrdreg $0x13C000  }
0xb2: {  	[dreg:$0x6] =	wrdreg $0x9  }
0xb3: {  	_ =	task.clear_ibuf [dreg:s7], $0x7FFFF;
	_ =	strace $0x90000046  }
0xb4: {  	s29 =	simm.s32 $0x9;
	_ =	strace $0x80000048  }
0xb5: {  	_ =	swait.ge [sflag:s29], $0x1  }
0xb6: {  	[sflag:s29] =	ssyncadd.s32 $0xFFFFFFFF  }
0xb7: {  	_ =	strace $0x90000048  }
0xb8: {  	_ =	sfence  }
0xb9: {  	s30 =	sld [smem:$0x0];
	_ =	sdelay $0x2  }
0xba: {  	s31 =	sshll.u32 s1, $0xD;
	s1 =	sshrl.u32 s1, $0x2  }
0xbb: {  	s3 =	sand.u32 $0x4000, s31;
	s1 =	sadd.s32 s1, s30  }
0xbc: {  	s0 =	sor.u32 s3, s0;
	s1 =	sshll.u32 s1, $0x11  }
0xbd: {  	s0 =	sor.u32 s1, s0  }
0xbe: {  	s0 =	sadd.s32 $0x8F2B, s0  }
0xbf: {  	[sflag:s0] =	ssyncadd.remote.s32 $0x1  }
0xc0: {  	_ =	sfence.sel $0xFFFF  }
0xc1: {  	[dreg:$0x0] =	wrdreg $0xFFFFFFFF;
	(pc) =	sbr.abs _section_cstart, $3  }
0xc2: {  	[dreg:$0x1] =	wrdreg $0xFFFFFFFF  }
0xc3: {  	_ =	task.clear_ibuf [dreg:s7], $0x2FFFF;
	_ =	strace $0x9FFFFFFF  }
0xc4: {  	(tm) =	ssettm $0x7FFFFFFF  }
0xc5: {  	_ =	shalt  }
tec
execute0_lowered:
.L_overlay_start_1:
0x0: {  	(tag) =	ssettag $0x1  }
0x1: {  	s3 =	rddreg [dreg:$0x0];
	v0 =	vlaneseq.u32;
	v2 =	vimm.s32 $0x67452301  }
0x2: {  	s0 =	rddreg [dreg:$0x1];
	v3 =	vimm.s32 $0x54761032;
	v7 =	vimm.s32 $0x23016745;
	v9 =	vimm.s32 $0x76543210  }
0x3: {  	s1 =	rddreg [dreg:$0x2];
	v10 =	vimm.s32 $0xFEDCBA98;
	v11 =	vimm.s32 $0xEFCDAB89;
	v15 =	vimm.s32 $0xCDEF89AB  }
0x4: {  	s2 =	rddreg [dreg:$0x3];
	s4 =	simm.s32 $0x0;
	s17 =	srdreg.scid;
	v16 =	vimm.s32 $0x98BADCFE;
	v1 =	vshrl.u32 v0, $0x3;
	v4 =	vunpack.c.l.s4.s8 v2  }
0x5: {  	s14 =	stileid.u32;
	s28 =	simm.s32 $0x1A1A0;
	s30 =	simm.s32 $0x9;
	v5 =	vunpack.c.l.s4.s8 v3;
	v2 =	vimm.s32 $0x45670123;
	v3 =	vimm.s32 $0x32107654  }
0x6: {  	s31 =	simm.s32 $0x179A0;
	s29 =	simm.s32 $0x5;
	[smem:$0x7FF] =	sst s4;
	v43 =	vand.u32 $0x7, v0;
	v7 =	vunpack.c.l.s4.s8 v7;
	v9 =	vunpack.c.l.s4.s8 v9  }
0x7: {  	s4 =	sand.u32 $0x1, s17;
	s8 =	smul.u32 $0x13C00, s14;
	s5 =	sadd.s32 $0x16C00, s3;
	v10 =	vunpack.c.l.s4.s8 v10;
	v11 =	vunpack.c.l.s4.s8 v11;
	v16 =	vunpack.c.l.s4.s8 v16  }
0x8: {  	s6 =	sadd.s32 $0x3DE00, s3;
	s7 =	sadd.s32 $0x2E00, s3;
	s10 =	sadd.s32 $0x16A00, s3;
	v22 =	vor.u32 $0x50, v0;
	v18 =	vmul.u32 $0x8, v1;
	v6 =	vunpack.c.l.s4.s8 v2  }
0x9: {  	s18 =	sadd.s32 $0x65400, s3;
	_ =	strace $0x80000047;
	[dreg:$0x5] =	wrdreg s10;
	v8 =	vunpack.c.l.s4.s8 v3;
	v12 =	vmul.u32 $0xFFFFFFFF, v43;
	v1 =	vunpack.c.0.s8.s32 v4  }
0xa: {  	s19 =	sadd.s32 $0x65000, s3;
	s13 =	smul.u32 $0x13C0, s14;
	[dreg:$0x6] =	wrdreg s18;
	v2 =	vunpack.c.0.s8.s32 v5;
	v5 =	vunpack.c.0.s8.s32 v7;
	v13 =	vunpack.c.0.s8.s32 v9  }
0xb: {  	s23 =	sshll.u32 s14, $0x6;
	s9 =	smul.u32 $0x13C000, s4;
	[dreg:$0x7] =	wrdreg s19;
	v10 =	vunpack.c.0.s8.s32 v10;
	v9 =	vimm.s32 $0xDCFE98BA;
	v11 =	vunpack.c.0.s8.s32 v11  }
0xc: {  	s20 =	ssub.s32 $0x2, s4;
	s11 =	sshll.u32 s4, $0x4;
	s17 =	sor.u32 $0x1C0A, s23;
	v3 =	vunpack.c.0.s8.s32 v6;
	v4 =	vunpack.c.0.s8.s32 v8;
	v8 =	vimm.s32 $0x10325476  }
0xd: {  	s4 =	smul.u32 $0x13C00, s4;
	s12 =	sshrl.u32 s20, $0x1;
	s11 =	sor.u32 s14, s11;
	v14 =	vunpack.c.l.s4.s8 v9;
	v62 =	vadd.s32 $0x7, v12;
	v12 =	vunpack.c.l.s4.s8 v15  }
0xe: {  	[tilespmem:$0x1FF50] =	vst v22;
	s16 =	sadd.s32 s13, s2;
	[dreg:$0x8] =	wrdreg s17;
	s22 =	smul.u32 $0x4EC0, s11;
	v15 =	vimm.s32 $0xAB89EFCD;
	v8 =	vunpack.c.l.s4.s8 v8;
	v10 =	vand.u32 $0xF, v10  }
0xf: {  	[tilespmem:$0x1FFB0] =	vst v43;
	s9 =	sadd.s32 s8, s9;
	s21 =	ssub.s32 s20, s12;
	s24 =	smul.u32 $0x9D8, s11;
	v15 =	vunpack.c.l.s4.s8 v15;
	v7 =	vcombine.low v10, v13;
	v12 =	vunpack.c.0.s8.s32 v12  }
0x10: {  	s8 =	sadd.s32 s8, s1;
	s12 =	smul.u32 $0x7E, s11;
	s4 =	sadd.s32 s13, s4;
	[tilespmem:$0x1FFF0] =	vst v18;
	v11 =	vand.u32 $0xF, v11;
	v13 =	vunpack.c.0.s8.s32 v14;
	v14 =	vimm.s32 $0xBA98FEDC  }
0x11: {  	s15 =	smul.u32 $0x2760, s11;
	s11 =	simm.s32 $0xA;
	s13 =	sshrl.u32 s16, $0x3;
	v6 =	vunpack.c.0.s8.s32 v8;
	v15 =	vunpack.c.0.s8.s32 v15;
	[tilespmem:$0x1FF30] =	vst v7;
	v7 =	vcombine.low v11, v1  }
0x12: {  	v16 =	vunpack.c.0.s8.s32 v16;
	s9 =	sshrl.u32 s9, $0x3;
	s25 =	sshrl.u32 s4, $0x3;
	s26 =	smax.u32 s21, $0x1;
	[tilespmem:$0x1FFC0] =	vst v62;
	v14 =	vunpack.c.l.s4.s8 v14;
	v13 =	vand.u32 $0xF, v13  }
0x13: {  	s4 =	simm.s32 $0x1;
	[dreg:$0xf] =	wrdreg s13;
	s3 =	sadd.s32 s9, s3;
	v17 =	vand.u32 $0xF, v12;
	v63 =	vcombine.low v13, v2;
	v15 =	vand.u32 $0xF, v15;
	v12 =	vmovc v6;
	[tilespmem:$0x1FF80] =	vst v7  }
0x14: {  	s10 =	sshrl.u32 s22, $0x3;
	s14 =	sadd.s32 s7, s24;
	s0 =	sadd.s32 s0, s25;
	v8 =	vcombine.low v15, v5;
	[tilespmem:$0x1FF40] =	vst v12  }
0x15: {  	v16 =	vand.u32 $0xF, v16;
	[dreg:$0xd] =	wrdreg s26;
	s24 =	simm.s32 $0x50;
	s25 =	simm.s32 $0x151A0;
	v14 =	vunpack.c.0.s8.s32 v14;
	v13 =	vmovc v1;
	v1 =	vcombine.low v17, v3;
	[tilespmem:$0x1FFD0] =	vst v63  }
0x16: {  	s22 =	simm.s32 $0x3;
	s26 =	simm.s32 $0x1F1A0;
	[dreg:$0x9] =	wrdreg s14;
	v17 =	vmul.u32 $0xFFFFFFFF, v0;
	v15 =	vmov v3;
	v3 =	vcombine.low v16, v12;
	[tilespmem:$0x1FFE0] =	vst v8  }
0x17: {  	s10 =	sadd.s32 s7, s10;
	s3 =	sadd.s32 $0x67C00, s3;
	[dreg:$0xc] =	wrdreg s0;
	v14 =	vand.u32 $0xF, v14;
	[tilespmem:$0x1FFA0] =	vst v1  }
0x18: {  	s9 =	simm.s32 $0x1F420;
	s10 =	sadd.s32 $0x14, s10;
	[dreg:$0xb] =	wrdreg s3;
	v6 =	vcombine.low v14, v4;
	v16 =	vmov v4;
	v4 =	vadd.s32 $0xF, v17;
	[tilespmem:$0x1FF60] =	vst v3  }
0x19: {  	s0 =	simm.s32 $0x1C9A0;
	[dreg:$0xa] =	wrdreg s10;
	s10 =	sshrl.u32 s8, $0x3;
	[tilespmem:$0x1FF70] =	vst v4  }
0x1a: {  	s14 =	simm.s32 $0x0;
	s8 =	simm.s32 $0x7;
	[dreg:$0xe] =	wrdreg s10;
	v14 =	vmov v2;
	[tilespmem:$0x1FF90] =	vst v6;
	v17 =	vmov v5  }
.LBB2_1:
0x1b: {  	[dreg:$0x10] =	wrdreg s14  }
0x1c: {  	s3 =	rddreg [dreg:$0x6]  }
0x1d: {  	[spmem:s10], [sflag:s17] =	dma.local [hbm:s3], $0x2780  }
0x1e: {  	_ =	swait.ge [sflag:s11], $0x2780  }
0x1f: {  	[sflag:s11] =	ssyncset.done $0x0  }
0x20: {  	s10 =	rddreg [dreg:$0x7];
	[sflag:s11] =	ssyncadd.s32 $0xFFFFD880  }
0x21: {  	[spmem:s13], [sflag:s17] =	dma.local [hbm:s10], $0x278  }
0x22: {  	_ =	swait.ge [sflag:s11], $0x278  }
0x23: {  	s14 =	simm.s32 $0x0;
	[sflag:s11] =	ssyncset.done $0x0  }
0x24: {  	s17 =	simm.s32 $0x1F6A0;
	s16 =	rddreg [dreg:$0x5];
	[sflag:s11] =	ssyncadd.s32 $0xFFFFFD88  }
0x25: {  	[tilespmem:s17], [sflag:$0xA] =	stream.linear.gather [hbm4b:s16+s14], $0x800, $0x38;
	[tilespmem:$0x1FEA0] =	vst v63  }
0x26: {  	_ =	swait.ge [sflag:s11], $0x800  }
0x27: {  	[sflag:s11] =	ssyncset.done $0x0  }
0x28: {  	[sflag:s11] =	ssyncadd.s32 $0xFFFFF800  }
0x29: {  	[bflag:$0x0] =	sbarrier.arrive $0xFFFF  }
0x2a: {  	s19 =	simm.s32 $0x14FC0;
	s18 =	rddreg [dreg:$0x9]  }
0x2b: {  	[tilespmem:s19], [sflag:$0xA] =	stream.linear.gather [hbm4b:s18+s14], $0xA0, $0x38;
	[tilespmem:$0x1FEA0] =	vst v63  }
0x2c: {  	_ =	swait.ge [sflag:s11], $0xA0  }
0x2d: {  	[sflag:s11] =	ssyncset.done $0x0  }
0x2e: {  	[sflag:s11] =	ssyncadd.s32 $0xFFFFFF60  }
0x2f: {  	[tilespmem:s25], [sflag:$0x1] =	stream.indirect.gather [hbm4b:s5+s24], $0x80, s19, s24, $0xb8;
	[tilespmem:$0x1FEA0] =	vst v63  }
0x30: {  	s20 =	simm.s32 $0x15010  }
0x31: {  	[tilespmem:s28], [sflag:$0x3] =	stream.indirect.gather [hbm4b:s6+s24], $0x80, s20, s24, $0xb8;
	[tilespmem:$0x1FEA0] =	vst v63  }
0x32: {  	s23 =	simm.s32 $0x15060;
	s21 =	rddreg [dreg:$0xa]  }
0x33: {  	[tilespmem:s23], [sflag:$0x9] =	stream.linear.gather [hbm4b:s21+s14], $0xA0, $0x38;
	[tilespmem:$0x1FEA0] =	vst v63  }
0x34: {  	s23 =	simm.s32 $0x0  }
.LBB2_2:
0x35: {  	s17 =	sshllo.u32 s23, $0x1  }
0x36: {  	s3 =	smul.u32 $0xAB, s17  }
0x37: {  	p0 =	seq.s32 s23, $0x0  }
0x38: {  	s10 =	simm.s32 @!p0 $0x6;
	s3 =	sshrl.u32 s3, $0x9  }
0x39: {  	v2 =	vld [tilespmem:$0x1FF30];
	_ =	swait.ge @!p0 [sflag:s10], $0x2800;
	s3 =	sand.u32 $0x7F, s3  }
0x3a: {  	[sflag:s10] =	ssyncset.done @!p0 $0x0;
	s3 =	smul.u32 $0x3, s3  }
0x3b: {  	[sflag:s10] =	ssyncadd.s32 @!p0 $0xFFFFD800;
	s10 =	simm.s32 @!p0 $0x8  }
0x3c: {  	s18 =	sshll.u32 s23, $0x1;
	_ =	swait.ge @!p0 [sflag:s10], $0x280;
	s3 =	ssub.s32 s17, s3  }
0x3d: {  	s11 =	sadd.s32 $0x2, s18;
	[sflag:s10] =	ssyncset.done @!p0 $0x0;
	s3 =	sand.u32 $0xFF, s3  }
0x3e: {  	s13 =	sand.u32 $0xFE, s11;
	[sflag:s10] =	ssyncadd.s32 @!p0 $0xFFFFFD80;
	s3 =	smul.u32 $0x280, s3  }
0x3f: {  	s16 =	smul.u32 $0xAB, s13;
	_ =	swait.ge [sflag:s30], $0xA0  }
0x40: {  	[sflag:s30] =	ssyncset.done $0x0;
	s3 =	sshrl.u32 s3, $0x2  }
0x41: {  	s10 =	sshrl.u32 s16, $0x9;
	[sflag:s30] =	ssyncadd.s32 $0xFFFFFF60;
	s19 =	sadd.s32 $0x14FC0, s3  }
0x42: {  	[tilespmem:s31], [sflag:$0x2] =	stream.indirect.gather [hbm4b:s5+s24], $0x80, s19, s24, $0xb8;
	[tilespmem:$0x1FEA0] =	vst v63  }
0x43: {  	p0 =	seq.s32 s23, $0x3E;
	s10 =	smul.u32 $0x3, s10;
	s16 =	sadd.s32 $0x15010, s3  }
0x44: {  	[tilespmem:s0], [sflag:$0x4] =	stream.indirect.gather [hbm4b:s6+s24], $0x80, s16, s24, $0xb8;
	[tilespmem:$0x1FEA0] =	vst v63  }
0x45: {  	s20 =	ssub.s32 s11, s10;
	s10 =	sadd.s32 @!p0 s12, s18;
	_ =	swait.ge [sflag:s4], $0x2800  }
0x46: {  	s10 =	smul.u32 @!p0 $0xA0, s10;
	s3 =	sand.u32 $0xFF, s20;
	[sflag:s4] =	ssyncset.done $0x0  }
0x47: {  	s3 =	smul.u32 @!p0 $0x280, s3;
	[sflag:s4] =	ssyncadd.s32 $0xFFFFD800  }
0x48: {  	s13 =	simm.s32 @!p0 $0x0;
	s10 =	sshrl.u32 @!p0 s10, $0x3;
	_ =	swait.ge [sflag:s22], $0x2800  }
0x49: {  	s11 =	sadd.s32 @!p0 s7, s10;
	s3 =	sshrl.u32 @!p0 s3, $0x2;
	[sflag:s22] =	ssyncset.done $0x0  }
0x4a: {  	s11 =	sadd.s32 @!p0 $0x28, s11;
	s10 =	sadd.s32 @!p0 $0x14FC0, s3;
	[sflag:s22] =	ssyncadd.s32 $0xFFFFD800  }
0x4b: {  	[tilespmem:s10], [sflag:$0x9] =	stream.linear.gather @!p0 [hbm4b:s11+s13], $0xA0, $0x38;
	[tilespmem:$0x1FEA0] =	vst v63  }
0x4c: {  	s13 =	simm.s32 $0x0  }
0x4d: {  	s21 =	smul.u32 $0xCD, s13  }
0x4e: {  	s19 =	smulhi.u32 $0xCCCCCCCD, s13  }
0x4f: {  	s11 =	sshrl.u32 s21, $0xA  }
0x50: {  	s19 =	sshrl.u32 s19, $0x2;
	s11 =	sand.u32 $0x3F, s11  }
0x51: {  	s21 =	smul.u32 $0x50, s19;
	s14 =	sshll.u32 s11, $0x8  }
0x52: {  	v9 =	vld [tilespmem:s14+$0x1F6E0]  }
0x53: {  	s21 =	ssub.s32 $0x0, s21;
	v10 =	vld [tilespmem:s14+$0x1F740]  }
0x54: {  	v55 =	vld [tilespmem:s14+$0x1F6C0];
	v5 =	vor.u32 s21, v0  }
0x55: {  	s20 =	sshll.u32 s11, $0x4;
	v54 =	vld [tilespmem:s14+$0x1F6A0];
	v19 =	vshll.u32 v5, $0x7  }
0x56: {  	v56 =	vld [tilespmem:s14+$0x1F6D0];
	v38 =	vadd.s32 s20, v19  }
0x57: {  	v52 =	vld [tilespmem:s14+$0x1F6B0];
	v19 =	vor.u32 v8, v38  }
0x58: {  	v49 =	vld [tilespmem:s14+$0x1F700]  }
0x59: {  	v40 =	vld [tilespmem:s14+$0x1F720];
	v20 =	vor.u32 v2, v38  }
0x5a: {  	v0 =	vld [tilespmem:s14+$0x1F6F0]  }
0x5b: {  	v2 =	vld [tilespmem:s14+$0x1F710];
	v24 =	vor.u32 v63, v38  }
0x5c: {  	v30 =	vor.u32 v18, v38;
	v11 =	vld.idx.msk [tilespmem:v19+s28+$0x0], $0xffff  }
0x5d: {  	v21 =	vor.u32 v12, v30;
	v22 =	vld.idx.msk [tilespmem:v19+s25+$0x0], $0xffff  }
0x5e: {  	v29 =	vld.idx.msk [tilespmem:v20+s25+$0x0], $0xffff  }
0x5f: {  	v25 =	vor.u32 v13, v30;
	v32 =	vld.idx.msk [tilespmem:v20+s28+$0x0], $0xffff  }
0x60: {  	v23 =	vor.u32 v15, v30;
	v27 =	vor.u32 v62, v30;
	v62 =	vld.idx.msk [tilespmem:v24+s28+$0x0], $0xffff  }
0x61: {  	v28 =	vor.u32 v14, v30;
	v41 =	vld.idx.msk [tilespmem:v24+s25+$0x0], $0xffff  }
0x62: {  	v33 =	vld.idx.msk [tilespmem:v21+s28+$0x0], $0xffff  }
0x63: {  	v34 =	vld.idx.msk [tilespmem:v21+s25+$0x0], $0xffff  }
0x64: {  	v45 =	vld.idx.msk [tilespmem:v25+s28+$0x0], $0xffff  }
0x65: {  	v26 =	vor.u32 v43, v30;
	v37 =	vld.idx.msk [tilespmem:v23+s25+$0x0], $0xffff  }
0x66: {  	v46 =	vld.idx.msk [tilespmem:v28+s28+$0x0], $0xffff  }
0x67: {  	v31 =	vor.u32 v16, v30;
	v39 =	vld.idx.msk [tilespmem:v28+s25+$0x0], $0xffff  }
0x68: {  	v42 =	vld.idx.msk [tilespmem:v25+s25+$0x0], $0xffff  }
0x69: {  	v30 =	vor.u32 v17, v30;
	v57 =	vld.idx.msk [tilespmem:v23+s28+$0x0], $0xffff  }
0x6a: {  	v36 =	vld.idx.msk [tilespmem:v26+s25+$0x0], $0xffff  }
0x6b: {  	v47 =	vld.idx.msk [tilespmem:v26+s28+$0x0], $0xffff;
	v59 =	vadd.f32 v32, v29  }
0x6c: {  	v58 =	vld.idx.msk [tilespmem:v31+s28+$0x0], $0xffff;
	v32 =	vor.u32 v1, v38  }
0x6d: {  	v60 =	vld.idx.msk [tilespmem:v27+s28+$0x0], $0xffff;
	v61 =	vadd.f32 v33, v34;
	v43 =	vadd.f32 v45, v42;
	v51 =	vmul.f32 $2.000000030e-01, v59  }
0x6e: {  	v44 =	vld.idx.msk [tilespmem:v30+s25+$0x0], $0xffff;
	v33 =	vor.u32 v7, v38;
	v63 =	vadd.f32 v46, v39;
	v57 =	vadd.f32 v57, v37  }
0x6f: {  	v45 =	vld.idx.msk [tilespmem:v27+s25+$0x0], $0xffff;
	v35 =	vmul.f32 $2.000000030e-01, v61;
	v48 =	vmul.f32 $2.000000030e-01, v43;
	v59 =	vmax.f32 v59, v51  }
0x70: {  	v47 =	vadd.f32 v47, v36;
	v46 =	vld.idx.msk [tilespmem:v31+s25+$0x0], $0xffff;
	v50 =	vmul.f32 $2.000000030e-01, v57;
	v1 =	vmul.f32 v59, v40  }
0x71: {  	v51 =	vld.idx.msk [tilespmem:v30+s28+$0x0], $0xffff;
	v53 =	vmax.f32 v61, v35;
	v35 =	vor.u32 v3, v38;
	v61 =	vmul.f32 $2.000000030e-01, v63  }
0x72: {  	v59 =	vmul.f32 $2.000000030e-01, v47;
	v40 =	vor.u32 v6, v38;
	v43 =	vmax.f32 v43, v48;
	v7 =	vld.idx.msk [tilespmem:v32+s28+$0x0], $0xffff  }
0x73: {  	v38 =	vor.u32 v4, v38;
	v50 =	vmax.f32 v57, v50;
	v3 =	vmul.f32 v53, v49;
	v53 =	vld.idx.msk [tilespmem:v33+s28+$0x0], $0xffff  }
0x74: {  	v4 =	vmul.f32 v43, v52;
	v52 =	vadd.f32 v62, v41;
	v49 =	vld.idx.msk [tilespmem:v33+s25+$0x0], $0xffff;
	v56 =	vmul.f32 v50, v56  }
0x75: {  	v58 =	vadd.f32 v58, v46;
	v61 =	vmax.f32 v63, v61;
	v59 =	vmax.f32 v47, v59;
	v47 =	vld.idx.msk [tilespmem:v32+s25+$0x0], $0xffff  }
0x76: {  	v60 =	vadd.f32 v60, v45;
	v61 =	vmul.f32 v61, v55;
	v54 =	vmul.f32 v59, v54;
	v48 =	vld.idx.msk [tilespmem:v35+s25+$0x0], $0xffff  }
0x77: {  	v57 =	vmul.f32 $2.000000030e-01, v52;
	v50 =	vmul.f32 $2.000000030e-01, v58;
	v55 =	vld.idx.msk [tilespmem:v35+s28+$0x0], $0xffff  }
0x78: {  	v43 =	vmul.f32 $2.000000030e-01, v60;
	v51 =	vadd.f32 v51, v44;
	v6 =	vld.idx.msk [tilespmem:v40+s28+$0x0], $0xffff  }
0x79: {  	v63 =	vadd.f32 $0.0e+00, v54;
	v52 =	vmax.f32 v52, v57;
	v59 =	vld.idx.msk [tilespmem:v38+s28+$0x0], $0xffff;
	v58 =	vmax.f32 v58, v50  }
0x7a: {  	v60 =	vmax.f32 v60, v43;
	v57 =	vld [tilespmem:s14+$0x1F770];
	v62 =	vmul.f32 $2.000000030e-01, v51;
	v58 =	vmul.f32 v58, v9  }
0x7b: {  	v43 =	vadd.f32 v11, v22;
	v54 =	vld.idx.msk [tilespmem:v40+s25+$0x0], $0xffff;
	v53 =	vadd.f32 v53, v49;
	v2 =	vmul.f32 v60, v2  }
0x7c: {  	v60 =	vld [tilespmem:s14+$0x1F780];
	v50 =	vadd.f32 v7, v47;
	v51 =	vmax.f32 v51, v62;
	v7 =	vadd.f32 v58, v63  }
0x7d: {  	[tilespmem:$0x1FF10] =	vst v6;
	v6 =	vmul.f32 v52, v10;
	v52 =	vld.idx.msk [tilespmem:v38+s25+$0x0], $0xffff;
	v10 =	vmul.f32 v51, v0  }
0x7e: {  	v0 =	vmul.f32 $2.000000030e-01, v53;
	v51 =	vmul.f32 $2.000000030e-01, v43;
	v55 =	vadd.f32 v55, v48;
	v58 =	vld [tilespmem:$0x1FF10]  }
0x7f: {  	v61 =	vadd.f32 $0.0e+00, v61;
	v62 =	vld [tilespmem:s14+$0x1F730]  }
0x80: {  	v11 =	vmax.f32 v53, v0;
	v0 =	vmul.f32 $2.000000030e-01, v55;
	v43 =	vmax.f32 v43, v51  }
0x81: {  	v61 =	vadd.f32 v3, v61;
	v51 =	vmul.f32 $2.000000030e-01, v50;
	v9 =	vmul.f32 v43, v57;
	v57 =	vld [tilespmem:s14+$0x1F750]  }
0x82: {  	v63 =	vld [tilespmem:s14+$0x1F760];
	v53 =	vadd.f32 $0.0e+00, v56;
	v55 =	vmax.f32 v55, v0;
	v59 =	vadd.f32 v59, v52  }
0x83: {  	v43 =	vadd.f32 v58, v54;
	v58 =	vmul.f32 v55, v60;
	v55 =	vadd.f32 $0.0e+00, v4;
	v60 =	vld [tilespmem:s14+$0x1F790]  }
0x84: {  	v3 =	vadd.f32 v6, v61;
	v62 =	vmul.f32 v11, v62;
	v0 =	vmul.f32 $2.000000030e-01, v59  }
0x85: {  	v56 =	vmax.f32 v50, v51;
	v4 =	vmul.f32 $2.000000030e-01, v43;
	v55 =	vadd.f32 v10, v55  }
0x86: {  	v53 =	vadd.f32 v2, v53;
	v2 =	vmul.f32 v56, v57;
	v50 =	vmax.f32 v59, v0  }
0x87: {  	v43 =	vmax.f32 v43, v4;
	v55 =	vadd.f32 v62, v55;
	v4 =	vadd.f32 v1, v7  }
0x88: {  	v51 =	vadd.f32 v2, v53;
	v43 =	vmul.f32 v43, v63;
	v50 =	vmul.f32 v50, v60  }
0x89: {  	s21 =	smul.u32 $0x156, s23;
	v60 =	vadd.f32 v58, v3;
	v59 =	vadd.f32 v9, v55  }
0x8a: {  	v43 =	vadd.f32 v43, v4;
	v50 =	vadd.f32 v50, v51  }
0x8b: {  	s19 =	sshrl.u32 s21, $0x9  }
0x8c: {  	s19 =	sand.u32 $0x7F, s19;
	s14 =	smul.u32 $0xA0, s23;
	v43 =	vadd.f32 v59, v43;
	v51 =	vadd.f32 v50, v60  }
0x8d: {  	s19 =	smul.u32 $0x3, s19  }
0x8e: {  	s21 =	sadd.s32 s15, s14;
	v50 =	vmov s11;
	v55 =	vadd.f32 v51, v43  }
0x8f: {  	s20 =	ssub.s32 s18, s19;
	v61 =	vmov s21;
	v63 =	vshll.u32 v5, $0x3;
	v62 =	vand.u32 $0x8, v50  }
0x90: {  	s19 =	sand.u32 $0xFF, s20;
	s21 =	simm.s32 $0x1;
	[tilespmem:$0x1FF20] =	vst v61;
	v53 =	vadd.s32 v62, v63;
	v51 =	vadd.s32 v61, v5;
	v55 =	vmul.f32 $1.442695020e+00, v55  }
.LBB2_3:
0x91: {  	_ = 	snop  }
0x92: {  	(erf) = vpow2.f32 v55;
	_ =	sdelay $0x5  }
0x93: {  	v50 =	vand.u32 $0x7, v50  }
0x94: {  	v50 =	vor.u32 v50, v53;
	_ =	sdelay $0x1  }
0x95: {  	vm0 =	vlt.s32 v51, $0x4E200;
	v55 =	vpop (erf)  }
0x96: {  	v51 =	vnsel vm0, $0x0, v55  }
0x97: {  	v36 =	vmul.f32 v51, v36  }
0x98: {  	[tilespmem:v50+s26+$0x0] =	vst.idx.msk $0xffff, v51;
	v42 =	vmul.f32 v51, v42  }
0x99: {  	v39 =	vmul.f32 v51, v39;
	[tilespmem:v26+s28+$0x0] =	vst.idx.msk $0xffff, v36  }
0x9a: {  	v37 =	vmul.f32 v51, v37;
	[tilespmem:v25+s28+$0x0] =	vst.idx.msk $0xffff, v42  }
0x9b: {  	v26 =	vmul.f32 v51, v46;
	[tilespmem:v28+s28+$0x0] =	vst.idx.msk $0xffff, v39  }
0x9c: {  	v56 =	vmul.f32 v51, v44;
	[tilespmem:v23+s28+$0x0] =	vst.idx.msk $0xffff, v37  }
0x9d: {  	v25 =	vmul.f32 v51, v34;
	[tilespmem:v31+s28+$0x0] =	vst.idx.msk $0xffff, v26  }
0x9e: {  	v57 =	vmul.f32 v51, v45;
	[tilespmem:v30+s28+$0x0] =	vst.idx.msk $0xffff, v56  }
0x9f: {  	v28 =	vmul.f32 v51, v29;
	[tilespmem:v21+s28+$0x0] =	vst.idx.msk $0xffff, v25  }
0xa0: {  	v29 =	vmul.f32 v51, v49;
	[tilespmem:v27+s28+$0x0] =	vst.idx.msk $0xffff, v57  }
0xa1: {  	v59 =	vld [tilespmem:$0x1FF20];
	v23 =	vmul.f32 v51, v41;
	[tilespmem:v20+s28+$0x0] =	vst.idx.msk $0xffff, v28  }
0xa2: {  	s11 =	smov.u32 s21;
	v60 =	vld [tilespmem:$0x1FF30];
	v58 =	vmul.f32 v51, v47;
	[tilespmem:v33+s28+$0x0] =	vst.idx.msk $0xffff, v29  }
0xa3: {  	v61 =	vld [tilespmem:$0x1FFB0];
	s14 =	smulhi.u32 $0xCCCCCCCD, s11;
	v26 =	vmul.f32 v51, v54;
	[tilespmem:v24+s28+$0x0] =	vst.idx.msk $0xffff, v23  }
0xa4: {  	v62 =	vld [tilespmem:$0x1FFC0];
	s11 =	smul.u32 $0xCD, s11;
	v22 =	vmul.f32 v51, v22;
	[tilespmem:v32+s28+$0x0] =	vst.idx.msk $0xffff, v58  }
0xa5: {  	v63 =	vld [tilespmem:$0x1FFD0];
	v30 =	vmul.f32 v51, v48;
	[tilespmem:v40+s28+$0x0] =	vst.idx.msk $0xffff, v26  }
0xa6: {  	v5 =	vld [tilespmem:$0x1FF80];
	s11 =	sshrl.u32 s11, $0xA;
	v31 =	vmul.f32 v51, v52;
	[tilespmem:v19+s28+$0x0] =	vst.idx.msk $0xffff, v22  }
0xa7: {  	v1 =	vld [tilespmem:$0x1FF60];
	s20 =	sand.u32 $0x3F, s11;
	[tilespmem:v35+s28+$0x0] =	vst.idx.msk $0xffff, v30  }
0xa8: {  	v6 =	vld [tilespmem:$0x1FF70];
	s14 =	sshrl.u32 s14, $0x2;
	s11 =	sshll.u32 s20, $0x8;
	[tilespmem:v38+s28+$0x0] =	vst.idx.msk $0xffff, v31  }
0xa9: {  	s14 =	smul.u32 $0x50, s14;
	v55 =	vld [tilespmem:s11+$0x1F6E0]  }
0xaa: {  	s13 =	sadd.s32 $0x10, s13;
	v52 =	vld [tilespmem:s11+$0x1F740]  }
0xab: {  	v0 =	vlaneseq.u32;
	s14 =	ssub.s32 s13, s14;
	v47 =	vld [tilespmem:s11+$0x1F6C0]  }
0xac: {  	v19 =	vor.u32 s14, v0;
	v48 =	vld [tilespmem:s11+$0x1F6A0]  }
0xad: {  	v50 =	vmov s20;
	s20 =	sshll.u32 s20, $0x4;
	v20 =	vshll.u32 v19, $0x7;
	v49 =	vld [tilespmem:s11+$0x1F6D0]  }
0xae: {  	v38 =	vadd.s32 s20, v20;
	v54 =	vld [tilespmem:s11+$0x1F6B0]  }
0xaf: {  	v22 =	vshll.u32 v19, $0x3;
	v51 =	vadd.s32 v59, v19;
	v19 =	vor.u32 v8, v38;
	v35 =	vld [tilespmem:s11+$0x1F700]  }
0xb0: {  	v56 =	vld [tilespmem:s11+$0x1F6F0]  }
0xb1: {  	v20 =	vor.u32 v60, v38;
	v40 =	vld [tilespmem:s11+$0x1F720]  }
0xb2: {  	v21 =	vand.u32 $0x8, v50;
	v24 =	vor.u32 v18, v38;
	v57 =	vld [tilespmem:s11+$0x1F710]  }
0xb3: {  	v53 =	vadd.s32 v21, v22;
	v33 =	vor.u32 v5, v38;
	v5 =	vld [tilespmem:$0x1FF90];
	v21 =	vor.u32 v12, v24  }
0xb4: {  	v26 =	vor.u32 v61, v24;
	v58 =	vld.idx.msk [tilespmem:v19+s28+$0x0], $0xffff  }
0xb5: {  	v22 =	vld.idx.msk [tilespmem:v19+s25+$0x0], $0xffff  }
0xb6: {  	v25 =	vor.u32 v13, v24;
	v29 =	vld.idx.msk [tilespmem:v20+s25+$0x0], $0xffff  }
0xb7: {  	v23 =	vor.u32 v15, v24;
	v32 =	vld.idx.msk [tilespmem:v20+s28+$0x0], $0xffff  }
0xb8: {  	v28 =	vor.u32 v14, v24;
	v41 =	vld.idx.msk [tilespmem:v21+s28+$0x0], $0xffff  }
0xb9: {  	v36 =	vld.idx.msk [tilespmem:v26+s25+$0x0], $0xffff  }
0xba: {  	v34 =	vld.idx.msk [tilespmem:v21+s25+$0x0], $0xffff  }
0xbb: {  	v44 =	vld.idx.msk [tilespmem:v25+s28+$0x0], $0xffff  }
0xbc: {  	v37 =	vld.idx.msk [tilespmem:v23+s25+$0x0], $0xffff  }
0xbd: {  	v45 =	vld.idx.msk [tilespmem:v28+s28+$0x0], $0xffff  }
0xbe: {  	v27 =	vor.u32 v62, v24;
	v39 =	vld.idx.msk [tilespmem:v28+s25+$0x0], $0xffff  }
0xbf: {  	v30 =	vor.u32 v17, v24;
	v42 =	vld.idx.msk [tilespmem:v25+s25+$0x0], $0xffff  }
0xc0: {  	v31 =	vor.u32 v16, v24;
	v60 =	vld.idx.msk [tilespmem:v26+s28+$0x0], $0xffff;
	v4 =	vadd.f32 v32, v29  }
0xc1: {  	v24 =	vor.u32 v63, v38;
	v61 =	vld.idx.msk [tilespmem:v23+s28+$0x0], $0xffff  }
0xc2: {  	v32 =	vld [tilespmem:$0x1FFA0];
	v41 =	vadd.f32 v41, v34;
	v59 =	vmul.f32 $2.000000030e-01, v4  }
0xc3: {  	v0 =	vld.idx.msk [tilespmem:v27+s28+$0x0], $0xffff  }
0xc4: {  	v2 =	vld.idx.msk [tilespmem:v30+s28+$0x0], $0xffff;
	v62 =	vmul.f32 $2.000000030e-01, v41;
	v46 =	vmax.f32 v4, v59  }
0xc5: {  	v59 =	vld.idx.msk [tilespmem:v31+s28+$0x0], $0xffff;
	v63 =	vmul.f32 v46, v40;
	v40 =	vadd.f32 v45, v39  }
0xc6: {  	v60 =	vadd.f32 v60, v36;
	v41 =	vmax.f32 v41, v62;
	v62 =	vld.idx.msk [tilespmem:v24+s28+$0x0], $0xffff;
	v46 =	vadd.f32 v44, v42  }
0xc7: {  	v61 =	vadd.f32 v61, v37;
	v32 =	vor.u32 v32, v38;
	v44 =	vld.idx.msk [tilespmem:v30+s25+$0x0], $0xffff;
	v45 =	vmul.f32 $2.000000030e-01, v40  }
0xc8: {  	v12 =	vmovc v18;
	v18 =	vmul.f32 v41, v35;
	v41 =	vld.idx.msk [tilespmem:v24+s25+$0x0], $0xffff;
	v35 =	vor.u32 v1, v38;
	v1 =	vmul.f32 $2.000000030e-01, v46  }
0xc9: {  	v3 =	vmul.f32 $2.000000030e-01, v60;
	v4 =	vmax.f32 v40, v45;
	v45 =	vld.idx.msk [tilespmem:v27+s25+$0x0], $0xffff  }
0xca: {  	v43 =	vmul.f32 $2.000000030e-01, v61;
	v1 =	vmax.f32 v46, v1;
	v46 =	vld.idx.msk [tilespmem:v31+s25+$0x0], $0xffff  }
0xcb: {  	v3 =	vmax.f32 v60, v3;
	v1 =	vmul.f32 v1, v54;
	v54 =	vld.idx.msk [tilespmem:v33+s28+$0x0], $0xffff  }
0xcc: {  	v3 =	vmul.f32 v3, v48;
	v40 =	vor.u32 v5, v38;
	v5 =	vmax.f32 v61, v43;
	v61 =	vld.idx.msk [tilespmem:v32+s28+$0x0], $0xffff  }
0xcd: {  	v38 =	vor.u32 v6, v38;
	v4 =	vmul.f32 v4, v47;
	v47 =	vld.idx.msk [tilespmem:v32+s25+$0x0], $0xffff;
	v60 =	vadd.f32 v62, v41  }
0xce: {  	v5 =	vmul.f32 v5, v49;
	v2 =	vadd.f32 v2, v44;
	v49 =	vld.idx.msk [tilespmem:v33+s25+$0x0], $0xffff  }
0xcf: {  	v3 =	vadd.f32 $0.0e+00, v3;
	v48 =	vld.idx.msk [tilespmem:v35+s25+$0x0], $0xffff;
	v4 =	vadd.f32 $0.0e+00, v4;
	v62 =	vmul.f32 $2.000000030e-01, v60  }
0xd0: {  	v7 =	vld.idx.msk [tilespmem:v35+s28+$0x0], $0xffff;
	v6 =	vmul.f32 $2.000000030e-01, v2;
	v5 =	vadd.f32 $0.0e+00, v5;
	v0 =	vadd.f32 v0, v45  }
0xd1: {  	v1 =	vadd.f32 $0.0e+00, v1;
	v59 =	vadd.f32 v59, v46;
	v60 =	vmax.f32 v60, v62;
	v62 =	vld.idx.msk [tilespmem:v40+s28+$0x0], $0xffff  }
0xd2: {  	v43 =	vmovc v8;
	v2 =	vmax.f32 v2, v6;
	v8 =	vmul.f32 $2.000000030e-01, v0;
	v6 =	vmul.f32 v60, v52;
	v60 =	vld.idx.msk [tilespmem:v38+s28+$0x0], $0xffff  }
0xd3: {  	v4 =	vadd.f32 v18, v4;
	v2 =	vmul.f32 v2, v56;
	v56 =	vadd.f32 v54, v49;
	v52 =	vld.idx.msk [tilespmem:v38+s25+$0x0], $0xffff  }
0xd4: {  	v54 =	vld.idx.msk [tilespmem:v40+s25+$0x0], $0xffff;
	v9 =	vmul.f32 $2.000000030e-01, v59;
	v0 =	vmax.f32 v0, v8;
	v8 =	vadd.f32 v58, v22  }
0xd5: {  	v10 =	vld [tilespmem:s11+$0x1F780];
	v7 =	vadd.f32 v7, v48;
	v0 =	vmul.f32 v0, v57;
	v57 =	vmul.f32 $2.000000030e-01, v56  }
0xd6: {  	v58 =	vadd.f32 v61, v47;
	v9 =	vmax.f32 v59, v9;
	v61 =	vld [tilespmem:s11+$0x1F770];
	v59 =	vmul.f32 $2.000000030e-01, v8  }
0xd7: {  	v11 =	vmul.f32 $2.000000030e-01, v7;
	v9 =	vmul.f32 v9, v55;
	v56 =	vmax.f32 v56, v57;
	v57 =	vld [tilespmem:s11+$0x1F730]  }
0xd8: {  	v55 =	vmul.f32 $2.000000030e-01, v58;
	v8 =	vmax.f32 v8, v59;
	v59 =	vadd.f32 v60, v52;
	v60 =	vld [tilespmem:s11+$0x1F750]  }
0xd9: {  	v62 =	vadd.f32 v62, v54;
	v3 =	vadd.f32 v9, v3;
	v9 =	vld [tilespmem:s11+$0x1F760]  }
0xda: {  	v1 =	vadd.f32 v2, v1;
	v7 =	vmax.f32 v7, v11;
	v11 =	vmax.f32 v58, v55;
	v58 =	vld [tilespmem:s11+$0x1F790]  }
0xdb: {  	v4 =	vadd.f32 v6, v4;
	v7 =	vmul.f32 v7, v10;
	v10 =	vmul.f32 $2.000000030e-01, v62  }
0xdc: {  	v0 =	vadd.f32 v0, v5;
	v8 =	vmul.f32 v8, v61;
	v55 =	vmul.f32 $2.000000030e-01, v59  }
0xdd: {  	v62 =	vmax.f32 v62, v10;
	v61 =	vmul.f32 v56, v57;
	v11 =	vmul.f32 v11, v60  }
0xde: {  	v3 =	vadd.f32 v63, v3;
	v10 =	vmax.f32 v59, v55;
	v2 =	vmul.f32 v62, v9  }
0xdf: {  	v63 =	vmul.f32 v10, v58;
	v1 =	vadd.f32 v61, v1;
	v0 =	vadd.f32 v11, v0  }
0xe0: {  	v4 =	vadd.f32 v7, v4;
	v2 =	vadd.f32 v2, v3  }
0xe1: {  	v1 =	vadd.f32 v8, v1;
	v0 =	vadd.f32 v63, v0  }
0xe2: {  	p1 =	sne.s32 s21, $0x27  }
.Ltmp0:
0xe3: {  	v1 =	vadd.f32 v1, v2;
	v0 =	vadd.f32 v0, v4;
	(pc) =	sbr.rel @p1 .LBB2_3-.Ltmp0, $3  }
0xe4: {  	_ = 	snop  }
0xe5: {  	v0 =	vadd.f32 v0, v1;
	_ =	sdelay $0x1  }
0xe6: {  	s21 =	sadd.s32 $0x1, s21;
	v18 =	vmov v12;
	v12 =	vld [tilespmem:$0x1FF40];
	v8 =	vmov v43;
	v55 =	vmul.f32 $1.442695020e+00, v0  }
0xe7: {  	_ = 	snop  }
0xe8: {  	(erf) = vpow2.f32 v55;
	_ =	sdelay $0x5  }
0xe9: {  	v0 =	vand.u32 $0x7, v50  }
0xea: {  	v0 =	vor.u32 v0, v53;
	_ =	sdelay $0x1  }
0xeb: {  	vm0 =	vlt.s32 v51, $0x4E200;
	v1 =	vpop (erf)  }
0xec: {  	v1 =	vnsel vm0, $0x0, v1  }
0xed: {  	v2 =	vmul.f32 v1, v36  }
0xee: {  	[tilespmem:v0+s26+$0x0] =	vst.idx.msk $0xffff, v1;
	v9 =	vmul.f32 v1, v42  }
0xef: {  	v3 =	vmul.f32 v1, v39;
	[tilespmem:v26+s28+$0x0] =	vst.idx.msk $0xffff, v2  }
0xf0: {  	v10 =	vmul.f32 v1, v37;
	[tilespmem:v25+s28+$0x0] =	vst.idx.msk $0xffff, v9  }
0xf1: {  	v11 =	vmul.f32 v1, v46;
	[tilespmem:v28+s28+$0x0] =	vst.idx.msk $0xffff, v3  }
0xf2: {  	v36 =	vmul.f32 v1, v44;
	[tilespmem:v23+s28+$0x0] =	vst.idx.msk $0xffff, v10  }
0xf3: {  	v37 =	vmul.f32 v1, v34;
	[tilespmem:v31+s28+$0x0] =	vst.idx.msk $0xffff, v11  }
0xf4: {  	v39 =	vmul.f32 v1, v45;
	[tilespmem:v30+s28+$0x0] =	vst.idx.msk $0xffff, v36  }
0xf5: {  	v42 =	vmul.f32 v1, v29;
	[tilespmem:v21+s28+$0x0] =	vst.idx.msk $0xffff, v37  }
0xf6: {  	v43 =	vmul.f32 v1, v49;
	[tilespmem:v27+s28+$0x0] =	vst.idx.msk $0xffff, v39  }
0xf7: {  	v44 =	vmul.f32 v1, v41;
	[tilespmem:v20+s28+$0x0] =	vst.idx.msk $0xffff, v42  }
0xf8: {  	v45 =	vmul.f32 v1, v47;
	[tilespmem:v33+s28+$0x0] =	vst.idx.msk $0xffff, v43  }
0xf9: {  	v46 =	vmul.f32 v1, v54;
	[tilespmem:v24+s28+$0x0] =	vst.idx.msk $0xffff, v44  }
0xfa: {  	v47 =	vmul.f32 v1, v22;
	[tilespmem:v32+s28+$0x0] =	vst.idx.msk $0xffff, v45  }
0xfb: {  	s11 =	smul.u32 $0x280, s19;
	v49 =	vmul.f32 v1, v48;
	[tilespmem:v40+s28+$0x0] =	vst.idx.msk $0xffff, v46  }
0xfc: {  	v1 =	vmul.f32 v1, v52;
	[tilespmem:v19+s28+$0x0] =	vst.idx.msk $0xffff, v47  }
0xfd: {  	s11 =	sshrl.u32 s11, $0x2;
	[tilespmem:v35+s28+$0x0] =	vst.idx.msk $0xffff, v49  }
0xfe: {  	s11 =	sadd.s32 $0x15010, s11;
	[tilespmem:v38+s28+$0x0] =	vst.idx.msk $0xffff, v1  }
0xff: {  	[spmem:s1] =	stream.indirect.scatter.add.f32 [tilespmem:s28], [sflag:$0x5], $0x80, s11, s24, $0xb8;
	[tilespmem:$0x1FEA0] =	vst v63  }
0x100: {  	_ = 	snop  }
0x101: {  	[spmem:s2] =	stream.indirect.scatter.add.f32 [tilespmem:s26], [sflag:$0x7], $0x8, s11, s24, $0xb8;
	[tilespmem:$0x1FEA0] =	vst v63  }
0x102: {  	_ =	swait.ge [sflag:s29], $0x2800  }
0x103: {  	[sflag:s29] =	ssyncset.done $0x0  }
0x104: {  	[sflag:s29] =	ssyncadd.s32 $0xFFFFD800  }
0x105: {  	_ =	swait.ge [sflag:s8], $0x280  }
0x106: {  	[sflag:s8] =	ssyncset.done $0x0  }
0x107: {  	s11 =	simm.s32 @p0 $0x2;
	[sflag:s8] =	ssyncadd.s32 $0xFFFFFD80  }
0x108: {  	_ =	swait.ge @p0 [sflag:s11], $0x2800  }
0x109: {  	[sflag:s11] =	ssyncset.done @p0 $0x0  }
0x10a: {  	[sflag:s11] =	ssyncadd.s32 @p0 $0xFFFFD800;
	s11 =	simm.s32 @p0 $0x4  }
0x10b: {  	_ =	swait.ge @p0 [sflag:s11], $0x2800  }
0x10c: {  	[sflag:s11] =	ssyncset.done @p0 $0x0  }
0x10d: {  	[sflag:s11] =	ssyncadd.s32 @p0 $0xFFFFD800;
	s11 =	simm.s32 @!p0 $0x9  }
0x10e: {  	_ =	swait.ge @!p0 [sflag:s11], $0xA0  }
0x10f: {  	s13 =	sadd.s32 @!p0 $0x3, s18;
	[sflag:s11] =	ssyncset.done @!p0 $0x0  }
0x110: {  	s14 =	simm.s32 @!p0 $0x151A0;
	[sflag:s11] =	ssyncadd.s32 @!p0 $0xFFFFFF60;
	s11 =	simm.s32 @!p0 $0x50  }
0x111: {  	[tilespmem:s14], [sflag:$0x1] =	stream.indirect.gather @!p0 [hbm4b:s5+s11], $0x80, s10, s11, $0xb8;
	[tilespmem:$0x1FEA0] =	vst v63  }
0x112: {  	s3 =	sadd.s32 @!p0 $0x15010, s3;
	s10 =	smulhi.u32 @!p0 $0x55555556, s13;
	s14 =	simm.s32 @!p0 $0x1A1A0  }
0x113: {  	[tilespmem:s14], [sflag:$0x3] =	stream.indirect.gather @!p0 [hbm4b:s6+s11], $0x80, s3, s11, $0xb8;
	[tilespmem:$0x1FEA0] =	vst v63  }
0x114: {  	s3 =	smul.u32 @!p0 $0x3, s10;
	s10 =	simm.s32 @!p0 $0x2  }
0x115: {  	s11 =	sadd.s32 @!p0 s12, s17;
	_ =	swait.ge @!p0 [sflag:s10], $0x2800  }
0x116: {  	s11 =	smul.u32 @!p0 $0xA0, s11;
	[sflag:s10] =	ssyncset.done @!p0 $0x0  }
0x117: {  	s3 =	ssub.s32 @!p0 s13, s3;
	[sflag:s10] =	ssyncadd.s32 @!p0 $0xFFFFD800;
	s10 =	simm.s32 @!p0 $0x4  }
0x118: {  	s3 =	smul.u32 @!p0 $0x280, s3;
	_ =	swait.ge @!p0 [sflag:s10], $0x2800  }
0x119: {  	s11 =	sshrl.u32 @!p0 s11, $0x3;
	[sflag:s10] =	ssyncset.done @!p0 $0x0  }
0x11a: {  	s3 =	sshrl.u32 @!p0 s3, $0x2;
	[sflag:s10] =	ssyncadd.s32 @!p0 $0xFFFFD800;
	s10 =	sadd.s32 @!p0 s7, s11  }
0x11b: {  	s3 =	sadd.s32 @!p0 $0x14FC0, s3;
	s11 =	simm.s32 @!p0 $0x0;
	s10 =	sadd.s32 @!p0 $0x28, s10  }
0x11c: {  	[tilespmem:s3], [sflag:$0x9] =	stream.linear.gather @!p0 [hbm4b:s10+s11], $0xA0, $0x38;
	[tilespmem:$0x1FEA0] =	vst v63  }
0x11d: {  	v22 =	vld [tilespmem:$0x1FF50];
	s3 =	simm.s32 $0x0  }
0x11e: {  	v9 =	vld [tilespmem:$0x1FF30];
	s14 =	smul.u32 $0xCD, s3  }
0x11f: {  	v43 =	vld [tilespmem:$0x1FFB0];
	s18 =	smulhi.u32 $0xCCCCCCCD, s3  }
0x120: {  	v62 =	vld [tilespmem:$0x1FFC0];
	s10 =	sshrl.u32 s14, $0xA  }
0x121: {  	v63 =	vld [tilespmem:$0x1FFD0];
	s11 =	sshrl.u32 s18, $0x2;
	s10 =	sand.u32 $0x3F, s10  }
0x122: {  	v57 =	vld [tilespmem:$0x1FF60];
	s11 =	smul.u32 $0x50, s11;
	s19 =	sshll.u32 s10, $0x8  }
0x123: {  	v50 =	vld [tilespmem:s19+$0x1F6E0]  }
0x124: {  	s11 =	ssub.s32 $0x0, s11;
	v1 =	vld [tilespmem:s19+$0x1F740]  }
0x125: {  	v2 =	vld [tilespmem:s19+$0x1F6C0];
	v49 =	vadd.s32 s11, v22  }
0x126: {  	s20 =	sshll.u32 s10, $0x4;
	v4 =	vld [tilespmem:s19+$0x1F6A0];
	v51 =	vshll.u32 v49, $0x7  }
0x127: {  	v5 =	vld [tilespmem:s19+$0x1F6D0];
	v3 =	vadd.s32 s20, v51  }
0x128: {  	v6 =	vld [tilespmem:s19+$0x1F6B0];
	v52 =	vor.u32 v8, v3  }
0x129: {  	v7 =	vld [tilespmem:s19+$0x1F700]  }
0x12a: {  	v10 =	vld [tilespmem:s19+$0x1F720];
	v20 =	vor.u32 v9, v3  }
0x12b: {  	v11 =	vld [tilespmem:s19+$0x1F710]  }
0x12c: {  	v8 =	vld [tilespmem:s19+$0x1F6F0];
	v24 =	vor.u32 v63, v3  }
0x12d: {  	v53 =	vor.u32 v18, v3;
	v18 =	vld.idx.msk [tilespmem:v52+s28+$0x0], $0xffff  }
0x12e: {  	v21 =	vor.u32 v12, v53;
	v0 =	vld.idx.msk [tilespmem:v52+s25+$0x0], $0xffff  }
0x12f: {  	v26 =	vor.u32 v43, v53;
	v29 =	vld.idx.msk [tilespmem:v20+s25+$0x0], $0xffff  }
0x130: {  	v54 =	vld.idx.msk [tilespmem:v20+s28+$0x0], $0xffff  }
0x131: {  	v25 =	vor.u32 v13, v53;
	v48 =	vld.idx.msk [tilespmem:v24+s28+$0x0], $0xffff  }
0x132: {  	v23 =	vor.u32 v15, v53;
	v41 =	vld.idx.msk [tilespmem:v24+s25+$0x0], $0xffff  }
0x133: {  	v28 =	vor.u32 v14, v53;
	v55 =	vld.idx.msk [tilespmem:v21+s28+$0x0], $0xffff  }
0x134: {  	v36 =	vld.idx.msk [tilespmem:v26+s25+$0x0], $0xffff  }
0x135: {  	v34 =	vld.idx.msk [tilespmem:v21+s25+$0x0], $0xffff  }
0x136: {  	v35 =	vld.idx.msk [tilespmem:v25+s28+$0x0], $0xffff  }
0x137: {  	v37 =	vld.idx.msk [tilespmem:v23+s25+$0x0], $0xffff  }
0x138: {  	v31 =	vor.u32 v16, v53;
	v38 =	vld.idx.msk [tilespmem:v28+s28+$0x0], $0xffff  }
0x139: {  	v30 =	vor.u32 v17, v53;
	v39 =	vld.idx.msk [tilespmem:v28+s25+$0x0], $0xffff  }
0x13a: {  	v42 =	vld.idx.msk [tilespmem:v25+s25+$0x0], $0xffff  }
0x13b: {  	v40 =	vld.idx.msk [tilespmem:v26+s28+$0x0], $0xffff  }
0x13c: {  	v27 =	vor.u32 v62, v53;
	v9 =	vld.idx.msk [tilespmem:v23+s28+$0x0], $0xffff  }
0x13d: {  	v59 =	vld.idx.msk [tilespmem:v31+s28+$0x0], $0xffff  }
0x13e: {  	v44 =	vld.idx.msk [tilespmem:v30+s25+$0x0], $0xffff  }
0x13f: {  	v60 =	vadd.f32 v54, v29;
	v54 =	vld [tilespmem:$0x1FF80]  }
0x140: {  	[tilespmem:$0x1FEE0] =	vst v52;
	v52 =	vld.idx.msk [tilespmem:v30+s28+$0x0], $0xffff  }
0x141: {  	v51 =	vld.idx.msk [tilespmem:v27+s28+$0x0], $0xffff;
	v61 =	vadd.f32 v55, v34;
	v38 =	vadd.f32 v38, v39;
	v53 =	vmul.f32 $2.000000030e-01, v60  }
0x142: {  	v55 =	vld [tilespmem:$0x1FFA0];
	v47 =	vadd.f32 v35, v42;
	v35 =	vor.u32 v57, v3;
	v9 =	vadd.f32 v9, v37  }
0x143: {  	v46 =	vld.idx.msk [tilespmem:v31+s25+$0x0], $0xffff;
	v56 =	vmul.f32 $2.000000030e-01, v61;
	v58 =	vmul.f32 $2.000000030e-01, v38;
	v45 =	vmax.f32 v60, v53  }
0x144: {  	[tilespmem:$0x1FEF0] =	vst v50;
	v53 =	vadd.f32 v40, v36;
	v60 =	vmul.f32 $2.000000030e-01, v47;
	v40 =	vld [tilespmem:$0x1FF90];
	v33 =	vor.u32 v54, v3  }
0x145: {  	v52 =	vadd.f32 v52, v44;
	v10 =	vmul.f32 v45, v10;
	v50 =	vmax.f32 v61, v56;
	v45 =	vld.idx.msk [tilespmem:v27+s25+$0x0], $0xffff  }
0x146: {  	v56 =	vmax.f32 v38, v58;
	v61 =	vmul.f32 $2.000000030e-01, v53;
	v54 =	vmax.f32 v47, v60;
	v47 =	vld [tilespmem:$0x1FF70]  }
0x147: {  	v32 =	vor.u32 v55, v3;
	v2 =	vmul.f32 v56, v2;
	v56 =	vld.idx.msk [tilespmem:v35+s28+$0x0], $0xffff;
	v6 =	vmul.f32 v54, v6  }
0x148: {  	v54 =	vmul.f32 $2.000000030e-01, v52;
	v60 =	vmax.f32 v53, v61;
	v53 =	vadd.f32 v48, v41;
	v48 =	vld.idx.msk [tilespmem:v35+s25+$0x0], $0xffff  }
0x149: {  	v58 =	vmul.f32 $2.000000030e-01, v9;
	v7 =	vmul.f32 v50, v7;
	v55 =	vld.idx.msk [tilespmem:v33+s28+$0x0], $0xffff  }
0x14a: {  	v40 =	vor.u32 v40, v3;
	v52 =	vmax.f32 v52, v54;
	v50 =	vld.idx.msk [tilespmem:v33+s25+$0x0], $0xffff;
	v51 =	vadd.f32 v51, v45  }
0x14b: {  	v8 =	vmul.f32 v52, v8;
	v52 =	vld [tilespmem:s19+$0x1F770]  }
0x14c: {  	v61 =	vmax.f32 v9, v58;
	v57 =	vld.idx.msk [tilespmem:v32+s28+$0x0], $0xffff;
	v38 =	vor.u32 v47, v3;
	v58 =	vmul.f32 $2.000000030e-01, v51  }
0x14d: {  	v9 =	vmul.f32 $2.000000030e-01, v53;
	v47 =	vld.idx.msk [tilespmem:v32+s25+$0x0], $0xffff;
	v3 =	vmul.f32 v60, v4  }
0x14e: {  	v4 =	vmul.f32 v61, v5;
	v5 =	vadd.f32 v59, v46;
	v51 =	vmax.f32 v51, v58;
	v58 =	vld [tilespmem:$0x1FEF0]  }
0x14f: {  	v61 =	vld.idx.msk [tilespmem:v40+s28+$0x0], $0xffff  }
0x150: {  	v18 =	vadd.f32 v18, v0;
	v9 =	vmax.f32 v53, v9;
	v60 =	vmul.f32 $2.000000030e-01, v5;
	v54 =	vld.idx.msk [tilespmem:v40+s25+$0x0], $0xffff  }
0x151: {  	v3 =	vadd.f32 $0.0e+00, v3;
	v1 =	vmul.f32 v9, v1;
	v9 =	vadd.f32 v55, v50;
	v59 =	vld.idx.msk [tilespmem:v38+s28+$0x0], $0xffff  }
0x152: {  	v5 =	vmax.f32 v5, v60;
	v11 =	vmul.f32 v51, v11;
	v60 =	vmul.f32 $2.000000030e-01, v18;
	v53 =	vld.idx.msk [tilespmem:v38+s25+$0x0], $0xffff  }
0x153: {  	v19 =	vmovc v0;
	v56 =	vadd.f32 v56, v48;
	v51 =	vmul.f32 $2.000000030e-01, v9;
	v0 =	vmul.f32 v5, v58;
	v5 =	vld [tilespmem:s19+$0x1F780]  }
0x154: {  	v2 =	vadd.f32 $0.0e+00, v2;
	v57 =	vadd.f32 v57, v47;
	v18 =	vmax.f32 v18, v60  }
0x155: {  	v9 =	vmax.f32 v9, v51;
	v51 =	vld [tilespmem:s19+$0x1F730];
	v0 =	vadd.f32 v0, v3;
	v3 =	vmul.f32 $2.000000030e-01, v56  }
0x156: {  	v2 =	vadd.f32 v7, v2;
	v60 =	vmul.f32 $2.000000030e-01, v57;
	v18 =	vmul.f32 v18, v52;
	v52 =	vld [tilespmem:s19+$0x1F750]  }
0x157: {  	v58 =	vadd.f32 v59, v53;
	v59 =	vadd.f32 v61, v54;
	v3 =	vmax.f32 v56, v3;
	v56 =	vld [tilespmem:s19+$0x1F760]  }
0x158: {  	v4 =	vadd.f32 $0.0e+00, v4;
	v3 =	vmul.f32 v3, v5;
	v5 =	vadd.f32 $0.0e+00, v6;
	v6 =	vld [tilespmem:s19+$0x1F790]  }
0x159: {  	v1 =	vadd.f32 v1, v2;
	v55 =	vmax.f32 v57, v60;
	v60 =	vmul.f32 $2.000000030e-01, v59  }
0x15a: {  	v61 =	vmul.f32 $2.000000030e-01, v58;
	v9 =	vmul.f32 v9, v51;
	v5 =	vadd.f32 v8, v5  }
0x15b: {  	v4 =	vadd.f32 v11, v4;
	v55 =	vmul.f32 v55, v52;
	v0 =	vadd.f32 v10, v0  }
0x15c: {  	v51 =	vmax.f32 v59, v60;
	v7 =	vmax.f32 v58, v61;
	v5 =	vadd.f32 v9, v5  }
0x15d: {  	v8 =	vmul.f32 v51, v56;
	v56 =	vadd.f32 v55, v4;
	v57 =	vmul.f32 v7, v6  }
0x15e: {  	v1 =	vadd.f32 v3, v1;
	v5 =	vadd.f32 v18, v5  }
0x15f: {  	v0 =	vadd.f32 v8, v0;
	v2 =	vadd.f32 v57, v56;
	_ =	sdelay $0x1  }
0x160: {  	s21 =	smul.u32 $0x50, s17;
	v0 =	vadd.f32 v5, v0;
	v1 =	vadd.f32 v2, v1;
	_ =	sdelay $0x1  }
0x161: {  	s13 =	sadd.s32 s15, s21;
	v58 =	vlaneseq.u32;
	v51 =	vmov s10;
	v0 =	vadd.f32 v1, v0  }
0x162: {  	v61 =	vshll.u32 v49, $0x3;
	v59 =	vor.u32 s13, v58;
	v60 =	vand.u32 $0x8, v51  }
0x163: {  	[tilespmem:$0x1FF00] =	vst v59;
	v49 =	vadd.s32 s11, v59;
	s10 =	simm.s32 $0x1;
	v52 =	vadd.s32 v60, v61;
	v55 =	vmul.f32 $1.442695020e+00, v0  }
.LBB2_5:
0x164: {  	_ = 	snop  }
0x165: {  	(erf) = vpow2.f32 v55;
	_ =	sdelay $0x5  }
0x166: {  	v0 =	vand.u32 $0x7, v51  }
0x167: {  	v0 =	vor.u32 v0, v52;
	_ =	sdelay $0x1  }
0x168: {  	vm0 =	vlt.s32 v49, $0x4E200;
	v1 =	vpop (erf)  }
0x169: {  	v1 =	vnsel vm0, $0x0, v1  }
0x16a: {  	v58 =	vmul.f32 v1, v36  }
0x16b: {  	[tilespmem:v0+s26+$0x0] =	vst.idx.msk $0xffff, v1;
	v2 =	vmul.f32 v1, v42  }
0x16c: {  	v3 =	vmul.f32 v1, v39;
	[tilespmem:v26+s28+$0x0] =	vst.idx.msk $0xffff, v58  }
0x16d: {  	v4 =	vmul.f32 v1, v37;
	[tilespmem:v25+s28+$0x0] =	vst.idx.msk $0xffff, v2  }
0x16e: {  	v59 =	vmul.f32 v1, v46;
	[tilespmem:v28+s28+$0x0] =	vst.idx.msk $0xffff, v3  }
0x16f: {  	v5 =	vmul.f32 v1, v44;
	[tilespmem:v23+s28+$0x0] =	vst.idx.msk $0xffff, v4  }
0x170: {  	v60 =	vmul.f32 v1, v34;
	[tilespmem:v31+s28+$0x0] =	vst.idx.msk $0xffff, v59  }
0x171: {  	v6 =	vmul.f32 v1, v45;
	v39 =	vld [tilespmem:$0x1FEE0];
	[tilespmem:v30+s28+$0x0] =	vst.idx.msk $0xffff, v5  }
0x172: {  	v61 =	vmul.f32 v1, v29;
	[tilespmem:v21+s28+$0x0] =	vst.idx.msk $0xffff, v60  }
0x173: {  	v7 =	vmul.f32 v1, v50;
	[tilespmem:v27+s28+$0x0] =	vst.idx.msk $0xffff, v6  }
0x174: {  	v34 =	vmul.f32 v1, v41;
	[tilespmem:v20+s28+$0x0] =	vst.idx.msk $0xffff, v61  }
0x175: {  	s11 =	smov.u32 s10;
	v8 =	vmul.f32 v1, v47;
	[tilespmem:v33+s28+$0x0] =	vst.idx.msk $0xffff, v7  }
0x176: {  	s13 =	smulhi.u32 $0xCCCCCCCD, s11;
	v36 =	vmul.f32 v1, v54;
	[tilespmem:v24+s28+$0x0] =	vst.idx.msk $0xffff, v34  }
0x177: {  	s11 =	smul.u32 $0xCD, s11;
	v9 =	vmul.f32 v1, v19;
	[tilespmem:v32+s28+$0x0] =	vst.idx.msk $0xffff, v8  }
0x178: {  	v37 =	vmul.f32 v1, v48;
	v41 =	vld [tilespmem:$0x1FF00];
	[tilespmem:v40+s28+$0x0] =	vst.idx.msk $0xffff, v36  }
0x179: {  	s11 =	sshrl.u32 s11, $0xA;
	v1 =	vmul.f32 v1, v53;
	v45 =	vld [tilespmem:$0x1FFF0];
	[tilespmem:v39+s28+$0x0] =	vst.idx.msk $0xffff, v9  }
0x17a: {  	s14 =	sand.u32 $0x3F, s11;
	v46 =	vld [tilespmem:$0x1FF30];
	[tilespmem:v35+s28+$0x0] =	vst.idx.msk $0xffff, v37  }
0x17b: {  	s13 =	sshrl.u32 s13, $0x2;
	s11 =	sshll.u32 s14, $0x8;
	v47 =	vld [tilespmem:$0x1FFE0];
	[tilespmem:v38+s28+$0x0] =	vst.idx.msk $0xffff, v1  }
0x17c: {  	s13 =	smul.u32 $0x50, s13;
	v55 =	vld [tilespmem:s11+$0x1F6E0]  }
0x17d: {  	s3 =	sadd.s32 $0x10, s3;
	v53 =	vld [tilespmem:s11+$0x1F740]  }
0x17e: {  	s13 =	ssub.s32 s3, s13;
	v2 =	vld [tilespmem:s11+$0x1F6C0]  }
0x17f: {  	v40 =	vadd.s32 s13, v22;
	v3 =	vld [tilespmem:s11+$0x1F6A0]  }
0x180: {  	s21 =	sshll.u32 s14, $0x4;
	v42 =	vshll.u32 v40, $0x7;
	v4 =	vld [tilespmem:s11+$0x1F6D0]  }
0x181: {  	v1 =	vadd.s32 s21, v42;
	v5 =	vld [tilespmem:s11+$0x1F6B0]  }
0x182: {  	v11 =	vor.u32 v47, v1;
	v6 =	vld [tilespmem:s11+$0x1F700]  }
0x183: {  	v51 =	vmov s14;
	v7 =	vld [tilespmem:s11+$0x1F6F0]  }
0x184: {  	v44 =	vand.u32 $0x8, v51;
	v0 =	vshll.u32 v40, $0x3;
	v20 =	vor.u32 v46, v1;
	v8 =	vld [tilespmem:s11+$0x1F720]  }
0x185: {  	v52 =	vadd.s32 v44, v0;
	v0 =	vor.u32 v45, v1;
	v9 =	vld [tilespmem:s11+$0x1F710]  }
0x186: {  	v24 =	vor.u32 v63, v1;
	v21 =	vor.u32 v12, v0;
	v12 =	vld [tilespmem:$0x1FF80]  }
0x187: {  	v10 =	vld.idx.msk [tilespmem:v11+s28+$0x0], $0xffff  }
0x188: {  	v22 =	vld.idx.msk [tilespmem:v11+s25+$0x0], $0xffff  }
0x189: {  	v26 =	vor.u32 v43, v0;
	v29 =	vld.idx.msk [tilespmem:v20+s25+$0x0], $0xffff  }
0x18a: {  	v48 =	vld.idx.msk [tilespmem:v20+s28+$0x0], $0xffff  }
0x18b: {  	v47 =	vld.idx.msk [tilespmem:v24+s28+$0x0], $0xffff  }
0x18c: {  	v49 =	vadd.s32 s13, v41;
	v25 =	vor.u32 v13, v0;
	v41 =	vld.idx.msk [tilespmem:v24+s25+$0x0], $0xffff  }
0x18d: {  	v28 =	vor.u32 v14, v0;
	v18 =	vld.idx.msk [tilespmem:v21+s28+$0x0], $0xffff  }
0x18e: {  	v36 =	vld.idx.msk [tilespmem:v26+s25+$0x0], $0xffff  }
0x18f: {  	v33 =	vor.u32 v12, v1;
	v12 =	vld [tilespmem:$0x1FFA0]  }
0x190: {  	v23 =	vor.u32 v15, v0;
	v34 =	vld.idx.msk [tilespmem:v21+s25+$0x0], $0xffff  }
0x191: {  	v50 =	vld.idx.msk [tilespmem:v25+s28+$0x0], $0xffff  }
0x192: {  	v35 =	vld.idx.msk [tilespmem:v28+s28+$0x0], $0xffff  }
0x193: {  	v39 =	vld.idx.msk [tilespmem:v28+s25+$0x0], $0xffff  }
0x194: {  	v32 =	vor.u32 v12, v1;
	v12 =	vld [tilespmem:$0x1FF60]  }
0x195: {  	v31 =	vor.u32 v16, v0;
	v37 =	vld.idx.msk [tilespmem:v23+s25+$0x0], $0xffff  }
0x196: {  	v27 =	vor.u32 v62, v0;
	v42 =	vld.idx.msk [tilespmem:v25+s25+$0x0], $0xffff  }
0x197: {  	[tilespmem:$0x1FEE0] =	vst v11;
	v58 =	vld.idx.msk [tilespmem:v23+s28+$0x0], $0xffff;
	v11 =	vadd.f32 v48, v29  }
0x198: {  	v30 =	vor.u32 v17, v0;
	v40 =	vld.idx.msk [tilespmem:v26+s28+$0x0], $0xffff;
	v18 =	vadd.f32 v18, v34  }
0x199: {  	v46 =	vadd.f32 v35, v39;
	v57 =	vmul.f32 $2.000000030e-01, v11;
	v35 =	vor.u32 v12, v1;
	v12 =	vld [tilespmem:$0x1FF90]  }
0x19a: {  	v54 =	vld.idx.msk [tilespmem:v31+s28+$0x0], $0xffff  }
0x19b: {  	v45 =	vld.idx.msk [tilespmem:v27+s25+$0x0], $0xffff;
	v0 =	vadd.f32 v50, v42;
	v59 =	vmul.f32 $2.000000030e-01, v18;
	v11 =	vmax.f32 v11, v57  }
0x19c: {  	v50 =	vadd.f32 v58, v37;
	v8 =	vmul.f32 v11, v8;
	v11 =	vld.idx.msk [tilespmem:v27+s28+$0x0], $0xffff  }
0x19d: {  	v44 =	vld.idx.msk [tilespmem:v30+s25+$0x0], $0xffff;
	v60 =	vmul.f32 $2.000000030e-01, v46;
	v61 =	vmul.f32 $2.000000030e-01, v0;
	v18 =	vmax.f32 v18, v59  }
0x19e: {  	v6 =	vmul.f32 v18, v6;
	v18 =	vadd.f32 v40, v36;
	v40 =	vor.u32 v12, v1;
	v12 =	vld [tilespmem:$0x1FF70]  }
0x19f: {  	v56 =	vld.idx.msk [tilespmem:v30+s28+$0x0], $0xffff;
	v58 =	vmax.f32 v46, v60  }
0x1a0: {  	v0 =	vmax.f32 v0, v61;
	v60 =	vmul.f32 $2.000000030e-01, v50;
	v46 =	vld.idx.msk [tilespmem:v31+s25+$0x0], $0xffff;
	v57 =	vmul.f32 $2.000000030e-01, v18  }
0x1a1: {  	v0 =	vmul.f32 v0, v5;
	v5 =	vld.idx.msk [tilespmem:v33+s28+$0x0], $0xffff;
	v11 =	vadd.f32 v11, v45  }
0x1a2: {  	v2 =	vmul.f32 v58, v2;
	v50 =	vmax.f32 v50, v60;
	v61 =	vmax.f32 v18, v57;
	v57 =	vld.idx.msk [tilespmem:v32+s28+$0x0], $0xffff  }
0x1a3: {  	v18 =	vadd.f32 v47, v41;
	v48 =	vld.idx.msk [tilespmem:v35+s25+$0x0], $0xffff;
	v60 =	vmul.f32 $2.000000030e-01, v11;
	v38 =	vor.u32 v12, v1  }
0x1a4: {  	v2 =	vadd.f32 $0.0e+00, v2;
	v1 =	vmul.f32 v61, v3;
	v3 =	vmul.f32 v50, v4;
	v50 =	vld.idx.msk [tilespmem:v33+s25+$0x0], $0xffff  }
0x1a5: {  	v10 =	vadd.f32 v10, v22;
	v59 =	vld.idx.msk [tilespmem:v35+s28+$0x0], $0xffff;
	v4 =	vadd.f32 v56, v44;
	v56 =	vmul.f32 $2.000000030e-01, v18  }
0x1a6: {  	v47 =	vld.idx.msk [tilespmem:v32+s25+$0x0], $0xffff;
	v58 =	vadd.f32 v54, v46;
	v2 =	vadd.f32 v6, v2;
	v11 =	vmax.f32 v11, v60  }
0x1a7: {  	v12 =	vmovc v17;
	v17 =	vmovc v16;
	v16 =	vmov v15;
	v54 =	vmul.f32 $2.000000030e-01, v4;
	v18 =	vmax.f32 v18, v56;
	v56 =	vld.idx.msk [tilespmem:v40+s28+$0x0], $0xffff  }
0x1a8: {  	v15 =	vmovc v14;
	v14 =	vmovc v13;
	v13 =	vmov v43;
	v61 =	vmul.f32 $2.000000030e-01, v58;
	v43 =	vmov v62;
	v62 =	vld.idx.msk [tilespmem:v38+s28+$0x0], $0xffff  }
0x1a9: {  	v18 =	vmul.f32 v18, v53;
	v4 =	vmax.f32 v4, v54;
	v53 =	vld.idx.msk [tilespmem:v38+s25+$0x0], $0xffff;
	v5 =	vadd.f32 v5, v50  }
0x1aa: {  	v9 =	vmul.f32 v11, v9;
	v59 =	vadd.f32 v59, v48;
	v54 =	vld.idx.msk [tilespmem:v40+s25+$0x0], $0xffff;
	v4 =	vmul.f32 v4, v7  }
0x1ab: {  	v7 =	vadd.f32 v57, v47;
	v57 =	vmax.f32 v58, v61;
	v61 =	vld [tilespmem:s11+$0x1F780];
	v11 =	vmul.f32 $2.000000030e-01, v5  }
0x1ac: {  	v19 =	vmovc v22;
	v22 =	vmovc v63;
	v60 =	vld [tilespmem:s11+$0x1F770];
	v1 =	vadd.f32 $0.0e+00, v1;
	v63 =	vmul.f32 $2.000000030e-01, v59;
	v58 =	vmul.f32 $2.000000030e-01, v10  }
0x1ad: {  	v3 =	vadd.f32 $0.0e+00, v3;
	v55 =	vmul.f32 v57, v55;
	v5 =	vmax.f32 v5, v11;
	v11 =	vld [tilespmem:s11+$0x1F730]  }
0x1ae: {  	v57 =	vmul.f32 $2.000000030e-01, v7;
	v10 =	vmax.f32 v10, v58;
	v58 =	vadd.f32 v62, v53;
	v62 =	vld [tilespmem:s11+$0x1F750]  }
0x1af: {  	v59 =	vmax.f32 v59, v63;
	v1 =	vadd.f32 v55, v1;
	v55 =	vld [tilespmem:s11+$0x1F760];
	v56 =	vadd.f32 v56, v54  }
0x1b0: {  	v0 =	vadd.f32 $0.0e+00, v0;
	v7 =	vmax.f32 v7, v57;
	v57 =	vmul.f32 v59, v61;
	v61 =	vld [tilespmem:s11+$0x1F790]  }
0x1b1: {  	v3 =	vadd.f32 v9, v3;
	v2 =	vadd.f32 v18, v2;
	v59 =	vmul.f32 $2.000000030e-01, v56  }
0x1b2: {  	v0 =	vadd.f32 v4, v0;
	v10 =	vmul.f32 v10, v60;
	v60 =	vmul.f32 $2.000000030e-01, v58  }
0x1b3: {  	v56 =	vmax.f32 v56, v59;
	v5 =	vmul.f32 v5, v11;
	v7 =	vmul.f32 v7, v62  }
0x1b4: {  	v1 =	vadd.f32 v8, v1;
	v59 =	vmax.f32 v58, v60;
	v4 =	vmul.f32 v56, v55  }
0x1b5: {  	v60 =	vmul.f32 v59, v61;
	v0 =	vadd.f32 v5, v0;
	v3 =	vadd.f32 v7, v3  }
0x1b6: {  	v2 =	vadd.f32 v57, v2;
	v1 =	vadd.f32 v4, v1  }
0x1b7: {  	v0 =	vadd.f32 v10, v0;
	v3 =	vadd.f32 v60, v3  }
0x1b8: {  	p0 =	sne.s32 s10, $0x27  }
.Ltmp1:
0x1b9: {  	v0 =	vadd.f32 v0, v1;
	v61 =	vadd.f32 v3, v2;
	(pc) =	sbr.rel @p0 .LBB2_5-.Ltmp1, $4  }
0x1ba: {  	_ = 	snop  }
0x1bb: {  	v0 =	vadd.f32 v61, v0  }
0x1bc: {  	v63 =	vmovc v22;
	v22 =	vld [tilespmem:$0x1FF50];
	v62 =	vmov v43;
	v43 =	vmov v13;
	v13 =	vmov v14  }
0x1bd: {  	s10 =	sadd.s32 $0x1, s10;
	v14 =	vmovc v15;
	v15 =	vmovc v16;
	v16 =	vmov v17;
	v17 =	vmov v12;
	v12 =	vld [tilespmem:$0x1FF40];
	v55 =	vmul.f32 $1.442695020e+00, v0  }
0x1be: {  	_ = 	snop  }
0x1bf: {  	(erf) = vpow2.f32 v55;
	_ =	sdelay $0x5  }
0x1c0: {  	v0 =	vand.u32 $0x7, v51  }
0x1c1: {  	v0 =	vor.u32 v0, v52;
	_ =	sdelay $0x1  }
0x1c2: {  	vm0 =	vlt.s32 v49, $0x4E200;
	v1 =	vpop (erf)  }
0x1c3: {  	v1 =	vnsel vm0, $0x0, v1  }
0x1c4: {  	v2 =	vmul.f32 v1, v36  }
0x1c5: {  	[tilespmem:v0+s26+$0x0] =	vst.idx.msk $0xffff, v1;
	v0 =	vmul.f32 v1, v42  }
0x1c6: {  	v3 =	vmul.f32 v1, v39;
	[tilespmem:v26+s28+$0x0] =	vst.idx.msk $0xffff, v2  }
0x1c7: {  	v2 =	vmul.f32 v1, v37;
	[tilespmem:v25+s28+$0x0] =	vst.idx.msk $0xffff, v0  }
0x1c8: {  	v0 =	vmul.f32 v1, v46;
	[tilespmem:v28+s28+$0x0] =	vst.idx.msk $0xffff, v3  }
0x1c9: {  	v3 =	vmul.f32 v1, v44;
	[tilespmem:v23+s28+$0x0] =	vst.idx.msk $0xffff, v2  }
0x1ca: {  	v2 =	vmul.f32 v1, v34;
	[tilespmem:v31+s28+$0x0] =	vst.idx.msk $0xffff, v0  }
0x1cb: {  	v0 =	vmul.f32 v1, v45;
	[tilespmem:v30+s28+$0x0] =	vst.idx.msk $0xffff, v3  }
0x1cc: {  	v3 =	vmul.f32 v1, v29;
	[tilespmem:v21+s28+$0x0] =	vst.idx.msk $0xffff, v2  }
0x1cd: {  	v2 =	vmul.f32 v1, v50;
	[tilespmem:v27+s28+$0x0] =	vst.idx.msk $0xffff, v0  }
0x1ce: {  	v0 =	vmul.f32 v1, v41;
	[tilespmem:v20+s28+$0x0] =	vst.idx.msk $0xffff, v3  }
0x1cf: {  	v3 =	vmul.f32 v1, v47;
	[tilespmem:v33+s28+$0x0] =	vst.idx.msk $0xffff, v2  }
0x1d0: {  	v2 =	vmul.f32 v1, v54;
	[tilespmem:v24+s28+$0x0] =	vst.idx.msk $0xffff, v0  }
0x1d1: {  	[tilespmem:v32+s28+$0x0] =	vst.idx.msk $0xffff, v3  }
0x1d2: {  	[tilespmem:v40+s28+$0x0] =	vst.idx.msk $0xffff, v2;
	v2 =	vld [tilespmem:$0x1FEE0];
	_ =	sdelay $0x5  }
0x1d3: {  	v0 =	vmul.f32 v1, v19  }
0x1d4: {  	s23 =	sadd.s32 $0x1, s23;
	v18 =	vld [tilespmem:$0x1FFF0];
	v3 =	vmul.f32 v1, v48  }
0x1d5: {  	v7 =	vld [tilespmem:$0x1FF80];
	p0 =	sne.s32 s23, $0x3F;
	v1 =	vmul.f32 v1, v53;
	[tilespmem:v2+s28+$0x0] =	vst.idx.msk $0xffff, v0  }
.Ltmp2:
0x1d6: {  	v6 =	vld [tilespmem:$0x1FF90];
	[tilespmem:v35+s28+$0x0] =	vst.idx.msk $0xffff, v3;
	(pc) =	sbr.rel @p0 .LBB2_2-.Ltmp2, $4  }
0x1d7: {  	v8 =	vld [tilespmem:$0x1FFE0];
	[tilespmem:v38+s28+$0x0] =	vst.idx.msk $0xffff, v1  }
0x1d8: {  	v4 =	vld [tilespmem:$0x1FF70];
	[spmem:s1] =	stream.indirect.scatter.add.f32 [tilespmem:s0], [sflag:$0x6], $0x80, s16, s24, $0xb8  }
0x1d9: {  	v3 =	vld [tilespmem:$0x1FF60]  }
0x1da: {  	v0 =	vlaneseq.u32;
	v1 =	vld [tilespmem:$0x1FFA0];
	[spmem:s2] =	stream.indirect.scatter.add.f32 [tilespmem:s9], [sflag:$0x8], $0x8, s16, s24, $0xb8  }
0x1db: {  	s3 =	simm.s32 $0x6  }
0x1dc: {  	_ =	swait.ge [sflag:s3], $0x2800  }
0x1dd: {  	[sflag:s3] =	ssyncset.done $0x0  }
0x1de: {  	s19 =	simm.s32 $0x8;
	[sflag:s3] =	ssyncadd.s32 $0xFFFFD800  }
0x1df: {  	_ =	swait.ge [sflag:s19], $0x280  }
0x1e0: {  	[sflag:s19] =	ssyncset.done $0x0  }
0x1e1: {  	[sflag:s19] =	ssyncadd.s32 $0xFFFFFD80  }
0x1e2: {  	[bflag:$0x0] =	sbarrier.arrive $0xFFFF  }
0x1e3: {  	s17 =	rddreg [dreg:$0x8]  }
0x1e4: {  	s20 =	rddreg [dreg:$0xb]  }
0x1e5: {  	s11 =	simm.s32 $0xA;
	s10 =	rddreg [dreg:$0xe]  }
0x1e6: {  	[hbm:s20], [sflag:s17] =	dma.local [spmem:s10], $0x2780  }
0x1e7: {  	_ =	swait.ge [sflag:s11], $0x2780  }
0x1e8: {  	[sflag:s11] =	ssyncset.done $0x0;
	s21 =	rddreg [dreg:$0xc]  }
0x1e9: {  	s13 =	rddreg [dreg:$0xf];
	[sflag:s11] =	ssyncadd.s32 $0xFFFFD880  }
0x1ea: {  	[hbm:s21], [sflag:s17] =	dma.local [spmem:s13], $0x278  }
0x1eb: {  	_ =	swait.ge [sflag:s11], $0x278  }
0x1ec: {  	s14 =	rddreg [dreg:$0x10]  }
0x1ed: {  	s23 =	rddreg [dreg:$0xd];
	s14 =	sadd.s32 $0x1, s14  }
0x1ee: {  	p0 =	sne.s32 s14, s23  }
.Ltmp3:
0x1ef: {  	_ = 	snop;
	(pc) =	sbr.rel @p0 .LBB2_1-.Ltmp3, $3  }
0x1f0: {  	_ =	sdelay $0x1  }
0x1f1: {  	[sflag:s11] =	ssyncset.done $0x0  }
0x1f2: {  	[sflag:s11] =	ssyncadd.s32 $0xFFFFFD88  }
0x1f3: {  	_ =	sfence.sel $0x180000  }
0x1f4: {  	[bflag:$0x0] =	sbarrier.arrive $0xFFFF  }
0x1f5: {  	_ =	strace $0x90000047  }
0x1f6: {  	s0 =	stileid.u32;
	[bflag:$0x2] =	sbarrier.arrive $0xFFFF  }
0x1f7: {  	p0 =	sne.s32 s0, $0x0;
	s0 =	rddreg [dreg:$0x4]  }
0x1f8: {  	s0 =	sadd.s32 @!p0 $0x100000, s0  }
0x1f9: {  	[sflag:s0] =	ssyncadd.tile.s32 @!p0 $0x1;
	_ =	shalt  }
.Lfunc_end2:
_tile_overlayer_lowered:
.L_overlay_start_2:
0x1fa: {  	(tag) =	ssettag $0x2  }
0x1fb: {  	s0 =	rddreg [dreg:$0x0];
	s2 =	stileid.u32  }
0x1fc: {  	s1 =	rddreg [dreg:$0x1];
	p0 =	sne.s32 s2, $0x0  }
0x1fd: {  	s3 =	rddreg [dreg:$0x2];
	[bflag:$0x3] =	sbarrier.arrive $0xFFFF;
	s2 =	simm.s32 @!p0 $0x1C0A  }
0x1fe: {  	[timem:s3], [sflag:s2] =	dma.local @!p0 [hbm:s0], s1  }
0x1ff: {  	s0 =	simm.s32 @!p0 $0xA  }
0x200: {  	_ =	swait.ge @!p0 [sflag:s0], s1  }
0x201: {  	s1 =	ssub.s32 @!p0 $0x0, s1;
	[sflag:s0] =	ssyncset.done @!p0 $0x0  }
0x202: {  	[sflag:s0] =	ssyncadd.s32 @!p0 s1  }
0x203: {  	[bflag:$0x3] =	sbarrier.arrive $0xFFFF  }
0x204: {  	_ =	shalt  }

</sc_bundles>
